<compile_context>
chip_gen: v7x
topology: tpu7x:2x2x1
jax: 0.10.2.dev20260603
libtpu: 0.0.44.dev20260713+nightly
codegen_flags: <defaults>
</compile_context>

<pallas_src>
import functools
import jax
import jax.numpy as jnp
from jax import lax
from jax.experimental import pallas as pl
from jax.experimental.pallas import tpu as pltpu
from jax.experimental.pallas import tpu_sc as plsc

F32 = jnp.float32
BF16 = jnp.bfloat16



def _prep_body(x_ref, lng_ref, lnb_ref, ltl_ref, wa_ref, wb_ref, wl_ref,
               be1_ref, h_ref, a_ref, b_ref, latc_ref):
    x = x_ref[...]
    mu = jnp.mean(x, axis=-1, keepdims=True)
    var = jnp.mean((x - mu) ** 2, axis=-1, keepdims=True)
    h = (x - mu) * lax.rsqrt(var + 1e-5) * lng_ref[...] + lnb_ref[...]
    h_ref[...] = h
    a_ref[...] = jnp.dot(h, wa_ref[...], preferred_element_type=F32)
    b_ref[...] = jnp.dot(h, wb_ref[...], preferred_element_type=F32)
    latc_ref[...] = jnp.dot(ltl_ref[...], wl_ref[...],
                            preferred_element_type=F32) + be1_ref[...]


def _tc_prep(x, lng, lnb, ltl, wa, wb, wl, be1):
    n, d = x.shape
    g = ltl.shape[0]
    return pl.pallas_call(
        _prep_body,
        out_shape=(
            jax.ShapeDtypeStruct((n, d), F32),
            jax.ShapeDtypeStruct((n, d), F32),
            jax.ShapeDtypeStruct((n, d), F32),
            jax.ShapeDtypeStruct((g, d), F32),
        ),
    )(x, lng, lnb, ltl, wa, wb, wl, be1)



def _edge_body(pre_ref, fr_ref, wf_ref, w2_ref, be2_ref, out_ref):
    x = pre_ref[...] + jnp.dot(fr_ref[...], wf_ref[...],
                               preferred_element_type=F32)
    e1 = x * jax.nn.sigmoid(x)
    y = jnp.dot(e1, w2_ref[...], preferred_element_type=F32) + be2_ref[...]
    out_ref[...] = y * jax.nn.sigmoid(y)


def _tc_edge(pre, fracp, wf, w2, be2, blk=2048):
    e, d = pre.shape
    grid = e // blk
    return pl.pallas_call(
        _edge_body,
        grid=(grid,),
        in_specs=[
            pl.BlockSpec((blk, d), lambda i: (i, 0)),
            pl.BlockSpec((blk, 8), lambda i: (i, 0)),
            pl.BlockSpec((8, d), lambda i: (0, 0)),
            pl.BlockSpec((d, d), lambda i: (0, 0)),
            pl.BlockSpec((1, d), lambda i: (0, 0)),
        ],
        out_specs=pl.BlockSpec((blk, d), lambda i: (i, 0)),
        out_shape=jax.ShapeDtypeStruct((e, d), F32),
    )(pre, fracp, wf, w2, be2)



def _node_body(x_ref, h_ref, aggp_ref, cntp_ref, wh_ref, wg_ref, bn1_ref,
               wn2_ref, bn2_ref, out_ref):
    n = x_ref.shape[0]
    agg = aggp_ref[0, 0:n, :] + aggp_ref[1, 0:n, :]
    cnt = cntp_ref[0, 0:n, 0:1] + cntp_ref[1, 0:n, 0:1]
    agg = agg / jnp.maximum(cnt, 1.0)
    h = h_ref[...]
    t = (jnp.dot(h, wh_ref[...], preferred_element_type=F32)
         + jnp.dot(agg, wg_ref[...], preferred_element_type=F32)
         + bn1_ref[...])
    t = t * jax.nn.sigmoid(t)
    y = jnp.dot(t, wn2_ref[...], preferred_element_type=F32) + bn2_ref[...]
    out_ref[...] = x_ref[...] + y * jax.nn.sigmoid(y)


def _tc_node(x, h, aggp, cntp, wh, wg, bn1, wn2, bn2):
    n, d = x.shape
    return pl.pallas_call(
        _node_body,
        out_shape=jax.ShapeDtypeStruct((n, d), F32),
    )(x, h, aggp, cntp, wh, wg, bn1, wn2, bn2)



_CH = 80
_NPAD = 10240


def _sc_gather_body(a_hbm, b_hbm, latc_hbm, src4_hbm, dst4_hbm, e2g4_hbm,
                    pre_hbm, idxs, idxd, idxg,
                    bufA0, bufB0, bufL0, bufA1, bufB1, bufL1,
                    semA0, semB0, semL0, semA1, semB1, semL1):
    cid = lax.axis_index("c")
    sid = lax.axis_index("s")
    wid = sid * 2 + cid
    chg = src4_hbm.shape[3]
    nchunks = src4_hbm.shape[1]
    k0 = wid * nchunks

    bufs = ((bufA0, bufB0, bufL0), (bufA1, bufB1, bufL1))
    sems = ((semA0, semB0, semL0), (semA1, semB1, semL1))

    pltpu.sync_copy(src4_hbm.at[wid], idxs)
    pltpu.sync_copy(dst4_hbm.at[wid], idxd)
    pltpu.sync_copy(e2g4_hbm.at[wid], idxg)

    def fire(k, b):
        bA, bB, bL = bufs[b]
        sA, sB, sL = sems[b]
        pltpu.async_copy(a_hbm.at[idxs.at[k, 0]], bA, sA)
        pltpu.async_copy(b_hbm.at[idxd.at[k, 0]], bB, sB)
        pltpu.async_copy(latc_hbm.at[idxg.at[k, 0]], bL, sL)

    def drain(b):
        bA, bB, bL = bufs[b]
        sA, sB, sL = sems[b]
        pltpu.make_async_copy(a_hbm.at[idxs.at[0, 0]], bA, sA).wait()
        pltpu.make_async_copy(b_hbm.at[idxd.at[0, 0]], bB, sB).wait()
        pltpu.make_async_copy(latc_hbm.at[idxg.at[0, 0]], bL, sL).wait()

    fire(0, 0)
    fire(1, 1)

    @pl.loop(0, nchunks + 1, step=2)
    def outer(g):
        for b in range(2):
            k = g + b

            @pl.when(k < nchunks)
            def _():
                drain(b)
                bA, bB, bL = bufs[b]

                @pl.loop(0, chg, unroll=4)
                def row(r):
                    for j in range(8):
                        sl = pl.ds(j * 16, 16)
                        bA[r, sl] = bA[r, sl] + bB[r, sl] + bL[r, sl]

                cb = (k0 + k) * chg
                pltpu.sync_copy(bA, pre_hbm.at[pl.ds(cb, chg)])

                @pl.when(k + 2 < nchunks)
                def _():
                    fire(k + 2, b)


def _sc_gather(A, B, latC, src4, dst4, e2g4):
    e = src4.shape[0] * src4.shape[1] * src4.shape[3]
    d = A.shape[1]
    nchunks = src4.shape[1]
    chg = src4.shape[3]
    mesh = plsc.VectorSubcoreMesh(core_axis_name="c", subcore_axis_name="s")
    f = pl.kernel(
        _sc_gather_body,
        out_type=jax.ShapeDtypeStruct((e, d), F32),
        mesh=mesh,
        scratch_types=[
            pltpu.VMEM((nchunks, 1, chg), jnp.int32),
            pltpu.VMEM((nchunks, 1, chg), jnp.int32),
            pltpu.VMEM((nchunks, 1, chg), jnp.int32),
            pltpu.VMEM((chg, d), F32),
            pltpu.VMEM((chg, d), F32),
            pltpu.VMEM((chg, d), F32),
            pltpu.VMEM((chg, d), F32),
            pltpu.VMEM((chg, d), F32),
            pltpu.VMEM((chg, d), F32),
            pltpu.SemaphoreType.DMA,
            pltpu.SemaphoreType.DMA,
            pltpu.SemaphoreType.DMA,
            pltpu.SemaphoreType.DMA,
            pltpu.SemaphoreType.DMA,
            pltpu.SemaphoreType.DMA,
        ],
    )
    return f(A, B, latC, src4, dst4, e2g4)




def _sc_count_body(src4_hbm, zero_hbm, ones_hbm, cntp_hbm,
                   idxa, cbuf, onesv, shared_cnt):
    cid = lax.axis_index("c")
    sid = lax.axis_index("s")
    wid = sid * 2 + cid
    nchunks = src4_hbm.shape[1]
    rows_per_tile = _NPAD // 16

    pltpu.sync_copy(src4_hbm.at[wid], idxa)
    pltpu.sync_copy(ones_hbm, onesv)
    pltpu.sync_copy(zero_hbm, cbuf)
    for j in range(rows_per_tile // _CH):
        zb = sid * rows_per_tile + j * _CH
        pltpu.sync_copy(cbuf, shared_cnt.at[pl.ds(zb, _CH)])
    plsc.subcore_barrier()

    @pl.loop(0, nchunks)
    def step(k):
        pltpu.sync_copy(onesv, shared_cnt.at[idxa.at[k, 0]], add=True)

    plsc.subcore_barrier()
    for j in range(rows_per_tile // _CH):
        zb = sid * rows_per_tile + j * _CH
        pltpu.sync_copy(shared_cnt.at[pl.ds(zb, _CH)], cbuf)
        pltpu.sync_copy(cbuf, cntp_hbm.at[cid, pl.ds(zb, _CH)])


def _sc_count(src4s, d):
    nchunks = src4s.shape[1]
    mesh = plsc.VectorSubcoreMesh(core_axis_name="c", subcore_axis_name="s")
    zero = jnp.zeros((_CH, d), F32)
    ones = jnp.ones((_CH, d), F32)
    f = pl.kernel(
        _sc_count_body,
        out_type=jax.ShapeDtypeStruct((2, _NPAD, d), F32),
        mesh=mesh,
        scratch_types=[
            pltpu.VMEM((nchunks, 1, _CH), jnp.int32),
            pltpu.VMEM((_CH, d), F32),
            pltpu.VMEM((_CH, d), F32),
            pltpu.VMEM_SHARED((_NPAD, d), F32),
        ],
    )
    return f(src4s, zero, ones)




def _sc_scatter_body(ef2_hbm, src4_hbm, zero_hbm, aggp_hbm,
                     idxa, vbuf0, vbuf1, shared_agg, sem0, sem1):
    cid = lax.axis_index("c")
    sid = lax.axis_index("s")
    wid = sid * 2 + cid
    nchunks = src4_hbm.shape[1]
    k0 = wid * nchunks
    rows_per_tile = _NPAD // 16
    vbufs = (vbuf0, vbuf1)
    sems = (sem0, sem1)

    pltpu.sync_copy(src4_hbm.at[wid], idxa)
    pltpu.sync_copy(zero_hbm, vbuf0)
    for j in range(rows_per_tile // _CH):
        zb = sid * rows_per_tile + j * _CH
        pltpu.sync_copy(vbuf0, shared_agg.at[pl.ds(zb, _CH)])
    plsc.subcore_barrier()

    def fire(k, b):
        cb = (k0 + k) * _CH
        pltpu.async_copy(ef2_hbm.at[pl.ds(cb, _CH)], vbufs[b], sems[b])

    def drain(b):
        pltpu.make_async_copy(
            ef2_hbm.at[pl.ds(0, _CH)], vbufs[b], sems[b]).wait()

    fire(0, 0)
    fire(1, 1)

    @pl.loop(0, nchunks + 1, step=2)
    def outer(g):
        for b in range(2):
            k = g + b

            @pl.when(k < nchunks)
            def _():
                drain(b)
                pltpu.sync_copy(vbufs[b], shared_agg.at[idxa.at[k, 0]],
                                add=True)

                @pl.when(k + 2 < nchunks)
                def _():
                    fire(k + 2, b)

    plsc.subcore_barrier()

    for j in range(rows_per_tile // _CH):
        zb = sid * rows_per_tile + j * _CH
        pltpu.sync_copy(shared_agg.at[pl.ds(zb, _CH)], vbuf0)
        pltpu.sync_copy(vbuf0, aggp_hbm.at[cid, pl.ds(zb, _CH)])


def _sc_scatter(ef2, src4s):
    d = ef2.shape[1]
    nchunks = src4s.shape[1]
    mesh = plsc.VectorSubcoreMesh(core_axis_name="c", subcore_axis_name="s")
    zero = jnp.zeros((_CH, d), F32)
    f = pl.kernel(
        _sc_scatter_body,
        out_type=jax.ShapeDtypeStruct((2, _NPAD, d), F32),
        mesh=mesh,
        scratch_types=[
            pltpu.VMEM((nchunks, 1, _CH), jnp.int32),
            pltpu.VMEM((_CH, d), F32),
            pltpu.VMEM((_CH, d), F32),
            pltpu.VMEM_SHARED((_NPAD, d), F32),
            pltpu.SemaphoreType.DMA,
            pltpu.SemaphoreType.DMA,
        ],
    )
    return f(ef2, src4s, zero)



def kernel(node_features, lattices, edge_index, edge2graph, frac_diff,
           num_atoms, ln_g, ln_b, We1, be1, We2, be2, Wn1, bn1, Wn2, bn2):
    n, d = node_features.shape
    e = edge_index.shape[1]
    g = lattices.shape[0]
    ns = lattices.shape[1]
    diml = ns * ns

    Wa = We1[:d]
    Wb = We1[d:2 * d]
    Wl = We1[2 * d:2 * d + diml]
    Wf = jnp.zeros((8, d), F32).at[:ns].set(We1[2 * d + diml:])
    chg = 128
    epad = ((e + 32 * chg - 1) // (32 * chg)) * (32 * chg)
    fracp = jnp.zeros((epad, 8), F32).at[:e, :ns].set(frac_diff)
    ltl = (lattices @ jnp.swapaxes(lattices, -1, -2)).reshape(g, diml)
    src = edge_index[0]
    dst = edge_index[1]

    h, A, B, latC = _tc_prep(node_features, ln_g.reshape(1, d),
                             ln_b.reshape(1, d), ltl, Wa, Wb, Wl,
                             be1.reshape(1, d))

    nck = epad // chg // 32
    pz = jnp.zeros((epad - e,), jnp.int32)
    src4 = jnp.concatenate([src, pz]).reshape(32, nck, 1, chg)
    dst4 = jnp.concatenate([dst, pz]).reshape(32, nck, 1, chg)
    e2g4 = jnp.concatenate([edge2graph, pz]).reshape(32, nck, 1, chg)
    pre = _sc_gather(A, B, latC, src4, dst4, e2g4)
    src4s = src.reshape(32, e // _CH // 32, 1, _CH)
    cntp = _sc_count(src4s, d)

    ef2 = _tc_edge(pre, fracp, Wf, We2, be2.reshape(1, d))

    aggp = _sc_scatter(ef2, src4s)

    out = _tc_node(node_features, h, aggp, cntp, Wn1[:d], Wn1[d:],
                   bn1.reshape(1, d), Wn2, bn2.reshape(1, d))
    return out

# --- scband reference (transcript-rebuilt; emitter-appended) ---
"""Pipeline reference for scband-projected-conjugated-cspnet-89464168776419 (READ-ONLY COPY).

The authoritative reference and input builder live on the scoring server;
editing this copy changes nothing except your own understanding.
"""

import jax, jax.numpy as jnp
import numpy as np

N = 10000
E = 320000
G = 256
D = 128
NS = 3
DIML = NS * NS
EIN = 2 * D + DIML + NS  # hi, hj, flattened L@L^T, frac_diff (dis_emb=None -> dis_dim=n_space)


def setup_inputs(seed: int = 0) -> dict:
    key = jax.random.key(seed)
    ks = jax.random.split(key, 16)
    inp = {}
    inp["node_features"] = jax.random.normal(ks[0], (N, D), dtype=jnp.float32)
    inp["lattices"] = jax.random.normal(ks[1], (G, NS, NS), dtype=jnp.float32)
    inp["edge_index"] = jax.random.randint(ks[2], (2, E), 0, N, dtype=jnp.int32)
    inp["edge2graph"] = jnp.sort(jax.random.randint(ks[3], (E,), 0, G, dtype=jnp.int32))
    inp["frac_diff"] = jax.random.normal(ks[4], (E, NS), dtype=jnp.float32)
    inp["num_atoms"] = jax.random.randint(ks[5], (G,), 0, 100, dtype=jnp.int32)
    # learned parameters
    inp["ln_g"] = jnp.ones((D,), dtype=jnp.float32)
    inp["ln_b"] = jnp.zeros((D,), dtype=jnp.float32)
    inp["We1"] = jax.random.normal(ks[6], (EIN, D), dtype=jnp.float32) * 0.02
    inp["be1"] = jnp.zeros((D,), dtype=jnp.float32)
    inp["We2"] = jax.random.normal(ks[7], (D, D), dtype=jnp.float32) * 0.02
    inp["be2"] = jnp.zeros((D,), dtype=jnp.float32)
    inp["Wn1"] = jax.random.normal(ks[8], (2 * D, D), dtype=jnp.float32) * 0.02
    inp["bn1"] = jnp.zeros((D,), dtype=jnp.float32)
    inp["Wn2"] = jax.random.normal(ks[9], (D, D), dtype=jnp.float32) * 0.02
    inp["bn2"] = jnp.zeros((D,), dtype=jnp.float32)
    return inp


def reference(node_features, lattices, edge_index, edge2graph, frac_diff, num_atoms,
              ln_g, ln_b, We1, be1, We2, be2, Wn1, bn1, Wn2, bn2):
    node_input = node_features
    # LayerNorm (ln=True)
    mu = jnp.mean(node_features, axis=-1, keepdims=True)
    var = jnp.mean((node_features - mu) ** 2, axis=-1, keepdims=True)
    h = (node_features - mu) / jnp.sqrt(var + 1e-5) * ln_g + ln_b
    # edge_model
    hi = h[edge_index[0]]
    hj = h[edge_index[1]]
    # lattice_manifold == 'non_symmetric': L @ L^T then flatten to dim_l = n_space**2
    ltl = lattices @ jnp.swapaxes(lattices, -1, -2)
    lat_flat = ltl.reshape(-1, DIML)
    lat_edges = lat_flat[edge2graph]
    # dis_emb is None -> frac_diff used directly
    edge_in = jnp.concatenate([hi, hj, lat_edges, frac_diff], axis=1)
    ef = jax.nn.silu(edge_in @ We1 + be1)
    ef = jax.nn.silu(ef @ We2 + be2)
    # node_model: scatter-mean of edge features onto destination nodes (edge_index[0])
    agg = jax.ops.segment_sum(ef, edge_index[0], num_segments=N)
    cnt = jax.ops.segment_sum(jnp.ones((E,), dtype=ef.dtype), edge_index[0], num_segments=N)
    agg = agg / jnp.maximum(cnt, 1.0)[:, None]
    nf = jnp.concatenate([h, agg], axis=1)
    out = jax.nn.silu(nf @ Wn1 + bn1)
    out = jax.nn.silu(out @ Wn2 + bn2)
    return node_input + out

if __name__ == "__main__":
    import jax
    _d = setup_inputs()
    print(jax.jit(kernel)(*tuple(_d.values())))

</pallas_src>

<mosaic_0001>
#map = affine_map<(d0, d1) -> (0, 0)>
#map1 = affine_map<(d0, d1) -> (0, 0, 0, 0)>
module attributes {stable_mosaic.version = 14 : i64} {
  func.func @_sc_gather_body(%arg0: i32, %arg1: i32, %arg2: memref<10000x128xf32, #tpu.memory_space<hbm>>, %arg3: memref<10000x128xf32, #tpu.memory_space<hbm>>, %arg4: memref<256x128xf32, #tpu.memory_space<hbm>>, %arg5: memref<32x79x1x128xi32, #tpu.memory_space<hbm>>, %arg6: memref<32x79x1x128xi32, #tpu.memory_space<hbm>>, %arg7: memref<32x79x1x128xi32, #tpu.memory_space<hbm>>, %arg8: memref<323584x128xf32, #tpu.memory_space<hbm>>, %arg9: memref<79x1x128xi32, #tpu.memory_space<vmem>>, %arg10: memref<79x1x128xi32, #tpu.memory_space<vmem>>, %arg11: memref<79x1x128xi32, #tpu.memory_space<vmem>>, %arg12: memref<128x128xf32, #tpu.memory_space<vmem>>, %arg13: memref<128x128xf32, #tpu.memory_space<vmem>>, %arg14: memref<128x128xf32, #tpu.memory_space<vmem>>, %arg15: memref<128x128xf32, #tpu.memory_space<vmem>>, %arg16: memref<128x128xf32, #tpu.memory_space<vmem>>, %arg17: memref<128x128xf32, #tpu.memory_space<vmem>>, %arg18: memref<!tpu.dma_semaphore, #tpu.memory_space<semaphore_mem>>, %arg19: memref<!tpu.dma_semaphore, #tpu.memory_space<semaphore_mem>>, %arg20: memref<!tpu.dma_semaphore, #tpu.memory_space<semaphore_mem>>, %arg21: memref<!tpu.dma_semaphore, #tpu.memory_space<semaphore_mem>>, %arg22: memref<!tpu.dma_semaphore, #tpu.memory_space<semaphore_mem>>, %arg23: memref<!tpu.dma_semaphore, #tpu.memory_space<semaphore_mem>>) attributes {dimension_semantics = [#tpu.dimension_semantics<core_parallel>, #tpu.dimension_semantics<subcore_parallel>], iteration_bounds = array<i64: 2, 16>, scalar_prefetch = 0 : i64, scratch_operands = 15 : i64, tpu.core_type = #tpu.core_type<sc_vector_subcore>, window_params = [{transform_indices = #map}, {transform_indices = #map}, {transform_indices = #map}, {transform_indices = #map1}, {transform_indices = #map1}, {transform_indices = #map1}, {transform_indices = #map}]} {
    %mul3A = arith.constant 2 : i32
    %mul3A_0 = arith.muli %arg1, %mul3A : i32
    %add3A = arith.addi %mul3A_0, %arg0 : i32
    %mul3A_1 = arith.constant 79 : i32
    %mul3A_2 = arith.muli %add3A, %mul3A_1 : i32
    "tpu.region"() ({
      %run_scoped3A = tpu.sem_alloc : memref<!tpu.dma_semaphore, #tpu.memory_space<semaphore_mem>>
      %dma_start3A_54 = arith.constant 0 : i32
      %dma_start3A_55 = arith.constant 0 : i32
      %dma_start3A_56 = arith.constant 0 : i32
      %dma_start3A_57 = tpu.memref_slice %arg5[%add3A, %dma_start3A_54, %dma_start3A_55, %dma_start3A_56] : memref<32x79x1x128xi32, #tpu.memory_space<hbm>> -> memref<1x79x1x128xi32, #tpu.memory_space<hbm>>
      %dma_start3A_58 = tpu.memref_squeeze %dma_start3A_57 : memref<1x79x1x128xi32, #tpu.memory_space<hbm>> -> memref<79x1x128xi32, #tpu.memory_space<hbm>>
      %dma_start3A_59 = arith.constant 0 : i32
      %dma_start3A_60 = arith.constant 0 : i32
      %dma_start3A_61 = arith.constant 0 : i32
      %dma_start3A_62 = tpu.memref_slice %arg5[%add3A, %dma_start3A_59, %dma_start3A_60, %dma_start3A_61] : memref<32x79x1x128xi32, #tpu.memory_space<hbm>> -> memref<1x79x1x128xi32, #tpu.memory_space<hbm>>
      %dma_start3A_63 = tpu.memref_squeeze %dma_start3A_62 : memref<1x79x1x128xi32, #tpu.memory_space<hbm>> -> memref<79x1x128xi32, #tpu.memory_space<hbm>>
      tpu.enqueue_dma source(%dma_start3A_63 : memref<79x1x128xi32, #tpu.memory_space<hbm>>) target(%arg9 : memref<79x1x128xi32, #tpu.memory_space<vmem>>) target_semaphore(%run_scoped3A : memref<!tpu.dma_semaphore, #tpu.memory_space<semaphore_mem>>)
      %dma_wait3A = arith.constant 0 : i32
      %dma_wait3A_64 = arith.constant 0 : i32
      %dma_wait3A_65 = arith.constant 0 : i32
      %dma_wait3A_66 = tpu.memref_slice %arg5[%add3A, %dma_wait3A, %dma_wait3A_64, %dma_wait3A_65] : memref<32x79x1x128xi32, #tpu.memory_space<hbm>> -> memref<1x79x1x128xi32, #tpu.memory_space<hbm>>
      %dma_wait3A_67 = tpu.memref_squeeze %dma_wait3A_66 : memref<1x79x1x128xi32, #tpu.memory_space<hbm>> -> memref<79x1x128xi32, #tpu.memory_space<hbm>>
      %dma_wait3A_68 = arith.constant 0 : i32
      %dma_wait3A_69 = arith.constant 0 : i32
      %dma_wait3A_70 = arith.constant 0 : i32
      %dma_wait3A_71 = tpu.memref_slice %arg5[%add3A, %dma_wait3A_68, %dma_wait3A_69, %dma_wait3A_70] : memref<32x79x1x128xi32, #tpu.memory_space<hbm>> -> memref<1x79x1x128xi32, #tpu.memory_space<hbm>>
      %dma_wait3A_72 = tpu.memref_squeeze %dma_wait3A_71 : memref<1x79x1x128xi32, #tpu.memory_space<hbm>> -> memref<79x1x128xi32, #tpu.memory_space<hbm>>
      tpu.wait_dma2 semaphore(%run_scoped3A : memref<!tpu.dma_semaphore, #tpu.memory_space<semaphore_mem>>) src(%dma_wait3A_72 : memref<79x1x128xi32, #tpu.memory_space<hbm>>) dst(%arg9 : memref<79x1x128xi32, #tpu.memory_space<vmem>>)
      tpu.yield
    }) : () -> ()
    "tpu.region"() ({
      %run_scoped3A = tpu.sem_alloc : memref<!tpu.dma_semaphore, #tpu.memory_space<semaphore_mem>>
      %dma_start3A_54 = arith.constant 0 : i32
      %dma_start3A_55 = arith.constant 0 : i32
      %dma_start3A_56 = arith.constant 0 : i32
      %dma_start3A_57 = tpu.memref_slice %arg6[%add3A, %dma_start3A_54, %dma_start3A_55, %dma_start3A_56] : memref<32x79x1x128xi32, #tpu.memory_space<hbm>> -> memref<1x79x1x128xi32, #tpu.memory_space<hbm>>
      %dma_start3A_58 = tpu.memref_squeeze %dma_start3A_57 : memref<1x79x1x128xi32, #tpu.memory_space<hbm>> -> memref<79x1x128xi32, #tpu.memory_space<hbm>>
      %dma_start3A_59 = arith.constant 0 : i32
      %dma_start3A_60 = arith.constant 0 : i32
      %dma_start3A_61 = arith.constant 0 : i32
      %dma_start3A_62 = tpu.memref_slice %arg6[%add3A, %dma_start3A_59, %dma_start3A_60, %dma_start3A_61] : memref<32x79x1x128xi32, #tpu.memory_space<hbm>> -> memref<1x79x1x128xi32, #tpu.memory_space<hbm>>
      %dma_start3A_63 = tpu.memref_squeeze %dma_start3A_62 : memref<1x79x1x128xi32, #tpu.memory_space<hbm>> -> memref<79x1x128xi32, #tpu.memory_space<hbm>>
      tpu.enqueue_dma source(%dma_start3A_63 : memref<79x1x128xi32, #tpu.memory_space<hbm>>) target(%arg10 : memref<79x1x128xi32, #tpu.memory_space<vmem>>) target_semaphore(%run_scoped3A : memref<!tpu.dma_semaphore, #tpu.memory_space<semaphore_mem>>)
      %dma_wait3A = arith.constant 0 : i32
      %dma_wait3A_64 = arith.constant 0 : i32
      %dma_wait3A_65 = arith.constant 0 : i32
      %dma_wait3A_66 = tpu.memref_slice %arg6[%add3A, %dma_wait3A, %dma_wait3A_64, %dma_wait3A_65] : memref<32x79x1x128xi32, #tpu.memory_space<hbm>> -> memref<1x79x1x128xi32, #tpu.memory_space<hbm>>
      %dma_wait3A_67 = tpu.memref_squeeze %dma_wait3A_66 : memref<1x79x1x128xi32, #tpu.memory_space<hbm>> -> memref<79x1x128xi32, #tpu.memory_space<hbm>>
      %dma_wait3A_68 = arith.constant 0 : i32
      %dma_wait3A_69 = arith.constant 0 : i32
      %dma_wait3A_70 = arith.constant 0 : i32
      %dma_wait3A_71 = tpu.memref_slice %arg6[%add3A, %dma_wait3A_68, %dma_wait3A_69, %dma_wait3A_70] : memref<32x79x1x128xi32, #tpu.memory_space<hbm>> -> memref<1x79x1x128xi32, #tpu.memory_space<hbm>>
      %dma_wait3A_72 = tpu.memref_squeeze %dma_wait3A_71 : memref<1x79x1x128xi32, #tpu.memory_space<hbm>> -> memref<79x1x128xi32, #tpu.memory_space<hbm>>
      tpu.wait_dma2 semaphore(%run_scoped3A : memref<!tpu.dma_semaphore, #tpu.memory_space<semaphore_mem>>) src(%dma_wait3A_72 : memref<79x1x128xi32, #tpu.memory_space<hbm>>) dst(%arg10 : memref<79x1x128xi32, #tpu.memory_space<vmem>>)
      tpu.yield
    }) : () -> ()
    "tpu.region"() ({
      %run_scoped3A = tpu.sem_alloc : memref<!tpu.dma_semaphore, #tpu.memory_space<semaphore_mem>>
      %dma_start3A_54 = arith.constant 0 : i32
      %dma_start3A_55 = arith.constant 0 : i32
      %dma_start3A_56 = arith.constant 0 : i32
      %dma_start3A_57 = tpu.memref_slice %arg7[%add3A, %dma_start3A_54, %dma_start3A_55, %dma_start3A_56] : memref<32x79x1x128xi32, #tpu.memory_space<hbm>> -> memref<1x79x1x128xi32, #tpu.memory_space<hbm>>
      %dma_start3A_58 = tpu.memref_squeeze %dma_start3A_57 : memref<1x79x1x128xi32, #tpu.memory_space<hbm>> -> memref<79x1x128xi32, #tpu.memory_space<hbm>>
      %dma_start3A_59 = arith.constant 0 : i32
      %dma_start3A_60 = arith.constant 0 : i32
      %dma_start3A_61 = arith.constant 0 : i32
      %dma_start3A_62 = tpu.memref_slice %arg7[%add3A, %dma_start3A_59, %dma_start3A_60, %dma_start3A_61] : memref<32x79x1x128xi32, #tpu.memory_space<hbm>> -> memref<1x79x1x128xi32, #tpu.memory_space<hbm>>
      %dma_start3A_63 = tpu.memref_squeeze %dma_start3A_62 : memref<1x79x1x128xi32, #tpu.memory_space<hbm>> -> memref<79x1x128xi32, #tpu.memory_space<hbm>>
      tpu.enqueue_dma source(%dma_start3A_63 : memref<79x1x128xi32, #tpu.memory_space<hbm>>) target(%arg11 : memref<79x1x128xi32, #tpu.memory_space<vmem>>) target_semaphore(%run_scoped3A : memref<!tpu.dma_semaphore, #tpu.memory_space<semaphore_mem>>)
      %dma_wait3A = arith.constant 0 : i32
      %dma_wait3A_64 = arith.constant 0 : i32
      %dma_wait3A_65 = arith.constant 0 : i32
      %dma_wait3A_66 = tpu.memref_slice %arg7[%add3A, %dma_wait3A, %dma_wait3A_64, %dma_wait3A_65] : memref<32x79x1x128xi32, #tpu.memory_space<hbm>> -> memref<1x79x1x128xi32, #tpu.memory_space<hbm>>
      %dma_wait3A_67 = tpu.memref_squeeze %dma_wait3A_66 : memref<1x79x1x128xi32, #tpu.memory_space<hbm>> -> memref<79x1x128xi32, #tpu.memory_space<hbm>>
      %dma_wait3A_68 = arith.constant 0 : i32
      %dma_wait3A_69 = arith.constant 0 : i32
      %dma_wait3A_70 = arith.constant 0 : i32
      %dma_wait3A_71 = tpu.memref_slice %arg7[%add3A, %dma_wait3A_68, %dma_wait3A_69, %dma_wait3A_70] : memref<32x79x1x128xi32, #tpu.memory_space<hbm>> -> memref<1x79x1x128xi32, #tpu.memory_space<hbm>>
      %dma_wait3A_72 = tpu.memref_squeeze %dma_wait3A_71 : memref<1x79x1x128xi32, #tpu.memory_space<hbm>> -> memref<79x1x128xi32, #tpu.memory_space<hbm>>
      tpu.wait_dma2 semaphore(%run_scoped3A : memref<!tpu.dma_semaphore, #tpu.memory_space<semaphore_mem>>) src(%dma_wait3A_72 : memref<79x1x128xi32, #tpu.memory_space<hbm>>) dst(%arg11 : memref<79x1x128xi32, #tpu.memory_space<vmem>>)
      tpu.yield
    }) : () -> ()
    %dma_start3A = arith.constant 0 : i32
    %dma_start3A_3 = arith.constant 0 : i32
    %dma_start3A_4 = arith.constant 0 : i32
    %dma_start3A_5 = tpu.memref_slice %arg9[%dma_start3A, %dma_start3A_3, %dma_start3A_4] : memref<79x1x128xi32, #tpu.memory_space<vmem>> -> memref<1x1x128xi32, #tpu.memory_space<vmem>>
    %dma_start3A_6 = tpu.memref_squeeze %dma_start3A_5 : memref<1x1x128xi32, #tpu.memory_space<vmem>> -> memref<128xi32, #tpu.memory_space<vmem>>
    %dma_start3A_7 = arith.constant 0 : i32
    %dma_start3A_8 = arith.constant 0 : i32
    %dma_start3A_9 = tpu.memref_slice %arg2[%dma_start3A_7, %dma_start3A_8] : memref<10000x128xf32, #tpu.memory_space<hbm>> -> memref<10000x128xf32, #tpu.memory_space<hbm>>
    tpu.enqueue_indirect_dma source(%dma_start3A_9 : memref<10000x128xf32, #tpu.memory_space<hbm>>) target(%arg12 : memref<128x128xf32, #tpu.memory_space<vmem>>) offsets(%dma_start3A_6 : memref<128xi32, #tpu.memory_space<vmem>>) semaphore(%arg18 : memref<!tpu.dma_semaphore, #tpu.memory_space<semaphore_mem>>)
    %dma_start3A_10 = arith.constant 0 : i32
    %dma_start3A_11 = arith.constant 0 : i32
    %dma_start3A_12 = arith.constant 0 : i32
    %dma_start3A_13 = tpu.memref_slice %arg10[%dma_start3A_10, %dma_start3A_11, %dma_start3A_12] : memref<79x1x128xi32, #tpu.memory_space<vmem>> -> memref<1x1x128xi32, #tpu.memory_space<vmem>>
    %dma_start3A_14 = tpu.memref_squeeze %dma_start3A_13 : memref<1x1x128xi32, #tpu.memory_space<vmem>> -> memref<128xi32, #tpu.memory_space<vmem>>
    %dma_start3A_15 = arith.constant 0 : i32
    %dma_start3A_16 = arith.constant 0 : i32
    %dma_start3A_17 = tpu.memref_slice %arg3[%dma_start3A_15, %dma_start3A_16] : memref<10000x128xf32, #tpu.memory_space<hbm>> -> memref<10000x128xf32, #tpu.memory_space<hbm>>
    tpu.enqueue_indirect_dma source(%dma_start3A_17 : memref<10000x128xf32, #tpu.memory_space<hbm>>) target(%arg13 : memref<128x128xf32, #tpu.memory_space<vmem>>) offsets(%dma_start3A_14 : memref<128xi32, #tpu.memory_space<vmem>>) semaphore(%arg19 : memref<!tpu.dma_semaphore, #tpu.memory_space<semaphore_mem>>)
    %dma_start3A_18 = arith.constant 0 : i32
    %dma_start3A_19 = arith.constant 0 : i32
    %dma_start3A_20 = arith.constant 0 : i32
    %dma_start3A_21 = tpu.memref_slice %arg11[%dma_start3A_18, %dma_start3A_19, %dma_start3A_20] : memref<79x1x128xi32, #tpu.memory_space<vmem>> -> memref<1x1x128xi32, #tpu.memory_space<vmem>>
    %dma_start3A_22 = tpu.memref_squeeze %dma_start3A_21 : memref<1x1x128xi32, #tpu.memory_space<vmem>> -> memref<128xi32, #tpu.memory_space<vmem>>
    %dma_start3A_23 = arith.constant 0 : i32
    %dma_start3A_24 = arith.constant 0 : i32
    %dma_start3A_25 = tpu.memref_slice %arg4[%dma_start3A_23, %dma_start3A_24] : memref<256x128xf32, #tpu.memory_space<hbm>> -> memref<256x128xf32, #tpu.memory_space<hbm>>
    tpu.enqueue_indirect_dma source(%dma_start3A_25 : memref<256x128xf32, #tpu.memory_space<hbm>>) target(%arg14 : memref<128x128xf32, #tpu.memory_space<vmem>>) offsets(%dma_start3A_22 : memref<128xi32, #tpu.memory_space<vmem>>) semaphore(%arg20 : memref<!tpu.dma_semaphore, #tpu.memory_space<semaphore_mem>>)
    %dma_start3A_26 = arith.constant 1 : i32
    %dma_start3A_27 = arith.constant 0 : i32
    %dma_start3A_28 = arith.constant 0 : i32
    %dma_start3A_29 = tpu.memref_slice %arg9[%dma_start3A_26, %dma_start3A_27, %dma_start3A_28] : memref<79x1x128xi32, #tpu.memory_space<vmem>> -> memref<1x1x128xi32, #tpu.memory_space<vmem>>
    %dma_start3A_30 = tpu.memref_squeeze %dma_start3A_29 : memref<1x1x128xi32, #tpu.memory_space<vmem>> -> memref<128xi32, #tpu.memory_space<vmem>>
    %dma_start3A_31 = arith.constant 0 : i32
    %dma_start3A_32 = arith.constant 0 : i32
    %dma_start3A_33 = tpu.memref_slice %arg2[%dma_start3A_31, %dma_start3A_32] : memref<10000x128xf32, #tpu.memory_space<hbm>> -> memref<10000x128xf32, #tpu.memory_space<hbm>>
    tpu.enqueue_indirect_dma source(%dma_start3A_33 : memref<10000x128xf32, #tpu.memory_space<hbm>>) target(%arg15 : memref<128x128xf32, #tpu.memory_space<vmem>>) offsets(%dma_start3A_30 : memref<128xi32, #tpu.memory_space<vmem>>) semaphore(%arg21 : memref<!tpu.dma_semaphore, #tpu.memory_space<semaphore_mem>>)
    %dma_start3A_34 = arith.constant 1 : i32
    %dma_start3A_35 = arith.constant 0 : i32
    %dma_start3A_36 = arith.constant 0 : i32
    %dma_start3A_37 = tpu.memref_slice %arg10[%dma_start3A_34, %dma_start3A_35, %dma_start3A_36] : memref<79x1x128xi32, #tpu.memory_space<vmem>> -> memref<1x1x128xi32, #tpu.memory_space<vmem>>
    %dma_start3A_38 = tpu.memref_squeeze %dma_start3A_37 : memref<1x1x128xi32, #tpu.memory_space<vmem>> -> memref<128xi32, #tpu.memory_space<vmem>>
    %dma_start3A_39 = arith.constant 0 : i32
    %dma_start3A_40 = arith.constant 0 : i32
    %dma_start3A_41 = tpu.memref_slice %arg3[%dma_start3A_39, %dma_start3A_40] : memref<10000x128xf32, #tpu.memory_space<hbm>> -> memref<10000x128xf32, #tpu.memory_space<hbm>>
    tpu.enqueue_indirect_dma source(%dma_start3A_41 : memref<10000x128xf32, #tpu.memory_space<hbm>>) target(%arg16 : memref<128x128xf32, #tpu.memory_space<vmem>>) offsets(%dma_start3A_38 : memref<128xi32, #tpu.memory_space<vmem>>) semaphore(%arg22 : memref<!tpu.dma_semaphore, #tpu.memory_space<semaphore_mem>>)
    %dma_start3A_42 = arith.constant 1 : i32
    %dma_start3A_43 = arith.constant 0 : i32
    %dma_start3A_44 = arith.constant 0 : i32
    %dma_start3A_45 = tpu.memref_slice %arg11[%dma_start3A_42, %dma_start3A_43, %dma_start3A_44] : memref<79x1x128xi32, #tpu.memory_space<vmem>> -> memref<1x1x128xi32, #tpu.memory_space<vmem>>
    %dma_start3A_46 = tpu.memref_squeeze %dma_start3A_45 : memref<1x1x128xi32, #tpu.memory_space<vmem>> -> memref<128xi32, #tpu.memory_space<vmem>>
    %dma_start3A_47 = arith.constant 0 : i32
    %dma_start3A_48 = arith.constant 0 : i32
    %dma_start3A_49 = tpu.memref_slice %arg4[%dma_start3A_47, %dma_start3A_48] : memref<256x128xf32, #tpu.memory_space<hbm>> -> memref<256x128xf32, #tpu.memory_space<hbm>>
    tpu.enqueue_indirect_dma source(%dma_start3A_49 : memref<256x128xf32, #tpu.memory_space<hbm>>) target(%arg17 : memref<128x128xf32, #tpu.memory_space<vmem>>) offsets(%dma_start3A_46 : memref<128xi32, #tpu.memory_space<vmem>>) semaphore(%arg23 : memref<!tpu.dma_semaphore, #tpu.memory_space<semaphore_mem>>)
    %scan3A = arith.constant 0 : i32
    %scan3A_50 = arith.constant 40 : i32
    %scan3A_51 = arith.addi %scan3A, %scan3A_50 : i32
    %scan3A_52 = arith.constant 1 : i32
    scf.for %scan3A_54 = %scan3A to %scan3A_51 step %scan3A_52  : i32 {
      %mul3A_55 = arith.constant 2 : i32
      %mul3A_56 = arith.muli %scan3A_54, %mul3A_55 : i32
      %add3A_57 = arith.constant 0 : i32
      %add3A_58 = arith.addi %add3A_57, %mul3A_56 : i32
      %add3A_59 = arith.constant 0 : i32
      %add3A_60 = arith.addi %add3A_58, %add3A_59 : i32
      %lt3A = arith.constant 79 : i32
      %lt3A_61 = arith.cmpi slt, %add3A_60, %lt3A : i32
      %convert_element_type3A = arith.extui %lt3A_61 : i1 to i32
      %cond3A = arith.constant 0 : i32
      %cond3A_62 = arith.cmpi ne, %convert_element_type3A, %cond3A : i32
      scf.if %cond3A_62 {
        %dma_wait3A = arith.constant 0 : i32
        %dma_wait3A_70 = arith.constant 0 : i32
        %dma_wait3A_71 = arith.constant 0 : i32
        %dma_wait3A_72 = tpu.memref_slice %arg9[%dma_wait3A, %dma_wait3A_70, %dma_wait3A_71] : memref<79x1x128xi32, #tpu.memory_space<vmem>> -> memref<1x1x128xi32, #tpu.memory_space<vmem>>
        %dma_wait3A_73 = tpu.memref_squeeze %dma_wait3A_72 : memref<1x1x128xi32, #tpu.memory_space<vmem>> -> memref<128xi32, #tpu.memory_space<vmem>>
        %dma_wait3A_74 = arith.constant 0 : i32
        %dma_wait3A_75 = arith.constant 0 : i32
        %dma_wait3A_76 = tpu.memref_slice %arg2[%dma_wait3A_74, %dma_wait3A_75] : memref<10000x128xf32, #tpu.memory_space<hbm>> -> memref<10000x128xf32, #tpu.memory_space<hbm>>
        tpu.wait_indirect_dma semaphore(%arg18 : memref<!tpu.dma_semaphore, #tpu.memory_space<semaphore_mem>>) src(%dma_wait3A_76 : memref<10000x128xf32, #tpu.memory_space<hbm>>) dst(%arg12 : memref<128x128xf32, #tpu.memory_space<vmem>>)
        %dma_wait3A_77 = arith.constant 0 : i32
        %dma_wait3A_78 = arith.constant 0 : i32
        %dma_wait3A_79 = arith.constant 0 : i32
        %dma_wait3A_80 = tpu.memref_slice %arg10[%dma_wait3A_77, %dma_wait3A_78, %dma_wait3A_79] : memref<79x1x128xi32, #tpu.memory_space<vmem>> -> memref<1x1x128xi32, #tpu.memory_space<vmem>>
        %dma_wait3A_81 = tpu.memref_squeeze %dma_wait3A_80 : memref<1x1x128xi32, #tpu.memory_space<vmem>> -> memref<128xi32, #tpu.memory_space<vmem>>
        %dma_wait3A_82 = arith.constant 0 : i32
        %dma_wait3A_83 = arith.constant 0 : i32
        %dma_wait3A_84 = tpu.memref_slice %arg3[%dma_wait3A_82, %dma_wait3A_83] : memref<10000x128xf32, #tpu.memory_space<hbm>> -> memref<10000x128xf32, #tpu.memory_space<hbm>>
        tpu.wait_indirect_dma semaphore(%arg19 : memref<!tpu.dma_semaphore, #tpu.memory_space<semaphore_mem>>) src(%dma_wait3A_84 : memref<10000x128xf32, #tpu.memory_space<hbm>>) dst(%arg13 : memref<128x128xf32, #tpu.memory_space<vmem>>)
        %dma_wait3A_85 = arith.constant 0 : i32
        %dma_wait3A_86 = arith.constant 0 : i32
        %dma_wait3A_87 = arith.constant 0 : i32
        %dma_wait3A_88 = tpu.memref_slice %arg11[%dma_wait3A_85, %dma_wait3A_86, %dma_wait3A_87] : memref<79x1x128xi32, #tpu.memory_space<vmem>> -> memref<1x1x128xi32, #tpu.memory_space<vmem>>
        %dma_wait3A_89 = tpu.memref_squeeze %dma_wait3A_88 : memref<1x1x128xi32, #tpu.memory_space<vmem>> -> memref<128xi32, #tpu.memory_space<vmem>>
        %dma_wait3A_90 = arith.constant 0 : i32
        %dma_wait3A_91 = arith.constant 0 : i32
        %dma_wait3A_92 = tpu.memref_slice %arg4[%dma_wait3A_90, %dma_wait3A_91] : memref<256x128xf32, #tpu.memory_space<hbm>> -> memref<256x128xf32, #tpu.memory_space<hbm>>
        tpu.wait_indirect_dma semaphore(%arg20 : memref<!tpu.dma_semaphore, #tpu.memory_space<semaphore_mem>>) src(%dma_wait3A_92 : memref<256x128xf32, #tpu.memory_space<hbm>>) dst(%arg14 : memref<128x128xf32, #tpu.memory_space<vmem>>)
        %scan3A_93 = arith.constant 0 : i32
        %scan3A_94 = arith.constant 128 : i32
        %scan3A_95 = arith.addi %scan3A_93, %scan3A_94 : i32
        %scan3A_96 = arith.constant 4 : i32
        scf.for %scan3A_108 = %scan3A_93 to %scan3A_95 step %scan3A_96  : i32 {
          %mul3A_109 = arith.constant 1 : i32
          %mul3A_110 = arith.muli %scan3A_108, %mul3A_109 : i32
          %add3A_111 = arith.constant 0 : i32
          %add3A_112 = arith.addi %add3A_111, %mul3A_110 : i32
          %get3A = arith.index_cast %add3A_112 : i32 to index
          %get3A_113 = arith.constant 0 : index
          %get3A_114 = tpu.vector_load %arg12[%get3A, %get3A_113] {strides = array<i32>} : memref<128x128xf32, #tpu.memory_space<vmem>>, vector<1x16xf32>,
          %get3A_115 = vector.shape_cast %get3A_114 : vector<1x16xf32> to vector<16xf32>
          %get3A_116 = arith.index_cast %add3A_112 : i32 to index
          %get3A_117 = arith.constant 0 : index
          %get3A_118 = tpu.vector_load %arg13[%get3A_116, %get3A_117] {strides = array<i32>} : memref<128x128xf32, #tpu.memory_space<vmem>>, vector<1x16xf32>,
          %get3A_119 = vector.shape_cast %get3A_118 : vector<1x16xf32> to vector<16xf32>
          %add3A_120 = arith.addf %get3A_115, %get3A_119 : vector<16xf32>
          %get3A_121 = arith.index_cast %add3A_112 : i32 to index
          %get3A_122 = arith.constant 0 : index
          %get3A_123 = tpu.vector_load %arg14[%get3A_121, %get3A_122] {strides = array<i32>} : memref<128x128xf32, #tpu.memory_space<vmem>>, vector<1x16xf32>,
          %get3A_124 = vector.shape_cast %get3A_123 : vector<1x16xf32> to vector<16xf32>
          %add3A_125 = arith.addf %add3A_120, %get3A_124 : vector<16xf32>
          %swap3A = arith.index_cast %add3A_112 : i32 to index
          %swap3A_126 = arith.constant 0 : index
          %swap3A_127 = tpu.vector_load %arg12[%swap3A, %swap3A_126] {strides = array<i32>} : memref<128x128xf32, #tpu.memory_space<vmem>>, vector<1x16xf32>,
          %swap3A_128 = vector.shape_cast %swap3A_127 : vector<1x16xf32> to vector<16xf32>
          %swap3A_129 = vector.shape_cast %add3A_125 : vector<16xf32> to vector<1x16xf32>
          tpu.vector_store %arg12[%swap3A, %swap3A_126], %swap3A_129 {strides = array<i32>} : memref<128x128xf32, #tpu.memory_space<vmem>>, vector<1x16xf32>,
          %get3A_130 = arith.index_cast %add3A_112 : i32 to index
          %get3A_131 = arith.constant 16 : index
          %get3A_132 = tpu.vector_load %arg12[%get3A_130, %get3A_131] {strides = array<i32>} : memref<128x128xf32, #tpu.memory_space<vmem>>, vector<1x16xf32>,
          %get3A_133 = vector.shape_cast %get3A_132 : vector<1x16xf32> to vector<16xf32>
          %get3A_134 = arith.index_cast %add3A_112 : i32 to index
          %get3A_135 = arith.constant 16 : index
          %get3A_136 = tpu.vector_load %arg13[%get3A_134, %get3A_135] {strides = array<i32>} : memref<128x128xf32, #tpu.memory_space<vmem>>, vector<1x16xf32>,
          %get3A_137 = vector.shape_cast %get3A_136 : vector<1x16xf32> to vector<16xf32>
          %add3A_138 = arith.addf %get3A_133, %get3A_137 : vector<16xf32>
          %get3A_139 = arith.index_cast %add3A_112 : i32 to index
          %get3A_140 = arith.constant 16 : index
          %get3A_141 = tpu.vector_load %arg14[%get3A_139, %get3A_140] {strides = array<i32>} : memref<128x128xf32, #tpu.memory_space<vmem>>, vector<1x16xf32>,
          %get3A_142 = vector.shape_cast %get3A_141 : vector<1x16xf32> to vector<16xf32>
          %add3A_143 = arith.addf %add3A_138, %get3A_142 : vector<16xf32>
          %swap3A_144 = arith.index_cast %add3A_112 : i32 to index
          %swap3A_145 = arith.constant 16 : index
          %swap3A_146 = tpu.vector_load %arg12[%swap3A_144, %swap3A_145] {strides = array<i32>} : memref<128x128xf32, #tpu.memory_space<vmem>>, vector<1x16xf32>,
          %swap3A_147 = vector.shape_cast %swap3A_146 : vector<1x16xf32> to vector<16xf32>
          %swap3A_148 = vector.shape_cast %add3A_143 : vector<16xf32> to vector<1x16xf32>
          tpu.vector_store %arg12[%swap3A_144, %swap3A_145], %swap3A_148 {strides = array<i32>} : memref<128x128xf32, #tpu.memory_space<vmem>>, vector<1x16xf32>,
          %get3A_149 = arith.index_cast %add3A_112 : i32 to index
          %get3A_150 = arith.constant 32 : index
          %get3A_151 = tpu.vector_load %arg12[%get3A_149, %get3A_150] {strides = array<i32>} : memref<128x128xf32, #tpu.memory_space<vmem>>, vector<1x16xf32>,
          %get3A_152 = vector.shape_cast %get3A_151 : vector<1x16xf32> to vector<16xf32>
          %get3A_153 = arith.index_cast %add3A_112 : i32 to index
          %get3A_154 = arith.constant 32 : index
          %get3A_155 = tpu.vector_load %arg13[%get3A_153, %get3A_154] {strides = array<i32>} : memref<128x128xf32, #tpu.memory_space<vmem>>, vector<1x16xf32>,
          %get3A_156 = vector.shape_cast %get3A_155 : vector<1x16xf32> to vector<16xf32>
          %add3A_157 = arith.addf %get3A_152, %get3A_156 : vector<16xf32>
          %get3A_158 = arith.index_cast %add3A_112 : i32 to index
          %get3A_159 = arith.constant 32 : index
          %get3A_160 = tpu.vector_load %arg14[%get3A_158, %get3A_159] {strides = array<i32>} : memref<128x128xf32, #tpu.memory_space<vmem>>, vector<1x16xf32>,
          %get3A_161 = vector.shape_cast %get3A_160 : vector<1x16xf32> to vector<16xf32>
          %add3A_162 = arith.addf %add3A_157, %get3A_161 : vector<16xf32>
          %swap3A_163 = arith.index_cast %add3A_112 : i32 to index
          %swap3A_164 = arith.constant 32 : index
          %swap3A_165 = tpu.vector_load %arg12[%swap3A_163, %swap3A_164] {strides = array<i32>} : memref<128x128xf32, #tpu.memory_space<vmem>>, vector<1x16xf32>,
          %swap3A_166 = vector.shape_cast %swap3A_165 : vector<1x16xf32> to vector<16xf32>
          %swap3A_167 = vector.shape_cast %add3A_162 : vector<16xf32> to vector<1x16xf32>
          tpu.vector_store %arg12[%swap3A_163, %swap3A_164], %swap3A_167 {strides = array<i32>} : memref<128x128xf32, #tpu.memory_space<vmem>>, vector<1x16xf32>,
          %get3A_168 = arith.index_cast %add3A_112 : i32 to index
          %get3A_169 = arith.constant 48 : index
          %get3A_170 = tpu.vector_load %arg12[%get3A_168, %get3A_169] {strides = array<i32>} : memref<128x128xf32, #tpu.memory_space<vmem>>, vector<1x16xf32>,
          %get3A_171 = vector.shape_cast %get3A_170 : vector<1x16xf32> to vector<16xf32>
          %get3A_172 = arith.index_cast %add3A_112 : i32 to index
          %get3A_173 = arith.constant 48 : index
          %get3A_174 = tpu.vector_load %arg13[%get3A_172, %get3A_173] {strides = array<i32>} : memref<128x128xf32, #tpu.memory_space<vmem>>, vector<1x16xf32>,
          %get3A_175 = vector.shape_cast %get3A_174 : vector<1x16xf32> to vector<16xf32>
          %add3A_176 = arith.addf %get3A_171, %get3A_175 : vector<16xf32>
          %get3A_177 = arith.index_cast %add3A_112 : i32 to index
          %get3A_178 = arith.constant 48 : index
          %get3A_179 = tpu.vector_load %arg14[%get3A_177, %get3A_178] {strides = array<i32>} : memref<128x128xf32, #tpu.memory_space<vmem>>, vector<1x16xf32>,
          %get3A_180 = vector.shape_cast %get3A_179 : vector<1x16xf32> to vector<16xf32>
          %add3A_181 = arith.addf %add3A_176, %get3A_180 : vector<16xf32>
          %swap3A_182 = arith.index_cast %add3A_112 : i32 to index
          %swap3A_183 = arith.constant 48 : index
          %swap3A_184 = tpu.vector_load %arg12[%swap3A_182, %swap3A_183] {strides = array<i32>} : memref<128x128xf32, #tpu.memory_space<vmem>>, vector<1x16xf32>,
          %swap3A_185 = vector.shape_cast %swap3A_184 : vector<1x16xf32> to vector<16xf32>
          %swap3A_186 = vector.shape_cast %add3A_181 : vector<16xf32> to vector<1x16xf32>
          tpu.vector_store %arg12[%swap3A_182, %swap3A_183], %swap3A_186 {strides = array<i32>} : memref<128x128xf32, #tpu.memory_space<vmem>>, vector<1x16xf32>,
          %get3A_187 = arith.index_cast %add3A_112 : i32 to index
          %get3A_188 = arith.constant 64 : index
          %get3A_189 = tpu.vector_load %arg12[%get3A_187, %get3A_188] {strides = array<i32>} : memref<128x128xf32, #tpu.memory_space<vmem>>, vector<1x16xf32>,
          %get3A_190 = vector.shape_cast %get3A_189 : vector<1x16xf32> to vector<16xf32>
          %get3A_191 = arith.index_cast %add3A_112 : i32 to index
          %get3A_192 = arith.constant 64 : index
          %get3A_193 = tpu.vector_load %arg13[%get3A_191, %get3A_192] {strides = array<i32>} : memref<128x128xf32, #tpu.memory_space<vmem>>, vector<1x16xf32>,
          %get3A_194 = vector.shape_cast %get3A_193 : vector<1x16xf32> to vector<16xf32>
          %add3A_195 = arith.addf %get3A_190, %get3A_194 : vector<16xf32>
          %get3A_196 = arith.index_cast %add3A_112 : i32 to index
          %get3A_197 = arith.constant 64 : index
          %get3A_198 = tpu.vector_load %arg14[%get3A_196, %get3A_197] {strides = array<i32>} : memref<128x128xf32, #tpu.memory_space<vmem>>, vector<1x16xf32>,
          %get3A_199 = vector.shape_cast %get3A_198 : vector<1x16xf32> to vector<16xf32>
          %add3A_200 = arith.addf %add3A_195, %get3A_199 : vector<16xf32>
          %swap3A_201 = arith.index_cast %add3A_112 : i32 to index
          %swap3A_202 = arith.constant 64 : index
          %swap3A_203 = tpu.vector_load %arg12[%swap3A_201, %swap3A_202] {strides = array<i32>} : memref<128x128xf32, #tpu.memory_space<vmem>>, vector<1x16xf32>,
          %swap3A_204 = vector.shape_cast %swap3A_203 : vector<1x16xf32> to vector<16xf32>
          %swap3A_205 = vector.shape_cast %add3A_200 : vector<16xf32> to vector<1x16xf32>
          tpu.vector_store %arg12[%swap3A_201, %swap3A_202], %swap3A_205 {strides = array<i32>} : memref<128x128xf32, #tpu.memory_space<vmem>>, vector<1x16xf32>,
          %get3A_206 = arith.index_cast %add3A_112 : i32 to index
          %get3A_207 = arith.constant 80 : index
          %get3A_208 = tpu.vector_load %arg12[%get3A_206, %get3A_207] {strides = array<i32>} : memref<128x128xf32, #tpu.memory_space<vmem>>, vector<1x16xf32>,
          %get3A_209 = vector.shape_cast %get3A_208 : vector<1x16xf32> to vector<16xf32>
          %get3A_210 = arith.index_cast %add3A_112 : i32 to index
          %get3A_211 = arith.constant 80 : index
          %get3A_212 = tpu.vector_load %arg13[%get3A_210, %get3A_211] {strides = array<i32>} : memref<128x128xf32, #tpu.memory_space<vmem>>, vector<1x16xf32>,
          %get3A_213 = vector.shape_cast %get3A_212 : vector<1x16xf32> to vector<16xf32>
          %add3A_214 = arith.addf %get3A_209, %get3A_213 : vector<16xf32>
          %get3A_215 = arith.index_cast %add3A_112 : i32 to index
          %get3A_216 = arith.constant 80 : index
          %get3A_217 = tpu.vector_load %arg14[%get3A_215, %get3A_216] {strides = array<i32>} : memref<128x128xf32, #tpu.memory_space<vmem>>, vector<1x16xf32>,
          %get3A_218 = vector.shape_cast %get3A_217 : vector<1x16xf32> to vector<16xf32>
          %add3A_219 = arith.addf %add3A_214, %get3A_218 : vector<16xf32>
          %swap3A_220 = arith.index_cast %add3A_112 : i32 to index
          %swap3A_221 = arith.constant 80 : index
          %swap3A_222 = tpu.vector_load %arg12[%swap3A_220, %swap3A_221] {strides = array<i32>} : memref<128x128xf32, #tpu.memory_space<vmem>>, vector<1x16xf32>,
          %swap3A_223 = vector.shape_cast %swap3A_222 : vector<1x16xf32> to vector<16xf32>
          %swap3A_224 = vector.shape_cast %add3A_219 : vector<16xf32> to vector<1x16xf32>
          tpu.vector_store %arg12[%swap3A_220, %swap3A_221], %swap3A_224 {strides = array<i32>} : memref<128x128xf32, #tpu.memory_space<vmem>>, vector<1x16xf32>,
          %get3A_225 = arith.index_cast %add3A_112 : i32 to index
          %get3A_226 = arith.constant 96 : index
          %get3A_227 = tpu.vector_load %arg12[%get3A_225, %get3A_226] {strides = array<i32>} : memref<128x128xf32, #tpu.memory_space<vmem>>, vector<1x16xf32>,
          %get3A_228 = vector.shape_cast %get3A_227 : vector<1x16xf32> to vector<16xf32>
          %get3A_229 = arith.index_cast %add3A_112 : i32 to index
          %get3A_230 = arith.constant 96 : index
          %get3A_231 = tpu.vector_load %arg13[%get3A_229, %get3A_230] {strides = array<i32>} : memref<128x128xf32, #tpu.memory_space<vmem>>, vector<1x16xf32>,
          %get3A_232 = vector.shape_cast %get3A_231 : vector<1x16xf32> to vector<16xf32>
          %add3A_233 = arith.addf %get3A_228, %get3A_232 : vector<16xf32>
          %get3A_234 = arith.index_cast %add3A_112 : i32 to index
          %get3A_235 = arith.constant 96 : index
          %get3A_236 = tpu.vector_load %arg14[%get3A_234, %get3A_235] {strides = array<i32>} : memref<128x128xf32, #tpu.memory_space<vmem>>, vector<1x16xf32>,
          %get3A_237 = vector.shape_cast %get3A_236 : vector<1x16xf32> to vector<16xf32>
          %add3A_238 = arith.addf %add3A_233, %get3A_237 : vector<16xf32>
          %swap3A_239 = arith.index_cast %add3A_112 : i32 to index
          %swap3A_240 = arith.constant 96 : index
          %swap3A_241 = tpu.vector_load %arg12[%swap3A_239, %swap3A_240] {strides = array<i32>} : memref<128x128xf32, #tpu.memory_space<vmem>>, vector<1x16xf32>,
          %swap3A_242 = vector.shape_cast %swap3A_241 : vector<1x16xf32> to vector<16xf32>
          %swap3A_243 = vector.shape_cast %add3A_238 : vector<16xf32> to vector<1x16xf32>
          tpu.vector_store %arg12[%swap3A_239, %swap3A_240], %swap3A_243 {strides = array<i32>} : memref<128x128xf32, #tpu.memory_space<vmem>>, vector<1x16xf32>,
          %get3A_244 = arith.index_cast %add3A_112 : i32 to index
          %get3A_245 = arith.constant 112 : index
          %get3A_246 = tpu.vector_load %arg12[%get3A_244, %get3A_245] {strides = array<i32>} : memref<128x128xf32, #tpu.memory_space<vmem>>, vector<1x16xf32>,
          %get3A_247 = vector.shape_cast %get3A_246 : vector<1x16xf32> to vector<16xf32>
          %get3A_248 = arith.index_cast %add3A_112 : i32 to index
          %get3A_249 = arith.constant 112 : index
          %get3A_250 = tpu.vector_load %arg13[%get3A_248, %get3A_249] {strides = array<i32>} : memref<128x128xf32, #tpu.memory_space<vmem>>, vector<1x16xf32>,
          %get3A_251 = vector.shape_cast %get3A_250 : vector<1x16xf32> to vector<16xf32>
          %add3A_252 = arith.addf %get3A_247, %get3A_251 : vector<16xf32>
          %get3A_253 = arith.index_cast %add3A_112 : i32 to index
          %get3A_254 = arith.constant 112 : index
          %get3A_255 = tpu.vector_load %arg14[%get3A_253, %get3A_254] {strides = array<i32>} : memref<128x128xf32, #tpu.memory_space<vmem>>, vector<1x16xf32>,
          %get3A_256 = vector.shape_cast %get3A_255 : vector<1x16xf32> to vector<16xf32>
          %add3A_257 = arith.addf %add3A_252, %get3A_256 : vector<16xf32>
          %swap3A_258 = arith.index_cast %add3A_112 : i32 to index
          %swap3A_259 = arith.constant 112 : index
          %swap3A_260 = tpu.vector_load %arg12[%swap3A_258, %swap3A_259] {strides = array<i32>} : memref<128x128xf32, #tpu.memory_space<vmem>>, vector<1x16xf32>,
          %swap3A_261 = vector.shape_cast %swap3A_260 : vector<1x16xf32> to vector<16xf32>
          %swap3A_262 = vector.shape_cast %add3A_257 : vector<16xf32> to vector<1x16xf32>
          tpu.vector_store %arg12[%swap3A_258, %swap3A_259], %swap3A_262 {strides = array<i32>} : memref<128x128xf32, #tpu.memory_space<vmem>>, vector<1x16xf32>,
          %scan3A_263 = arith.constant 1 : i32
          %scan3A_264 = arith.addi %scan3A_108, %scan3A_263 : i32
          %mul3A_265 = arith.constant 1 : i32
          %mul3A_266 = arith.muli %scan3A_264, %mul3A_265 : i32
          %add3A_267 = arith.constant 0 : i32
          %add3A_268 = arith.addi %add3A_267, %mul3A_266 : i32
          %get3A_269 = arith.index_cast %add3A_268 : i32 to index
          %get3A_270 = arith.constant 0 : index
          %get3A_271 = tpu.vector_load %arg12[%get3A_269, %get3A_270] {strides = array<i32>} : memref<128x128xf32, #tpu.memory_space<vmem>>, vector<1x16xf32>,
          %get3A_272 = vector.shape_cast %get3A_271 : vector<1x16xf32> to vector<16xf32>
          %get3A_273 = arith.index_cast %add3A_268 : i32 to index
          %get3A_274 = arith.constant 0 : index
          %get3A_275 = tpu.vector_load %arg13[%get3A_273, %get3A_274] {strides = array<i32>} : memref<128x128xf32, #tpu.memory_space<vmem>>, vector<1x16xf32>,
          %get3A_276 = vector.shape_cast %get3A_275 : vector<1x16xf32> to vector<16xf32>
          %add3A_277 = arith.addf %get3A_272, %get3A_276 : vector<16xf32>
          %get3A_278 = arith.index_cast %add3A_268 : i32 to index
          %get3A_279 = arith.constant 0 : index
          %get3A_280 = tpu.vector_load %arg14[%get3A_278, %get3A_279] {strides = array<i32>} : memref<128x128xf32, #tpu.memory_space<vmem>>, vector<1x16xf32>,
          %get3A_281 = vector.shape_cast %get3A_280 : vector<1x16xf32> to vector<16xf32>
          %add3A_282 = arith.addf %add3A_277, %get3A_281 : vector<16xf32>
          %swap3A_283 = arith.index_cast %add3A_268 : i32 to index
          %swap3A_284 = arith.constant 0 : index
          %swap3A_285 = tpu.vector_load %arg12[%swap3A_283, %swap3A_284] {strides = array<i32>} : memref<128x128xf32, #tpu.memory_space<vmem>>, vector<1x16xf32>,
          %swap3A_286 = vector.shape_cast %swap3A_285 : vector<1x16xf32> to vector<16xf32>
          %swap3A_287 = vector.shape_cast %add3A_282 : vector<16xf32> to vector<1x16xf32>
          tpu.vector_store %arg12[%swap3A_283, %swap3A_284], %swap3A_287 {strides = array<i32>} : memref<128x128xf32, #tpu.memory_space<vmem>>, vector<1x16xf32>,
          %get3A_288 = arith.index_cast %add3A_268 : i32 to index
          %get3A_289 = arith.constant 16 : index
          %get3A_290 = tpu.vector_load %arg12[%get3A_288, %get3A_289] {strides = array<i32>} : memref<128x128xf32, #tpu.memory_space<vmem>>, vector<1x16xf32>,
          %get3A_291 = vector.shape_cast %get3A_290 : vector<1x16xf32> to vector<16xf32>
          %get3A_292 = arith.index_cast %add3A_268 : i32 to index
          %get3A_293 = arith.constant 16 : index
          %get3A_294 = tpu.vector_load %arg13[%get3A_292, %get3A_293] {strides = array<i32>} : memref<128x128xf32, #tpu.memory_space<vmem>>, vector<1x16xf32>,
          %get3A_295 = vector.shape_cast %get3A_294 : vector<1x16xf32> to vector<16xf32>
          %add3A_296 = arith.addf %get3A_291, %get3A_295 : vector<16xf32>
          %get3A_297 = arith.index_cast %add3A_268 : i32 to index
          %get3A_298 = arith.constant 16 : index
          %get3A_299 = tpu.vector_load %arg14[%get3A_297, %get3A_298] {strides = array<i32>} : memref<128x128xf32, #tpu.memory_space<vmem>>, vector<1x16xf32>,
          %get3A_300 = vector.shape_cast %get3A_299 : vector<1x16xf32> to vector<16xf32>
          %add3A_301 = arith.addf %add3A_296, %get3A_300 : vector<16xf32>
          %swap3A_302 = arith.index_cast %add3A_268 : i32 to index
          %swap3A_303 = arith.constant 16 : index
          %swap3A_304 = tpu.vector_load %arg12[%swap3A_302, %swap3A_303] {strides = array<i32>} : memref<128x128xf32, #tpu.memory_space<vmem>>, vector<1x16xf32>,
          %swap3A_305 = vector.shape_cast %swap3A_304 : vector<1x16xf32> to vector<16xf32>
          %swap3A_306 = vector.shape_cast %add3A_301 : vector<16xf32> to vector<1x16xf32>
          tpu.vector_store %arg12[%swap3A_302, %swap3A_303], %swap3A_306 {strides = array<i32>} : memref<128x128xf32, #tpu.memory_space<vmem>>, vector<1x16xf32>,
          %get3A_307 = arith.index_cast %add3A_268 : i32 to index
          %get3A_308 = arith.constant 32 : index
          %get3A_309 = tpu.vector_load %arg12[%get3A_307, %get3A_308] {strides = array<i32>} : memref<128x128xf32, #tpu.memory_space<vmem>>, vector<1x16xf32>,
          %get3A_310 = vector.shape_cast %get3A_309 : vector<1x16xf32> to vector<16xf32>
          %get3A_311 = arith.index_cast %add3A_268 : i32 to index
          %get3A_312 = arith.constant 32 : index
          %get3A_313 = tpu.vector_load %arg13[%get3A_311, %get3A_312] {strides = array<i32>} : memref<128x128xf32, #tpu.memory_space<vmem>>, vector<1x16xf32>,
          %get3A_314 = vector.shape_cast %get3A_313 : vector<1x16xf32> to vector<16xf32>
          %add3A_315 = arith.addf %get3A_310, %get3A_314 : vector<16xf32>
          %get3A_316 = arith.index_cast %add3A_268 : i32 to index
          %get3A_317 = arith.constant 32 : index
          %get3A_318 = tpu.vector_load %arg14[%get3A_316, %get3A_317] {strides = array<i32>} : memref<128x128xf32, #tpu.memory_space<vmem>>, vector<1x16xf32>,
          %get3A_319 = vector.shape_cast %get3A_318 : vector<1x16xf32> to vector<16xf32>
          %add3A_320 = arith.addf %add3A_315, %get3A_319 : vector<16xf32>
          %swap3A_321 = arith.index_cast %add3A_268 : i32 to index
          %swap3A_322 = arith.constant 32 : index
          %swap3A_323 = tpu.vector_load %arg12[%swap3A_321, %swap3A_322] {strides = array<i32>} : memref<128x128xf32, #tpu.memory_space<vmem>>, vector<1x16xf32>,
          %swap3A_324 = vector.shape_cast %swap3A_323 : vector<1x16xf32> to vector<16xf32>
          %swap3A_325 = vector.shape_cast %add3A_320 : vector<16xf32> to vector<1x16xf32>
          tpu.vector_store %arg12[%swap3A_321, %swap3A_322], %swap3A_325 {strides = array<i32>} : memref<128x128xf32, #tpu.memory_space<vmem>>, vector<1x16xf32>,
          %get3A_326 = arith.index_cast %add3A_268 : i32 to index
          %get3A_327 = arith.constant 48 : index
          %get3A_328 = tpu.vector_load %arg12[%get3A_326, %get3A_327] {strides = array<i32>} : memref<128x128xf32, #tpu.memory_space<vmem>>, vector<1x16xf32>,
          %get3A_329 = vector.shape_cast %get3A_328 : vector<1x16xf32> to vector<16xf32>
          %get3A_330 = arith.index_cast %add3A_268 : i32 to index
          %get3A_331 = arith.constant 48 : index
          %get3A_332 = tpu.vector_load %arg13[%get3A_330, %get3A_331] {strides = array<i32>} : memref<128x128xf32, #tpu.memory_space<vmem>>, vector<1x16xf32>,
          %get3A_333 = vector.shape_cast %get3A_332 : vector<1x16xf32> to vector<16xf32>
          %add3A_334 = arith.addf %get3A_329, %get3A_333 : vector<16xf32>
          %get3A_335 = arith.index_cast %add3A_268 : i32 to index
          %get3A_336 = arith.constant 48 : index
          %get3A_337 = tpu.vector_load %arg14[%get3A_335, %get3A_336] {strides = array<i32>} : memref<128x128xf32, #tpu.memory_space<vmem>>, vector<1x16xf32>,
          %get3A_338 = vector.shape_cast %get3A_337 : vector<1x16xf32> to vector<16xf32>
          %add3A_339 = arith.addf %add3A_334, %get3A_338 : vector<16xf32>
          %swap3A_340 = arith.index_cast %add3A_268 : i32 to index
          %swap3A_341 = arith.constant 48 : index
          %swap3A_342 = tpu.vector_load %arg12[%swap3A_340, %swap3A_341] {strides = array<i32>} : memref<128x128xf32, #tpu.memory_space<vmem>>, vector<1x16xf32>,
          %swap3A_343 = vector.shape_cast %swap3A_342 : vector<1x16xf32> to vector<16xf32>
          %swap3A_344 = vector.shape_cast %add3A_339 : vector<16xf32> to vector<1x16xf32>
          tpu.vector_store %arg12[%swap3A_340, %swap3A_341], %swap3A_344 {strides = array<i32>} : memref<128x128xf32, #tpu.memory_space<vmem>>, vector<1x16xf32>,
          %get3A_345 = arith.index_cast %add3A_268 : i32 to index
          %get3A_346 = arith.constant 64 : index
          %get3A_347 = tpu.vector_load %arg12[%get3A_345, %get3A_346] {strides = array<i32>} : memref<128x128xf32, #tpu.memory_space<vmem>>, vector<1x16xf32>,
          %get3A_348 = vector.shape_cast %get3A_347 : vector<1x16xf32> to vector<16xf32>
          %get3A_349 = arith.index_cast %add3A_268 : i32 to index
          %get3A_350 = arith.constant 64 : index
          %get3A_351 = tpu.vector_load %arg13[%get3A_349, %get3A_350] {strides = array<i32>} : memref<128x128xf32, #tpu.memory_space<vmem>>, vector<1x16xf32>,
          %get3A_352 = vector.shape_cast %get3A_351 : vector<1x16xf32> to vector<16xf32>
          %add3A_353 = arith.addf %get3A_348, %get3A_352 : vector<16xf32>
          %get3A_354 = arith.index_cast %add3A_268 : i32 to index
          %get3A_355 = arith.constant 64 : index
          %get3A_356 = tpu.vector_load %arg14[%get3A_354, %get3A_355] {strides = array<i32>} : memref<128x128xf32, #tpu.memory_space<vmem>>, vector<1x16xf32>,
          %get3A_357 = vector.shape_cast %get3A_356 : vector<1x16xf32> to vector<16xf32>
          %add3A_358 = arith.addf %add3A_353, %get3A_357 : vector<16xf32>
          %swap3A_359 = arith.index_cast %add3A_268 : i32 to index
          %swap3A_360 = arith.constant 64 : index
          %swap3A_361 = tpu.vector_load %arg12[%swap3A_359, %swap3A_360] {strides = array<i32>} : memref<128x128xf32, #tpu.memory_space<vmem>>, vector<1x16xf32>,
          %swap3A_362 = vector.shape_cast %swap3A_361 : vector<1x16xf32> to vector<16xf32>
          %swap3A_363 = vector.shape_cast %add3A_358 : vector<16xf32> to vector<1x16xf32>
          tpu.vector_store %arg12[%swap3A_359, %swap3A_360], %swap3A_363 {strides = array<i32>} : memref<128x128xf32, #tpu.memory_space<vmem>>, vector<1x16xf32>,
          %get3A_364 = arith.index_cast %add3A_268 : i32 to index
          %get3A_365 = arith.constant 80 : index
          %get3A_366 = tpu.vector_load %arg12[%get3A_364, %get3A_365] {strides = array<i32>} : memref<128x128xf32, #tpu.memory_space<vmem>>, vector<1x16xf32>,
          %get3A_367 = vector.shape_cast %get3A_366 : vector<1x16xf32> to vector<16xf32>
          %get3A_368 = arith.index_cast %add3A_268 : i32 to index
          %get3A_369 = arith.constant 80 : index
          %get3A_370 = tpu.vector_load %arg13[%get3A_368, %get3A_369] {strides = array<i32>} : memref<128x128xf32, #tpu.memory_space<vmem>>, vector<1x16xf32>,
          %get3A_371 = vector.shape_cast %get3A_370 : vector<1x16xf32> to vector<16xf32>
          %add3A_372 = arith.addf %get3A_367, %get3A_371 : vector<16xf32>
          %get3A_373 = arith.index_cast %add3A_268 : i32 to index
          %get3A_374 = arith.constant 80 : index
          %get3A_375 = tpu.vector_load %arg14[%get3A_373, %get3A_374] {strides = array<i32>} : memref<128x128xf32, #tpu.memory_space<vmem>>, vector<1x16xf32>,
          %get3A_376 = vector.shape_cast %get3A_375 : vector<1x16xf32> to vector<16xf32>
          %add3A_377 = arith.addf %add3A_372, %get3A_376 : vector<16xf32>
          %swap3A_378 = arith.index_cast %add3A_268 : i32 to index
          %swap3A_379 = arith.constant 80 : index
          %swap3A_380 = tpu.vector_load %arg12[%swap3A_378, %swap3A_379] {strides = array<i32>} : memref<128x128xf32, #tpu.memory_space<vmem>>, vector<1x16xf32>,
          %swap3A_381 = vector.shape_cast %swap3A_380 : vector<1x16xf32> to vector<16xf32>
          %swap3A_382 = vector.shape_cast %add3A_377 : vector<16xf32> to vector<1x16xf32>
          tpu.vector_store %arg12[%swap3A_378, %swap3A_379], %swap3A_382 {strides = array<i32>} : memref<128x128xf32, #tpu.memory_space<vmem>>, vector<1x16xf32>,
          %get3A_383 = arith.index_cast %add3A_268 : i32 to index
          %get3A_384 = arith.constant 96 : index
          %get3A_385 = tpu.vector_load %arg12[%get3A_383, %get3A_384] {strides = array<i32>} : memref<128x128xf32, #tpu.memory_space<vmem>>, vector<1x16xf32>,
          %get3A_386 = vector.shape_cast %get3A_385 : vector<1x16xf32> to vector<16xf32>
          %get3A_387 = arith.index_cast %add3A_268 : i32 to index
          %get3A_388 = arith.constant 96 : index
          %get3A_389 = tpu.vector_load %arg13[%get3A_387, %get3A_388] {strides = array<i32>} : memref<128x128xf32, #tpu.memory_space<vmem>>, vector<1x16xf32>,
          %get3A_390 = vector.shape_cast %get3A_389 : vector<1x16xf32> to vector<16xf32>
          %add3A_391 = arith.addf %get3A_386, %get3A_390 : vector<16xf32>
          %get3A_392 = arith.index_cast %add3A_268 : i32 to index
          %get3A_393 = arith.constant 96 : index
          %get3A_394 = tpu.vector_load %arg14[%get3A_392, %get3A_393] {strides = array<i32>} : memref<128x128xf32, #tpu.memory_space<vmem>>, vector<1x16xf32>,
          %get3A_395 = vector.shape_cast %get3A_394 : vector<1x16xf32> to vector<16xf32>
          %add3A_396 = arith.addf %add3A_391, %get3A_395 : vector<16xf32>
          %swap3A_397 = arith.index_cast %add3A_268 : i32 to index
          %swap3A_398 = arith.constant 96 : index
          %swap3A_399 = tpu.vector_load %arg12[%swap3A_397, %swap3A_398] {strides = array<i32>} : memref<128x128xf32, #tpu.memory_space<vmem>>, vector<1x16xf32>,
          %swap3A_400 = vector.shape_cast %swap3A_399 : vector<1x16xf32> to vector<16xf32>
          %swap3A_401 = vector.shape_cast %add3A_396 : vector<16xf32> to vector<1x16xf32>
          tpu.vector_store %arg12[%swap3A_397, %swap3A_398], %swap3A_401 {strides = array<i32>} : memref<128x128xf32, #tpu.memory_space<vmem>>, vector<1x16xf32>,
          %get3A_402 = arith.index_cast %add3A_268 : i32 to index
          %get3A_403 = arith.constant 112 : index
          %get3A_404 = tpu.vector_load %arg12[%get3A_402, %get3A_403] {strides = array<i32>} : memref<128x128xf32, #tpu.memory_space<vmem>>, vector<1x16xf32>,
          %get3A_405 = vector.shape_cast %get3A_404 : vector<1x16xf32> to vector<16xf32>
          %get3A_406 = arith.index_cast %add3A_268 : i32 to index
          %get3A_407 = arith.constant 112 : index
          %get3A_408 = tpu.vector_load %arg13[%get3A_406, %get3A_407] {strides = array<i32>} : memref<128x128xf32, #tpu.memory_space<vmem>>, vector<1x16xf32>,
          %get3A_409 = vector.shape_cast %get3A_408 : vector<1x16xf32> to vector<16xf32>
          %add3A_410 = arith.addf %get3A_405, %get3A_409 : vector<16xf32>
          %get3A_411 = arith.index_cast %add3A_268 : i32 to index
          %get3A_412 = arith.constant 112 : index
          %get3A_413 = tpu.vector_load %arg14[%get3A_411, %get3A_412] {strides = array<i32>} : memref<128x128xf32, #tpu.memory_space<vmem>>, vector<1x16xf32>,
          %get3A_414 = vector.shape_cast %get3A_413 : vector<1x16xf32> to vector<16xf32>
          %add3A_415 = arith.addf %add3A_410, %get3A_414 : vector<16xf32>
          %swap3A_416 = arith.index_cast %add3A_268 : i32 to index
          %swap3A_417 = arith.constant 112 : index
          %swap3A_418 = tpu.vector_load %arg12[%swap3A_416, %swap3A_417] {strides = array<i32>} : memref<128x128xf32, #tpu.memory_space<vmem>>, vector<1x16xf32>,
          %swap3A_419 = vector.shape_cast %swap3A_418 : vector<1x16xf32> to vector<16xf32>
          %swap3A_420 = vector.shape_cast %add3A_415 : vector<16xf32> to vector<1x16xf32>
          tpu.vector_store %arg12[%swap3A_416, %swap3A_417], %swap3A_420 {strides = array<i32>} : memref<128x128xf32, #tpu.memory_space<vmem>>, vector<1x16xf32>,
          %scan3A_421 = arith.constant 2 : i32
          %scan3A_422 = arith.addi %scan3A_108, %scan3A_421 : i32
          %mul3A_423 = arith.constant 1 : i32
          %mul3A_424 = arith.muli %scan3A_422, %mul3A_423 : i32
          %add3A_425 = arith.constant 0 : i32
          %add3A_426 = arith.addi %add3A_425, %mul3A_424 : i32
          %get3A_427 = arith.index_cast %add3A_426 : i32 to index
          %get3A_428 = arith.constant 0 : index
          %get3A_429 = tpu.vector_load %arg12[%get3A_427, %get3A_428] {strides = array<i32>} : memref<128x128xf32, #tpu.memory_space<vmem>>, vector<1x16xf32>,
          %get3A_430 = vector.shape_cast %get3A_429 : vector<1x16xf32> to vector<16xf32>
          %get3A_431 = arith.index_cast %add3A_426 : i32 to index
          %get3A_432 = arith.constant 0 : index
          %get3A_433 = tpu.vector_load %arg13[%get3A_431, %get3A_432] {strides = array<i32>} : memref<128x128xf32, #tpu.memory_space<vmem>>, vector<1x16xf32>,
          %get3A_434 = vector.shape_cast %get3A_433 : vector<1x16xf32> to vector<16xf32>
          %add3A_435 = arith.addf %get3A_430, %get3A_434 : vector<16xf32>
          %get3A_436 = arith.index_cast %add3A_426 : i32 to index
          %get3A_437 = arith.constant 0 : index
          %get3A_438 = tpu.vector_load %arg14[%get3A_436, %get3A_437] {strides = array<i32>} : memref<128x128xf32, #tpu.memory_space<vmem>>, vector<1x16xf32>,
          %get3A_439 = vector.shape_cast %get3A_438 : vector<1x16xf32> to vector<16xf32>
          %add3A_440 = arith.addf %add3A_435, %get3A_439 : vector<16xf32>
          %swap3A_441 = arith.index_cast %add3A_426 : i32 to index
          %swap3A_442 = arith.constant 0 : index
          %swap3A_443 = tpu.vector_load %arg12[%swap3A_441, %swap3A_442] {strides = array<i32>} : memref<128x128xf32, #tpu.memory_space<vmem>>, vector<1x16xf32>,
          %swap3A_444 = vector.shape_cast %swap3A_443 : vector<1x16xf32> to vector<16xf32>
          %swap3A_445 = vector.shape_cast %add3A_440 : vector<16xf32> to vector<1x16xf32>
          tpu.vector_store %arg12[%swap3A_441, %swap3A_442], %swap3A_445 {strides = array<i32>} : memref<128x128xf32, #tpu.memory_space<vmem>>, vector<1x16xf32>,
          %get3A_446 = arith.index_cast %add3A_426 : i32 to index
          %get3A_447 = arith.constant 16 : index
          %get3A_448 = tpu.vector_load %arg12[%get3A_446, %get3A_447] {strides = array<i32>} : memref<128x128xf32, #tpu.memory_space<vmem>>, vector<1x16xf32>,
          %get3A_449 = vector.shape_cast %get3A_448 : vector<1x16xf32> to vector<16xf32>
          %get3A_450 = arith.index_cast %add3A_426 : i32 to index
          %get3A_451 = arith.constant 16 : index
          %get3A_452 = tpu.vector_load %arg13[%get3A_450, %get3A_451] {strides = array<i32>} : memref<128x128xf32, #tpu.memory_space<vmem>>, vector<1x16xf32>,
          %get3A_453 = vector.shape_cast %get3A_452 : vector<1x16xf32> to vector<16xf32>
          %add3A_454 = arith.addf %get3A_449, %get3A_453 : vector<16xf32>
          %get3A_455 = arith.index_cast %add3A_426 : i32 to index
          %get3A_456 = arith.constant 16 : index
          %get3A_457 = tpu.vector_load %arg14[%get3A_455, %get3A_456] {strides = array<i32>} : memref<128x128xf32, #tpu.memory_space<vmem>>, vector<1x16xf32>,
          %get3A_458 = vector.shape_cast %get3A_457 : vector<1x16xf32> to vector<16xf32>
          %add3A_459 = arith.addf %add3A_454, %get3A_458 : vector<16xf32>
          %swap3A_460 = arith.index_cast %add3A_426 : i32 to index
          %swap3A_461 = arith.constant 16 : index
          %swap3A_462 = tpu.vector_load %arg12[%swap3A_460, %swap3A_461] {strides = array<i32>} : memref<128x128xf32, #tpu.memory_space<vmem>>, vector<1x16xf32>,
          %swap3A_463 = vector.shape_cast %swap3A_462 : vector<1x16xf32> to vector<16xf32>
          %swap3A_464 = vector.shape_cast %add3A_459 : vector<16xf32> to vector<1x16xf32>
          tpu.vector_store %arg12[%swap3A_460, %swap3A_461], %swap3A_464 {strides = array<i32>} : memref<128x128xf32, #tpu.memory_space<vmem>>, vector<1x16xf32>,
          %get3A_465 = arith.index_cast %add3A_426 : i32 to index
          %get3A_466 = arith.constant 32 : index
          %get3A_467 = tpu.vector_load %arg12[%get3A_465, %get3A_466] {strides = array<i32>} : memref<128x128xf32, #tpu.memory_space<vmem>>, vector<1x16xf32>,
          %get3A_468 = vector.shape_cast %get3A_467 : vector<1x16xf32> to vector<16xf32>
          %get3A_469 = arith.index_cast %add3A_426 : i32 to index
          %get3A_470 = arith.constant 32 : index
          %get3A_471 = tpu.vector_load %arg13[%get3A_469, %get3A_470] {strides = array<i32>} : memref<128x128xf32, #tpu.memory_space<vmem>>, vector<1x16xf32>,
          %get3A_472 = vector.shape_cast %get3A_471 : vector<1x16xf32> to vector<16xf32>
          %add3A_473 = arith.addf %get3A_468, %get3A_472 : vector<16xf32>
          %get3A_474 = arith.index_cast %add3A_426 : i32 to index
          %get3A_475 = arith.constant 32 : index
          %get3A_476 = tpu.vector_load %arg14[%get3A_474, %get3A_475] {strides = array<i32>} : memref<128x128xf32, #tpu.memory_space<vmem>>, vector<1x16xf32>,
          %get3A_477 = vector.shape_cast %get3A_476 : vector<1x16xf32> to vector<16xf32>
          %add3A_478 = arith.addf %add3A_473, %get3A_477 : vector<16xf32>
          %swap3A_479 = arith.index_cast %add3A_426 : i32 to index
          %swap3A_480 = arith.constant 32 : index
          %swap3A_481 = tpu.vector_load %arg12[%swap3A_479, %swap3A_480] {strides = array<i32>} : memref<128x128xf32, #tpu.memory_space<vmem>>, vector<1x16xf32>,
          %swap3A_482 = vector.shape_cast %swap3A_481 : vector<1x16xf32> to vector<16xf32>
          %swap3A_483 = vector.shape_cast %add3A_478 : vector<16xf32> to vector<1x16xf32>
          tpu.vector_store %arg12[%swap3A_479, %swap3A_480], %swap3A_483 {strides = array<i32>} : memref<128x128xf32, #tpu.memory_space<vmem>>, vector<1x16xf32>,
          %get3A_484 = arith.index_cast %add3A_426 : i32 to index
          %get3A_485 = arith.constant 48 : index
          %get3A_486 = tpu.vector_load %arg12[%get3A_484, %get3A_485] {strides = array<i32>} : memref<128x128xf32, #tpu.memory_space<vmem>>, vector<1x16xf32>,
          %get3A_487 = vector.shape_cast %get3A_486 : vector<1x16xf32> to vector<16xf32>
          %get3A_488 = arith.index_cast %add3A_426 : i32 to index
          %get3A_489 = arith.constant 48 : index
          %get3A_490 = tpu.vector_load %arg13[%get3A_488, %get3A_489] {strides = array<i32>} : memref<128x128xf32, #tpu.memory_space<vmem>>, vector<1x16xf32>,
          %get3A_491 = vector.shape_cast %get3A_490 : vector<1x16xf32> to vector<16xf32>
          %add3A_492 = arith.addf %get3A_487, %get3A_491 : vector<16xf32>
          %get3A_493 = arith.index_cast %add3A_426 : i32 to index
          %get3A_494 = arith.constant 48 : index
          %get3A_495 = tpu.vector_load %arg14[%get3A_493, %get3A_494] {strides = array<i32>} : memref<128x128xf32, #tpu.memory_space<vmem>>, vector<1x16xf32>,
          %get3A_496 = vector.shape_cast %get3A_495 : vector<1x16xf32> to vector<16xf32>
          %add3A_497 = arith.addf %add3A_492, %get3A_496 : vector<16xf32>
          %swap3A_498 = arith.index_cast %add3A_426 : i32 to index
          %swap3A_499 = arith.constant 48 : index
          %swap3A_500 = tpu.vector_load %arg12[%swap3A_498, %swap3A_499] {strides = array<i32>} : memref<128x128xf32, #tpu.memory_space<vmem>>, vector<1x16xf32>,
          %swap3A_501 = vector.shape_cast %swap3A_500 : vector<1x16xf32> to vector<16xf32>
          %swap3A_502 = vector.shape_cast %add3A_497 : vector<16xf32> to vector<1x16xf32>
          tpu.vector_store %arg12[%swap3A_498, %swap3A_499], %swap3A_502 {strides = array<i32>} : memref<128x128xf32, #tpu.memory_space<vmem>>, vector<1x16xf32>,
          %get3A_503 = arith.index_cast %add3A_426 : i32 to index
          %get3A_504 = arith.constant 64 : index
          %get3A_505 = tpu.vector_load %arg12[%get3A_503, %get3A_504] {strides = array<i32>} : memref<128x128xf32, #tpu.memory_space<vmem>>, vector<1x16xf32>,
          %get3A_506 = vector.shape_cast %get3A_505 : vector<1x16xf32> to vector<16xf32>
          %get3A_507 = arith.index_cast %add3A_426 : i32 to index
          %get3A_508 = arith.constant 64 : index
          %get3A_509 = tpu.vector_load %arg13[%get3A_507, %get3A_508] {strides = array<i32>} : memref<128x128xf32, #tpu.memory_space<vmem>>, vector<1x16xf32>,
          %get3A_510 = vector.shape_cast %get3A_509 : vector<1x16xf32> to vector<16xf32>
          %add3A_511 = arith.addf %get3A_506, %get3A_510 : vector<16xf32>
          %get3A_512 = arith.index_cast %add3A_426 : i32 to index
          %get3A_513 = arith.constant 64 : index
          %get3A_514 = tpu.vector_load %arg14[%get3A_512, %get3A_513] {strides = array<i32>} : memref<128x128xf32, #tpu.memory_space<vmem>>, vector<1x16xf32>,
          %get3A_515 = vector.shape_cast %get3A_514 : vector<1x16xf32> to vector<16xf32>
          %add3A_516 = arith.addf %add3A_511, %get3A_515 : vector<16xf32>
          %swap3A_517 = arith.index_cast %add3A_426 : i32 to index
          %swap3A_518 = arith.constant 64 : index
          %swap3A_519 = tpu.vector_load %arg12[%swap3A_517, %swap3A_518] {strides = array<i32>} : memref<128x128xf32, #tpu.memory_space<vmem>>, vector<1x16xf32>,
          %swap3A_520 = vector.shape_cast %swap3A_519 : vector<1x16xf32> to vector<16xf32>
          %swap3A_521 = vector.shape_cast %add3A_516 : vector<16xf32> to vector<1x16xf32>
          tpu.vector_store %arg12[%swap3A_517, %swap3A_518], %swap3A_521 {strides = array<i32>} : memref<128x128xf32, #tpu.memory_space<vmem>>, vector<1x16xf32>,
          %get3A_522 = arith.index_cast %add3A_426 : i32 to index
          %get3A_523 = arith.constant 80 : index
          %get3A_524 = tpu.vector_load %arg12[%get3A_522, %get3A_523] {strides = array<i32>} : memref<128x128xf32, #tpu.memory_space<vmem>>, vector<1x16xf32>,
          %get3A_525 = vector.shape_cast %get3A_524 : vector<1x16xf32> to vector<16xf32>
          %get3A_526 = arith.index_cast %add3A_426 : i32 to index
          %get3A_527 = arith.constant 80 : index
          %get3A_528 = tpu.vector_load %arg13[%get3A_526, %get3A_527] {strides = array<i32>} : memref<128x128xf32, #tpu.memory_space<vmem>>, vector<1x16xf32>,
          %get3A_529 = vector.shape_cast %get3A_528 : vector<1x16xf32> to vector<16xf32>
          %add3A_530 = arith.addf %get3A_525, %get3A_529 : vector<16xf32>
          %get3A_531 = arith.index_cast %add3A_426 : i32 to index
          %get3A_532 = arith.constant 80 : index
          %get3A_533 = tpu.vector_load %arg14[%get3A_531, %get3A_532] {strides = array<i32>} : memref<128x128xf32, #tpu.memory_space<vmem>>, vector<1x16xf32>,
          %get3A_534 = vector.shape_cast %get3A_533 : vector<1x16xf32> to vector<16xf32>
          %add3A_535 = arith.addf %add3A_530, %get3A_534 : vector<16xf32>
          %swap3A_536 = arith.index_cast %add3A_426 : i32 to index
          %swap3A_537 = arith.constant 80 : index
          %swap3A_538 = tpu.vector_load %arg12[%swap3A_536, %swap3A_537] {strides = array<i32>} : memref<128x128xf32, #tpu.memory_space<vmem>>, vector<1x16xf32>,
          %swap3A_539 = vector.shape_cast %swap3A_538 : vector<1x16xf32> to vector<16xf32>
          %swap3A_540 = vector.shape_cast %add3A_535 : vector<16xf32> to vector<1x16xf32>
          tpu.vector_store %arg12[%swap3A_536, %swap3A_537], %swap3A_540 {strides = array<i32>} : memref<128x128xf32, #tpu.memory_space<vmem>>, vector<1x16xf32>,
          %get3A_541 = arith.index_cast %add3A_426 : i32 to index
          %get3A_542 = arith.constant 96 : index
          %get3A_543 = tpu.vector_load %arg12[%get3A_541, %get3A_542] {strides = array<i32>} : memref<128x128xf32, #tpu.memory_space<vmem>>, vector<1x16xf32>,
          %get3A_544 = vector.shape_cast %get3A_543 : vector<1x16xf32> to vector<16xf32>
          %get3A_545 = arith.index_cast %add3A_426 : i32 to index
          %get3A_546 = arith.constant 96 : index
          %get3A_547 = tpu.vector_load %arg13[%get3A_545, %get3A_546] {strides = array<i32>} : memref<128x128xf32, #tpu.memory_space<vmem>>, vector<1x16xf32>,
          %get3A_548 = vector.shape_cast %get3A_547 : vector<1x16xf32> to vector<16xf32>
          %add3A_549 = arith.addf %get3A_544, %get3A_548 : vector<16xf32>
          %get3A_550 = arith.index_cast %add3A_426 : i32 to index
          %get3A_551 = arith.constant 96 : index
          %get3A_552 = tpu.vector_load %arg14[%get3A_550, %get3A_551] {strides = array<i32>} : memref<128x128xf32, #tpu.memory_space<vmem>>, vector<1x16xf32>,
          %get3A_553 = vector.shape_cast %get3A_552 : vector<1x16xf32> to vector<16xf32>
          %add3A_554 = arith.addf %add3A_549, %get3A_553 : vector<16xf32>
          %swap3A_555 = arith.index_cast %add3A_426 : i32 to index
          %swap3A_556 = arith.constant 96 : index
          %swap3A_557 = tpu.vector_load %arg12[%swap3A_555, %swap3A_556] {strides = array<i32>} : memref<128x128xf32, #tpu.memory_space<vmem>>, vector<1x16xf32>,
          %swap3A_558 = vector.shape_cast %swap3A_557 : vector<1x16xf32> to vector<16xf32>
          %swap3A_559 = vector.shape_cast %add3A_554 : vector<16xf32> to vector<1x16xf32>
          tpu.vector_store %arg12[%swap3A_555, %swap3A_556], %swap3A_559 {strides = array<i32>} : memref<128x128xf32, #tpu.memory_space<vmem>>, vector<1x16xf32>,
          %get3A_560 = arith.index_cast %add3A_426 : i32 to index
          %get3A_561 = arith.constant 112 : index
          %get3A_562 = tpu.vector_load %arg12[%get3A_560, %get3A_561] {strides = array<i32>} : memref<128x128xf32, #tpu.memory_space<vmem>>, vector<1x16xf32>,
          %get3A_563 = vector.shape_cast %get3A_562 : vector<1x16xf32> to vector<16xf32>
          %get3A_564 = arith.index_cast %add3A_426 : i32 to index
          %get3A_565 = arith.constant 112 : index
          %get3A_566 = tpu.vector_load %arg13[%get3A_564, %get3A_565] {strides = array<i32>} : memref<128x128xf32, #tpu.memory_space<vmem>>, vector<1x16xf32>,
          %get3A_567 = vector.shape_cast %get3A_566 : vector<1x16xf32> to vector<16xf32>
          %add3A_568 = arith.addf %get3A_563, %get3A_567 : vector<16xf32>
          %get3A_569 = arith.index_cast %add3A_426 : i32 to index
          %get3A_570 = arith.constant 112 : index
          %get3A_571 = tpu.vector_load %arg14[%get3A_569, %get3A_570] {strides = array<i32>} : memref<128x128xf32, #tpu.memory_space<vmem>>, vector<1x16xf32>,
          %get3A_572 = vector.shape_cast %get3A_571 : vector<1x16xf32> to vector<16xf32>
          %add3A_573 = arith.addf %add3A_568, %get3A_572 : vector<16xf32>
          %swap3A_574 = arith.index_cast %add3A_426 : i32 to index
          %swap3A_575 = arith.constant 112 : index
          %swap3A_576 = tpu.vector_load %arg12[%swap3A_574, %swap3A_575] {strides = array<i32>} : memref<128x128xf32, #tpu.memory_space<vmem>>, vector<1x16xf32>,
          %swap3A_577 = vector.shape_cast %swap3A_576 : vector<1x16xf32> to vector<16xf32>
          %swap3A_578 = vector.shape_cast %add3A_573 : vector<16xf32> to vector<1x16xf32>
          tpu.vector_store %arg12[%swap3A_574, %swap3A_575], %swap3A_578 {strides = array<i32>} : memref<128x128xf32, #tpu.memory_space<vmem>>, vector<1x16xf32>,
          %scan3A_579 = arith.constant 3 : i32
          %scan3A_580 = arith.addi %scan3A_108, %scan3A_579 : i32
          %mul3A_581 = arith.constant 1 : i32
          %mul3A_582 = arith.muli %scan3A_580, %mul3A_581 : i32
          %add3A_583 = arith.constant 0 : i32
          %add3A_584 = arith.addi %add3A_583, %mul3A_582 : i32
          %get3A_585 = arith.index_cast %add3A_584 : i32 to index
          %get3A_586 = arith.constant 0 : index
          %get3A_587 = tpu.vector_load %arg12[%get3A_585, %get3A_586] {strides = array<i32>} : memref<128x128xf32, #tpu.memory_space<vmem>>, vector<1x16xf32>,
          %get3A_588 = vector.shape_cast %get3A_587 : vector<1x16xf32> to vector<16xf32>
          %get3A_589 = arith.index_cast %add3A_584 : i32 to index
          %get3A_590 = arith.constant 0 : index
          %get3A_591 = tpu.vector_load %arg13[%get3A_589, %get3A_590] {strides = array<i32>} : memref<128x128xf32, #tpu.memory_space<vmem>>, vector<1x16xf32>,
          %get3A_592 = vector.shape_cast %get3A_591 : vector<1x16xf32> to vector<16xf32>
          %add3A_593 = arith.addf %get3A_588, %get3A_592 : vector<16xf32>
          %get3A_594 = arith.index_cast %add3A_584 : i32 to index
          %get3A_595 = arith.constant 0 : index
          %get3A_596 = tpu.vector_load %arg14[%get3A_594, %get3A_595] {strides = array<i32>} : memref<128x128xf32, #tpu.memory_space<vmem>>, vector<1x16xf32>,
          %get3A_597 = vector.shape_cast %get3A_596 : vector<1x16xf32> to vector<16xf32>
          %add3A_598 = arith.addf %add3A_593, %get3A_597 : vector<16xf32>
          %swap3A_599 = arith.index_cast %add3A_584 : i32 to index
          %swap3A_600 = arith.constant 0 : index
          %swap3A_601 = tpu.vector_load %arg12[%swap3A_599, %swap3A_600] {strides = array<i32>} : memref<128x128xf32, #tpu.memory_space<vmem>>, vector<1x16xf32>,
          %swap3A_602 = vector.shape_cast %swap3A_601 : vector<1x16xf32> to vector<16xf32>
          %swap3A_603 = vector.shape_cast %add3A_598 : vector<16xf32> to vector<1x16xf32>
          tpu.vector_store %arg12[%swap3A_599, %swap3A_600], %swap3A_603 {strides = array<i32>} : memref<128x128xf32, #tpu.memory_space<vmem>>, vector<1x16xf32>,
          %get3A_604 = arith.index_cast %add3A_584 : i32 to index
          %get3A_605 = arith.constant 16 : index
          %get3A_606 = tpu.vector_load %arg12[%get3A_604, %get3A_605] {strides = array<i32>} : memref<128x128xf32, #tpu.memory_space<vmem>>, vector<1x16xf32>,
          %get3A_607 = vector.shape_cast %get3A_606 : vector<1x16xf32> to vector<16xf32>
          %get3A_608 = arith.index_cast %add3A_584 : i32 to index
          %get3A_609 = arith.constant 16 : index
          %get3A_610 = tpu.vector_load %arg13[%get3A_608, %get3A_609] {strides = array<i32>} : memref<128x128xf32, #tpu.memory_space<vmem>>, vector<1x16xf32>,
          %get3A_611 = vector.shape_cast %get3A_610 : vector<1x16xf32> to vector<16xf32>
          %add3A_612 = arith.addf %get3A_607, %get3A_611 : vector<16xf32>
          %get3A_613 = arith.index_cast %add3A_584 : i32 to index
          %get3A_614 = arith.constant 16 : index
          %get3A_615 = tpu.vector_load %arg14[%get3A_613, %get3A_614] {strides = array<i32>} : memref<128x128xf32, #tpu.memory_space<vmem>>, vector<1x16xf32>,
          %get3A_616 = vector.shape_cast %get3A_615 : vector<1x16xf32> to vector<16xf32>
          %add3A_617 = arith.addf %add3A_612, %get3A_616 : vector<16xf32>
          %swap3A_618 = arith.index_cast %add3A_584 : i32 to index
          %swap3A_619 = arith.constant 16 : index
          %swap3A_620 = tpu.vector_load %arg12[%swap3A_618, %swap3A_619] {strides = array<i32>} : memref<128x128xf32, #tpu.memory_space<vmem>>, vector<1x16xf32>,
          %swap3A_621 = vector.shape_cast %swap3A_620 : vector<1x16xf32> to vector<16xf32>
          %swap3A_622 = vector.shape_cast %add3A_617 : vector<16xf32> to vector<1x16xf32>
          tpu.vector_store %arg12[%swap3A_618, %swap3A_619], %swap3A_622 {strides = array<i32>} : memref<128x128xf32, #tpu.memory_space<vmem>>, vector<1x16xf32>,
          %get3A_623 = arith.index_cast %add3A_584 : i32 to index
          %get3A_624 = arith.constant 32 : index
          %get3A_625 = tpu.vector_load %arg12[%get3A_623, %get3A_624] {strides = array<i32>} : memref<128x128xf32, #tpu.memory_space<vmem>>, vector<1x16xf32>,
          %get3A_626 = vector.shape_cast %get3A_625 : vector<1x16xf32> to vector<16xf32>
          %get3A_627 = arith.index_cast %add3A_584 : i32 to index
          %get3A_628 = arith.constant 32 : index
          %get3A_629 = tpu.vector_load %arg13[%get3A_627, %get3A_628] {strides = array<i32>} : memref<128x128xf32, #tpu.memory_space<vmem>>, vector<1x16xf32>,
          %get3A_630 = vector.shape_cast %get3A_629 : vector<1x16xf32> to vector<16xf32>
          %add3A_631 = arith.addf %get3A_626, %get3A_630 : vector<16xf32>
          %get3A_632 = arith.index_cast %add3A_584 : i32 to index
          %get3A_633 = arith.constant 32 : index
          %get3A_634 = tpu.vector_load %arg14[%get3A_632, %get3A_633] {strides = array<i32>} : memref<128x128xf32, #tpu.memory_space<vmem>>, vector<1x16xf32>,
          %get3A_635 = vector.shape_cast %get3A_634 : vector<1x16xf32> to vector<16xf32>
          %add3A_636 = arith.addf %add3A_631, %get3A_635 : vector<16xf32>
          %swap3A_637 = arith.index_cast %add3A_584 : i32 to index
          %swap3A_638 = arith.constant 32 : index
          %swap3A_639 = tpu.vector_load %arg12[%swap3A_637, %swap3A_638] {strides = array<i32>} : memref<128x128xf32, #tpu.memory_space<vmem>>, vector<1x16xf32>,
          %swap3A_640 = vector.shape_cast %swap3A_639 : vector<1x16xf32> to vector<16xf32>
          %swap3A_641 = vector.shape_cast %add3A_636 : vector<16xf32> to vector<1x16xf32>
          tpu.vector_store %arg12[%swap3A_637, %swap3A_638], %swap3A_641 {strides = array<i32>} : memref<128x128xf32, #tpu.memory_space<vmem>>, vector<1x16xf32>,
          %get3A_642 = arith.index_cast %add3A_584 : i32 to index
          %get3A_643 = arith.constant 48 : index
          %get3A_644 = tpu.vector_load %arg12[%get3A_642, %get3A_643] {strides = array<i32>} : memref<128x128xf32, #tpu.memory_space<vmem>>, vector<1x16xf32>,
          %get3A_645 = vector.shape_cast %get3A_644 : vector<1x16xf32> to vector<16xf32>
          %get3A_646 = arith.index_cast %add3A_584 : i32 to index
          %get3A_647 = arith.constant 48 : index
          %get3A_648 = tpu.vector_load %arg13[%get3A_646, %get3A_647] {strides = array<i32>} : memref<128x128xf32, #tpu.memory_space<vmem>>, vector<1x16xf32>,
          %get3A_649 = vector.shape_cast %get3A_648 : vector<1x16xf32> to vector<16xf32>
          %add3A_650 = arith.addf %get3A_645, %get3A_649 : vector<16xf32>
          %get3A_651 = arith.index_cast %add3A_584 : i32 to index
          %get3A_652 = arith.constant 48 : index
          %get3A_653 = tpu.vector_load %arg14[%get3A_651, %get3A_652] {strides = array<i32>} : memref<128x128xf32, #tpu.memory_space<vmem>>, vector<1x16xf32>,
          %get3A_654 = vector.shape_cast %get3A_653 : vector<1x16xf32> to vector<16xf32>
          %add3A_655 = arith.addf %add3A_650, %get3A_654 : vector<16xf32>
          %swap3A_656 = arith.index_cast %add3A_584 : i32 to index
          %swap3A_657 = arith.constant 48 : index
          %swap3A_658 = tpu.vector_load %arg12[%swap3A_656, %swap3A_657] {strides = array<i32>} : memref<128x128xf32, #tpu.memory_space<vmem>>, vector<1x16xf32>,
          %swap3A_659 = vector.shape_cast %swap3A_658 : vector<1x16xf32> to vector<16xf32>
          %swap3A_660 = vector.shape_cast %add3A_655 : vector<16xf32> to vector<1x16xf32>
          tpu.vector_store %arg12[%swap3A_656, %swap3A_657], %swap3A_660 {strides = array<i32>} : memref<128x128xf32, #tpu.memory_space<vmem>>, vector<1x16xf32>,
          %get3A_661 = arith.index_cast %add3A_584 : i32 to index
          %get3A_662 = arith.constant 64 : index
          %get3A_663 = tpu.vector_load %arg12[%get3A_661, %get3A_662] {strides = array<i32>} : memref<128x128xf32, #tpu.memory_space<vmem>>, vector<1x16xf32>,
          %get3A_664 = vector.shape_cast %get3A_663 : vector<1x16xf32> to vector<16xf32>
          %get3A_665 = arith.index_cast %add3A_584 : i32 to index
          %get3A_666 = arith.constant 64 : index
          %get3A_667 = tpu.vector_load %arg13[%get3A_665, %get3A_666] {strides = array<i32>} : memref<128x128xf32, #tpu.memory_space<vmem>>, vector<1x16xf32>,
          %get3A_668 = vector.shape_cast %get3A_667 : vector<1x16xf32> to vector<16xf32>
          %add3A_669 = arith.addf %get3A_664, %get3A_668 : vector<16xf32>
          %get3A_670 = arith.index_cast %add3A_584 : i32 to index
          %get3A_671 = arith.constant 64 : index
          %get3A_672 = tpu.vector_load %arg14[%get3A_670, %get3A_671] {strides = array<i32>} : memref<128x128xf32, #tpu.memory_space<vmem>>, vector<1x16xf32>,
          %get3A_673 = vector.shape_cast %get3A_672 : vector<1x16xf32> to vector<16xf32>
          %add3A_674 = arith.addf %add3A_669, %get3A_673 : vector<16xf32>
          %swap3A_675 = arith.index_cast %add3A_584 : i32 to index
          %swap3A_676 = arith.constant 64 : index
          %swap3A_677 = tpu.vector_load %arg12[%swap3A_675, %swap3A_676] {strides = array<i32>} : memref<128x128xf32, #tpu.memory_space<vmem>>, vector<1x16xf32>,
          %swap3A_678 = vector.shape_cast %swap3A_677 : vector<1x16xf32> to vector<16xf32>
          %swap3A_679 = vector.shape_cast %add3A_674 : vector<16xf32> to vector<1x16xf32>
          tpu.vector_store %arg12[%swap3A_675, %swap3A_676], %swap3A_679 {strides = array<i32>} : memref<128x128xf32, #tpu.memory_space<vmem>>, vector<1x16xf32>,
          %get3A_680 = arith.index_cast %add3A_584 : i32 to index
          %get3A_681 = arith.constant 80 : index
          %get3A_682 = tpu.vector_load %arg12[%get3A_680, %get3A_681] {strides = array<i32>} : memref<128x128xf32, #tpu.memory_space<vmem>>, vector<1x16xf32>,
          %get3A_683 = vector.shape_cast %get3A_682 : vector<1x16xf32> to vector<16xf32>
          %get3A_684 = arith.index_cast %add3A_584 : i32 to index
          %get3A_685 = arith.constant 80 : index
          %get3A_686 = tpu.vector_load %arg13[%get3A_684, %get3A_685] {strides = array<i32>} : memref<128x128xf32, #tpu.memory_space<vmem>>, vector<1x16xf32>,
          %get3A_687 = vector.shape_cast %get3A_686 : vector<1x16xf32> to vector<16xf32>
          %add3A_688 = arith.addf %get3A_683, %get3A_687 : vector<16xf32>
          %get3A_689 = arith.index_cast %add3A_584 : i32 to index
          %get3A_690 = arith.constant 80 : index
          %get3A_691 = tpu.vector_load %arg14[%get3A_689, %get3A_690] {strides = array<i32>} : memref<128x128xf32, #tpu.memory_space<vmem>>, vector<1x16xf32>,
          %get3A_692 = vector.shape_cast %get3A_691 : vector<1x16xf32> to vector<16xf32>
          %add3A_693 = arith.addf %add3A_688, %get3A_692 : vector<16xf32>
          %swap3A_694 = arith.index_cast %add3A_584 : i32 to index
          %swap3A_695 = arith.constant 80 : index
          %swap3A_696 = tpu.vector_load %arg12[%swap3A_694, %swap3A_695] {strides = array<i32>} : memref<128x128xf32, #tpu.memory_space<vmem>>, vector<1x16xf32>,
          %swap3A_697 = vector.shape_cast %swap3A_696 : vector<1x16xf32> to vector<16xf32>
          %swap3A_698 = vector.shape_cast %add3A_693 : vector<16xf32> to vector<1x16xf32>
          tpu.vector_store %arg12[%swap3A_694, %swap3A_695], %swap3A_698 {strides = array<i32>} : memref<128x128xf32, #tpu.memory_space<vmem>>, vector<1x16xf32>,
          %get3A_699 = arith.index_cast %add3A_584 : i32 to index
          %get3A_700 = arith.constant 96 : index
          %get3A_701 = tpu.vector_load %arg12[%get3A_699, %get3A_700] {strides = array<i32>} : memref<128x128xf32, #tpu.memory_space<vmem>>, vector<1x16xf32>,
          %get3A_702 = vector.shape_cast %get3A_701 : vector<1x16xf32> to vector<16xf32>
          %get3A_703 = arith.index_cast %add3A_584 : i32 to index
          %get3A_704 = arith.constant 96 : index
          %get3A_705 = tpu.vector_load %arg13[%get3A_703, %get3A_704] {strides = array<i32>} : memref<128x128xf32, #tpu.memory_space<vmem>>, vector<1x16xf32>,
          %get3A_706 = vector.shape_cast %get3A_705 : vector<1x16xf32> to vector<16xf32>
          %add3A_707 = arith.addf %get3A_702, %get3A_706 : vector<16xf32>
          %get3A_708 = arith.index_cast %add3A_584 : i32 to index
          %get3A_709 = arith.constant 96 : index
          %get3A_710 = tpu.vector_load %arg14[%get3A_708, %get3A_709] {strides = array<i32>} : memref<128x128xf32, #tpu.memory_space<vmem>>, vector<1x16xf32>,
          %get3A_711 = vector.shape_cast %get3A_710 : vector<1x16xf32> to vector<16xf32>
          %add3A_712 = arith.addf %add3A_707, %get3A_711 : vector<16xf32>
          %swap3A_713 = arith.index_cast %add3A_584 : i32 to index
          %swap3A_714 = arith.constant 96 : index
          %swap3A_715 = tpu.vector_load %arg12[%swap3A_713, %swap3A_714] {strides = array<i32>} : memref<128x128xf32, #tpu.memory_space<vmem>>, vector<1x16xf32>,
          %swap3A_716 = vector.shape_cast %swap3A_715 : vector<1x16xf32> to vector<16xf32>
          %swap3A_717 = vector.shape_cast %add3A_712 : vector<16xf32> to vector<1x16xf32>
          tpu.vector_store %arg12[%swap3A_713, %swap3A_714], %swap3A_717 {strides = array<i32>} : memref<128x128xf32, #tpu.memory_space<vmem>>, vector<1x16xf32>,
          %get3A_718 = arith.index_cast %add3A_584 : i32 to index
          %get3A_719 = arith.constant 112 : index
          %get3A_720 = tpu.vector_load %arg12[%get3A_718, %get3A_719] {strides = array<i32>} : memref<128x128xf32, #tpu.memory_space<vmem>>, vector<1x16xf32>,
          %get3A_721 = vector.shape_cast %get3A_720 : vector<1x16xf32> to vector<16xf32>
          %get3A_722 = arith.index_cast %add3A_584 : i32 to index
          %get3A_723 = arith.constant 112 : index
          %get3A_724 = tpu.vector_load %arg13[%get3A_722, %get3A_723] {strides = array<i32>} : memref<128x128xf32, #tpu.memory_space<vmem>>, vector<1x16xf32>,
          %get3A_725 = vector.shape_cast %get3A_724 : vector<1x16xf32> to vector<16xf32>
          %add3A_726 = arith.addf %get3A_721, %get3A_725 : vector<16xf32>
          %get3A_727 = arith.index_cast %add3A_584 : i32 to index
          %get3A_728 = arith.constant 112 : index
          %get3A_729 = tpu.vector_load %arg14[%get3A_727, %get3A_728] {strides = array<i32>} : memref<128x128xf32, #tpu.memory_space<vmem>>, vector<1x16xf32>,
          %get3A_730 = vector.shape_cast %get3A_729 : vector<1x16xf32> to vector<16xf32>
          %add3A_731 = arith.addf %add3A_726, %get3A_730 : vector<16xf32>
          %swap3A_732 = arith.index_cast %add3A_584 : i32 to index
          %swap3A_733 = arith.constant 112 : index
          %swap3A_734 = tpu.vector_load %arg12[%swap3A_732, %swap3A_733] {strides = array<i32>} : memref<128x128xf32, #tpu.memory_space<vmem>>, vector<1x16xf32>,
          %swap3A_735 = vector.shape_cast %swap3A_734 : vector<1x16xf32> to vector<16xf32>
          %swap3A_736 = vector.shape_cast %add3A_731 : vector<16xf32> to vector<1x16xf32>
          tpu.vector_store %arg12[%swap3A_732, %swap3A_733], %swap3A_736 {strides = array<i32>} : memref<128x128xf32, #tpu.memory_space<vmem>>, vector<1x16xf32>,
        }
        %scan3A_97 = arith.constant 128 : i32
        %add3A_98 = arith.addi %mul3A_2, %add3A_60 : i32
        %mul3A_99 = arith.constant 128 : i32
        %mul3A_100 = arith.muli %add3A_98, %mul3A_99 : i32
        "tpu.region"() ({
          %run_scoped3A = tpu.sem_alloc : memref<!tpu.dma_semaphore, #tpu.memory_space<semaphore_mem>>
          %dma_start3A_108 = arith.constant 0 : i32
          %dma_start3A_109 = tpu.memref_slice %arg8[%mul3A_100, %dma_start3A_108] : memref<323584x128xf32, #tpu.memory_space<hbm>> -> memref<128x128xf32, #tpu.memory_space<hbm>>
          %dma_start3A_110 = arith.constant 0 : i32
          %dma_start3A_111 = tpu.memref_slice %arg8[%mul3A_100, %dma_start3A_110] : memref<323584x128xf32, #tpu.memory_space<hbm>> -> memref<128x128xf32, #tpu.memory_space<hbm>>
          tpu.enqueue_dma source(%arg12 : memref<128x128xf32, #tpu.memory_space<vmem>>) target(%dma_start3A_111 : memref<128x128xf32, #tpu.memory_space<hbm>>) target_semaphore(%run_scoped3A : memref<!tpu.dma_semaphore, #tpu.memory_space<semaphore_mem>>)
          %dma_wait3A_112 = arith.constant 0 : i32
          %dma_wait3A_113 = tpu.memref_slice %arg8[%mul3A_100, %dma_wait3A_112] : memref<323584x128xf32, #tpu.memory_space<hbm>> -> memref<128x128xf32, #tpu.memory_space<hbm>>
          %dma_wait3A_114 = arith.constant 0 : i32
          %dma_wait3A_115 = tpu.memref_slice %arg8[%mul3A_100, %dma_wait3A_114] : memref<323584x128xf32, #tpu.memory_space<hbm>> -> memref<128x128xf32, #tpu.memory_space<hbm>>
          tpu.wait_dma2 semaphore(%run_scoped3A : memref<!tpu.dma_semaphore, #tpu.memory_space<semaphore_mem>>) src(%arg12 : memref<128x128xf32, #tpu.memory_space<vmem>>) dst(%dma_wait3A_115 : memref<128x128xf32, #tpu.memory_space<hbm>>)
          tpu.yield
        }) : () -> ()
        %add3A_101 = arith.constant 2 : i32
        %add3A_102 = arith.addi %add3A_60, %add3A_101 : i32
        %lt3A_103 = arith.constant 79 : i32
        %lt3A_104 = arith.cmpi slt, %add3A_102, %lt3A_103 : i32
        %convert_element_type3A_105 = arith.extui %lt3A_104 : i1 to i32
        %cond3A_106 = arith.constant 0 : i32
        %cond3A_107 = arith.cmpi ne, %convert_element_type3A_105, %cond3A_106 : i32
        scf.if %cond3A_107 {
          %add3A_108 = arith.constant 2 : i32
          %add3A_109 = arith.addi %add3A_60, %add3A_108 : i32
          %dma_start3A_110 = arith.constant 0 : i32
          %dma_start3A_111 = arith.constant 0 : i32
          %dma_start3A_112 = tpu.memref_slice %arg9[%add3A_109, %dma_start3A_110, %dma_start3A_111] : memref<79x1x128xi32, #tpu.memory_space<vmem>> -> memref<1x1x128xi32, #tpu.memory_space<vmem>>
          %dma_start3A_113 = tpu.memref_squeeze %dma_start3A_112 : memref<1x1x128xi32, #tpu.memory_space<vmem>> -> memref<128xi32, #tpu.memory_space<vmem>>
          %dma_start3A_114 = arith.constant 0 : i32
          %dma_start3A_115 = arith.constant 0 : i32
          %dma_start3A_116 = tpu.memref_slice %arg2[%dma_start3A_114, %dma_start3A_115] : memref<10000x128xf32, #tpu.memory_space<hbm>> -> memref<10000x128xf32, #tpu.memory_space<hbm>>
          tpu.enqueue_indirect_dma source(%dma_start3A_116 : memref<10000x128xf32, #tpu.memory_space<hbm>>) target(%arg12 : memref<128x128xf32, #tpu.memory_space<vmem>>) offsets(%dma_start3A_113 : memref<128xi32, #tpu.memory_space<vmem>>) semaphore(%arg18 : memref<!tpu.dma_semaphore, #tpu.memory_space<semaphore_mem>>)
          %dma_start3A_117 = arith.constant 0 : i32
          %dma_start3A_118 = arith.constant 0 : i32
          %dma_start3A_119 = tpu.memref_slice %arg10[%add3A_109, %dma_start3A_117, %dma_start3A_118] : memref<79x1x128xi32, #tpu.memory_space<vmem>> -> memref<1x1x128xi32, #tpu.memory_space<vmem>>
          %dma_start3A_120 = tpu.memref_squeeze %dma_start3A_119 : memref<1x1x128xi32, #tpu.memory_space<vmem>> -> memref<128xi32, #tpu.memory_space<vmem>>
          %dma_start3A_121 = arith.constant 0 : i32
          %dma_start3A_122 = arith.constant 0 : i32
          %dma_start3A_123 = tpu.memref_slice %arg3[%dma_start3A_121, %dma_start3A_122] : memref<10000x128xf32, #tpu.memory_space<hbm>> -> memref<10000x128xf32, #tpu.memory_space<hbm>>
          tpu.enqueue_indirect_dma source(%dma_start3A_123 : memref<10000x128xf32, #tpu.memory_space<hbm>>) target(%arg13 : memref<128x128xf32, #tpu.memory_space<vmem>>) offsets(%dma_start3A_120 : memref<128xi32, #tpu.memory_space<vmem>>) semaphore(%arg19 : memref<!tpu.dma_semaphore, #tpu.memory_space<semaphore_mem>>)
          %dma_start3A_124 = arith.constant 0 : i32
          %dma_start3A_125 = arith.constant 0 : i32
          %dma_start3A_126 = tpu.memref_slice %arg11[%add3A_109, %dma_start3A_124, %dma_start3A_125] : memref<79x1x128xi32, #tpu.memory_space<vmem>> -> memref<1x1x128xi32, #tpu.memory_space<vmem>>
          %dma_start3A_127 = tpu.memref_squeeze %dma_start3A_126 : memref<1x1x128xi32, #tpu.memory_space<vmem>> -> memref<128xi32, #tpu.memory_space<vmem>>
          %dma_start3A_128 = arith.constant 0 : i32
          %dma_start3A_129 = arith.constant 0 : i32
          %dma_start3A_130 = tpu.memref_slice %arg4[%dma_start3A_128, %dma_start3A_129] : memref<256x128xf32, #tpu.memory_space<hbm>> -> memref<256x128xf32, #tpu.memory_space<hbm>>
          tpu.enqueue_indirect_dma source(%dma_start3A_130 : memref<256x128xf32, #tpu.memory_space<hbm>>) target(%arg14 : memref<128x128xf32, #tpu.memory_space<vmem>>) offsets(%dma_start3A_127 : memref<128xi32, #tpu.memory_space<vmem>>) semaphore(%arg20 : memref<!tpu.dma_semaphore, #tpu.memory_space<semaphore_mem>>)
        } else {
        }
      } else {
      }
      %add3A_63 = arith.constant 1 : i32
      %add3A_64 = arith.addi %add3A_58, %add3A_63 : i32
      %lt3A_65 = arith.constant 79 : i32
      %lt3A_66 = arith.cmpi slt, %add3A_64, %lt3A_65 : i32
      %convert_element_type3A_67 = arith.extui %lt3A_66 : i1 to i32
      %cond3A_68 = arith.constant 0 : i32
      %cond3A_69 = arith.cmpi ne, %convert_element_type3A_67, %cond3A_68 : i32
      scf.if %cond3A_69 {
        %dma_wait3A = arith.constant 0 : i32
        %dma_wait3A_70 = arith.constant 0 : i32
        %dma_wait3A_71 = arith.constant 0 : i32
        %dma_wait3A_72 = tpu.memref_slice %arg9[%dma_wait3A, %dma_wait3A_70, %dma_wait3A_71] : memref<79x1x128xi32, #tpu.memory_space<vmem>> -> memref<1x1x128xi32, #tpu.memory_space<vmem>>
        %dma_wait3A_73 = tpu.memref_squeeze %dma_wait3A_72 : memref<1x1x128xi32, #tpu.memory_space<vmem>> -> memref<128xi32, #tpu.memory_space<vmem>>
        %dma_wait3A_74 = arith.constant 0 : i32
        %dma_wait3A_75 = arith.constant 0 : i32
        %dma_wait3A_76 = tpu.memref_slice %arg2[%dma_wait3A_74, %dma_wait3A_75] : memref<10000x128xf32, #tpu.memory_space<hbm>> -> memref<10000x128xf32, #tpu.memory_space<hbm>>
        tpu.wait_indirect_dma semaphore(%arg21 : memref<!tpu.dma_semaphore, #tpu.memory_space<semaphore_mem>>) src(%dma_wait3A_76 : memref<10000x128xf32, #tpu.memory_space<hbm>>) dst(%arg15 : memref<128x128xf32, #tpu.memory_space<vmem>>)
        %dma_wait3A_77 = arith.constant 0 : i32
        %dma_wait3A_78 = arith.constant 0 : i32
        %dma_wait3A_79 = arith.constant 0 : i32
        %dma_wait3A_80 = tpu.memref_slice %arg10[%dma_wait3A_77, %dma_wait3A_78, %dma_wait3A_79] : memref<79x1x128xi32, #tpu.memory_space<vmem>> -> memref<1x1x128xi32, #tpu.memory_space<vmem>>
        %dma_wait3A_81 = tpu.memref_squeeze %dma_wait3A_80 : memref<1x1x128xi32, #tpu.memory_space<vmem>> -> memref<128xi32, #tpu.memory_space<vmem>>
        %dma_wait3A_82 = arith.constant 0 : i32
        %dma_wait3A_83 = arith.constant 0 : i32
        %dma_wait3A_84 = tpu.memref_slice %arg3[%dma_wait3A_82, %dma_wait3A_83] : memref<10000x128xf32, #tpu.memory_space<hbm>> -> memref<10000x128xf32, #tpu.memory_space<hbm>>
        tpu.wait_indirect_dma semaphore(%arg22 : memref<!tpu.dma_semaphore, #tpu.memory_space<semaphore_mem>>) src(%dma_wait3A_84 : memref<10000x128xf32, #tpu.memory_space<hbm>>) dst(%arg16 : memref<128x128xf32, #tpu.memory_space<vmem>>)
        %dma_wait3A_85 = arith.constant 0 : i32
        %dma_wait3A_86 = arith.constant 0 : i32
        %dma_wait3A_87 = arith.constant 0 : i32
        %dma_wait3A_88 = tpu.memref_slice %arg11[%dma_wait3A_85, %dma_wait3A_86, %dma_wait3A_87] : memref<79x1x128xi32, #tpu.memory_space<vmem>> -> memref<1x1x128xi32, #tpu.memory_space<vmem>>
        %dma_wait3A_89 = tpu.memref_squeeze %dma_wait3A_88 : memref<1x1x128xi32, #tpu.memory_space<vmem>> -> memref<128xi32, #tpu.memory_space<vmem>>
        %dma_wait3A_90 = arith.constant 0 : i32
        %dma_wait3A_91 = arith.constant 0 : i32
        %dma_wait3A_92 = tpu.memref_slice %arg4[%dma_wait3A_90, %dma_wait3A_91] : memref<256x128xf32, #tpu.memory_space<hbm>> -> memref<256x128xf32, #tpu.memory_space<hbm>>
        tpu.wait_indirect_dma semaphore(%arg23 : memref<!tpu.dma_semaphore, #tpu.memory_space<semaphore_mem>>) src(%dma_wait3A_92 : memref<256x128xf32, #tpu.memory_space<hbm>>) dst(%arg17 : memref<128x128xf32, #tpu.memory_space<vmem>>)
        %scan3A_93 = arith.constant 0 : i32
        %scan3A_94 = arith.constant 128 : i32
        %scan3A_95 = arith.addi %scan3A_93, %scan3A_94 : i32
        %scan3A_96 = arith.constant 4 : i32
        scf.for %scan3A_108 = %scan3A_93 to %scan3A_95 step %scan3A_96  : i32 {
          %mul3A_109 = arith.constant 1 : i32
          %mul3A_110 = arith.muli %scan3A_108, %mul3A_109 : i32
          %add3A_111 = arith.constant 0 : i32
          %add3A_112 = arith.addi %add3A_111, %mul3A_110 : i32
          %get3A = arith.index_cast %add3A_112 : i32 to index
          %get3A_113 = arith.constant 0 : index
          %get3A_114 = tpu.vector_load %arg15[%get3A, %get3A_113] {strides = array<i32>} : memref<128x128xf32, #tpu.memory_space<vmem>>, vector<1x16xf32>,
          %get3A_115 = vector.shape_cast %get3A_114 : vector<1x16xf32> to vector<16xf32>
          %get3A_116 = arith.index_cast %add3A_112 : i32 to index
          %get3A_117 = arith.constant 0 : index
          %get3A_118 = tpu.vector_load %arg16[%get3A_116, %get3A_117] {strides = array<i32>} : memref<128x128xf32, #tpu.memory_space<vmem>>, vector<1x16xf32>,
          %get3A_119 = vector.shape_cast %get3A_118 : vector<1x16xf32> to vector<16xf32>
          %add3A_120 = arith.addf %get3A_115, %get3A_119 : vector<16xf32>
          %get3A_121 = arith.index_cast %add3A_112 : i32 to index
          %get3A_122 = arith.constant 0 : index
          %get3A_123 = tpu.vector_load %arg17[%get3A_121, %get3A_122] {strides = array<i32>} : memref<128x128xf32, #tpu.memory_space<vmem>>, vector<1x16xf32>,
          %get3A_124 = vector.shape_cast %get3A_123 : vector<1x16xf32> to vector<16xf32>
          %add3A_125 = arith.addf %add3A_120, %get3A_124 : vector<16xf32>
          %swap3A = arith.index_cast %add3A_112 : i32 to index
          %swap3A_126 = arith.constant 0 : index
          %swap3A_127 = tpu.vector_load %arg15[%swap3A, %swap3A_126] {strides = array<i32>} : memref<128x128xf32, #tpu.memory_space<vmem>>, vector<1x16xf32>,
          %swap3A_128 = vector.shape_cast %swap3A_127 : vector<1x16xf32> to vector<16xf32>
          %swap3A_129 = vector.shape_cast %add3A_125 : vector<16xf32> to vector<1x16xf32>
          tpu.vector_store %arg15[%swap3A, %swap3A_126], %swap3A_129 {strides = array<i32>} : memref<128x128xf32, #tpu.memory_space<vmem>>, vector<1x16xf32>,
          %get3A_130 = arith.index_cast %add3A_112 : i32 to index
          %get3A_131 = arith.constant 16 : index
          %get3A_132 = tpu.vector_load %arg15[%get3A_130, %get3A_131] {strides = array<i32>} : memref<128x128xf32, #tpu.memory_space<vmem>>, vector<1x16xf32>,
          %get3A_133 = vector.shape_cast %get3A_132 : vector<1x16xf32> to vector<16xf32>
          %get3A_134 = arith.index_cast %add3A_112 : i32 to index
          %get3A_135 = arith.constant 16 : index
          %get3A_136 = tpu.vector_load %arg16[%get3A_134, %get3A_135] {strides = array<i32>} : memref<128x128xf32, #tpu.memory_space<vmem>>, vector<1x16xf32>,
          %get3A_137 = vector.shape_cast %get3A_136 : vector<1x16xf32> to vector<16xf32>
          %add3A_138 = arith.addf %get3A_133, %get3A_137 : vector<16xf32>
          %get3A_139 = arith.index_cast %add3A_112 : i32 to index
          %get3A_140 = arith.constant 16 : index
          %get3A_141 = tpu.vector_load %arg17[%get3A_139, %get3A_140] {strides = array<i32>} : memref<128x128xf32, #tpu.memory_space<vmem>>, vector<1x16xf32>,
          %get3A_142 = vector.shape_cast %get3A_141 : vector<1x16xf32> to vector<16xf32>
          %add3A_143 = arith.addf %add3A_138, %get3A_142 : vector<16xf32>
          %swap3A_144 = arith.index_cast %add3A_112 : i32 to index
          %swap3A_145 = arith.constant 16 : index
          %swap3A_146 = tpu.vector_load %arg15[%swap3A_144, %swap3A_145] {strides = array<i32>} : memref<128x128xf32, #tpu.memory_space<vmem>>, vector<1x16xf32>,
          %swap3A_147 = vector.shape_cast %swap3A_146 : vector<1x16xf32> to vector<16xf32>
          %swap3A_148 = vector.shape_cast %add3A_143 : vector<16xf32> to vector<1x16xf32>
          tpu.vector_store %arg15[%swap3A_144, %swap3A_145], %swap3A_148 {strides = array<i32>} : memref<128x128xf32, #tpu.memory_space<vmem>>, vector<1x16xf32>,
          %get3A_149 = arith.index_cast %add3A_112 : i32 to index
          %get3A_150 = arith.constant 32 : index
          %get3A_151 = tpu.vector_load %arg15[%get3A_149, %get3A_150] {strides = array<i32>} : memref<128x128xf32, #tpu.memory_space<vmem>>, vector<1x16xf32>,
          %get3A_152 = vector.shape_cast %get3A_151 : vector<1x16xf32> to vector<16xf32>
          %get3A_153 = arith.index_cast %add3A_112 : i32 to index
          %get3A_154 = arith.constant 32 : index
          %get3A_155 = tpu.vector_load %arg16[%get3A_153, %get3A_154] {strides = array<i32>} : memref<128x128xf32, #tpu.memory_space<vmem>>, vector<1x16xf32>,
          %get3A_156 = vector.shape_cast %get3A_155 : vector<1x16xf32> to vector<16xf32>
          %add3A_157 = arith.addf %get3A_152, %get3A_156 : vector<16xf32>
          %get3A_158 = arith.index_cast %add3A_112 : i32 to index
          %get3A_159 = arith.constant 32 : index
          %get3A_160 = tpu.vector_load %arg17[%get3A_158, %get3A_159] {strides = array<i32>} : memref<128x128xf32, #tpu.memory_space<vmem>>, vector<1x16xf32>,
          %get3A_161 = vector.shape_cast %get3A_160 : vector<1x16xf32> to vector<16xf32>
          %add3A_162 = arith.addf %add3A_157, %get3A_161 : vector<16xf32>
          %swap3A_163 = arith.index_cast %add3A_112 : i32 to index
          %swap3A_164 = arith.constant 32 : index
          %swap3A_165 = tpu.vector_load %arg15[%swap3A_163, %swap3A_164] {strides = array<i32>} : memref<128x128xf32, #tpu.memory_space<vmem>>, vector<1x16xf32>,
          %swap3A_166 = vector.shape_cast %swap3A_165 : vector<1x16xf32> to vector<16xf32>
          %swap3A_167 = vector.shape_cast %add3A_162 : vector<16xf32> to vector<1x16xf32>
          tpu.vector_store %arg15[%swap3A_163, %swap3A_164], %swap3A_167 {strides = array<i32>} : memref<128x128xf32, #tpu.memory_space<vmem>>, vector<1x16xf32>,
          %get3A_168 = arith.index_cast %add3A_112 : i32 to index
          %get3A_169 = arith.constant 48 : index
          %get3A_170 = tpu.vector_load %arg15[%get3A_168, %get3A_169] {strides = array<i32>} : memref<128x128xf32, #tpu.memory_space<vmem>>, vector<1x16xf32>,
          %get3A_171 = vector.shape_cast %get3A_170 : vector<1x16xf32> to vector<16xf32>
          %get3A_172 = arith.index_cast %add3A_112 : i32 to index
          %get3A_173 = arith.constant 48 : index
          %get3A_174 = tpu.vector_load %arg16[%get3A_172, %get3A_173] {strides = array<i32>} : memref<128x128xf32, #tpu.memory_space<vmem>>, vector<1x16xf32>,
          %get3A_175 = vector.shape_cast %get3A_174 : vector<1x16xf32> to vector<16xf32>
          %add3A_176 = arith.addf %get3A_171, %get3A_175 : vector<16xf32>
          %get3A_177 = arith.index_cast %add3A_112 : i32 to index
          %get3A_178 = arith.constant 48 : index
          %get3A_179 = tpu.vector_load %arg17[%get3A_177, %get3A_178] {strides = array<i32>} : memref<128x128xf32, #tpu.memory_space<vmem>>, vector<1x16xf32>,
          %get3A_180 = vector.shape_cast %get3A_179 : vector<1x16xf32> to vector<16xf32>
          %add3A_181 = arith.addf %add3A_176, %get3A_180 : vector<16xf32>
          %swap3A_182 = arith.index_cast %add3A_112 : i32 to index
          %swap3A_183 = arith.constant 48 : index
          %swap3A_184 = tpu.vector_load %arg15[%swap3A_182, %swap3A_183] {strides = array<i32>} : memref<128x128xf32, #tpu.memory_space<vmem>>, vector<1x16xf32>,
          %swap3A_185 = vector.shape_cast %swap3A_184 : vector<1x16xf32> to vector<16xf32>
          %swap3A_186 = vector.shape_cast %add3A_181 : vector<16xf32> to vector<1x16xf32>
          tpu.vector_store %arg15[%swap3A_182, %swap3A_183], %swap3A_186 {strides = array<i32>} : memref<128x128xf32, #tpu.memory_space<vmem>>, vector<1x16xf32>,
          %get3A_187 = arith.index_cast %add3A_112 : i32 to index
          %get3A_188 = arith.constant 64 : index
          %get3A_189 = tpu.vector_load %arg15[%get3A_187, %get3A_188] {strides = array<i32>} : memref<128x128xf32, #tpu.memory_space<vmem>>, vector<1x16xf32>,
          %get3A_190 = vector.shape_cast %get3A_189 : vector<1x16xf32> to vector<16xf32>
          %get3A_191 = arith.index_cast %add3A_112 : i32 to index
          %get3A_192 = arith.constant 64 : index
          %get3A_193 = tpu.vector_load %arg16[%get3A_191, %get3A_192] {strides = array<i32>} : memref<128x128xf32, #tpu.memory_space<vmem>>, vector<1x16xf32>,
          %get3A_194 = vector.shape_cast %get3A_193 : vector<1x16xf32> to vector<16xf32>
          %add3A_195 = arith.addf %get3A_190, %get3A_194 : vector<16xf32>
          %get3A_196 = arith.index_cast %add3A_112 : i32 to index
          %get3A_197 = arith.constant 64 : index
          %get3A_198 = tpu.vector_load %arg17[%get3A_196, %get3A_197] {strides = array<i32>} : memref<128x128xf32, #tpu.memory_space<vmem>>, vector<1x16xf32>,
          %get3A_199 = vector.shape_cast %get3A_198 : vector<1x16xf32> to vector<16xf32>
          %add3A_200 = arith.addf %add3A_195, %get3A_199 : vector<16xf32>
          %swap3A_201 = arith.index_cast %add3A_112 : i32 to index
          %swap3A_202 = arith.constant 64 : index
          %swap3A_203 = tpu.vector_load %arg15[%swap3A_201, %swap3A_202] {strides = array<i32>} : memref<128x128xf32, #tpu.memory_space<vmem>>, vector<1x16xf32>,
          %swap3A_204 = vector.shape_cast %swap3A_203 : vector<1x16xf32> to vector<16xf32>
          %swap3A_205 = vector.shape_cast %add3A_200 : vector<16xf32> to vector<1x16xf32>
          tpu.vector_store %arg15[%swap3A_201, %swap3A_202], %swap3A_205 {strides = array<i32>} : memref<128x128xf32, #tpu.memory_space<vmem>>, vector<1x16xf32>,
          %get3A_206 = arith.index_cast %add3A_112 : i32 to index
          %get3A_207 = arith.constant 80 : index
          %get3A_208 = tpu.vector_load %arg15[%get3A_206, %get3A_207] {strides = array<i32>} : memref<128x128xf32, #tpu.memory_space<vmem>>, vector<1x16xf32>,
          %get3A_209 = vector.shape_cast %get3A_208 : vector<1x16xf32> to vector<16xf32>
          %get3A_210 = arith.index_cast %add3A_112 : i32 to index
          %get3A_211 = arith.constant 80 : index
          %get3A_212 = tpu.vector_load %arg16[%get3A_210, %get3A_211] {strides = array<i32>} : memref<128x128xf32, #tpu.memory_space<vmem>>, vector<1x16xf32>,
          %get3A_213 = vector.shape_cast %get3A_212 : vector<1x16xf32> to vector<16xf32>
          %add3A_214 = arith.addf %get3A_209, %get3A_213 : vector<16xf32>
          %get3A_215 = arith.index_cast %add3A_112 : i32 to index
          %get3A_216 = arith.constant 80 : index
          %get3A_217 = tpu.vector_load %arg17[%get3A_215, %get3A_216] {strides = array<i32>} : memref<128x128xf32, #tpu.memory_space<vmem>>, vector<1x16xf32>,
          %get3A_218 = vector.shape_cast %get3A_217 : vector<1x16xf32> to vector<16xf32>
          %add3A_219 = arith.addf %add3A_214, %get3A_218 : vector<16xf32>
          %swap3A_220 = arith.index_cast %add3A_112 : i32 to index
          %swap3A_221 = arith.constant 80 : index
          %swap3A_222 = tpu.vector_load %arg15[%swap3A_220, %swap3A_221] {strides = array<i32>} : memref<128x128xf32, #tpu.memory_space<vmem>>, vector<1x16xf32>,
          %swap3A_223 = vector.shape_cast %swap3A_222 : vector<1x16xf32> to vector<16xf32>
          %swap3A_224 = vector.shape_cast %add3A_219 : vector<16xf32> to vector<1x16xf32>
          tpu.vector_store %arg15[%swap3A_220, %swap3A_221], %swap3A_224 {strides = array<i32>} : memref<128x128xf32, #tpu.memory_space<vmem>>, vector<1x16xf32>,
          %get3A_225 = arith.index_cast %add3A_112 : i32 to index
          %get3A_226 = arith.constant 96 : index
          %get3A_227 = tpu.vector_load %arg15[%get3A_225, %get3A_226] {strides = array<i32>} : memref<128x128xf32, #tpu.memory_space<vmem>>, vector<1x16xf32>,
          %get3A_228 = vector.shape_cast %get3A_227 : vector<1x16xf32> to vector<16xf32>
          %get3A_229 = arith.index_cast %add3A_112 : i32 to index
          %get3A_230 = arith.constant 96 : index
          %get3A_231 = tpu.vector_load %arg16[%get3A_229, %get3A_230] {strides = array<i32>} : memref<128x128xf32, #tpu.memory_space<vmem>>, vector<1x16xf32>,
          %get3A_232 = vector.shape_cast %get3A_231 : vector<1x16xf32> to vector<16xf32>
          %add3A_233 = arith.addf %get3A_228, %get3A_232 : vector<16xf32>
          %get3A_234 = arith.index_cast %add3A_112 : i32 to index
          %get3A_235 = arith.constant 96 : index
          %get3A_236 = tpu.vector_load %arg17[%get3A_234, %get3A_235] {strides = array<i32>} : memref<128x128xf32, #tpu.memory_space<vmem>>, vector<1x16xf32>,
          %get3A_237 = vector.shape_cast %get3A_236 : vector<1x16xf32> to vector<16xf32>
          %add3A_238 = arith.addf %add3A_233, %get3A_237 : vector<16xf32>
          %swap3A_239 = arith.index_cast %add3A_112 : i32 to index
          %swap3A_240 = arith.constant 96 : index
          %swap3A_241 = tpu.vector_load %arg15[%swap3A_239, %swap3A_240] {strides = array<i32>} : memref<128x128xf32, #tpu.memory_space<vmem>>, vector<1x16xf32>,
          %swap3A_242 = vector.shape_cast %swap3A_241 : vector<1x16xf32> to vector<16xf32>
          %swap3A_243 = vector.shape_cast %add3A_238 : vector<16xf32> to vector<1x16xf32>
          tpu.vector_store %arg15[%swap3A_239, %swap3A_240], %swap3A_243 {strides = array<i32>} : memref<128x128xf32, #tpu.memory_space<vmem>>, vector<1x16xf32>,
          %get3A_244 = arith.index_cast %add3A_112 : i32 to index
          %get3A_245 = arith.constant 112 : index
          %get3A_246 = tpu.vector_load %arg15[%get3A_244, %get3A_245] {strides = array<i32>} : memref<128x128xf32, #tpu.memory_space<vmem>>, vector<1x16xf32>,
          %get3A_247 = vector.shape_cast %get3A_246 : vector<1x16xf32> to vector<16xf32>
          %get3A_248 = arith.index_cast %add3A_112 : i32 to index
          %get3A_249 = arith.constant 112 : index
          %get3A_250 = tpu.vector_load %arg16[%get3A_248, %get3A_249] {strides = array<i32>} : memref<128x128xf32, #tpu.memory_space<vmem>>, vector<1x16xf32>,
          %get3A_251 = vector.shape_cast %get3A_250 : vector<1x16xf32> to vector<16xf32>
          %add3A_252 = arith.addf %get3A_247, %get3A_251 : vector<16xf32>
          %get3A_253 = arith.index_cast %add3A_112 : i32 to index
          %get3A_254 = arith.constant 112 : index
          %get3A_255 = tpu.vector_load %arg17[%get3A_253, %get3A_254] {strides = array<i32>} : memref<128x128xf32, #tpu.memory_space<vmem>>, vector<1x16xf32>,
          %get3A_256 = vector.shape_cast %get3A_255 : vector<1x16xf32> to vector<16xf32>
          %add3A_257 = arith.addf %add3A_252, %get3A_256 : vector<16xf32>
          %swap3A_258 = arith.index_cast %add3A_112 : i32 to index
          %swap3A_259 = arith.constant 112 : index
          %swap3A_260 = tpu.vector_load %arg15[%swap3A_258, %swap3A_259] {strides = array<i32>} : memref<128x128xf32, #tpu.memory_space<vmem>>, vector<1x16xf32>,
          %swap3A_261 = vector.shape_cast %swap3A_260 : vector<1x16xf32> to vector<16xf32>
          %swap3A_262 = vector.shape_cast %add3A_257 : vector<16xf32> to vector<1x16xf32>
          tpu.vector_store %arg15[%swap3A_258, %swap3A_259], %swap3A_262 {strides = array<i32>} : memref<128x128xf32, #tpu.memory_space<vmem>>, vector<1x16xf32>,
          %scan3A_263 = arith.constant 1 : i32
          %scan3A_264 = arith.addi %scan3A_108, %scan3A_263 : i32
          %mul3A_265 = arith.constant 1 : i32
          %mul3A_266 = arith.muli %scan3A_264, %mul3A_265 : i32
          %add3A_267 = arith.constant 0 : i32
          %add3A_268 = arith.addi %add3A_267, %mul3A_266 : i32
          %get3A_269 = arith.index_cast %add3A_268 : i32 to index
          %get3A_270 = arith.constant 0 : index
          %get3A_271 = tpu.vector_load %arg15[%get3A_269, %get3A_270] {strides = array<i32>} : memref<128x128xf32, #tpu.memory_space<vmem>>, vector<1x16xf32>,
          %get3A_272 = vector.shape_cast %get3A_271 : vector<1x16xf32> to vector<16xf32>
          %get3A_273 = arith.index_cast %add3A_268 : i32 to index
          %get3A_274 = arith.constant 0 : index
          %get3A_275 = tpu.vector_load %arg16[%get3A_273, %get3A_274] {strides = array<i32>} : memref<128x128xf32, #tpu.memory_space<vmem>>, vector<1x16xf32>,
          %get3A_276 = vector.shape_cast %get3A_275 : vector<1x16xf32> to vector<16xf32>
          %add3A_277 = arith.addf %get3A_272, %get3A_276 : vector<16xf32>
          %get3A_278 = arith.index_cast %add3A_268 : i32 to index
          %get3A_279 = arith.constant 0 : index
          %get3A_280 = tpu.vector_load %arg17[%get3A_278, %get3A_279] {strides = array<i32>} : memref<128x128xf32, #tpu.memory_space<vmem>>, vector<1x16xf32>,
          %get3A_281 = vector.shape_cast %get3A_280 : vector<1x16xf32> to vector<16xf32>
          %add3A_282 = arith.addf %add3A_277, %get3A_281 : vector<16xf32>
          %swap3A_283 = arith.index_cast %add3A_268 : i32 to index
          %swap3A_284 = arith.constant 0 : index
          %swap3A_285 = tpu.vector_load %arg15[%swap3A_283, %swap3A_284] {strides = array<i32>} : memref<128x128xf32, #tpu.memory_space<vmem>>, vector<1x16xf32>,
          %swap3A_286 = vector.shape_cast %swap3A_285 : vector<1x16xf32> to vector<16xf32>
          %swap3A_287 = vector.shape_cast %add3A_282 : vector<16xf32> to vector<1x16xf32>
          tpu.vector_store %arg15[%swap3A_283, %swap3A_284], %swap3A_287 {strides = array<i32>} : memref<128x128xf32, #tpu.memory_space<vmem>>, vector<1x16xf32>,
          %get3A_288 = arith.index_cast %add3A_268 : i32 to index
          %get3A_289 = arith.constant 16 : index
          %get3A_290 = tpu.vector_load %arg15[%get3A_288, %get3A_289] {strides = array<i32>} : memref<128x128xf32, #tpu.memory_space<vmem>>, vector<1x16xf32>,
          %get3A_291 = vector.shape_cast %get3A_290 : vector<1x16xf32> to vector<16xf32>
          %get3A_292 = arith.index_cast %add3A_268 : i32 to index
          %get3A_293 = arith.constant 16 : index
          %get3A_294 = tpu.vector_load %arg16[%get3A_292, %get3A_293] {strides = array<i32>} : memref<128x128xf32, #tpu.memory_space<vmem>>, vector<1x16xf32>,
          %get3A_295 = vector.shape_cast %get3A_294 : vector<1x16xf32> to vector<16xf32>
          %add3A_296 = arith.addf %get3A_291, %get3A_295 : vector<16xf32>
          %get3A_297 = arith.index_cast %add3A_268 : i32 to index
          %get3A_298 = arith.constant 16 : index
          %get3A_299 = tpu.vector_load %arg17[%get3A_297, %get3A_298] {strides = array<i32>} : memref<128x128xf32, #tpu.memory_space<vmem>>, vector<1x16xf32>,
          %get3A_300 = vector.shape_cast %get3A_299 : vector<1x16xf32> to vector<16xf32>
          %add3A_301 = arith.addf %add3A_296, %get3A_300 : vector<16xf32>
          %swap3A_302 = arith.index_cast %add3A_268 : i32 to index
          %swap3A_303 = arith.constant 16 : index
          %swap3A_304 = tpu.vector_load %arg15[%swap3A_302, %swap3A_303] {strides = array<i32>} : memref<128x128xf32, #tpu.memory_space<vmem>>, vector<1x16xf32>,
          %swap3A_305 = vector.shape_cast %swap3A_304 : vector<1x16xf32> to vector<16xf32>
          %swap3A_306 = vector.shape_cast %add3A_301 : vector<16xf32> to vector<1x16xf32>
          tpu.vector_store %arg15[%swap3A_302, %swap3A_303], %swap3A_306 {strides = array<i32>} : memref<128x128xf32, #tpu.memory_space<vmem>>, vector<1x16xf32>,
          %get3A_307 = arith.index_cast %add3A_268 : i32 to index
          %get3A_308 = arith.constant 32 : index
          %get3A_309 = tpu.vector_load %arg15[%get3A_307, %get3A_308] {strides = array<i32>} : memref<128x128xf32, #tpu.memory_space<vmem>>, vector<1x16xf32>,
          %get3A_310 = vector.shape_cast %get3A_309 : vector<1x16xf32> to vector<16xf32>
          %get3A_311 = arith.index_cast %add3A_268 : i32 to index
          %get3A_312 = arith.constant 32 : index
          %get3A_313 = tpu.vector_load %arg16[%get3A_311, %get3A_312] {strides = array<i32>} : memref<128x128xf32, #tpu.memory_space<vmem>>, vector<1x16xf32>,
          %get3A_314 = vector.shape_cast %get3A_313 : vector<1x16xf32> to vector<16xf32>
          %add3A_315 = arith.addf %get3A_310, %get3A_314 : vector<16xf32>
          %get3A_316 = arith.index_cast %add3A_268 : i32 to index
          %get3A_317 = arith.constant 32 : index
          %get3A_318 = tpu.vector_load %arg17[%get3A_316, %get3A_317] {strides = array<i32>} : memref<128x128xf32, #tpu.memory_space<vmem>>, vector<1x16xf32>,
          %get3A_319 = vector.shape_cast %get3A_318 : vector<1x16xf32> to vector<16xf32>
          %add3A_320 = arith.addf %add3A_315, %get3A_319 : vector<16xf32>
          %swap3A_321 = arith.index_cast %add3A_268 : i32 to index
          %swap3A_322 = arith.constant 32 : index
          %swap3A_323 = tpu.vector_load %arg15[%swap3A_321, %swap3A_322] {strides = array<i32>} : memref<128x128xf32, #tpu.memory_space<vmem>>, vector<1x16xf32>,
          %swap3A_324 = vector.shape_cast %swap3A_323 : vector<1x16xf32> to vector<16xf32>
          %swap3A_325 = vector.shape_cast %add3A_320 : vector<16xf32> to vector<1x16xf32>
          tpu.vector_store %arg15[%swap3A_321, %swap3A_322], %swap3A_325 {strides = array<i32>} : memref<128x128xf32, #tpu.memory_space<vmem>>, vector<1x16xf32>,
          %get3A_326 = arith.index_cast %add3A_268 : i32 to index
          %get3A_327 = arith.constant 48 : index
          %get3A_328 = tpu.vector_load %arg15[%get3A_326, %get3A_327] {strides = array<i32>} : memref<128x128xf32, #tpu.memory_space<vmem>>, vector<1x16xf32>,
          %get3A_329 = vector.shape_cast %get3A_328 : vector<1x16xf32> to vector<16xf32>
          %get3A_330 = arith.index_cast %add3A_268 : i32 to index
          %get3A_331 = arith.constant 48 : index
          %get3A_332 = tpu.vector_load %arg16[%get3A_330, %get3A_331] {strides = array<i32>} : memref<128x128xf32, #tpu.memory_space<vmem>>, vector<1x16xf32>,
          %get3A_333 = vector.shape_cast %get3A_332 : vector<1x16xf32> to vector<16xf32>
          %add3A_334 = arith.addf %get3A_329, %get3A_333 : vector<16xf32>
          %get3A_335 = arith.index_cast %add3A_268 : i32 to index
          %get3A_336 = arith.constant 48 : index
          %get3A_337 = tpu.vector_load %arg17[%get3A_335, %get3A_336] {strides = array<i32>} : memref<128x128xf32, #tpu.memory_space<vmem>>, vector<1x16xf32>,
          %get3A_338 = vector.shape_cast %get3A_337 : vector<1x16xf32> to vector<16xf32>
          %add3A_339 = arith.addf %add3A_334, %get3A_338 : vector<16xf32>
          %swap3A_340 = arith.index_cast %add3A_268 : i32 to index
          %swap3A_341 = arith.constant 48 : index
          %swap3A_342 = tpu.vector_load %arg15[%swap3A_340, %swap3A_341] {strides = array<i32>} : memref<128x128xf32, #tpu.memory_space<vmem>>, vector<1x16xf32>,
          %swap3A_343 = vector.shape_cast %swap3A_342 : vector<1x16xf32> to vector<16xf32>
          %swap3A_344 = vector.shape_cast %add3A_339 : vector<16xf32> to vector<1x16xf32>
          tpu.vector_store %arg15[%swap3A_340, %swap3A_341], %swap3A_344 {strides = array<i32>} : memref<128x128xf32, #tpu.memory_space<vmem>>, vector<1x16xf32>,
          %get3A_345 = arith.index_cast %add3A_268 : i32 to index
          %get3A_346 = arith.constant 64 : index
          %get3A_347 = tpu.vector_load %arg15[%get3A_345, %get3A_346] {strides = array<i32>} : memref<128x128xf32, #tpu.memory_space<vmem>>, vector<1x16xf32>,
          %get3A_348 = vector.shape_cast %get3A_347 : vector<1x16xf32> to vector<16xf32>
          %get3A_349 = arith.index_cast %add3A_268 : i32 to index
          %get3A_350 = arith.constant 64 : index
          %get3A_351 = tpu.vector_load %arg16[%get3A_349, %get3A_350] {strides = array<i32>} : memref<128x128xf32, #tpu.memory_space<vmem>>, vector<1x16xf32>,
          %get3A_352 = vector.shape_cast %get3A_351 : vector<1x16xf32> to vector<16xf32>
          %add3A_353 = arith.addf %get3A_348, %get3A_352 : vector<16xf32>
          %get3A_354 = arith.index_cast %add3A_268 : i32 to index
          %get3A_355 = arith.constant 64 : index
          %get3A_356 = tpu.vector_load %arg17[%get3A_354, %get3A_355] {strides = array<i32>} : memref<128x128xf32, #tpu.memory_space<vmem>>, vector<1x16xf32>,
          %get3A_357 = vector.shape_cast %get3A_356 : vector<1x16xf32> to vector<16xf32>
          %add3A_358 = arith.addf %add3A_353, %get3A_357 : vector<16xf32>
          %swap3A_359 = arith.index_cast %add3A_268 : i32 to index
          %swap3A_360 = arith.constant 64 : index
          %swap3A_361 = tpu.vector_load %arg15[%swap3A_359, %swap3A_360] {strides = array<i32>} : memref<128x128xf32, #tpu.memory_space<vmem>>, vector<1x16xf32>,
          %swap3A_362 = vector.shape_cast %swap3A_361 : vector<1x16xf32> to vector<16xf32>
          %swap3A_363 = vector.shape_cast %add3A_358 : vector<16xf32> to vector<1x16xf32>
          tpu.vector_store %arg15[%swap3A_359, %swap3A_360], %swap3A_363 {strides = array<i32>} : memref<128x128xf32, #tpu.memory_space<vmem>>, vector<1x16xf32>,
          %get3A_364 = arith.index_cast %add3A_268 : i32 to index
          %get3A_365 = arith.constant 80 : index
          %get3A_366 = tpu.vector_load %arg15[%get3A_364, %get3A_365] {strides = array<i32>} : memref<128x128xf32, #tpu.memory_space<vmem>>, vector<1x16xf32>,
          %get3A_367 = vector.shape_cast %get3A_366 : vector<1x16xf32> to vector<16xf32>
          %get3A_368 = arith.index_cast %add3A_268 : i32 to index
          %get3A_369 = arith.constant 80 : index
          %get3A_370 = tpu.vector_load %arg16[%get3A_368, %get3A_369] {strides = array<i32>} : memref<128x128xf32, #tpu.memory_space<vmem>>, vector<1x16xf32>,
          %get3A_371 = vector.shape_cast %get3A_370 : vector<1x16xf32> to vector<16xf32>
          %add3A_372 = arith.addf %get3A_367, %get3A_371 : vector<16xf32>
          %get3A_373 = arith.index_cast %add3A_268 : i32 to index
          %get3A_374 = arith.constant 80 : index
          %get3A_375 = tpu.vector_load %arg17[%get3A_373, %get3A_374] {strides = array<i32>} : memref<128x128xf32, #tpu.memory_space<vmem>>, vector<1x16xf32>,
          %get3A_376 = vector.shape_cast %get3A_375 : vector<1x16xf32> to vector<16xf32>
          %add3A_377 = arith.addf %add3A_372, %get3A_376 : vector<16xf32>
          %swap3A_378 = arith.index_cast %add3A_268 : i32 to index
          %swap3A_379 = arith.constant 80 : index
          %swap3A_380 = tpu.vector_load %arg15[%swap3A_378, %swap3A_379] {strides = array<i32>} : memref<128x128xf32, #tpu.memory_space<vmem>>, vector<1x16xf32>,
          %swap3A_381 = vector.shape_cast %swap3A_380 : vector<1x16xf32> to vector<16xf32>
          %swap3A_382 = vector.shape_cast %add3A_377 : vector<16xf32> to vector<1x16xf32>
          tpu.vector_store %arg15[%swap3A_378, %swap3A_379], %swap3A_382 {strides = array<i32>} : memref<128x128xf32, #tpu.memory_space<vmem>>, vector<1x16xf32>,
          %get3A_383 = arith.index_cast %add3A_268 : i32 to index
          %get3A_384 = arith.constant 96 : index
          %get3A_385 = tpu.vector_load %arg15[%get3A_383, %get3A_384] {strides = array<i32>} : memref<128x128xf32, #tpu.memory_space<vmem>>, vector<1x16xf32>,
          %get3A_386 = vector.shape_cast %get3A_385 : vector<1x16xf32> to vector<16xf32>
          %get3A_387 = arith.index_cast %add3A_268 : i32 to index
          %get3A_388 = arith.constant 96 : index
          %get3A_389 = tpu.vector_load %arg16[%get3A_387, %get3A_388] {strides = array<i32>} : memref<128x128xf32, #tpu.memory_space<vmem>>, vector<1x16xf32>,
          %get3A_390 = vector.shape_cast %get3A_389 : vector<1x16xf32> to vector<16xf32>
          %add3A_391 = arith.addf %get3A_386, %get3A_390 : vector<16xf32>
          %get3A_392 = arith.index_cast %add3A_268 : i32 to index
          %get3A_393 = arith.constant 96 : index
          %get3A_394 = tpu.vector_load %arg17[%get3A_392, %get3A_393] {strides = array<i32>} : memref<128x128xf32, #tpu.memory_space<vmem>>, vector<1x16xf32>,
          %get3A_395 = vector.shape_cast %get3A_394 : vector<1x16xf32> to vector<16xf32>
          %add3A_396 = arith.addf %add3A_391, %get3A_395 : vector<16xf32>
          %swap3A_397 = arith.index_cast %add3A_268 : i32 to index
          %swap3A_398 = arith.constant 96 : index
          %swap3A_399 = tpu.vector_load %arg15[%swap3A_397, %swap3A_398] {strides = array<i32>} : memref<128x128xf32, #tpu.memory_space<vmem>>, vector<1x16xf32>,
          %swap3A_400 = vector.shape_cast %swap3A_399 : vector<1x16xf32> to vector<16xf32>
          %swap3A_401 = vector.shape_cast %add3A_396 : vector<16xf32> to vector<1x16xf32>
          tpu.vector_store %arg15[%swap3A_397, %swap3A_398], %swap3A_401 {strides = array<i32>} : memref<128x128xf32, #tpu.memory_space<vmem>>, vector<1x16xf32>,
          %get3A_402 = arith.index_cast %add3A_268 : i32 to index
          %get3A_403 = arith.constant 112 : index
          %get3A_404 = tpu.vector_load %arg15[%get3A_402, %get3A_403] {strides = array<i32>} : memref<128x128xf32, #tpu.memory_space<vmem>>, vector<1x16xf32>,
          %get3A_405 = vector.shape_cast %get3A_404 : vector<1x16xf32> to vector<16xf32>
          %get3A_406 = arith.index_cast %add3A_268 : i32 to index
          %get3A_407 = arith.constant 112 : index
          %get3A_408 = tpu.vector_load %arg16[%get3A_406, %get3A_407] {strides = array<i32>} : memref<128x128xf32, #tpu.memory_space<vmem>>, vector<1x16xf32>,
          %get3A_409 = vector.shape_cast %get3A_408 : vector<1x16xf32> to vector<16xf32>
          %add3A_410 = arith.addf %get3A_405, %get3A_409 : vector<16xf32>
          %get3A_411 = arith.index_cast %add3A_268 : i32 to index
          %get3A_412 = arith.constant 112 : index
          %get3A_413 = tpu.vector_load %arg17[%get3A_411, %get3A_412] {strides = array<i32>} : memref<128x128xf32, #tpu.memory_space<vmem>>, vector<1x16xf32>,
          %get3A_414 = vector.shape_cast %get3A_413 : vector<1x16xf32> to vector<16xf32>
          %add3A_415 = arith.addf %add3A_410, %get3A_414 : vector<16xf32>
          %swap3A_416 = arith.index_cast %add3A_268 : i32 to index
          %swap3A_417 = arith.constant 112 : index
          %swap3A_418 = tpu.vector_load %arg15[%swap3A_416, %swap3A_417] {strides = array<i32>} : memref<128x128xf32, #tpu.memory_space<vmem>>, vector<1x16xf32>,
          %swap3A_419 = vector.shape_cast %swap3A_418 : vector<1x16xf32> to vector<16xf32>
          %swap3A_420 = vector.shape_cast %add3A_415 : vector<16xf32> to vector<1x16xf32>
          tpu.vector_store %arg15[%swap3A_416, %swap3A_417], %swap3A_420 {strides = array<i32>} : memref<128x128xf32, #tpu.memory_space<vmem>>, vector<1x16xf32>,
          %scan3A_421 = arith.constant 2 : i32
          %scan3A_422 = arith.addi %scan3A_108, %scan3A_421 : i32
          %mul3A_423 = arith.constant 1 : i32
          %mul3A_424 = arith.muli %scan3A_422, %mul3A_423 : i32
          %add3A_425 = arith.constant 0 : i32
          %add3A_426 = arith.addi %add3A_425, %mul3A_424 : i32
          %get3A_427 = arith.index_cast %add3A_426 : i32 to index
          %get3A_428 = arith.constant 0 : index
          %get3A_429 = tpu.vector_load %arg15[%get3A_427, %get3A_428] {strides = array<i32>} : memref<128x128xf32, #tpu.memory_space<vmem>>, vector<1x16xf32>,
          %get3A_430 = vector.shape_cast %get3A_429 : vector<1x16xf32> to vector<16xf32>
          %get3A_431 = arith.index_cast %add3A_426 : i32 to index
          %get3A_432 = arith.constant 0 : index
          %get3A_433 = tpu.vector_load %arg16[%get3A_431, %get3A_432] {strides = array<i32>} : memref<128x128xf32, #tpu.memory_space<vmem>>, vector<1x16xf32>,
          %get3A_434 = vector.shape_cast %get3A_433 : vector<1x16xf32> to vector<16xf32>
          %add3A_435 = arith.addf %get3A_430, %get3A_434 : vector<16xf32>
          %get3A_436 = arith.index_cast %add3A_426 : i32 to index
          %get3A_437 = arith.constant 0 : index
          %get3A_438 = tpu.vector_load %arg17[%get3A_436, %get3A_437] {strides = array<i32>} : memref<128x128xf32, #tpu.memory_space<vmem>>, vector<1x16xf32>,
          %get3A_439 = vector.shape_cast %get3A_438 : vector<1x16xf32> to vector<16xf32>
          %add3A_440 = arith.addf %add3A_435, %get3A_439 : vector<16xf32>
          %swap3A_441 = arith.index_cast %add3A_426 : i32 to index
          %swap3A_442 = arith.constant 0 : index
          %swap3A_443 = tpu.vector_load %arg15[%swap3A_441, %swap3A_442] {strides = array<i32>} : memref<128x128xf32, #tpu.memory_space<vmem>>, vector<1x16xf32>,
          %swap3A_444 = vector.shape_cast %swap3A_443 : vector<1x16xf32> to vector<16xf32>
          %swap3A_445 = vector.shape_cast %add3A_440 : vector<16xf32> to vector<1x16xf32>
          tpu.vector_store %arg15[%swap3A_441, %swap3A_442], %swap3A_445 {strides = array<i32>} : memref<128x128xf32, #tpu.memory_space<vmem>>, vector<1x16xf32>,
          %get3A_446 = arith.index_cast %add3A_426 : i32 to index
          %get3A_447 = arith.constant 16 : index
          %get3A_448 = tpu.vector_load %arg15[%get3A_446, %get3A_447] {strides = array<i32>} : memref<128x128xf32, #tpu.memory_space<vmem>>, vector<1x16xf32>,
          %get3A_449 = vector.shape_cast %get3A_448 : vector<1x16xf32> to vector<16xf32>
          %get3A_450 = arith.index_cast %add3A_426 : i32 to index
          %get3A_451 = arith.constant 16 : index
          %get3A_452 = tpu.vector_load %arg16[%get3A_450, %get3A_451] {strides = array<i32>} : memref<128x128xf32, #tpu.memory_space<vmem>>, vector<1x16xf32>,
          %get3A_453 = vector.shape_cast %get3A_452 : vector<1x16xf32> to vector<16xf32>
          %add3A_454 = arith.addf %get3A_449, %get3A_453 : vector<16xf32>
          %get3A_455 = arith.index_cast %add3A_426 : i32 to index
          %get3A_456 = arith.constant 16 : index
          %get3A_457 = tpu.vector_load %arg17[%get3A_455, %get3A_456] {strides = array<i32>} : memref<128x128xf32, #tpu.memory_space<vmem>>, vector<1x16xf32>,
          %get3A_458 = vector.shape_cast %get3A_457 : vector<1x16xf32> to vector<16xf32>
          %add3A_459 = arith.addf %add3A_454, %get3A_458 : vector<16xf32>
          %swap3A_460 = arith.index_cast %add3A_426 : i32 to index
          %swap3A_461 = arith.constant 16 : index
          %swap3A_462 = tpu.vector_load %arg15[%swap3A_460, %swap3A_461] {strides = array<i32>} : memref<128x128xf32, #tpu.memory_space<vmem>>, vector<1x16xf32>,
          %swap3A_463 = vector.shape_cast %swap3A_462 : vector<1x16xf32> to vector<16xf32>
          %swap3A_464 = vector.shape_cast %add3A_459 : vector<16xf32> to vector<1x16xf32>
          tpu.vector_store %arg15[%swap3A_460, %swap3A_461], %swap3A_464 {strides = array<i32>} : memref<128x128xf32, #tpu.memory_space<vmem>>, vector<1x16xf32>,
          %get3A_465 = arith.index_cast %add3A_426 : i32 to index
          %get3A_466 = arith.constant 32 : index
          %get3A_467 = tpu.vector_load %arg15[%get3A_465, %get3A_466] {strides = array<i32>} : memref<128x128xf32, #tpu.memory_space<vmem>>, vector<1x16xf32>,
          %get3A_468 = vector.shape_cast %get3A_467 : vector<1x16xf32> to vector<16xf32>
          %get3A_469 = arith.index_cast %add3A_426 : i32 to index
          %get3A_470 = arith.constant 32 : index
          %get3A_471 = tpu.vector_load %arg16[%get3A_469, %get3A_470] {strides = array<i32>} : memref<128x128xf32, #tpu.memory_space<vmem>>, vector<1x16xf32>,
          %get3A_472 = vector.shape_cast %get3A_471 : vector<1x16xf32> to vector<16xf32>
          %add3A_473 = arith.addf %get3A_468, %get3A_472 : vector<16xf32>
          %get3A_474 = arith.index_cast %add3A_426 : i32 to index
          %get3A_475 = arith.constant 32 : index
          %get3A_476 = tpu.vector_load %arg17[%get3A_474, %get3A_475] {strides = array<i32>} : memref<128x128xf32, #tpu.memory_space<vmem>>, vector<1x16xf32>,
          %get3A_477 = vector.shape_cast %get3A_476 : vector<1x16xf32> to vector<16xf32>
          %add3A_478 = arith.addf %add3A_473, %get3A_477 : vector<16xf32>
          %swap3A_479 = arith.index_cast %add3A_426 : i32 to index
          %swap3A_480 = arith.constant 32 : index
          %swap3A_481 = tpu.vector_load %arg15[%swap3A_479, %swap3A_480] {strides = array<i32>} : memref<128x128xf32, #tpu.memory_space<vmem>>, vector<1x16xf32>,
          %swap3A_482 = vector.shape_cast %swap3A_481 : vector<1x16xf32> to vector<16xf32>
          %swap3A_483 = vector.shape_cast %add3A_478 : vector<16xf32> to vector<1x16xf32>
          tpu.vector_store %arg15[%swap3A_479, %swap3A_480], %swap3A_483 {strides = array<i32>} : memref<128x128xf32, #tpu.memory_space<vmem>>, vector<1x16xf32>,
          %get3A_484 = arith.index_cast %add3A_426 : i32 to index
          %get3A_485 = arith.constant 48 : index
          %get3A_486 = tpu.vector_load %arg15[%get3A_484, %get3A_485] {strides = array<i32>} : memref<128x128xf32, #tpu.memory_space<vmem>>, vector<1x16xf32>,
          %get3A_487 = vector.shape_cast %get3A_486 : vector<1x16xf32> to vector<16xf32>
          %get3A_488 = arith.index_cast %add3A_426 : i32 to index
          %get3A_489 = arith.constant 48 : index
          %get3A_490 = tpu.vector_load %arg16[%get3A_488, %get3A_489] {strides = array<i32>} : memref<128x128xf32, #tpu.memory_space<vmem>>, vector<1x16xf32>,
          %get3A_491 = vector.shape_cast %get3A_490 : vector<1x16xf32> to vector<16xf32>
          %add3A_492 = arith.addf %get3A_487, %get3A_491 : vector<16xf32>
          %get3A_493 = arith.index_cast %add3A_426 : i32 to index
          %get3A_494 = arith.constant 48 : index
          %get3A_495 = tpu.vector_load %arg17[%get3A_493, %get3A_494] {strides = array<i32>} : memref<128x128xf32, #tpu.memory_space<vmem>>, vector<1x16xf32>,
          %get3A_496 = vector.shape_cast %get3A_495 : vector<1x16xf32> to vector<16xf32>
          %add3A_497 = arith.addf %add3A_492, %get3A_496 : vector<16xf32>
          %swap3A_498 = arith.index_cast %add3A_426 : i32 to index
          %swap3A_499 = arith.constant 48 : index
          %swap3A_500 = tpu.vector_load %arg15[%swap3A_498, %swap3A_499] {strides = array<i32>} : memref<128x128xf32, #tpu.memory_space<vmem>>, vector<1x16xf32>,
          %swap3A_501 = vector.shape_cast %swap3A_500 : vector<1x16xf32> to vector<16xf32>
          %swap3A_502 = vector.shape_cast %add3A_497 : vector<16xf32> to vector<1x16xf32>
          tpu.vector_store %arg15[%swap3A_498, %swap3A_499], %swap3A_502 {strides = array<i32>} : memref<128x128xf32, #tpu.memory_space<vmem>>, vector<1x16xf32>,
          %get3A_503 = arith.index_cast %add3A_426 : i32 to index
          %get3A_504 = arith.constant 64 : index
          %get3A_505 = tpu.vector_load %arg15[%get3A_503, %get3A_504] {strides = array<i32>} : memref<128x128xf32, #tpu.memory_space<vmem>>, vector<1x16xf32>,
          %get3A_506 = vector.shape_cast %get3A_505 : vector<1x16xf32> to vector<16xf32>
          %get3A_507 = arith.index_cast %add3A_426 : i32 to index
          %get3A_508 = arith.constant 64 : index
          %get3A_509 = tpu.vector_load %arg16[%get3A_507, %get3A_508] {strides = array<i32>} : memref<128x128xf32, #tpu.memory_space<vmem>>, vector<1x16xf32>,
          %get3A_510 = vector.shape_cast %get3A_509 : vector<1x16xf32> to vector<16xf32>
          %add3A_511 = arith.addf %get3A_506, %get3A_510 : vector<16xf32>
          %get3A_512 = arith.index_cast %add3A_426 : i32 to index
          %get3A_513 = arith.constant 64 : index
          %get3A_514 = tpu.vector_load %arg17[%get3A_512, %get3A_513] {strides = array<i32>} : memref<128x128xf32, #tpu.memory_space<vmem>>, vector<1x16xf32>,
          %get3A_515 = vector.shape_cast %get3A_514 : vector<1x16xf32> to vector<16xf32>
          %add3A_516 = arith.addf %add3A_511, %get3A_515 : vector<16xf32>
          %swap3A_517 = arith.index_cast %add3A_426 : i32 to index
          %swap3A_518 = arith.constant 64 : index
          %swap3A_519 = tpu.vector_load %arg15[%swap3A_517, %swap3A_518] {strides = array<i32>} : memref<128x128xf32, #tpu.memory_space<vmem>>, vector<1x16xf32>,
          %swap3A_520 = vector.shape_cast %swap3A_519 : vector<1x16xf32> to vector<16xf32>
          %swap3A_521 = vector.shape_cast %add3A_516 : vector<16xf32> to vector<1x16xf32>
          tpu.vector_store %arg15[%swap3A_517, %swap3A_518], %swap3A_521 {strides = array<i32>} : memref<128x128xf32, #tpu.memory_space<vmem>>, vector<1x16xf32>,
          %get3A_522 = arith.index_cast %add3A_426 : i32 to index
          %get3A_523 = arith.constant 80 : index
          %get3A_524 = tpu.vector_load %arg15[%get3A_522, %get3A_523] {strides = array<i32>} : memref<128x128xf32, #tpu.memory_space<vmem>>, vector<1x16xf32>,
          %get3A_525 = vector.shape_cast %get3A_524 : vector<1x16xf32> to vector<16xf32>
          %get3A_526 = arith.index_cast %add3A_426 : i32 to index
          %get3A_527 = arith.constant 80 : index
          %get3A_528 = tpu.vector_load %arg16[%get3A_526, %get3A_527] {strides = array<i32>} : memref<128x128xf32, #tpu.memory_space<vmem>>, vector<1x16xf32>,
          %get3A_529 = vector.shape_cast %get3A_528 : vector<1x16xf32> to vector<16xf32>
          %add3A_530 = arith.addf %get3A_525, %get3A_529 : vector<16xf32>
          %get3A_531 = arith.index_cast %add3A_426 : i32 to index
          %get3A_532 = arith.constant 80 : index
          %get3A_533 = tpu.vector_load %arg17[%get3A_531, %get3A_532] {strides = array<i32>} : memref<128x128xf32, #tpu.memory_space<vmem>>, vector<1x16xf32>,
          %get3A_534 = vector.shape_cast %get3A_533 : vector<1x16xf32> to vector<16xf32>
          %add3A_535 = arith.addf %add3A_530, %get3A_534 : vector<16xf32>
          %swap3A_536 = arith.index_cast %add3A_426 : i32 to index
          %swap3A_537 = arith.constant 80 : index
          %swap3A_538 = tpu.vector_load %arg15[%swap3A_536, %swap3A_537] {strides = array<i32>} : memref<128x128xf32, #tpu.memory_space<vmem>>, vector<1x16xf32>,
          %swap3A_539 = vector.shape_cast %swap3A_538 : vector<1x16xf32> to vector<16xf32>
          %swap3A_540 = vector.shape_cast %add3A_535 : vector<16xf32> to vector<1x16xf32>
          tpu.vector_store %arg15[%swap3A_536, %swap3A_537], %swap3A_540 {strides = array<i32>} : memref<128x128xf32, #tpu.memory_space<vmem>>, vector<1x16xf32>,
          %get3A_541 = arith.index_cast %add3A_426 : i32 to index
          %get3A_542 = arith.constant 96 : index
          %get3A_543 = tpu.vector_load %arg15[%get3A_541, %get3A_542] {strides = array<i32>} : memref<128x128xf32, #tpu.memory_space<vmem>>, vector<1x16xf32>,
          %get3A_544 = vector.shape_cast %get3A_543 : vector<1x16xf32> to vector<16xf32>
          %get3A_545 = arith.index_cast %add3A_426 : i32 to index
          %get3A_546 = arith.constant 96 : index
          %get3A_547 = tpu.vector_load %arg16[%get3A_545, %get3A_546] {strides = array<i32>} : memref<128x128xf32, #tpu.memory_space<vmem>>, vector<1x16xf32>,
          %get3A_548 = vector.shape_cast %get3A_547 : vector<1x16xf32> to vector<16xf32>
          %add3A_549 = arith.addf %get3A_544, %get3A_548 : vector<16xf32>
          %get3A_550 = arith.index_cast %add3A_426 : i32 to index
          %get3A_551 = arith.constant 96 : index
          %get3A_552 = tpu.vector_load %arg17[%get3A_550, %get3A_551] {strides = array<i32>} : memref<128x128xf32, #tpu.memory_space<vmem>>, vector<1x16xf32>,
          %get3A_553 = vector.shape_cast %get3A_552 : vector<1x16xf32> to vector<16xf32>
          %add3A_554 = arith.addf %add3A_549, %get3A_553 : vector<16xf32>
          %swap3A_555 = arith.index_cast %add3A_426 : i32 to index
          %swap3A_556 = arith.constant 96 : index
          %swap3A_557 = tpu.vector_load %arg15[%swap3A_555, %swap3A_556] {strides = array<i32>} : memref<128x128xf32, #tpu.memory_space<vmem>>, vector<1x16xf32>,
          %swap3A_558 = vector.shape_cast %swap3A_557 : vector<1x16xf32> to vector<16xf32>
          %swap3A_559 = vector.shape_cast %add3A_554 : vector<16xf32> to vector<1x16xf32>
          tpu.vector_store %arg15[%swap3A_555, %swap3A_556], %swap3A_559 {strides = array<i32>} : memref<128x128xf32, #tpu.memory_space<vmem>>, vector<1x16xf32>,
          %get3A_560 = arith.index_cast %add3A_426 : i32 to index
          %get3A_561 = arith.constant 112 : index
          %get3A_562 = tpu.vector_load %arg15[%get3A_560, %get3A_561] {strides = array<i32>} : memref<128x128xf32, #tpu.memory_space<vmem>>, vector<1x16xf32>,
          %get3A_563 = vector.shape_cast %get3A_562 : vector<1x16xf32> to vector<16xf32>
          %get3A_564 = arith.index_cast %add3A_426 : i32 to index
          %get3A_565 = arith.constant 112 : index
          %get3A_566 = tpu.vector_load %arg16[%get3A_564, %get3A_565] {strides = array<i32>} : memref<128x128xf32, #tpu.memory_space<vmem>>, vector<1x16xf32>,
          %get3A_567 = vector.shape_cast %get3A_566 : vector<1x16xf32> to vector<16xf32>
          %add3A_568 = arith.addf %get3A_563, %get3A_567 : vector<16xf32>
          %get3A_569 = arith.index_cast %add3A_426 : i32 to index
          %get3A_570 = arith.constant 112 : index
          %get3A_571 = tpu.vector_load %arg17[%get3A_569, %get3A_570] {strides = array<i32>} : memref<128x128xf32, #tpu.memory_space<vmem>>, vector<1x16xf32>,
          %get3A_572 = vector.shape_cast %get3A_571 : vector<1x16xf32> to vector<16xf32>
          %add3A_573 = arith.addf %add3A_568, %get3A_572 : vector<16xf32>
          %swap3A_574 = arith.index_cast %add3A_426 : i32 to index
          %swap3A_575 = arith.constant 112 : index
          %swap3A_576 = tpu.vector_load %arg15[%swap3A_574, %swap3A_575] {strides = array<i32>} : memref<128x128xf32, #tpu.memory_space<vmem>>, vector<1x16xf32>,
          %swap3A_577 = vector.shape_cast %swap3A_576 : vector<1x16xf32> to vector<16xf32>
          %swap3A_578 = vector.shape_cast %add3A_573 : vector<16xf32> to vector<1x16xf32>
          tpu.vector_store %arg15[%swap3A_574, %swap3A_575], %swap3A_578 {strides = array<i32>} : memref<128x128xf32, #tpu.memory_space<vmem>>, vector<1x16xf32>,
          %scan3A_579 = arith.constant 3 : i32
          %scan3A_580 = arith.addi %scan3A_108, %scan3A_579 : i32
          %mul3A_581 = arith.constant 1 : i32
          %mul3A_582 = arith.muli %scan3A_580, %mul3A_581 : i32
          %add3A_583 = arith.constant 0 : i32
          %add3A_584 = arith.addi %add3A_583, %mul3A_582 : i32
          %get3A_585 = arith.index_cast %add3A_584 : i32 to index
          %get3A_586 = arith.constant 0 : index
          %get3A_587 = tpu.vector_load %arg15[%get3A_585, %get3A_586] {strides = array<i32>} : memref<128x128xf32, #tpu.memory_space<vmem>>, vector<1x16xf32>,
          %get3A_588 = vector.shape_cast %get3A_587 : vector<1x16xf32> to vector<16xf32>
          %get3A_589 = arith.index_cast %add3A_584 : i32 to index
          %get3A_590 = arith.constant 0 : index
          %get3A_591 = tpu.vector_load %arg16[%get3A_589, %get3A_590] {strides = array<i32>} : memref<128x128xf32, #tpu.memory_space<vmem>>, vector<1x16xf32>,
          %get3A_592 = vector.shape_cast %get3A_591 : vector<1x16xf32> to vector<16xf32>
          %add3A_593 = arith.addf %get3A_588, %get3A_592 : vector<16xf32>
          %get3A_594 = arith.index_cast %add3A_584 : i32 to index
          %get3A_595 = arith.constant 0 : index
          %get3A_596 = tpu.vector_load %arg17[%get3A_594, %get3A_595] {strides = array<i32>} : memref<128x128xf32, #tpu.memory_space<vmem>>, vector<1x16xf32>,
          %get3A_597 = vector.shape_cast %get3A_596 : vector<1x16xf32> to vector<16xf32>
          %add3A_598 = arith.addf %add3A_593, %get3A_597 : vector<16xf32>
          %swap3A_599 = arith.index_cast %add3A_584 : i32 to index
          %swap3A_600 = arith.constant 0 : index
          %swap3A_601 = tpu.vector_load %arg15[%swap3A_599, %swap3A_600] {strides = array<i32>} : memref<128x128xf32, #tpu.memory_space<vmem>>, vector<1x16xf32>,
          %swap3A_602 = vector.shape_cast %swap3A_601 : vector<1x16xf32> to vector<16xf32>
          %swap3A_603 = vector.shape_cast %add3A_598 : vector<16xf32> to vector<1x16xf32>
          tpu.vector_store %arg15[%swap3A_599, %swap3A_600], %swap3A_603 {strides = array<i32>} : memref<128x128xf32, #tpu.memory_space<vmem>>, vector<1x16xf32>,
          %get3A_604 = arith.index_cast %add3A_584 : i32 to index
          %get3A_605 = arith.constant 16 : index
          %get3A_606 = tpu.vector_load %arg15[%get3A_604, %get3A_605] {strides = array<i32>} : memref<128x128xf32, #tpu.memory_space<vmem>>, vector<1x16xf32>,
          %get3A_607 = vector.shape_cast %get3A_606 : vector<1x16xf32> to vector<16xf32>
          %get3A_608 = arith.index_cast %add3A_584 : i32 to index
          %get3A_609 = arith.constant 16 : index
          %get3A_610 = tpu.vector_load %arg16[%get3A_608, %get3A_609] {strides = array<i32>} : memref<128x128xf32, #tpu.memory_space<vmem>>, vector<1x16xf32>,
          %get3A_611 = vector.shape_cast %get3A_610 : vector<1x16xf32> to vector<16xf32>
          %add3A_612 = arith.addf %get3A_607, %get3A_611 : vector<16xf32>
          %get3A_613 = arith.index_cast %add3A_584 : i32 to index
          %get3A_614 = arith.constant 16 : index
          %get3A_615 = tpu.vector_load %arg17[%get3A_613, %get3A_614] {strides = array<i32>} : memref<128x128xf32, #tpu.memory_space<vmem>>, vector<1x16xf32>,
          %get3A_616 = vector.shape_cast %get3A_615 : vector<1x16xf32> to vector<16xf32>
          %add3A_617 = arith.addf %add3A_612, %get3A_616 : vector<16xf32>
          %swap3A_618 = arith.index_cast %add3A_584 : i32 to index
          %swap3A_619 = arith.constant 16 : index
          %swap3A_620 = tpu.vector_load %arg15[%swap3A_618, %swap3A_619] {strides = array<i32>} : memref<128x128xf32, #tpu.memory_space<vmem>>, vector<1x16xf32>,
          %swap3A_621 = vector.shape_cast %swap3A_620 : vector<1x16xf32> to vector<16xf32>
          %swap3A_622 = vector.shape_cast %add3A_617 : vector<16xf32> to vector<1x16xf32>
          tpu.vector_store %arg15[%swap3A_618, %swap3A_619], %swap3A_622 {strides = array<i32>} : memref<128x128xf32, #tpu.memory_space<vmem>>, vector<1x16xf32>,
          %get3A_623 = arith.index_cast %add3A_584 : i32 to index
          %get3A_624 = arith.constant 32 : index
          %get3A_625 = tpu.vector_load %arg15[%get3A_623, %get3A_624] {strides = array<i32>} : memref<128x128xf32, #tpu.memory_space<vmem>>, vector<1x16xf32>,
          %get3A_626 = vector.shape_cast %get3A_625 : vector<1x16xf32> to vector<16xf32>
          %get3A_627 = arith.index_cast %add3A_584 : i32 to index
          %get3A_628 = arith.constant 32 : index
          %get3A_629 = tpu.vector_load %arg16[%get3A_627, %get3A_628] {strides = array<i32>} : memref<128x128xf32, #tpu.memory_space<vmem>>, vector<1x16xf32>,
          %get3A_630 = vector.shape_cast %get3A_629 : vector<1x16xf32> to vector<16xf32>
          %add3A_631 = arith.addf %get3A_626, %get3A_630 : vector<16xf32>
          %get3A_632 = arith.index_cast %add3A_584 : i32 to index
          %get3A_633 = arith.constant 32 : index
          %get3A_634 = tpu.vector_load %arg17[%get3A_632, %get3A_633] {strides = array<i32>} : memref<128x128xf32, #tpu.memory_space<vmem>>, vector<1x16xf32>,
          %get3A_635 = vector.shape_cast %get3A_634 : vector<1x16xf32> to vector<16xf32>
          %add3A_636 = arith.addf %add3A_631, %get3A_635 : vector<16xf32>
          %swap3A_637 = arith.index_cast %add3A_584 : i32 to index
          %swap3A_638 = arith.constant 32 : index
          %swap3A_639 = tpu.vector_load %arg15[%swap3A_637, %swap3A_638] {strides = array<i32>} : memref<128x128xf32, #tpu.memory_space<vmem>>, vector<1x16xf32>,
          %swap3A_640 = vector.shape_cast %swap3A_639 : vector<1x16xf32> to vector<16xf32>
          %swap3A_641 = vector.shape_cast %add3A_636 : vector<16xf32> to vector<1x16xf32>
          tpu.vector_store %arg15[%swap3A_637, %swap3A_638], %swap3A_641 {strides = array<i32>} : memref<128x128xf32, #tpu.memory_space<vmem>>, vector<1x16xf32>,
          %get3A_642 = arith.index_cast %add3A_584 : i32 to index
          %get3A_643 = arith.constant 48 : index
          %get3A_644 = tpu.vector_load %arg15[%get3A_642, %get3A_643] {strides = array<i32>} : memref<128x128xf32, #tpu.memory_space<vmem>>, vector<1x16xf32>,
          %get3A_645 = vector.shape_cast %get3A_644 : vector<1x16xf32> to vector<16xf32>
          %get3A_646 = arith.index_cast %add3A_584 : i32 to index
          %get3A_647 = arith.constant 48 : index
          %get3A_648 = tpu.vector_load %arg16[%get3A_646, %get3A_647] {strides = array<i32>} : memref<128x128xf32, #tpu.memory_space<vmem>>, vector<1x16xf32>,
          %get3A_649 = vector.shape_cast %get3A_648 : vector<1x16xf32> to vector<16xf32>
          %add3A_650 = arith.addf %get3A_645, %get3A_649 : vector<16xf32>
          %get3A_651 = arith.index_cast %add3A_584 : i32 to index
          %get3A_652 = arith.constant 48 : index
          %get3A_653 = tpu.vector_load %arg17[%get3A_651, %get3A_652] {strides = array<i32>} : memref<128x128xf32, #tpu.memory_space<vmem>>, vector<1x16xf32>,
          %get3A_654 = vector.shape_cast %get3A_653 : vector<1x16xf32> to vector<16xf32>
          %add3A_655 = arith.addf %add3A_650, %get3A_654 : vector<16xf32>
          %swap3A_656 = arith.index_cast %add3A_584 : i32 to index
          %swap3A_657 = arith.constant 48 : index
          %swap3A_658 = tpu.vector_load %arg15[%swap3A_656, %swap3A_657] {strides = array<i32>} : memref<128x128xf32, #tpu.memory_space<vmem>>, vector<1x16xf32>,
          %swap3A_659 = vector.shape_cast %swap3A_658 : vector<1x16xf32> to vector<16xf32>
          %swap3A_660 = vector.shape_cast %add3A_655 : vector<16xf32> to vector<1x16xf32>
          tpu.vector_store %arg15[%swap3A_656, %swap3A_657], %swap3A_660 {strides = array<i32>} : memref<128x128xf32, #tpu.memory_space<vmem>>, vector<1x16xf32>,
          %get3A_661 = arith.index_cast %add3A_584 : i32 to index
          %get3A_662 = arith.constant 64 : index
          %get3A_663 = tpu.vector_load %arg15[%get3A_661, %get3A_662] {strides = array<i32>} : memref<128x128xf32, #tpu.memory_space<vmem>>, vector<1x16xf32>,
          %get3A_664 = vector.shape_cast %get3A_663 : vector<1x16xf32> to vector<16xf32>
          %get3A_665 = arith.index_cast %add3A_584 : i32 to index
          %get3A_666 = arith.constant 64 : index
          %get3A_667 = tpu.vector_load %arg16[%get3A_665, %get3A_666] {strides = array<i32>} : memref<128x128xf32, #tpu.memory_space<vmem>>, vector<1x16xf32>,
          %get3A_668 = vector.shape_cast %get3A_667 : vector<1x16xf32> to vector<16xf32>
          %add3A_669 = arith.addf %get3A_664, %get3A_668 : vector<16xf32>
          %get3A_670 = arith.index_cast %add3A_584 : i32 to index
          %get3A_671 = arith.constant 64 : index
          %get3A_672 = tpu.vector_load %arg17[%get3A_670, %get3A_671] {strides = array<i32>} : memref<128x128xf32, #tpu.memory_space<vmem>>, vector<1x16xf32>,
          %get3A_673 = vector.shape_cast %get3A_672 : vector<1x16xf32> to vector<16xf32>
          %add3A_674 = arith.addf %add3A_669, %get3A_673 : vector<16xf32>
          %swap3A_675 = arith.index_cast %add3A_584 : i32 to index
          %swap3A_676 = arith.constant 64 : index
          %swap3A_677 = tpu.vector_load %arg15[%swap3A_675, %swap3A_676] {strides = array<i32>} : memref<128x128xf32, #tpu.memory_space<vmem>>, vector<1x16xf32>,
          %swap3A_678 = vector.shape_cast %swap3A_677 : vector<1x16xf32> to vector<16xf32>
          %swap3A_679 = vector.shape_cast %add3A_674 : vector<16xf32> to vector<1x16xf32>
          tpu.vector_store %arg15[%swap3A_675, %swap3A_676], %swap3A_679 {strides = array<i32>} : memref<128x128xf32, #tpu.memory_space<vmem>>, vector<1x16xf32>,
          %get3A_680 = arith.index_cast %add3A_584 : i32 to index
          %get3A_681 = arith.constant 80 : index
          %get3A_682 = tpu.vector_load %arg15[%get3A_680, %get3A_681] {strides = array<i32>} : memref<128x128xf32, #tpu.memory_space<vmem>>, vector<1x16xf32>,
          %get3A_683 = vector.shape_cast %get3A_682 : vector<1x16xf32> to vector<16xf32>
          %get3A_684 = arith.index_cast %add3A_584 : i32 to index
          %get3A_685 = arith.constant 80 : index
          %get3A_686 = tpu.vector_load %arg16[%get3A_684, %get3A_685] {strides = array<i32>} : memref<128x128xf32, #tpu.memory_space<vmem>>, vector<1x16xf32>,
          %get3A_687 = vector.shape_cast %get3A_686 : vector<1x16xf32> to vector<16xf32>
          %add3A_688 = arith.addf %get3A_683, %get3A_687 : vector<16xf32>
          %get3A_689 = arith.index_cast %add3A_584 : i32 to index
          %get3A_690 = arith.constant 80 : index
          %get3A_691 = tpu.vector_load %arg17[%get3A_689, %get3A_690] {strides = array<i32>} : memref<128x128xf32, #tpu.memory_space<vmem>>, vector<1x16xf32>,
          %get3A_692 = vector.shape_cast %get3A_691 : vector<1x16xf32> to vector<16xf32>
          %add3A_693 = arith.addf %add3A_688, %get3A_692 : vector<16xf32>
          %swap3A_694 = arith.index_cast %add3A_584 : i32 to index
          %swap3A_695 = arith.constant 80 : index
          %swap3A_696 = tpu.vector_load %arg15[%swap3A_694, %swap3A_695] {strides = array<i32>} : memref<128x128xf32, #tpu.memory_space<vmem>>, vector<1x16xf32>,
          %swap3A_697 = vector.shape_cast %swap3A_696 : vector<1x16xf32> to vector<16xf32>
          %swap3A_698 = vector.shape_cast %add3A_693 : vector<16xf32> to vector<1x16xf32>
          tpu.vector_store %arg15[%swap3A_694, %swap3A_695], %swap3A_698 {strides = array<i32>} : memref<128x128xf32, #tpu.memory_space<vmem>>, vector<1x16xf32>,
          %get3A_699 = arith.index_cast %add3A_584 : i32 to index
          %get3A_700 = arith.constant 96 : index
          %get3A_701 = tpu.vector_load %arg15[%get3A_699, %get3A_700] {strides = array<i32>} : memref<128x128xf32, #tpu.memory_space<vmem>>, vector<1x16xf32>,
          %get3A_702 = vector.shape_cast %get3A_701 : vector<1x16xf32> to vector<16xf32>
          %get3A_703 = arith.index_cast %add3A_584 : i32 to index
          %get3A_704 = arith.constant 96 : index
          %get3A_705 = tpu.vector_load %arg16[%get3A_703, %get3A_704] {strides = array<i32>} : memref<128x128xf32, #tpu.memory_space<vmem>>, vector<1x16xf32>,
          %get3A_706 = vector.shape_cast %get3A_705 : vector<1x16xf32> to vector<16xf32>
          %add3A_707 = arith.addf %get3A_702, %get3A_706 : vector<16xf32>
          %get3A_708 = arith.index_cast %add3A_584 : i32 to index
          %get3A_709 = arith.constant 96 : index
          %get3A_710 = tpu.vector_load %arg17[%get3A_708, %get3A_709] {strides = array<i32>} : memref<128x128xf32, #tpu.memory_space<vmem>>, vector<1x16xf32>,
          %get3A_711 = vector.shape_cast %get3A_710 : vector<1x16xf32> to vector<16xf32>
          %add3A_712 = arith.addf %add3A_707, %get3A_711 : vector<16xf32>
          %swap3A_713 = arith.index_cast %add3A_584 : i32 to index
          %swap3A_714 = arith.constant 96 : index
          %swap3A_715 = tpu.vector_load %arg15[%swap3A_713, %swap3A_714] {strides = array<i32>} : memref<128x128xf32, #tpu.memory_space<vmem>>, vector<1x16xf32>,
          %swap3A_716 = vector.shape_cast %swap3A_715 : vector<1x16xf32> to vector<16xf32>
          %swap3A_717 = vector.shape_cast %add3A_712 : vector<16xf32> to vector<1x16xf32>
          tpu.vector_store %arg15[%swap3A_713, %swap3A_714], %swap3A_717 {strides = array<i32>} : memref<128x128xf32, #tpu.memory_space<vmem>>, vector<1x16xf32>,
          %get3A_718 = arith.index_cast %add3A_584 : i32 to index
          %get3A_719 = arith.constant 112 : index
          %get3A_720 = tpu.vector_load %arg15[%get3A_718, %get3A_719] {strides = array<i32>} : memref<128x128xf32, #tpu.memory_space<vmem>>, vector<1x16xf32>,
          %get3A_721 = vector.shape_cast %get3A_720 : vector<1x16xf32> to vector<16xf32>
          %get3A_722 = arith.index_cast %add3A_584 : i32 to index
          %get3A_723 = arith.constant 112 : index
          %get3A_724 = tpu.vector_load %arg16[%get3A_722, %get3A_723] {strides = array<i32>} : memref<128x128xf32, #tpu.memory_space<vmem>>, vector<1x16xf32>,
          %get3A_725 = vector.shape_cast %get3A_724 : vector<1x16xf32> to vector<16xf32>
          %add3A_726 = arith.addf %get3A_721, %get3A_725 : vector<16xf32>
          %get3A_727 = arith.index_cast %add3A_584 : i32 to index
          %get3A_728 = arith.constant 112 : index
          %get3A_729 = tpu.vector_load %arg17[%get3A_727, %get3A_728] {strides = array<i32>} : memref<128x128xf32, #tpu.memory_space<vmem>>, vector<1x16xf32>,
          %get3A_730 = vector.shape_cast %get3A_729 : vector<1x16xf32> to vector<16xf32>
          %add3A_731 = arith.addf %add3A_726, %get3A_730 : vector<16xf32>
          %swap3A_732 = arith.index_cast %add3A_584 : i32 to index
          %swap3A_733 = arith.constant 112 : index
          %swap3A_734 = tpu.vector_load %arg15[%swap3A_732, %swap3A_733] {strides = array<i32>} : memref<128x128xf32, #tpu.memory_space<vmem>>, vector<1x16xf32>,
          %swap3A_735 = vector.shape_cast %swap3A_734 : vector<1x16xf32> to vector<16xf32>
          %swap3A_736 = vector.shape_cast %add3A_731 : vector<16xf32> to vector<1x16xf32>
          tpu.vector_store %arg15[%swap3A_732, %swap3A_733], %swap3A_736 {strides = array<i32>} : memref<128x128xf32, #tpu.memory_space<vmem>>, vector<1x16xf32>,
        }
        %scan3A_97 = arith.constant 128 : i32
        %add3A_98 = arith.addi %mul3A_2, %add3A_64 : i32
        %mul3A_99 = arith.constant 128 : i32
        %mul3A_100 = arith.muli %add3A_98, %mul3A_99 : i32
        "tpu.region"() ({
          %run_scoped3A = tpu.sem_alloc : memref<!tpu.dma_semaphore, #tpu.memory_space<semaphore_mem>>
          %dma_start3A_108 = arith.constant 0 : i32
          %dma_start3A_109 = tpu.memref_slice %arg8[%mul3A_100, %dma_start3A_108] : memref<323584x128xf32, #tpu.memory_space<hbm>> -> memref<128x128xf32, #tpu.memory_space<hbm>>
          %dma_start3A_110 = arith.constant 0 : i32
          %dma_start3A_111 = tpu.memref_slice %arg8[%mul3A_100, %dma_start3A_110] : memref<323584x128xf32, #tpu.memory_space<hbm>> -> memref<128x128xf32, #tpu.memory_space<hbm>>
          tpu.enqueue_dma source(%arg15 : memref<128x128xf32, #tpu.memory_space<vmem>>) target(%dma_start3A_111 : memref<128x128xf32, #tpu.memory_space<hbm>>) target_semaphore(%run_scoped3A : memref<!tpu.dma_semaphore, #tpu.memory_space<semaphore_mem>>)
          %dma_wait3A_112 = arith.constant 0 : i32
          %dma_wait3A_113 = tpu.memref_slice %arg8[%mul3A_100, %dma_wait3A_112] : memref<323584x128xf32, #tpu.memory_space<hbm>> -> memref<128x128xf32, #tpu.memory_space<hbm>>
          %dma_wait3A_114 = arith.constant 0 : i32
          %dma_wait3A_115 = tpu.memref_slice %arg8[%mul3A_100, %dma_wait3A_114] : memref<323584x128xf32, #tpu.memory_space<hbm>> -> memref<128x128xf32, #tpu.memory_space<hbm>>
          tpu.wait_dma2 semaphore(%run_scoped3A : memref<!tpu.dma_semaphore, #tpu.memory_space<semaphore_mem>>) src(%arg15 : memref<128x128xf32, #tpu.memory_space<vmem>>) dst(%dma_wait3A_115 : memref<128x128xf32, #tpu.memory_space<hbm>>)
          tpu.yield
        }) : () -> ()
        %add3A_101 = arith.constant 2 : i32
        %add3A_102 = arith.addi %add3A_64, %add3A_101 : i32
        %lt3A_103 = arith.constant 79 : i32
        %lt3A_104 = arith.cmpi slt, %add3A_102, %lt3A_103 : i32
        %convert_element_type3A_105 = arith.extui %lt3A_104 : i1 to i32
        %cond3A_106 = arith.constant 0 : i32
        %cond3A_107 = arith.cmpi ne, %convert_element_type3A_105, %cond3A_106 : i32
        scf.if %cond3A_107 {
          %add3A_108 = arith.constant 2 : i32
          %add3A_109 = arith.addi %add3A_64, %add3A_108 : i32
          %dma_start3A_110 = arith.constant 0 : i32
          %dma_start3A_111 = arith.constant 0 : i32
          %dma_start3A_112 = tpu.memref_slice %arg9[%add3A_109, %dma_start3A_110, %dma_start3A_111] : memref<79x1x128xi32, #tpu.memory_space<vmem>> -> memref<1x1x128xi32, #tpu.memory_space<vmem>>
          %dma_start3A_113 = tpu.memref_squeeze %dma_start3A_112 : memref<1x1x128xi32, #tpu.memory_space<vmem>> -> memref<128xi32, #tpu.memory_space<vmem>>
          %dma_start3A_114 = arith.constant 0 : i32
          %dma_start3A_115 = arith.constant 0 : i32
          %dma_start3A_116 = tpu.memref_slice %arg2[%dma_start3A_114, %dma_start3A_115] : memref<10000x128xf32, #tpu.memory_space<hbm>> -> memref<10000x128xf32, #tpu.memory_space<hbm>>
          tpu.enqueue_indirect_dma source(%dma_start3A_116 : memref<10000x128xf32, #tpu.memory_space<hbm>>) target(%arg15 : memref<128x128xf32, #tpu.memory_space<vmem>>) offsets(%dma_start3A_113 : memref<128xi32, #tpu.memory_space<vmem>>) semaphore(%arg21 : memref<!tpu.dma_semaphore, #tpu.memory_space<semaphore_mem>>)
          %dma_start3A_117 = arith.constant 0 : i32
          %dma_start3A_118 = arith.constant 0 : i32
          %dma_start3A_119 = tpu.memref_slice %arg10[%add3A_109, %dma_start3A_117, %dma_start3A_118] : memref<79x1x128xi32, #tpu.memory_space<vmem>> -> memref<1x1x128xi32, #tpu.memory_space<vmem>>
          %dma_start3A_120 = tpu.memref_squeeze %dma_start3A_119 : memref<1x1x128xi32, #tpu.memory_space<vmem>> -> memref<128xi32, #tpu.memory_space<vmem>>
          %dma_start3A_121 = arith.constant 0 : i32
          %dma_start3A_122 = arith.constant 0 : i32
          %dma_start3A_123 = tpu.memref_slice %arg3[%dma_start3A_121, %dma_start3A_122] : memref<10000x128xf32, #tpu.memory_space<hbm>> -> memref<10000x128xf32, #tpu.memory_space<hbm>>
          tpu.enqueue_indirect_dma source(%dma_start3A_123 : memref<10000x128xf32, #tpu.memory_space<hbm>>) target(%arg16 : memref<128x128xf32, #tpu.memory_space<vmem>>) offsets(%dma_start3A_120 : memref<128xi32, #tpu.memory_space<vmem>>) semaphore(%arg22 : memref<!tpu.dma_semaphore, #tpu.memory_space<semaphore_mem>>)
          %dma_start3A_124 = arith.constant 0 : i32
          %dma_start3A_125 = arith.constant 0 : i32
          %dma_start3A_126 = tpu.memref_slice %arg11[%add3A_109, %dma_start3A_124, %dma_start3A_125] : memref<79x1x128xi32, #tpu.memory_space<vmem>> -> memref<1x1x128xi32, #tpu.memory_space<vmem>>
          %dma_start3A_127 = tpu.memref_squeeze %dma_start3A_126 : memref<1x1x128xi32, #tpu.memory_space<vmem>> -> memref<128xi32, #tpu.memory_space<vmem>>
          %dma_start3A_128 = arith.constant 0 : i32
          %dma_start3A_129 = arith.constant 0 : i32
          %dma_start3A_130 = tpu.memref_slice %arg4[%dma_start3A_128, %dma_start3A_129] : memref<256x128xf32, #tpu.memory_space<hbm>> -> memref<256x128xf32, #tpu.memory_space<hbm>>
          tpu.enqueue_indirect_dma source(%dma_start3A_130 : memref<256x128xf32, #tpu.memory_space<hbm>>) target(%arg17 : memref<128x128xf32, #tpu.memory_space<vmem>>) offsets(%dma_start3A_127 : memref<128xi32, #tpu.memory_space<vmem>>) semaphore(%arg23 : memref<!tpu.dma_semaphore, #tpu.memory_space<semaphore_mem>>)
        } else {
        }
      } else {
      }
    }
    %scan3A_53 = arith.constant 40 : i32
    return
  }
}

#map = affine_map<(d0, d1) -> (0, 0, 0, 0)>
#map1 = affine_map<(d0, d1) -> (0, 0)>
#map2 = affine_map<(d0, d1) -> (0, 0, 0)>
module attributes {stable_mosaic.version = 14 : i64} {
  func.func @_sc_count_body(%arg0: i32, %arg1: i32, %arg2: memref<32x125x1x80xi32, #tpu.memory_space<hbm>>, %arg3: memref<80x128xf32, #tpu.memory_space<hbm>>, %arg4: memref<80x128xf32, #tpu.memory_space<hbm>>, %arg5: memref<2x10240x128xf32, #tpu.memory_space<hbm>>, %arg6: memref<125x1x80xi32, #tpu.memory_space<vmem>>, %arg7: memref<80x128xf32, #tpu.memory_space<vmem>>, %arg8: memref<80x128xf32, #tpu.memory_space<vmem>>, %arg9: memref<10240x128xf32, #tpu.memory_space<vmem_shared>>) attributes {dimension_semantics = [#tpu.dimension_semantics<core_parallel>, #tpu.dimension_semantics<subcore_parallel>], iteration_bounds = array<i64: 2, 16>, scalar_prefetch = 0 : i64, scratch_operands = 4 : i64, tpu.core_type = #tpu.core_type<sc_vector_subcore>, window_params = [{transform_indices = #map}, {transform_indices = #map1}, {transform_indices = #map1}, {transform_indices = #map2}]} {
    %mul3A = arith.constant 2 : i32
    %mul3A_0 = arith.muli %arg1, %mul3A : i32
    %add3A = arith.addi %mul3A_0, %arg0 : i32
    "tpu.region"() ({
      %run_scoped3A = tpu.sem_alloc : memref<!tpu.dma_semaphore, #tpu.memory_space<semaphore_mem>>
      %dma_start3A = arith.constant 0 : i32
      %dma_start3A_70 = arith.constant 0 : i32
      %dma_start3A_71 = arith.constant 0 : i32
      %dma_start3A_72 = tpu.memref_slice %arg2[%add3A, %dma_start3A, %dma_start3A_70, %dma_start3A_71] : memref<32x125x1x80xi32, #tpu.memory_space<hbm>> -> memref<1x125x1x80xi32, #tpu.memory_space<hbm>>
      %dma_start3A_73 = tpu.memref_squeeze %dma_start3A_72 : memref<1x125x1x80xi32, #tpu.memory_space<hbm>> -> memref<125x1x80xi32, #tpu.memory_space<hbm>>
      %dma_start3A_74 = arith.constant 0 : i32
      %dma_start3A_75 = arith.constant 0 : i32
      %dma_start3A_76 = arith.constant 0 : i32
      %dma_start3A_77 = tpu.memref_slice %arg2[%add3A, %dma_start3A_74, %dma_start3A_75, %dma_start3A_76] : memref<32x125x1x80xi32, #tpu.memory_space<hbm>> -> memref<1x125x1x80xi32, #tpu.memory_space<hbm>>
      %dma_start3A_78 = tpu.memref_squeeze %dma_start3A_77 : memref<1x125x1x80xi32, #tpu.memory_space<hbm>> -> memref<125x1x80xi32, #tpu.memory_space<hbm>>
      tpu.enqueue_dma source(%dma_start3A_78 : memref<125x1x80xi32, #tpu.memory_space<hbm>>) target(%arg6 : memref<125x1x80xi32, #tpu.memory_space<vmem>>) target_semaphore(%run_scoped3A : memref<!tpu.dma_semaphore, #tpu.memory_space<semaphore_mem>>)
      %dma_wait3A = arith.constant 0 : i32
      %dma_wait3A_79 = arith.constant 0 : i32
      %dma_wait3A_80 = arith.constant 0 : i32
      %dma_wait3A_81 = tpu.memref_slice %arg2[%add3A, %dma_wait3A, %dma_wait3A_79, %dma_wait3A_80] : memref<32x125x1x80xi32, #tpu.memory_space<hbm>> -> memref<1x125x1x80xi32, #tpu.memory_space<hbm>>
      %dma_wait3A_82 = tpu.memref_squeeze %dma_wait3A_81 : memref<1x125x1x80xi32, #tpu.memory_space<hbm>> -> memref<125x1x80xi32, #tpu.memory_space<hbm>>
      %dma_wait3A_83 = arith.constant 0 : i32
      %dma_wait3A_84 = arith.constant 0 : i32
      %dma_wait3A_85 = arith.constant 0 : i32
      %dma_wait3A_86 = tpu.memref_slice %arg2[%add3A, %dma_wait3A_83, %dma_wait3A_84, %dma_wait3A_85] : memref<32x125x1x80xi32, #tpu.memory_space<hbm>> -> memref<1x125x1x80xi32, #tpu.memory_space<hbm>>
      %dma_wait3A_87 = tpu.memref_squeeze %dma_wait3A_86 : memref<1x125x1x80xi32, #tpu.memory_space<hbm>> -> memref<125x1x80xi32, #tpu.memory_space<hbm>>
      tpu.wait_dma2 semaphore(%run_scoped3A : memref<!tpu.dma_semaphore, #tpu.memory_space<semaphore_mem>>) src(%dma_wait3A_87 : memref<125x1x80xi32, #tpu.memory_space<hbm>>) dst(%arg6 : memref<125x1x80xi32, #tpu.memory_space<vmem>>)
      tpu.yield
    }) : () -> ()
    "tpu.region"() ({
      %run_scoped3A = tpu.sem_alloc : memref<!tpu.dma_semaphore, #tpu.memory_space<semaphore_mem>>
      tpu.enqueue_dma source(%arg4 : memref<80x128xf32, #tpu.memory_space<hbm>>) target(%arg8 : memref<80x128xf32, #tpu.memory_space<vmem>>) target_semaphore(%run_scoped3A : memref<!tpu.dma_semaphore, #tpu.memory_space<semaphore_mem>>)
      tpu.wait_dma2 semaphore(%run_scoped3A : memref<!tpu.dma_semaphore, #tpu.memory_space<semaphore_mem>>) src(%arg4 : memref<80x128xf32, #tpu.memory_space<hbm>>) dst(%arg8 : memref<80x128xf32, #tpu.memory_space<vmem>>)
      tpu.yield
    }) : () -> ()
    "tpu.region"() ({
      %run_scoped3A = tpu.sem_alloc : memref<!tpu.dma_semaphore, #tpu.memory_space<semaphore_mem>>
      tpu.enqueue_dma source(%arg3 : memref<80x128xf32, #tpu.memory_space<hbm>>) target(%arg7 : memref<80x128xf32, #tpu.memory_space<vmem>>) target_semaphore(%run_scoped3A : memref<!tpu.dma_semaphore, #tpu.memory_space<semaphore_mem>>)
      tpu.wait_dma2 semaphore(%run_scoped3A : memref<!tpu.dma_semaphore, #tpu.memory_space<semaphore_mem>>) src(%arg3 : memref<80x128xf32, #tpu.memory_space<hbm>>) dst(%arg7 : memref<80x128xf32, #tpu.memory_space<vmem>>)
      tpu.yield
    }) : () -> ()
    %mul3A_1 = arith.constant 640 : i32
    %mul3A_2 = arith.muli %arg1, %mul3A_1 : i32
    %add3A_3 = arith.constant 0 : i32
    %add3A_4 = arith.addi %mul3A_2, %add3A_3 : i32
    "tpu.region"() ({
      %run_scoped3A = tpu.sem_alloc : memref<!tpu.dma_semaphore, #tpu.memory_space<semaphore_mem>>
      %dma_start3A = arith.constant 0 : i32
      %dma_start3A_70 = tpu.memref_slice %arg9[%add3A_4, %dma_start3A] : memref<10240x128xf32, #tpu.memory_space<vmem_shared>> -> memref<80x128xf32, #tpu.memory_space<vmem_shared>>
      %dma_start3A_71 = arith.constant 0 : i32
      %dma_start3A_72 = tpu.memref_slice %arg9[%add3A_4, %dma_start3A_71] : memref<10240x128xf32, #tpu.memory_space<vmem_shared>> -> memref<80x128xf32, #tpu.memory_space<vmem_shared>>
      tpu.enqueue_dma source(%arg7 : memref<80x128xf32, #tpu.memory_space<vmem>>) target(%dma_start3A_72 : memref<80x128xf32, #tpu.memory_space<vmem_shared>>) target_semaphore(%run_scoped3A : memref<!tpu.dma_semaphore, #tpu.memory_space<semaphore_mem>>)
      %dma_wait3A = arith.constant 0 : i32
      %dma_wait3A_73 = tpu.memref_slice %arg9[%add3A_4, %dma_wait3A] : memref<10240x128xf32, #tpu.memory_space<vmem_shared>> -> memref<80x128xf32, #tpu.memory_space<vmem_shared>>
      %dma_wait3A_74 = arith.constant 0 : i32
      %dma_wait3A_75 = tpu.memref_slice %arg9[%add3A_4, %dma_wait3A_74] : memref<10240x128xf32, #tpu.memory_space<vmem_shared>> -> memref<80x128xf32, #tpu.memory_space<vmem_shared>>
      tpu.wait_dma2 semaphore(%run_scoped3A : memref<!tpu.dma_semaphore, #tpu.memory_space<semaphore_mem>>) src(%arg7 : memref<80x128xf32, #tpu.memory_space<vmem>>) dst(%dma_wait3A_75 : memref<80x128xf32, #tpu.memory_space<vmem_shared>>)
      tpu.yield
    }) : () -> ()
    %mul3A_5 = arith.constant 640 : i32
    %mul3A_6 = arith.muli %arg1, %mul3A_5 : i32
    %add3A_7 = arith.constant 80 : i32
    %add3A_8 = arith.addi %mul3A_6, %add3A_7 : i32
    "tpu.region"() ({
      %run_scoped3A = tpu.sem_alloc : memref<!tpu.dma_semaphore, #tpu.memory_space<semaphore_mem>>
      %dma_start3A = arith.constant 0 : i32
      %dma_start3A_70 = tpu.memref_slice %arg9[%add3A_8, %dma_start3A] : memref<10240x128xf32, #tpu.memory_space<vmem_shared>> -> memref<80x128xf32, #tpu.memory_space<vmem_shared>>
      %dma_start3A_71 = arith.constant 0 : i32
      %dma_start3A_72 = tpu.memref_slice %arg9[%add3A_8, %dma_start3A_71] : memref<10240x128xf32, #tpu.memory_space<vmem_shared>> -> memref<80x128xf32, #tpu.memory_space<vmem_shared>>
      tpu.enqueue_dma source(%arg7 : memref<80x128xf32, #tpu.memory_space<vmem>>) target(%dma_start3A_72 : memref<80x128xf32, #tpu.memory_space<vmem_shared>>) target_semaphore(%run_scoped3A : memref<!tpu.dma_semaphore, #tpu.memory_space<semaphore_mem>>)
      %dma_wait3A = arith.constant 0 : i32
      %dma_wait3A_73 = tpu.memref_slice %arg9[%add3A_8, %dma_wait3A] : memref<10240x128xf32, #tpu.memory_space<vmem_shared>> -> memref<80x128xf32, #tpu.memory_space<vmem_shared>>
      %dma_wait3A_74 = arith.constant 0 : i32
      %dma_wait3A_75 = tpu.memref_slice %arg9[%add3A_8, %dma_wait3A_74] : memref<10240x128xf32, #tpu.memory_space<vmem_shared>> -> memref<80x128xf32, #tpu.memory_space<vmem_shared>>
      tpu.wait_dma2 semaphore(%run_scoped3A : memref<!tpu.dma_semaphore, #tpu.memory_space<semaphore_mem>>) src(%arg7 : memref<80x128xf32, #tpu.memory_space<vmem>>) dst(%dma_wait3A_75 : memref<80x128xf32, #tpu.memory_space<vmem_shared>>)
      tpu.yield
    }) : () -> ()
    %mul3A_9 = arith.constant 640 : i32
    %mul3A_10 = arith.muli %arg1, %mul3A_9 : i32
    %add3A_11 = arith.constant 160 : i32
    %add3A_12 = arith.addi %mul3A_10, %add3A_11 : i32
    "tpu.region"() ({
      %run_scoped3A = tpu.sem_alloc : memref<!tpu.dma_semaphore, #tpu.memory_space<semaphore_mem>>
      %dma_start3A = arith.constant 0 : i32
      %dma_start3A_70 = tpu.memref_slice %arg9[%add3A_12, %dma_start3A] : memref<10240x128xf32, #tpu.memory_space<vmem_shared>> -> memref<80x128xf32, #tpu.memory_space<vmem_shared>>
      %dma_start3A_71 = arith.constant 0 : i32
      %dma_start3A_72 = tpu.memref_slice %arg9[%add3A_12, %dma_start3A_71] : memref<10240x128xf32, #tpu.memory_space<vmem_shared>> -> memref<80x128xf32, #tpu.memory_space<vmem_shared>>
      tpu.enqueue_dma source(%arg7 : memref<80x128xf32, #tpu.memory_space<vmem>>) target(%dma_start3A_72 : memref<80x128xf32, #tpu.memory_space<vmem_shared>>) target_semaphore(%run_scoped3A : memref<!tpu.dma_semaphore, #tpu.memory_space<semaphore_mem>>)
      %dma_wait3A = arith.constant 0 : i32
      %dma_wait3A_73 = tpu.memref_slice %arg9[%add3A_12, %dma_wait3A] : memref<10240x128xf32, #tpu.memory_space<vmem_shared>> -> memref<80x128xf32, #tpu.memory_space<vmem_shared>>
      %dma_wait3A_74 = arith.constant 0 : i32
      %dma_wait3A_75 = tpu.memref_slice %arg9[%add3A_12, %dma_wait3A_74] : memref<10240x128xf32, #tpu.memory_space<vmem_shared>> -> memref<80x128xf32, #tpu.memory_space<vmem_shared>>
      tpu.wait_dma2 semaphore(%run_scoped3A : memref<!tpu.dma_semaphore, #tpu.memory_space<semaphore_mem>>) src(%arg7 : memref<80x128xf32, #tpu.memory_space<vmem>>) dst(%dma_wait3A_75 : memref<80x128xf32, #tpu.memory_space<vmem_shared>>)
      tpu.yield
    }) : () -> ()
    %mul3A_13 = arith.constant 640 : i32
    %mul3A_14 = arith.muli %arg1, %mul3A_13 : i32
    %add3A_15 = arith.constant 240 : i32
    %add3A_16 = arith.addi %mul3A_14, %add3A_15 : i32
    "tpu.region"() ({
      %run_scoped3A = tpu.sem_alloc : memref<!tpu.dma_semaphore, #tpu.memory_space<semaphore_mem>>
      %dma_start3A = arith.constant 0 : i32
      %dma_start3A_70 = tpu.memref_slice %arg9[%add3A_16, %dma_start3A] : memref<10240x128xf32, #tpu.memory_space<vmem_shared>> -> memref<80x128xf32, #tpu.memory_space<vmem_shared>>
      %dma_start3A_71 = arith.constant 0 : i32
      %dma_start3A_72 = tpu.memref_slice %arg9[%add3A_16, %dma_start3A_71] : memref<10240x128xf32, #tpu.memory_space<vmem_shared>> -> memref<80x128xf32, #tpu.memory_space<vmem_shared>>
      tpu.enqueue_dma source(%arg7 : memref<80x128xf32, #tpu.memory_space<vmem>>) target(%dma_start3A_72 : memref<80x128xf32, #tpu.memory_space<vmem_shared>>) target_semaphore(%run_scoped3A : memref<!tpu.dma_semaphore, #tpu.memory_space<semaphore_mem>>)
      %dma_wait3A = arith.constant 0 : i32
      %dma_wait3A_73 = tpu.memref_slice %arg9[%add3A_16, %dma_wait3A] : memref<10240x128xf32, #tpu.memory_space<vmem_shared>> -> memref<80x128xf32, #tpu.memory_space<vmem_shared>>
      %dma_wait3A_74 = arith.constant 0 : i32
      %dma_wait3A_75 = tpu.memref_slice %arg9[%add3A_16, %dma_wait3A_74] : memref<10240x128xf32, #tpu.memory_space<vmem_shared>> -> memref<80x128xf32, #tpu.memory_space<vmem_shared>>
      tpu.wait_dma2 semaphore(%run_scoped3A : memref<!tpu.dma_semaphore, #tpu.memory_space<semaphore_mem>>) src(%arg7 : memref<80x128xf32, #tpu.memory_space<vmem>>) dst(%dma_wait3A_75 : memref<80x128xf32, #tpu.memory_space<vmem_shared>>)
      tpu.yield
    }) : () -> ()
    %mul3A_17 = arith.constant 640 : i32
    %mul3A_18 = arith.muli %arg1, %mul3A_17 : i32
    %add3A_19 = arith.constant 320 : i32
    %add3A_20 = arith.addi %mul3A_18, %add3A_19 : i32
    "tpu.region"() ({
      %run_scoped3A = tpu.sem_alloc : memref<!tpu.dma_semaphore, #tpu.memory_space<semaphore_mem>>
      %dma_start3A = arith.constant 0 : i32
      %dma_start3A_70 = tpu.memref_slice %arg9[%add3A_20, %dma_start3A] : memref<10240x128xf32, #tpu.memory_space<vmem_shared>> -> memref<80x128xf32, #tpu.memory_space<vmem_shared>>
      %dma_start3A_71 = arith.constant 0 : i32
      %dma_start3A_72 = tpu.memref_slice %arg9[%add3A_20, %dma_start3A_71] : memref<10240x128xf32, #tpu.memory_space<vmem_shared>> -> memref<80x128xf32, #tpu.memory_space<vmem_shared>>
      tpu.enqueue_dma source(%arg7 : memref<80x128xf32, #tpu.memory_space<vmem>>) target(%dma_start3A_72 : memref<80x128xf32, #tpu.memory_space<vmem_shared>>) target_semaphore(%run_scoped3A : memref<!tpu.dma_semaphore, #tpu.memory_space<semaphore_mem>>)
      %dma_wait3A = arith.constant 0 : i32
      %dma_wait3A_73 = tpu.memref_slice %arg9[%add3A_20, %dma_wait3A] : memref<10240x128xf32, #tpu.memory_space<vmem_shared>> -> memref<80x128xf32, #tpu.memory_space<vmem_shared>>
      %dma_wait3A_74 = arith.constant 0 : i32
      %dma_wait3A_75 = tpu.memref_slice %arg9[%add3A_20, %dma_wait3A_74] : memref<10240x128xf32, #tpu.memory_space<vmem_shared>> -> memref<80x128xf32, #tpu.memory_space<vmem_shared>>
      tpu.wait_dma2 semaphore(%run_scoped3A : memref<!tpu.dma_semaphore, #tpu.memory_space<semaphore_mem>>) src(%arg7 : memref<80x128xf32, #tpu.memory_space<vmem>>) dst(%dma_wait3A_75 : memref<80x128xf32, #tpu.memory_space<vmem_shared>>)
      tpu.yield
    }) : () -> ()
    %mul3A_21 = arith.constant 640 : i32
    %mul3A_22 = arith.muli %arg1, %mul3A_21 : i32
    %add3A_23 = arith.constant 400 : i32
    %add3A_24 = arith.addi %mul3A_22, %add3A_23 : i32
    "tpu.region"() ({
      %run_scoped3A = tpu.sem_alloc : memref<!tpu.dma_semaphore, #tpu.memory_space<semaphore_mem>>
      %dma_start3A = arith.constant 0 : i32
      %dma_start3A_70 = tpu.memref_slice %arg9[%add3A_24, %dma_start3A] : memref<10240x128xf32, #tpu.memory_space<vmem_shared>> -> memref<80x128xf32, #tpu.memory_space<vmem_shared>>
      %dma_start3A_71 = arith.constant 0 : i32
      %dma_start3A_72 = tpu.memref_slice %arg9[%add3A_24, %dma_start3A_71] : memref<10240x128xf32, #tpu.memory_space<vmem_shared>> -> memref<80x128xf32, #tpu.memory_space<vmem_shared>>
      tpu.enqueue_dma source(%arg7 : memref<80x128xf32, #tpu.memory_space<vmem>>) target(%dma_start3A_72 : memref<80x128xf32, #tpu.memory_space<vmem_shared>>) target_semaphore(%run_scoped3A : memref<!tpu.dma_semaphore, #tpu.memory_space<semaphore_mem>>)
      %dma_wait3A = arith.constant 0 : i32
      %dma_wait3A_73 = tpu.memref_slice %arg9[%add3A_24, %dma_wait3A] : memref<10240x128xf32, #tpu.memory_space<vmem_shared>> -> memref<80x128xf32, #tpu.memory_space<vmem_shared>>
      %dma_wait3A_74 = arith.constant 0 : i32
      %dma_wait3A_75 = tpu.memref_slice %arg9[%add3A_24, %dma_wait3A_74] : memref<10240x128xf32, #tpu.memory_space<vmem_shared>> -> memref<80x128xf32, #tpu.memory_space<vmem_shared>>
      tpu.wait_dma2 semaphore(%run_scoped3A : memref<!tpu.dma_semaphore, #tpu.memory_space<semaphore_mem>>) src(%arg7 : memref<80x128xf32, #tpu.memory_space<vmem>>) dst(%dma_wait3A_75 : memref<80x128xf32, #tpu.memory_space<vmem_shared>>)
      tpu.yield
    }) : () -> ()
    %mul3A_25 = arith.constant 640 : i32
    %mul3A_26 = arith.muli %arg1, %mul3A_25 : i32
    %add3A_27 = arith.constant 480 : i32
    %add3A_28 = arith.addi %mul3A_26, %add3A_27 : i32
    "tpu.region"() ({
      %run_scoped3A = tpu.sem_alloc : memref<!tpu.dma_semaphore, #tpu.memory_space<semaphore_mem>>
      %dma_start3A = arith.constant 0 : i32
      %dma_start3A_70 = tpu.memref_slice %arg9[%add3A_28, %dma_start3A] : memref<10240x128xf32, #tpu.memory_space<vmem_shared>> -> memref<80x128xf32, #tpu.memory_space<vmem_shared>>
      %dma_start3A_71 = arith.constant 0 : i32
      %dma_start3A_72 = tpu.memref_slice %arg9[%add3A_28, %dma_start3A_71] : memref<10240x128xf32, #tpu.memory_space<vmem_shared>> -> memref<80x128xf32, #tpu.memory_space<vmem_shared>>
      tpu.enqueue_dma source(%arg7 : memref<80x128xf32, #tpu.memory_space<vmem>>) target(%dma_start3A_72 : memref<80x128xf32, #tpu.memory_space<vmem_shared>>) target_semaphore(%run_scoped3A : memref<!tpu.dma_semaphore, #tpu.memory_space<semaphore_mem>>)
      %dma_wait3A = arith.constant 0 : i32
      %dma_wait3A_73 = tpu.memref_slice %arg9[%add3A_28, %dma_wait3A] : memref<10240x128xf32, #tpu.memory_space<vmem_shared>> -> memref<80x128xf32, #tpu.memory_space<vmem_shared>>
      %dma_wait3A_74 = arith.constant 0 : i32
      %dma_wait3A_75 = tpu.memref_slice %arg9[%add3A_28, %dma_wait3A_74] : memref<10240x128xf32, #tpu.memory_space<vmem_shared>> -> memref<80x128xf32, #tpu.memory_space<vmem_shared>>
      tpu.wait_dma2 semaphore(%run_scoped3A : memref<!tpu.dma_semaphore, #tpu.memory_space<semaphore_mem>>) src(%arg7 : memref<80x128xf32, #tpu.memory_space<vmem>>) dst(%dma_wait3A_75 : memref<80x128xf32, #tpu.memory_space<vmem_shared>>)
      tpu.yield
    }) : () -> ()
    %mul3A_29 = arith.constant 640 : i32
    %mul3A_30 = arith.muli %arg1, %mul3A_29 : i32
    %add3A_31 = arith.constant 560 : i32
    %add3A_32 = arith.addi %mul3A_30, %add3A_31 : i32
    "tpu.region"() ({
      %run_scoped3A = tpu.sem_alloc : memref<!tpu.dma_semaphore, #tpu.memory_space<semaphore_mem>>
      %dma_start3A = arith.constant 0 : i32
      %dma_start3A_70 = tpu.memref_slice %arg9[%add3A_32, %dma_start3A] : memref<10240x128xf32, #tpu.memory_space<vmem_shared>> -> memref<80x128xf32, #tpu.memory_space<vmem_shared>>
      %dma_start3A_71 = arith.constant 0 : i32
      %dma_start3A_72 = tpu.memref_slice %arg9[%add3A_32, %dma_start3A_71] : memref<10240x128xf32, #tpu.memory_space<vmem_shared>> -> memref<80x128xf32, #tpu.memory_space<vmem_shared>>
      tpu.enqueue_dma source(%arg7 : memref<80x128xf32, #tpu.memory_space<vmem>>) target(%dma_start3A_72 : memref<80x128xf32, #tpu.memory_space<vmem_shared>>) target_semaphore(%run_scoped3A : memref<!tpu.dma_semaphore, #tpu.memory_space<semaphore_mem>>)
      %dma_wait3A = arith.constant 0 : i32
      %dma_wait3A_73 = tpu.memref_slice %arg9[%add3A_32, %dma_wait3A] : memref<10240x128xf32, #tpu.memory_space<vmem_shared>> -> memref<80x128xf32, #tpu.memory_space<vmem_shared>>
      %dma_wait3A_74 = arith.constant 0 : i32
      %dma_wait3A_75 = tpu.memref_slice %arg9[%add3A_32, %dma_wait3A_74] : memref<10240x128xf32, #tpu.memory_space<vmem_shared>> -> memref<80x128xf32, #tpu.memory_space<vmem_shared>>
      tpu.wait_dma2 semaphore(%run_scoped3A : memref<!tpu.dma_semaphore, #tpu.memory_space<semaphore_mem>>) src(%arg7 : memref<80x128xf32, #tpu.memory_space<vmem>>) dst(%dma_wait3A_75 : memref<80x128xf32, #tpu.memory_space<vmem_shared>>)
      tpu.yield
    }) : () -> ()
    %barrier3A = arith.constant 0 : index
    tpu.barrier barrier_id(%barrier3A)
    %scan3A = arith.constant 0 : i32
    %scan3A_33 = arith.constant 125 : i32
    %scan3A_34 = arith.addi %scan3A, %scan3A_33 : i32
    %scan3A_35 = arith.constant 1 : i32
    scf.for %scan3A_70 = %scan3A to %scan3A_34 step %scan3A_35  : i32 {
      %mul3A_71 = arith.constant 1 : i32
      %mul3A_72 = arith.muli %scan3A_70, %mul3A_71 : i32
      %add3A_73 = arith.constant 0 : i32
      %add3A_74 = arith.addi %add3A_73, %mul3A_72 : i32
      %run_scoped3A = arith.constant 0 : i32
      "tpu.region"() ({
        %run_scoped3A_75 = tpu.sem_alloc : memref<!tpu.dma_semaphore, #tpu.memory_space<semaphore_mem>>
        %dma_start3A = arith.constant 0 : i32
        %dma_start3A_76 = tpu.memref_slice %arg6[%add3A_74, %run_scoped3A, %dma_start3A] : memref<125x1x80xi32, #tpu.memory_space<vmem>> -> memref<1x1x80xi32, #tpu.memory_space<vmem>>
        %dma_start3A_77 = tpu.memref_squeeze %dma_start3A_76 : memref<1x1x80xi32, #tpu.memory_space<vmem>> -> memref<80xi32, #tpu.memory_space<vmem>>
        %dma_start3A_78 = arith.constant 0 : i32
        %dma_start3A_79 = arith.constant 0 : i32
        %dma_start3A_80 = tpu.memref_slice %arg9[%dma_start3A_78, %dma_start3A_79] : memref<10240x128xf32, #tpu.memory_space<vmem_shared>> -> memref<10240x128xf32, #tpu.memory_space<vmem_shared>>
        tpu.enqueue_indirect_dma source(%arg8 : memref<80x128xf32, #tpu.memory_space<vmem>>) target(%dma_start3A_80 : memref<10240x128xf32, #tpu.memory_space<vmem_shared>>) offsets(%dma_start3A_77 : memref<80xi32, #tpu.memory_space<vmem>>) semaphore(%run_scoped3A_75 : memref<!tpu.dma_semaphore, #tpu.memory_space<semaphore_mem>>) {add = true}
        %dma_wait3A = arith.constant 0 : i32
        %dma_wait3A_81 = tpu.memref_slice %arg6[%add3A_74, %run_scoped3A, %dma_wait3A] : memref<125x1x80xi32, #tpu.memory_space<vmem>> -> memref<1x1x80xi32, #tpu.memory_space<vmem>>
        %dma_wait3A_82 = tpu.memref_squeeze %dma_wait3A_81 : memref<1x1x80xi32, #tpu.memory_space<vmem>> -> memref<80xi32, #tpu.memory_space<vmem>>
        %dma_wait3A_83 = arith.constant 0 : i32
        %dma_wait3A_84 = arith.constant 0 : i32
        %dma_wait3A_85 = tpu.memref_slice %arg9[%dma_wait3A_83, %dma_wait3A_84] : memref<10240x128xf32, #tpu.memory_space<vmem_shared>> -> memref<10240x128xf32, #tpu.memory_space<vmem_shared>>
        tpu.wait_indirect_dma semaphore(%run_scoped3A_75 : memref<!tpu.dma_semaphore, #tpu.memory_space<semaphore_mem>>) src(%arg8 : memref<80x128xf32, #tpu.memory_space<vmem>>) dst(%dma_wait3A_85 : memref<10240x128xf32, #tpu.memory_space<vmem_shared>>)
        tpu.yield
      }) : () -> ()
    }
    %scan3A_36 = arith.constant 125 : i32
    %barrier3A_37 = arith.constant 0 : index
    tpu.barrier barrier_id(%barrier3A_37)
    %mul3A_38 = arith.constant 640 : i32
    %mul3A_39 = arith.muli %arg1, %mul3A_38 : i32
    %add3A_40 = arith.constant 0 : i32
    %add3A_41 = arith.addi %mul3A_39, %add3A_40 : i32
    "tpu.region"() ({
      %run_scoped3A = tpu.sem_alloc : memref<!tpu.dma_semaphore, #tpu.memory_space<semaphore_mem>>
      %dma_start3A = arith.constant 0 : i32
      %dma_start3A_70 = tpu.memref_slice %arg9[%add3A_41, %dma_start3A] : memref<10240x128xf32, #tpu.memory_space<vmem_shared>> -> memref<80x128xf32, #tpu.memory_space<vmem_shared>>
      %dma_start3A_71 = arith.constant 0 : i32
      %dma_start3A_72 = tpu.memref_slice %arg9[%add3A_41, %dma_start3A_71] : memref<10240x128xf32, #tpu.memory_space<vmem_shared>> -> memref<80x128xf32, #tpu.memory_space<vmem_shared>>
      tpu.enqueue_dma source(%dma_start3A_72 : memref<80x128xf32, #tpu.memory_space<vmem_shared>>) target(%arg7 : memref<80x128xf32, #tpu.memory_space<vmem>>) target_semaphore(%run_scoped3A : memref<!tpu.dma_semaphore, #tpu.memory_space<semaphore_mem>>)
      %dma_wait3A = arith.constant 0 : i32
      %dma_wait3A_73 = tpu.memref_slice %arg9[%add3A_41, %dma_wait3A] : memref<10240x128xf32, #tpu.memory_space<vmem_shared>> -> memref<80x128xf32, #tpu.memory_space<vmem_shared>>
      %dma_wait3A_74 = arith.constant 0 : i32
      %dma_wait3A_75 = tpu.memref_slice %arg9[%add3A_41, %dma_wait3A_74] : memref<10240x128xf32, #tpu.memory_space<vmem_shared>> -> memref<80x128xf32, #tpu.memory_space<vmem_shared>>
      tpu.wait_dma2 semaphore(%run_scoped3A : memref<!tpu.dma_semaphore, #tpu.memory_space<semaphore_mem>>) src(%dma_wait3A_75 : memref<80x128xf32, #tpu.memory_space<vmem_shared>>) dst(%arg7 : memref<80x128xf32, #tpu.memory_space<vmem>>)
      tpu.yield
    }) : () -> ()
    "tpu.region"() ({
      %run_scoped3A = tpu.sem_alloc : memref<!tpu.dma_semaphore, #tpu.memory_space<semaphore_mem>>
      %dma_start3A = arith.constant 0 : i32
      %dma_start3A_70 = tpu.memref_slice %arg5[%arg0, %add3A_41, %dma_start3A] : memref<2x10240x128xf32, #tpu.memory_space<hbm>> -> memref<1x80x128xf32, #tpu.memory_space<hbm>>
      %dma_start3A_71 = tpu.memref_squeeze %dma_start3A_70 : memref<1x80x128xf32, #tpu.memory_space<hbm>> -> memref<80x128xf32, #tpu.memory_space<hbm>>
      %dma_start3A_72 = arith.constant 0 : i32
      %dma_start3A_73 = tpu.memref_slice %arg5[%arg0, %add3A_41, %dma_start3A_72] : memref<2x10240x128xf32, #tpu.memory_space<hbm>> -> memref<1x80x128xf32, #tpu.memory_space<hbm>>
      %dma_start3A_74 = tpu.memref_squeeze %dma_start3A_73 : memref<1x80x128xf32, #tpu.memory_space<hbm>> -> memref<80x128xf32, #tpu.memory_space<hbm>>
      tpu.enqueue_dma source(%arg7 : memref<80x128xf32, #tpu.memory_space<vmem>>) target(%dma_start3A_74 : memref<80x128xf32, #tpu.memory_space<hbm>>) target_semaphore(%run_scoped3A : memref<!tpu.dma_semaphore, #tpu.memory_space<semaphore_mem>>)
      %dma_wait3A = arith.constant 0 : i32
      %dma_wait3A_75 = tpu.memref_slice %arg5[%arg0, %add3A_41, %dma_wait3A] : memref<2x10240x128xf32, #tpu.memory_space<hbm>> -> memref<1x80x128xf32, #tpu.memory_space<hbm>>
      %dma_wait3A_76 = tpu.memref_squeeze %dma_wait3A_75 : memref<1x80x128xf32, #tpu.memory_space<hbm>> -> memref<80x128xf32, #tpu.memory_space<hbm>>
      %dma_wait3A_77 = arith.constant 0 : i32
      %dma_wait3A_78 = tpu.memref_slice %arg5[%arg0, %add3A_41, %dma_wait3A_77] : memref<2x10240x128xf32, #tpu.memory_space<hbm>> -> memref<1x80x128xf32, #tpu.memory_space<hbm>>
      %dma_wait3A_79 = tpu.memref_squeeze %dma_wait3A_78 : memref<1x80x128xf32, #tpu.memory_space<hbm>> -> memref<80x128xf32, #tpu.memory_space<hbm>>
      tpu.wait_dma2 semaphore(%run_scoped3A : memref<!tpu.dma_semaphore, #tpu.memory_space<semaphore_mem>>) src(%arg7 : memref<80x128xf32, #tpu.memory_space<vmem>>) dst(%dma_wait3A_79 : memref<80x128xf32, #tpu.memory_space<hbm>>)
      tpu.yield
    }) : () -> ()
    %mul3A_42 = arith.constant 640 : i32
    %mul3A_43 = arith.muli %arg1, %mul3A_42 : i32
    %add3A_44 = arith.constant 80 : i32
    %add3A_45 = arith.addi %mul3A_43, %add3A_44 : i32
    "tpu.region"() ({
      %run_scoped3A = tpu.sem_alloc : memref<!tpu.dma_semaphore, #tpu.memory_space<semaphore_mem>>
      %dma_start3A = arith.constant 0 : i32
      %dma_start3A_70 = tpu.memref_slice %arg9[%add3A_45, %dma_start3A] : memref<10240x128xf32, #tpu.memory_space<vmem_shared>> -> memref<80x128xf32, #tpu.memory_space<vmem_shared>>
      %dma_start3A_71 = arith.constant 0 : i32
      %dma_start3A_72 = tpu.memref_slice %arg9[%add3A_45, %dma_start3A_71] : memref<10240x128xf32, #tpu.memory_space<vmem_shared>> -> memref<80x128xf32, #tpu.memory_space<vmem_shared>>
      tpu.enqueue_dma source(%dma_start3A_72 : memref<80x128xf32, #tpu.memory_space<vmem_shared>>) target(%arg7 : memref<80x128xf32, #tpu.memory_space<vmem>>) target_semaphore(%run_scoped3A : memref<!tpu.dma_semaphore, #tpu.memory_space<semaphore_mem>>)
      %dma_wait3A = arith.constant 0 : i32
      %dma_wait3A_73 = tpu.memref_slice %arg9[%add3A_45, %dma_wait3A] : memref<10240x128xf32, #tpu.memory_space<vmem_shared>> -> memref<80x128xf32, #tpu.memory_space<vmem_shared>>
      %dma_wait3A_74 = arith.constant 0 : i32
      %dma_wait3A_75 = tpu.memref_slice %arg9[%add3A_45, %dma_wait3A_74] : memref<10240x128xf32, #tpu.memory_space<vmem_shared>> -> memref<80x128xf32, #tpu.memory_space<vmem_shared>>
      tpu.wait_dma2 semaphore(%run_scoped3A : memref<!tpu.dma_semaphore, #tpu.memory_space<semaphore_mem>>) src(%dma_wait3A_75 : memref<80x128xf32, #tpu.memory_space<vmem_shared>>) dst(%arg7 : memref<80x128xf32, #tpu.memory_space<vmem>>)
      tpu.yield
    }) : () -> ()
    "tpu.region"() ({
      %run_scoped3A = tpu.sem_alloc : memref<!tpu.dma_semaphore, #tpu.memory_space<semaphore_mem>>
      %dma_start3A = arith.constant 0 : i32
      %dma_start3A_70 = tpu.memref_slice %arg5[%arg0, %add3A_45, %dma_start3A] : memref<2x10240x128xf32, #tpu.memory_space<hbm>> -> memref<1x80x128xf32, #tpu.memory_space<hbm>>
      %dma_start3A_71 = tpu.memref_squeeze %dma_start3A_70 : memref<1x80x128xf32, #tpu.memory_space<hbm>> -> memref<80x128xf32, #tpu.memory_space<hbm>>
      %dma_start3A_72 = arith.constant 0 : i32
      %dma_start3A_73 = tpu.memref_slice %arg5[%arg0, %add3A_45, %dma_start3A_72] : memref<2x10240x128xf32, #tpu.memory_space<hbm>> -> memref<1x80x128xf32, #tpu.memory_space<hbm>>
      %dma_start3A_74 = tpu.memref_squeeze %dma_start3A_73 : memref<1x80x128xf32, #tpu.memory_space<hbm>> -> memref<80x128xf32, #tpu.memory_space<hbm>>
      tpu.enqueue_dma source(%arg7 : memref<80x128xf32, #tpu.memory_space<vmem>>) target(%dma_start3A_74 : memref<80x128xf32, #tpu.memory_space<hbm>>) target_semaphore(%run_scoped3A : memref<!tpu.dma_semaphore, #tpu.memory_space<semaphore_mem>>)
      %dma_wait3A = arith.constant 0 : i32
      %dma_wait3A_75 = tpu.memref_slice %arg5[%arg0, %add3A_45, %dma_wait3A] : memref<2x10240x128xf32, #tpu.memory_space<hbm>> -> memref<1x80x128xf32, #tpu.memory_space<hbm>>
      %dma_wait3A_76 = tpu.memref_squeeze %dma_wait3A_75 : memref<1x80x128xf32, #tpu.memory_space<hbm>> -> memref<80x128xf32, #tpu.memory_space<hbm>>
      %dma_wait3A_77 = arith.constant 0 : i32
      %dma_wait3A_78 = tpu.memref_slice %arg5[%arg0, %add3A_45, %dma_wait3A_77] : memref<2x10240x128xf32, #tpu.memory_space<hbm>> -> memref<1x80x128xf32, #tpu.memory_space<hbm>>
      %dma_wait3A_79 = tpu.memref_squeeze %dma_wait3A_78 : memref<1x80x128xf32, #tpu.memory_space<hbm>> -> memref<80x128xf32, #tpu.memory_space<hbm>>
      tpu.wait_dma2 semaphore(%run_scoped3A : memref<!tpu.dma_semaphore, #tpu.memory_space<semaphore_mem>>) src(%arg7 : memref<80x128xf32, #tpu.memory_space<vmem>>) dst(%dma_wait3A_79 : memref<80x128xf32, #tpu.memory_space<hbm>>)
      tpu.yield
    }) : () -> ()
    %mul3A_46 = arith.constant 640 : i32
    %mul3A_47 = arith.muli %arg1, %mul3A_46 : i32
    %add3A_48 = arith.constant 160 : i32
    %add3A_49 = arith.addi %mul3A_47, %add3A_48 : i32
    "tpu.region"() ({
      %run_scoped3A = tpu.sem_alloc : memref<!tpu.dma_semaphore, #tpu.memory_space<semaphore_mem>>
      %dma_start3A = arith.constant 0 : i32
      %dma_start3A_70 = tpu.memref_slice %arg9[%add3A_49, %dma_start3A] : memref<10240x128xf32, #tpu.memory_space<vmem_shared>> -> memref<80x128xf32, #tpu.memory_space<vmem_shared>>
      %dma_start3A_71 = arith.constant 0 : i32
      %dma_start3A_72 = tpu.memref_slice %arg9[%add3A_49, %dma_start3A_71] : memref<10240x128xf32, #tpu.memory_space<vmem_shared>> -> memref<80x128xf32, #tpu.memory_space<vmem_shared>>
      tpu.enqueue_dma source(%dma_start3A_72 : memref<80x128xf32, #tpu.memory_space<vmem_shared>>) target(%arg7 : memref<80x128xf32, #tpu.memory_space<vmem>>) target_semaphore(%run_scoped3A : memref<!tpu.dma_semaphore, #tpu.memory_space<semaphore_mem>>)
      %dma_wait3A = arith.constant 0 : i32
      %dma_wait3A_73 = tpu.memref_slice %arg9[%add3A_49, %dma_wait3A] : memref<10240x128xf32, #tpu.memory_space<vmem_shared>> -> memref<80x128xf32, #tpu.memory_space<vmem_shared>>
      %dma_wait3A_74 = arith.constant 0 : i32
      %dma_wait3A_75 = tpu.memref_slice %arg9[%add3A_49, %dma_wait3A_74] : memref<10240x128xf32, #tpu.memory_space<vmem_shared>> -> memref<80x128xf32, #tpu.memory_space<vmem_shared>>
      tpu.wait_dma2 semaphore(%run_scoped3A : memref<!tpu.dma_semaphore, #tpu.memory_space<semaphore_mem>>) src(%dma_wait3A_75 : memref<80x128xf32, #tpu.memory_space<vmem_shared>>) dst(%arg7 : memref<80x128xf32, #tpu.memory_space<vmem>>)
      tpu.yield
    }) : () -> ()
    "tpu.region"() ({
      %run_scoped3A = tpu.sem_alloc : memref<!tpu.dma_semaphore, #tpu.memory_space<semaphore_mem>>
      %dma_start3A = arith.constant 0 : i32
      %dma_start3A_70 = tpu.memref_slice %arg5[%arg0, %add3A_49, %dma_start3A] : memref<2x10240x128xf32, #tpu.memory_space<hbm>> -> memref<1x80x128xf32, #tpu.memory_space<hbm>>
      %dma_start3A_71 = tpu.memref_squeeze %dma_start3A_70 : memref<1x80x128xf32, #tpu.memory_space<hbm>> -> memref<80x128xf32, #tpu.memory_space<hbm>>
      %dma_start3A_72 = arith.constant 0 : i32
      %dma_start3A_73 = tpu.memref_slice %arg5[%arg0, %add3A_49, %dma_start3A_72] : memref<2x10240x128xf32, #tpu.memory_space<hbm>> -> memref<1x80x128xf32, #tpu.memory_space<hbm>>
      %dma_start3A_74 = tpu.memref_squeeze %dma_start3A_73 : memref<1x80x128xf32, #tpu.memory_space<hbm>> -> memref<80x128xf32, #tpu.memory_space<hbm>>
      tpu.enqueue_dma source(%arg7 : memref<80x128xf32, #tpu.memory_space<vmem>>) target(%dma_start3A_74 : memref<80x128xf32, #tpu.memory_space<hbm>>) target_semaphore(%run_scoped3A : memref<!tpu.dma_semaphore, #tpu.memory_space<semaphore_mem>>)
      %dma_wait3A = arith.constant 0 : i32
      %dma_wait3A_75 = tpu.memref_slice %arg5[%arg0, %add3A_49, %dma_wait3A] : memref<2x10240x128xf32, #tpu.memory_space<hbm>> -> memref<1x80x128xf32, #tpu.memory_space<hbm>>
      %dma_wait3A_76 = tpu.memref_squeeze %dma_wait3A_75 : memref<1x80x128xf32, #tpu.memory_space<hbm>> -> memref<80x128xf32, #tpu.memory_space<hbm>>
      %dma_wait3A_77 = arith.constant 0 : i32
      %dma_wait3A_78 = tpu.memref_slice %arg5[%arg0, %add3A_49, %dma_wait3A_77] : memref<2x10240x128xf32, #tpu.memory_space<hbm>> -> memref<1x80x128xf32, #tpu.memory_space<hbm>>
      %dma_wait3A_79 = tpu.memref_squeeze %dma_wait3A_78 : memref<1x80x128xf32, #tpu.memory_space<hbm>> -> memref<80x128xf32, #tpu.memory_space<hbm>>
      tpu.wait_dma2 semaphore(%run_scoped3A : memref<!tpu.dma_semaphore, #tpu.memory_space<semaphore_mem>>) src(%arg7 : memref<80x128xf32, #tpu.memory_space<vmem>>) dst(%dma_wait3A_79 : memref<80x128xf32, #tpu.memory_space<hbm>>)
      tpu.yield
    }) : () -> ()
    %mul3A_50 = arith.constant 640 : i32
    %mul3A_51 = arith.muli %arg1, %mul3A_50 : i32
    %add3A_52 = arith.constant 240 : i32
    %add3A_53 = arith.addi %mul3A_51, %add3A_52 : i32
    "tpu.region"() ({
      %run_scoped3A = tpu.sem_alloc : memref<!tpu.dma_semaphore, #tpu.memory_space<semaphore_mem>>
      %dma_start3A = arith.constant 0 : i32
      %dma_start3A_70 = tpu.memref_slice %arg9[%add3A_53, %dma_start3A] : memref<10240x128xf32, #tpu.memory_space<vmem_shared>> -> memref<80x128xf32, #tpu.memory_space<vmem_shared>>
      %dma_start3A_71 = arith.constant 0 : i32
      %dma_start3A_72 = tpu.memref_slice %arg9[%add3A_53, %dma_start3A_71] : memref<10240x128xf32, #tpu.memory_space<vmem_shared>> -> memref<80x128xf32, #tpu.memory_space<vmem_shared>>
      tpu.enqueue_dma source(%dma_start3A_72 : memref<80x128xf32, #tpu.memory_space<vmem_shared>>) target(%arg7 : memref<80x128xf32, #tpu.memory_space<vmem>>) target_semaphore(%run_scoped3A : memref<!tpu.dma_semaphore, #tpu.memory_space<semaphore_mem>>)
      %dma_wait3A = arith.constant 0 : i32
      %dma_wait3A_73 = tpu.memref_slice %arg9[%add3A_53, %dma_wait3A] : memref<10240x128xf32, #tpu.memory_space<vmem_shared>> -> memref<80x128xf32, #tpu.memory_space<vmem_shared>>
      %dma_wait3A_74 = arith.constant 0 : i32
      %dma_wait3A_75 = tpu.memref_slice %arg9[%add3A_53, %dma_wait3A_74] : memref<10240x128xf32, #tpu.memory_space<vmem_shared>> -> memref<80x128xf32, #tpu.memory_space<vmem_shared>>
      tpu.wait_dma2 semaphore(%run_scoped3A : memref<!tpu.dma_semaphore, #tpu.memory_space<semaphore_mem>>) src(%dma_wait3A_75 : memref<80x128xf32, #tpu.memory_space<vmem_shared>>) dst(%arg7 : memref<80x128xf32, #tpu.memory_space<vmem>>)
      tpu.yield
    }) : () -> ()
    "tpu.region"() ({
      %run_scoped3A = tpu.sem_alloc : memref<!tpu.dma_semaphore, #tpu.memory_space<semaphore_mem>>
      %dma_start3A = arith.constant 0 : i32
      %dma_start3A_70 = tpu.memref_slice %arg5[%arg0, %add3A_53, %dma_start3A] : memref<2x10240x128xf32, #tpu.memory_space<hbm>> -> memref<1x80x128xf32, #tpu.memory_space<hbm>>
      %dma_start3A_71 = tpu.memref_squeeze %dma_start3A_70 : memref<1x80x128xf32, #tpu.memory_space<hbm>> -> memref<80x128xf32, #tpu.memory_space<hbm>>
      %dma_start3A_72 = arith.constant 0 : i32
      %dma_start3A_73 = tpu.memref_slice %arg5[%arg0, %add3A_53, %dma_start3A_72] : memref<2x10240x128xf32, #tpu.memory_space<hbm>> -> memref<1x80x128xf32, #tpu.memory_space<hbm>>
      %dma_start3A_74 = tpu.memref_squeeze %dma_start3A_73 : memref<1x80x128xf32, #tpu.memory_space<hbm>> -> memref<80x128xf32, #tpu.memory_space<hbm>>
      tpu.enqueue_dma source(%arg7 : memref<80x128xf32, #tpu.memory_space<vmem>>) target(%dma_start3A_74 : memref<80x128xf32, #tpu.memory_space<hbm>>) target_semaphore(%run_scoped3A : memref<!tpu.dma_semaphore, #tpu.memory_space<semaphore_mem>>)
      %dma_wait3A = arith.constant 0 : i32
      %dma_wait3A_75 = tpu.memref_slice %arg5[%arg0, %add3A_53, %dma_wait3A] : memref<2x10240x128xf32, #tpu.memory_space<hbm>> -> memref<1x80x128xf32, #tpu.memory_space<hbm>>
      %dma_wait3A_76 = tpu.memref_squeeze %dma_wait3A_75 : memref<1x80x128xf32, #tpu.memory_space<hbm>> -> memref<80x128xf32, #tpu.memory_space<hbm>>
      %dma_wait3A_77 = arith.constant 0 : i32
      %dma_wait3A_78 = tpu.memref_slice %arg5[%arg0, %add3A_53, %dma_wait3A_77] : memref<2x10240x128xf32, #tpu.memory_space<hbm>> -> memref<1x80x128xf32, #tpu.memory_space<hbm>>
      %dma_wait3A_79 = tpu.memref_squeeze %dma_wait3A_78 : memref<1x80x128xf32, #tpu.memory_space<hbm>> -> memref<80x128xf32, #tpu.memory_space<hbm>>
      tpu.wait_dma2 semaphore(%run_scoped3A : memref<!tpu.dma_semaphore, #tpu.memory_space<semaphore_mem>>) src(%arg7 : memref<80x128xf32, #tpu.memory_space<vmem>>) dst(%dma_wait3A_79 : memref<80x128xf32, #tpu.memory_space<hbm>>)
      tpu.yield
    }) : () -> ()
    %mul3A_54 = arith.constant 640 : i32
    %mul3A_55 = arith.muli %arg1, %mul3A_54 : i32
    %add3A_56 = arith.constant 320 : i32
    %add3A_57 = arith.addi %mul3A_55, %add3A_56 : i32
    "tpu.region"() ({
      %run_scoped3A = tpu.sem_alloc : memref<!tpu.dma_semaphore, #tpu.memory_space<semaphore_mem>>
      %dma_start3A = arith.constant 0 : i32
      %dma_start3A_70 = tpu.memref_slice %arg9[%add3A_57, %dma_start3A] : memref<10240x128xf32, #tpu.memory_space<vmem_shared>> -> memref<80x128xf32, #tpu.memory_space<vmem_shared>>
      %dma_start3A_71 = arith.constant 0 : i32
      %dma_start3A_72 = tpu.memref_slice %arg9[%add3A_57, %dma_start3A_71] : memref<10240x128xf32, #tpu.memory_space<vmem_shared>> -> memref<80x128xf32, #tpu.memory_space<vmem_shared>>
      tpu.enqueue_dma source(%dma_start3A_72 : memref<80x128xf32, #tpu.memory_space<vmem_shared>>) target(%arg7 : memref<80x128xf32, #tpu.memory_space<vmem>>) target_semaphore(%run_scoped3A : memref<!tpu.dma_semaphore, #tpu.memory_space<semaphore_mem>>)
      %dma_wait3A = arith.constant 0 : i32
      %dma_wait3A_73 = tpu.memref_slice %arg9[%add3A_57, %dma_wait3A] : memref<10240x128xf32, #tpu.memory_space<vmem_shared>> -> memref<80x128xf32, #tpu.memory_space<vmem_shared>>
      %dma_wait3A_74 = arith.constant 0 : i32
      %dma_wait3A_75 = tpu.memref_slice %arg9[%add3A_57, %dma_wait3A_74] : memref<10240x128xf32, #tpu.memory_space<vmem_shared>> -> memref<80x128xf32, #tpu.memory_space<vmem_shared>>
      tpu.wait_dma2 semaphore(%run_scoped3A : memref<!tpu.dma_semaphore, #tpu.memory_space<semaphore_mem>>) src(%dma_wait3A_75 : memref<80x128xf32, #tpu.memory_space<vmem_shared>>) dst(%arg7 : memref<80x128xf32, #tpu.memory_space<vmem>>)
      tpu.yield
    }) : () -> ()
    "tpu.region"() ({
      %run_scoped3A = tpu.sem_alloc : memref<!tpu.dma_semaphore, #tpu.memory_space<semaphore_mem>>
      %dma_start3A = arith.constant 0 : i32
      %dma_start3A_70 = tpu.memref_slice %arg5[%arg0, %add3A_57, %dma_start3A] : memref<2x10240x128xf32, #tpu.memory_space<hbm>> -> memref<1x80x128xf32, #tpu.memory_space<hbm>>
      %dma_start3A_71 = tpu.memref_squeeze %dma_start3A_70 : memref<1x80x128xf32, #tpu.memory_space<hbm>> -> memref<80x128xf32, #tpu.memory_space<hbm>>
      %dma_start3A_72 = arith.constant 0 : i32
      %dma_start3A_73 = tpu.memref_slice %arg5[%arg0, %add3A_57, %dma_start3A_72] : memref<2x10240x128xf32, #tpu.memory_space<hbm>> -> memref<1x80x128xf32, #tpu.memory_space<hbm>>
      %dma_start3A_74 = tpu.memref_squeeze %dma_start3A_73 : memref<1x80x128xf32, #tpu.memory_space<hbm>> -> memref<80x128xf32, #tpu.memory_space<hbm>>
      tpu.enqueue_dma source(%arg7 : memref<80x128xf32, #tpu.memory_space<vmem>>) target(%dma_start3A_74 : memref<80x128xf32, #tpu.memory_space<hbm>>) target_semaphore(%run_scoped3A : memref<!tpu.dma_semaphore, #tpu.memory_space<semaphore_mem>>)
      %dma_wait3A = arith.constant 0 : i32
      %dma_wait3A_75 = tpu.memref_slice %arg5[%arg0, %add3A_57, %dma_wait3A] : memref<2x10240x128xf32, #tpu.memory_space<hbm>> -> memref<1x80x128xf32, #tpu.memory_space<hbm>>
      %dma_wait3A_76 = tpu.memref_squeeze %dma_wait3A_75 : memref<1x80x128xf32, #tpu.memory_space<hbm>> -> memref<80x128xf32, #tpu.memory_space<hbm>>
      %dma_wait3A_77 = arith.constant 0 : i32
      %dma_wait3A_78 = tpu.memref_slice %arg5[%arg0, %add3A_57, %dma_wait3A_77] : memref<2x10240x128xf32, #tpu.memory_space<hbm>> -> memref<1x80x128xf32, #tpu.memory_space<hbm>>
      %dma_wait3A_79 = tpu.memref_squeeze %dma_wait3A_78 : memref<1x80x128xf32, #tpu.memory_space<hbm>> -> memref<80x128xf32, #tpu.memory_space<hbm>>
      tpu.wait_dma2 semaphore(%run_scoped3A : memref<!tpu.dma_semaphore, #tpu.memory_space<semaphore_mem>>) src(%arg7 : memref<80x128xf32, #tpu.memory_space<vmem>>) dst(%dma_wait3A_79 : memref<80x128xf32, #tpu.memory_space<hbm>>)
      tpu.yield
    }) : () -> ()
    %mul3A_58 = arith.constant 640 : i32
    %mul3A_59 = arith.muli %arg1, %mul3A_58 : i32
    %add3A_60 = arith.constant 400 : i32
    %add3A_61 = arith.addi %mul3A_59, %add3A_60 : i32
    "tpu.region"() ({
      %run_scoped3A = tpu.sem_alloc : memref<!tpu.dma_semaphore, #tpu.memory_space<semaphore_mem>>
      %dma_start3A = arith.constant 0 : i32
      %dma_start3A_70 = tpu.memref_slice %arg9[%add3A_61, %dma_start3A] : memref<10240x128xf32, #tpu.memory_space<vmem_shared>> -> memref<80x128xf32, #tpu.memory_space<vmem_shared>>
      %dma_start3A_71 = arith.constant 0 : i32
      %dma_start3A_72 = tpu.memref_slice %arg9[%add3A_61, %dma_start3A_71] : memref<10240x128xf32, #tpu.memory_space<vmem_shared>> -> memref<80x128xf32, #tpu.memory_space<vmem_shared>>
      tpu.enqueue_dma source(%dma_start3A_72 : memref<80x128xf32, #tpu.memory_space<vmem_shared>>) target(%arg7 : memref<80x128xf32, #tpu.memory_space<vmem>>) target_semaphore(%run_scoped3A : memref<!tpu.dma_semaphore, #tpu.memory_space<semaphore_mem>>)
      %dma_wait3A = arith.constant 0 : i32
      %dma_wait3A_73 = tpu.memref_slice %arg9[%add3A_61, %dma_wait3A] : memref<10240x128xf32, #tpu.memory_space<vmem_shared>> -> memref<80x128xf32, #tpu.memory_space<vmem_shared>>
      %dma_wait3A_74 = arith.constant 0 : i32
      %dma_wait3A_75 = tpu.memref_slice %arg9[%add3A_61, %dma_wait3A_74] : memref<10240x128xf32, #tpu.memory_space<vmem_shared>> -> memref<80x128xf32, #tpu.memory_space<vmem_shared>>
      tpu.wait_dma2 semaphore(%run_scoped3A : memref<!tpu.dma_semaphore, #tpu.memory_space<semaphore_mem>>) src(%dma_wait3A_75 : memref<80x128xf32, #tpu.memory_space<vmem_shared>>) dst(%arg7 : memref<80x128xf32, #tpu.memory_space<vmem>>)
      tpu.yield
    }) : () -> ()
    "tpu.region"() ({
      %run_scoped3A = tpu.sem_alloc : memref<!tpu.dma_semaphore, #tpu.memory_space<semaphore_mem>>
      %dma_start3A = arith.constant 0 : i32
      %dma_start3A_70 = tpu.memref_slice %arg5[%arg0, %add3A_61, %dma_start3A] : memref<2x10240x128xf32, #tpu.memory_space<hbm>> -> memref<1x80x128xf32, #tpu.memory_space<hbm>>
      %dma_start3A_71 = tpu.memref_squeeze %dma_start3A_70 : memref<1x80x128xf32, #tpu.memory_space<hbm>> -> memref<80x128xf32, #tpu.memory_space<hbm>>
      %dma_start3A_72 = arith.constant 0 : i32
      %dma_start3A_73 = tpu.memref_slice %arg5[%arg0, %add3A_61, %dma_start3A_72] : memref<2x10240x128xf32, #tpu.memory_space<hbm>> -> memref<1x80x128xf32, #tpu.memory_space<hbm>>
      %dma_start3A_74 = tpu.memref_squeeze %dma_start3A_73 : memref<1x80x128xf32, #tpu.memory_space<hbm>> -> memref<80x128xf32, #tpu.memory_space<hbm>>
      tpu.enqueue_dma source(%arg7 : memref<80x128xf32, #tpu.memory_space<vmem>>) target(%dma_start3A_74 : memref<80x128xf32, #tpu.memory_space<hbm>>) target_semaphore(%run_scoped3A : memref<!tpu.dma_semaphore, #tpu.memory_space<semaphore_mem>>)
      %dma_wait3A = arith.constant 0 : i32
      %dma_wait3A_75 = tpu.memref_slice %arg5[%arg0, %add3A_61, %dma_wait3A] : memref<2x10240x128xf32, #tpu.memory_space<hbm>> -> memref<1x80x128xf32, #tpu.memory_space<hbm>>
      %dma_wait3A_76 = tpu.memref_squeeze %dma_wait3A_75 : memref<1x80x128xf32, #tpu.memory_space<hbm>> -> memref<80x128xf32, #tpu.memory_space<hbm>>
      %dma_wait3A_77 = arith.constant 0 : i32
      %dma_wait3A_78 = tpu.memref_slice %arg5[%arg0, %add3A_61, %dma_wait3A_77] : memref<2x10240x128xf32, #tpu.memory_space<hbm>> -> memref<1x80x128xf32, #tpu.memory_space<hbm>>
      %dma_wait3A_79 = tpu.memref_squeeze %dma_wait3A_78 : memref<1x80x128xf32, #tpu.memory_space<hbm>> -> memref<80x128xf32, #tpu.memory_space<hbm>>
      tpu.wait_dma2 semaphore(%run_scoped3A : memref<!tpu.dma_semaphore, #tpu.memory_space<semaphore_mem>>) src(%arg7 : memref<80x128xf32, #tpu.memory_space<vmem>>) dst(%dma_wait3A_79 : memref<80x128xf32, #tpu.memory_space<hbm>>)
      tpu.yield
    }) : () -> ()
    %mul3A_62 = arith.constant 640 : i32
    %mul3A_63 = arith.muli %arg1, %mul3A_62 : i32
    %add3A_64 = arith.constant 480 : i32
    %add3A_65 = arith.addi %mul3A_63, %add3A_64 : i32
    "tpu.region"() ({
      %run_scoped3A = tpu.sem_alloc : memref<!tpu.dma_semaphore, #tpu.memory_space<semaphore_mem>>
      %dma_start3A = arith.constant 0 : i32
      %dma_start3A_70 = tpu.memref_slice %arg9[%add3A_65, %dma_start3A] : memref<10240x128xf32, #tpu.memory_space<vmem_shared>> -> memref<80x128xf32, #tpu.memory_space<vmem_shared>>
      %dma_start3A_71 = arith.constant 0 : i32
      %dma_start3A_72 = tpu.memref_slice %arg9[%add3A_65, %dma_start3A_71] : memref<10240x128xf32, #tpu.memory_space<vmem_shared>> -> memref<80x128xf32, #tpu.memory_space<vmem_shared>>
      tpu.enqueue_dma source(%dma_start3A_72 : memref<80x128xf32, #tpu.memory_space<vmem_shared>>) target(%arg7 : memref<80x128xf32, #tpu.memory_space<vmem>>) target_semaphore(%run_scoped3A : memref<!tpu.dma_semaphore, #tpu.memory_space<semaphore_mem>>)
      %dma_wait3A = arith.constant 0 : i32
      %dma_wait3A_73 = tpu.memref_slice %arg9[%add3A_65, %dma_wait3A] : memref<10240x128xf32, #tpu.memory_space<vmem_shared>> -> memref<80x128xf32, #tpu.memory_space<vmem_shared>>
      %dma_wait3A_74 = arith.constant 0 : i32
      %dma_wait3A_75 = tpu.memref_slice %arg9[%add3A_65, %dma_wait3A_74] : memref<10240x128xf32, #tpu.memory_space<vmem_shared>> -> memref<80x128xf32, #tpu.memory_space<vmem_shared>>
      tpu.wait_dma2 semaphore(%run_scoped3A : memref<!tpu.dma_semaphore, #tpu.memory_space<semaphore_mem>>) src(%dma_wait3A_75 : memref<80x128xf32, #tpu.memory_space<vmem_shared>>) dst(%arg7 : memref<80x128xf32, #tpu.memory_space<vmem>>)
      tpu.yield
    }) : () -> ()
    "tpu.region"() ({
      %run_scoped3A = tpu.sem_alloc : memref<!tpu.dma_semaphore, #tpu.memory_space<semaphore_mem>>
      %dma_start3A = arith.constant 0 : i32
      %dma_start3A_70 = tpu.memref_slice %arg5[%arg0, %add3A_65, %dma_start3A] : memref<2x10240x128xf32, #tpu.memory_space<hbm>> -> memref<1x80x128xf32, #tpu.memory_space<hbm>>
      %dma_start3A_71 = tpu.memref_squeeze %dma_start3A_70 : memref<1x80x128xf32, #tpu.memory_space<hbm>> -> memref<80x128xf32, #tpu.memory_space<hbm>>
      %dma_start3A_72 = arith.constant 0 : i32
      %dma_start3A_73 = tpu.memref_slice %arg5[%arg0, %add3A_65, %dma_start3A_72] : memref<2x10240x128xf32, #tpu.memory_space<hbm>> -> memref<1x80x128xf32, #tpu.memory_space<hbm>>
      %dma_start3A_74 = tpu.memref_squeeze %dma_start3A_73 : memref<1x80x128xf32, #tpu.memory_space<hbm>> -> memref<80x128xf32, #tpu.memory_space<hbm>>
      tpu.enqueue_dma source(%arg7 : memref<80x128xf32, #tpu.memory_space<vmem>>) target(%dma_start3A_74 : memref<80x128xf32, #tpu.memory_space<hbm>>) target_semaphore(%run_scoped3A : memref<!tpu.dma_semaphore, #tpu.memory_space<semaphore_mem>>)
      %dma_wait3A = arith.constant 0 : i32
      %dma_wait3A_75 = tpu.memref_slice %arg5[%arg0, %add3A_65, %dma_wait3A] : memref<2x10240x128xf32, #tpu.memory_space<hbm>> -> memref<1x80x128xf32, #tpu.memory_space<hbm>>
      %dma_wait3A_76 = tpu.memref_squeeze %dma_wait3A_75 : memref<1x80x128xf32, #tpu.memory_space<hbm>> -> memref<80x128xf32, #tpu.memory_space<hbm>>
      %dma_wait3A_77 = arith.constant 0 : i32
      %dma_wait3A_78 = tpu.memref_slice %arg5[%arg0, %add3A_65, %dma_wait3A_77] : memref<2x10240x128xf32, #tpu.memory_space<hbm>> -> memref<1x80x128xf32, #tpu.memory_space<hbm>>
      %dma_wait3A_79 = tpu.memref_squeeze %dma_wait3A_78 : memref<1x80x128xf32, #tpu.memory_space<hbm>> -> memref<80x128xf32, #tpu.memory_space<hbm>>
      tpu.wait_dma2 semaphore(%run_scoped3A : memref<!tpu.dma_semaphore, #tpu.memory_space<semaphore_mem>>) src(%arg7 : memref<80x128xf32, #tpu.memory_space<vmem>>) dst(%dma_wait3A_79 : memref<80x128xf32, #tpu.memory_space<hbm>>)
      tpu.yield
    }) : () -> ()
    %mul3A_66 = arith.constant 640 : i32
    %mul3A_67 = arith.muli %arg1, %mul3A_66 : i32
    %add3A_68 = arith.constant 560 : i32
    %add3A_69 = arith.addi %mul3A_67, %add3A_68 : i32
    "tpu.region"() ({
      %run_scoped3A = tpu.sem_alloc : memref<!tpu.dma_semaphore, #tpu.memory_space<semaphore_mem>>
      %dma_start3A = arith.constant 0 : i32
      %dma_start3A_70 = tpu.memref_slice %arg9[%add3A_69, %dma_start3A] : memref<10240x128xf32, #tpu.memory_space<vmem_shared>> -> memref<80x128xf32, #tpu.memory_space<vmem_shared>>
      %dma_start3A_71 = arith.constant 0 : i32
      %dma_start3A_72 = tpu.memref_slice %arg9[%add3A_69, %dma_start3A_71] : memref<10240x128xf32, #tpu.memory_space<vmem_shared>> -> memref<80x128xf32, #tpu.memory_space<vmem_shared>>
      tpu.enqueue_dma source(%dma_start3A_72 : memref<80x128xf32, #tpu.memory_space<vmem_shared>>) target(%arg7 : memref<80x128xf32, #tpu.memory_space<vmem>>) target_semaphore(%run_scoped3A : memref<!tpu.dma_semaphore, #tpu.memory_space<semaphore_mem>>)
      %dma_wait3A = arith.constant 0 : i32
      %dma_wait3A_73 = tpu.memref_slice %arg9[%add3A_69, %dma_wait3A] : memref<10240x128xf32, #tpu.memory_space<vmem_shared>> -> memref<80x128xf32, #tpu.memory_space<vmem_shared>>
      %dma_wait3A_74 = arith.constant 0 : i32
      %dma_wait3A_75 = tpu.memref_slice %arg9[%add3A_69, %dma_wait3A_74] : memref<10240x128xf32, #tpu.memory_space<vmem_shared>> -> memref<80x128xf32, #tpu.memory_space<vmem_shared>>
      tpu.wait_dma2 semaphore(%run_scoped3A : memref<!tpu.dma_semaphore, #tpu.memory_space<semaphore_mem>>) src(%dma_wait3A_75 : memref<80x128xf32, #tpu.memory_space<vmem_shared>>) dst(%arg7 : memref<80x128xf32, #tpu.memory_space<vmem>>)
      tpu.yield
    }) : () -> ()
    "tpu.region"() ({
      %run_scoped3A = tpu.sem_alloc : memref<!tpu.dma_semaphore, #tpu.memory_space<semaphore_mem>>
      %dma_start3A = arith.constant 0 : i32
      %dma_start3A_70 = tpu.memref_slice %arg5[%arg0, %add3A_69, %dma_start3A] : memref<2x10240x128xf32, #tpu.memory_space<hbm>> -> memref<1x80x128xf32, #tpu.memory_space<hbm>>
      %dma_start3A_71 = tpu.memref_squeeze %dma_start3A_70 : memref<1x80x128xf32, #tpu.memory_space<hbm>> -> memref<80x128xf32, #tpu.memory_space<hbm>>
      %dma_start3A_72 = arith.constant 0 : i32
      %dma_start3A_73 = tpu.memref_slice %arg5[%arg0, %add3A_69, %dma_start3A_72] : memref<2x10240x128xf32, #tpu.memory_space<hbm>> -> memref<1x80x128xf32, #tpu.memory_space<hbm>>
      %dma_start3A_74 = tpu.memref_squeeze %dma_start3A_73 : memref<1x80x128xf32, #tpu.memory_space<hbm>> -> memref<80x128xf32, #tpu.memory_space<hbm>>
      tpu.enqueue_dma source(%arg7 : memref<80x128xf32, #tpu.memory_space<vmem>>) target(%dma_start3A_74 : memref<80x128xf32, #tpu.memory_space<hbm>>) target_semaphore(%run_scoped3A : memref<!tpu.dma_semaphore, #tpu.memory_space<semaphore_mem>>)
      %dma_wait3A = arith.constant 0 : i32
      %dma_wait3A_75 = tpu.memref_slice %arg5[%arg0, %add3A_69, %dma_wait3A] : memref<2x10240x128xf32, #tpu.memory_space<hbm>> -> memref<1x80x128xf32, #tpu.memory_space<hbm>>
      %dma_wait3A_76 = tpu.memref_squeeze %dma_wait3A_75 : memref<1x80x128xf32, #tpu.memory_space<hbm>> -> memref<80x128xf32, #tpu.memory_space<hbm>>
      %dma_wait3A_77 = arith.constant 0 : i32
      %dma_wait3A_78 = tpu.memref_slice %arg5[%arg0, %add3A_69, %dma_wait3A_77] : memref<2x10240x128xf32, #tpu.memory_space<hbm>> -> memref<1x80x128xf32, #tpu.memory_space<hbm>>
      %dma_wait3A_79 = tpu.memref_squeeze %dma_wait3A_78 : memref<1x80x128xf32, #tpu.memory_space<hbm>> -> memref<80x128xf32, #tpu.memory_space<hbm>>
      tpu.wait_dma2 semaphore(%run_scoped3A : memref<!tpu.dma_semaphore, #tpu.memory_space<semaphore_mem>>) src(%arg7 : memref<80x128xf32, #tpu.memory_space<vmem>>) dst(%dma_wait3A_79 : memref<80x128xf32, #tpu.memory_space<hbm>>)
      tpu.yield
    }) : () -> ()
    return
  }
}

#map = affine_map<(d0, d1) -> (0, 0)>
#map1 = affine_map<(d0, d1) -> (0, 0, 0, 0)>
#map2 = affine_map<(d0, d1) -> (0, 0, 0)>
module attributes {stable_mosaic.version = 14 : i64} {
  func.func @_sc_scatter_body(%arg0: i32, %arg1: i32, %arg2: memref<323584x128xf32, #tpu.memory_space<hbm>>, %arg3: memref<32x125x1x80xi32, #tpu.memory_space<hbm>>, %arg4: memref<80x128xf32, #tpu.memory_space<hbm>>, %arg5: memref<2x10240x128xf32, #tpu.memory_space<hbm>>, %arg6: memref<125x1x80xi32, #tpu.memory_space<vmem>>, %arg7: memref<80x128xf32, #tpu.memory_space<vmem>>, %arg8: memref<80x128xf32, #tpu.memory_space<vmem>>, %arg9: memref<10240x128xf32, #tpu.memory_space<vmem_shared>>, %arg10: memref<!tpu.dma_semaphore, #tpu.memory_space<semaphore_mem>>, %arg11: memref<!tpu.dma_semaphore, #tpu.memory_space<semaphore_mem>>) attributes {dimension_semantics = [#tpu.dimension_semantics<core_parallel>, #tpu.dimension_semantics<subcore_parallel>], iteration_bounds = array<i64: 2, 16>, scalar_prefetch = 0 : i64, scratch_operands = 6 : i64, tpu.core_type = #tpu.core_type<sc_vector_subcore>, window_params = [{transform_indices = #map}, {transform_indices = #map1}, {transform_indices = #map}, {transform_indices = #map2}]} {
    %mul3A = arith.constant 2 : i32
    %mul3A_0 = arith.muli %arg1, %mul3A : i32
    %add3A = arith.addi %mul3A_0, %arg0 : i32
    %mul3A_1 = arith.constant 125 : i32
    %mul3A_2 = arith.muli %add3A, %mul3A_1 : i32
    "tpu.region"() ({
      %run_scoped3A = tpu.sem_alloc : memref<!tpu.dma_semaphore, #tpu.memory_space<semaphore_mem>>
      %dma_start3A_87 = arith.constant 0 : i32
      %dma_start3A_88 = arith.constant 0 : i32
      %dma_start3A_89 = arith.constant 0 : i32
      %dma_start3A_90 = tpu.memref_slice %arg3[%add3A, %dma_start3A_87, %dma_start3A_88, %dma_start3A_89] : memref<32x125x1x80xi32, #tpu.memory_space<hbm>> -> memref<1x125x1x80xi32, #tpu.memory_space<hbm>>
      %dma_start3A_91 = tpu.memref_squeeze %dma_start3A_90 : memref<1x125x1x80xi32, #tpu.memory_space<hbm>> -> memref<125x1x80xi32, #tpu.memory_space<hbm>>
      %dma_start3A_92 = arith.constant 0 : i32
      %dma_start3A_93 = arith.constant 0 : i32
      %dma_start3A_94 = arith.constant 0 : i32
      %dma_start3A_95 = tpu.memref_slice %arg3[%add3A, %dma_start3A_92, %dma_start3A_93, %dma_start3A_94] : memref<32x125x1x80xi32, #tpu.memory_space<hbm>> -> memref<1x125x1x80xi32, #tpu.memory_space<hbm>>
      %dma_start3A_96 = tpu.memref_squeeze %dma_start3A_95 : memref<1x125x1x80xi32, #tpu.memory_space<hbm>> -> memref<125x1x80xi32, #tpu.memory_space<hbm>>
      tpu.enqueue_dma source(%dma_start3A_96 : memref<125x1x80xi32, #tpu.memory_space<hbm>>) target(%arg6 : memref<125x1x80xi32, #tpu.memory_space<vmem>>) target_semaphore(%run_scoped3A : memref<!tpu.dma_semaphore, #tpu.memory_space<semaphore_mem>>)
      %dma_wait3A = arith.constant 0 : i32
      %dma_wait3A_97 = arith.constant 0 : i32
      %dma_wait3A_98 = arith.constant 0 : i32
      %dma_wait3A_99 = tpu.memref_slice %arg3[%add3A, %dma_wait3A, %dma_wait3A_97, %dma_wait3A_98] : memref<32x125x1x80xi32, #tpu.memory_space<hbm>> -> memref<1x125x1x80xi32, #tpu.memory_space<hbm>>
      %dma_wait3A_100 = tpu.memref_squeeze %dma_wait3A_99 : memref<1x125x1x80xi32, #tpu.memory_space<hbm>> -> memref<125x1x80xi32, #tpu.memory_space<hbm>>
      %dma_wait3A_101 = arith.constant 0 : i32
      %dma_wait3A_102 = arith.constant 0 : i32
      %dma_wait3A_103 = arith.constant 0 : i32
      %dma_wait3A_104 = tpu.memref_slice %arg3[%add3A, %dma_wait3A_101, %dma_wait3A_102, %dma_wait3A_103] : memref<32x125x1x80xi32, #tpu.memory_space<hbm>> -> memref<1x125x1x80xi32, #tpu.memory_space<hbm>>
      %dma_wait3A_105 = tpu.memref_squeeze %dma_wait3A_104 : memref<1x125x1x80xi32, #tpu.memory_space<hbm>> -> memref<125x1x80xi32, #tpu.memory_space<hbm>>
      tpu.wait_dma2 semaphore(%run_scoped3A : memref<!tpu.dma_semaphore, #tpu.memory_space<semaphore_mem>>) src(%dma_wait3A_105 : memref<125x1x80xi32, #tpu.memory_space<hbm>>) dst(%arg6 : memref<125x1x80xi32, #tpu.memory_space<vmem>>)
      tpu.yield
    }) : () -> ()
    "tpu.region"() ({
      %run_scoped3A = tpu.sem_alloc : memref<!tpu.dma_semaphore, #tpu.memory_space<semaphore_mem>>
      tpu.enqueue_dma source(%arg4 : memref<80x128xf32, #tpu.memory_space<hbm>>) target(%arg7 : memref<80x128xf32, #tpu.memory_space<vmem>>) target_semaphore(%run_scoped3A : memref<!tpu.dma_semaphore, #tpu.memory_space<semaphore_mem>>)
      tpu.wait_dma2 semaphore(%run_scoped3A : memref<!tpu.dma_semaphore, #tpu.memory_space<semaphore_mem>>) src(%arg4 : memref<80x128xf32, #tpu.memory_space<hbm>>) dst(%arg7 : memref<80x128xf32, #tpu.memory_space<vmem>>)
      tpu.yield
    }) : () -> ()
    %mul3A_3 = arith.constant 640 : i32
    %mul3A_4 = arith.muli %arg1, %mul3A_3 : i32
    %add3A_5 = arith.constant 0 : i32
    %add3A_6 = arith.addi %mul3A_4, %add3A_5 : i32
    "tpu.region"() ({
      %run_scoped3A = tpu.sem_alloc : memref<!tpu.dma_semaphore, #tpu.memory_space<semaphore_mem>>
      %dma_start3A_87 = arith.constant 0 : i32
      %dma_start3A_88 = tpu.memref_slice %arg9[%add3A_6, %dma_start3A_87] : memref<10240x128xf32, #tpu.memory_space<vmem_shared>> -> memref<80x128xf32, #tpu.memory_space<vmem_shared>>
      %dma_start3A_89 = arith.constant 0 : i32
      %dma_start3A_90 = tpu.memref_slice %arg9[%add3A_6, %dma_start3A_89] : memref<10240x128xf32, #tpu.memory_space<vmem_shared>> -> memref<80x128xf32, #tpu.memory_space<vmem_shared>>
      tpu.enqueue_dma source(%arg7 : memref<80x128xf32, #tpu.memory_space<vmem>>) target(%dma_start3A_90 : memref<80x128xf32, #tpu.memory_space<vmem_shared>>) target_semaphore(%run_scoped3A : memref<!tpu.dma_semaphore, #tpu.memory_space<semaphore_mem>>)
      %dma_wait3A = arith.constant 0 : i32
      %dma_wait3A_91 = tpu.memref_slice %arg9[%add3A_6, %dma_wait3A] : memref<10240x128xf32, #tpu.memory_space<vmem_shared>> -> memref<80x128xf32, #tpu.memory_space<vmem_shared>>
      %dma_wait3A_92 = arith.constant 0 : i32
      %dma_wait3A_93 = tpu.memref_slice %arg9[%add3A_6, %dma_wait3A_92] : memref<10240x128xf32, #tpu.memory_space<vmem_shared>> -> memref<80x128xf32, #tpu.memory_space<vmem_shared>>
      tpu.wait_dma2 semaphore(%run_scoped3A : memref<!tpu.dma_semaphore, #tpu.memory_space<semaphore_mem>>) src(%arg7 : memref<80x128xf32, #tpu.memory_space<vmem>>) dst(%dma_wait3A_93 : memref<80x128xf32, #tpu.memory_space<vmem_shared>>)
      tpu.yield
    }) : () -> ()
    %mul3A_7 = arith.constant 640 : i32
    %mul3A_8 = arith.muli %arg1, %mul3A_7 : i32
    %add3A_9 = arith.constant 80 : i32
    %add3A_10 = arith.addi %mul3A_8, %add3A_9 : i32
    "tpu.region"() ({
      %run_scoped3A = tpu.sem_alloc : memref<!tpu.dma_semaphore, #tpu.memory_space<semaphore_mem>>
      %dma_start3A_87 = arith.constant 0 : i32
      %dma_start3A_88 = tpu.memref_slice %arg9[%add3A_10, %dma_start3A_87] : memref<10240x128xf32, #tpu.memory_space<vmem_shared>> -> memref<80x128xf32, #tpu.memory_space<vmem_shared>>
      %dma_start3A_89 = arith.constant 0 : i32
      %dma_start3A_90 = tpu.memref_slice %arg9[%add3A_10, %dma_start3A_89] : memref<10240x128xf32, #tpu.memory_space<vmem_shared>> -> memref<80x128xf32, #tpu.memory_space<vmem_shared>>
      tpu.enqueue_dma source(%arg7 : memref<80x128xf32, #tpu.memory_space<vmem>>) target(%dma_start3A_90 : memref<80x128xf32, #tpu.memory_space<vmem_shared>>) target_semaphore(%run_scoped3A : memref<!tpu.dma_semaphore, #tpu.memory_space<semaphore_mem>>)
      %dma_wait3A = arith.constant 0 : i32
      %dma_wait3A_91 = tpu.memref_slice %arg9[%add3A_10, %dma_wait3A] : memref<10240x128xf32, #tpu.memory_space<vmem_shared>> -> memref<80x128xf32, #tpu.memory_space<vmem_shared>>
      %dma_wait3A_92 = arith.constant 0 : i32
      %dma_wait3A_93 = tpu.memref_slice %arg9[%add3A_10, %dma_wait3A_92] : memref<10240x128xf32, #tpu.memory_space<vmem_shared>> -> memref<80x128xf32, #tpu.memory_space<vmem_shared>>
      tpu.wait_dma2 semaphore(%run_scoped3A : memref<!tpu.dma_semaphore, #tpu.memory_space<semaphore_mem>>) src(%arg7 : memref<80x128xf32, #tpu.memory_space<vmem>>) dst(%dma_wait3A_93 : memref<80x128xf32, #tpu.memory_space<vmem_shared>>)
      tpu.yield
    }) : () -> ()
    %mul3A_11 = arith.constant 640 : i32
    %mul3A_12 = arith.muli %arg1, %mul3A_11 : i32
    %add3A_13 = arith.constant 160 : i32
    %add3A_14 = arith.addi %mul3A_12, %add3A_13 : i32
    "tpu.region"() ({
      %run_scoped3A = tpu.sem_alloc : memref<!tpu.dma_semaphore, #tpu.memory_space<semaphore_mem>>
      %dma_start3A_87 = arith.constant 0 : i32
      %dma_start3A_88 = tpu.memref_slice %arg9[%add3A_14, %dma_start3A_87] : memref<10240x128xf32, #tpu.memory_space<vmem_shared>> -> memref<80x128xf32, #tpu.memory_space<vmem_shared>>
      %dma_start3A_89 = arith.constant 0 : i32
      %dma_start3A_90 = tpu.memref_slice %arg9[%add3A_14, %dma_start3A_89] : memref<10240x128xf32, #tpu.memory_space<vmem_shared>> -> memref<80x128xf32, #tpu.memory_space<vmem_shared>>
      tpu.enqueue_dma source(%arg7 : memref<80x128xf32, #tpu.memory_space<vmem>>) target(%dma_start3A_90 : memref<80x128xf32, #tpu.memory_space<vmem_shared>>) target_semaphore(%run_scoped3A : memref<!tpu.dma_semaphore, #tpu.memory_space<semaphore_mem>>)
      %dma_wait3A = arith.constant 0 : i32
      %dma_wait3A_91 = tpu.memref_slice %arg9[%add3A_14, %dma_wait3A] : memref<10240x128xf32, #tpu.memory_space<vmem_shared>> -> memref<80x128xf32, #tpu.memory_space<vmem_shared>>
      %dma_wait3A_92 = arith.constant 0 : i32
      %dma_wait3A_93 = tpu.memref_slice %arg9[%add3A_14, %dma_wait3A_92] : memref<10240x128xf32, #tpu.memory_space<vmem_shared>> -> memref<80x128xf32, #tpu.memory_space<vmem_shared>>
      tpu.wait_dma2 semaphore(%run_scoped3A : memref<!tpu.dma_semaphore, #tpu.memory_space<semaphore_mem>>) src(%arg7 : memref<80x128xf32, #tpu.memory_space<vmem>>) dst(%dma_wait3A_93 : memref<80x128xf32, #tpu.memory_space<vmem_shared>>)
      tpu.yield
    }) : () -> ()
    %mul3A_15 = arith.constant 640 : i32
    %mul3A_16 = arith.muli %arg1, %mul3A_15 : i32
    %add3A_17 = arith.constant 240 : i32
    %add3A_18 = arith.addi %mul3A_16, %add3A_17 : i32
    "tpu.region"() ({
      %run_scoped3A = tpu.sem_alloc : memref<!tpu.dma_semaphore, #tpu.memory_space<semaphore_mem>>
      %dma_start3A_87 = arith.constant 0 : i32
      %dma_start3A_88 = tpu.memref_slice %arg9[%add3A_18, %dma_start3A_87] : memref<10240x128xf32, #tpu.memory_space<vmem_shared>> -> memref<80x128xf32, #tpu.memory_space<vmem_shared>>
      %dma_start3A_89 = arith.constant 0 : i32
      %dma_start3A_90 = tpu.memref_slice %arg9[%add3A_18, %dma_start3A_89] : memref<10240x128xf32, #tpu.memory_space<vmem_shared>> -> memref<80x128xf32, #tpu.memory_space<vmem_shared>>
      tpu.enqueue_dma source(%arg7 : memref<80x128xf32, #tpu.memory_space<vmem>>) target(%dma_start3A_90 : memref<80x128xf32, #tpu.memory_space<vmem_shared>>) target_semaphore(%run_scoped3A : memref<!tpu.dma_semaphore, #tpu.memory_space<semaphore_mem>>)
      %dma_wait3A = arith.constant 0 : i32
      %dma_wait3A_91 = tpu.memref_slice %arg9[%add3A_18, %dma_wait3A] : memref<10240x128xf32, #tpu.memory_space<vmem_shared>> -> memref<80x128xf32, #tpu.memory_space<vmem_shared>>
      %dma_wait3A_92 = arith.constant 0 : i32
      %dma_wait3A_93 = tpu.memref_slice %arg9[%add3A_18, %dma_wait3A_92] : memref<10240x128xf32, #tpu.memory_space<vmem_shared>> -> memref<80x128xf32, #tpu.memory_space<vmem_shared>>
      tpu.wait_dma2 semaphore(%run_scoped3A : memref<!tpu.dma_semaphore, #tpu.memory_space<semaphore_mem>>) src(%arg7 : memref<80x128xf32, #tpu.memory_space<vmem>>) dst(%dma_wait3A_93 : memref<80x128xf32, #tpu.memory_space<vmem_shared>>)
      tpu.yield
    }) : () -> ()
    %mul3A_19 = arith.constant 640 : i32
    %mul3A_20 = arith.muli %arg1, %mul3A_19 : i32
    %add3A_21 = arith.constant 320 : i32
    %add3A_22 = arith.addi %mul3A_20, %add3A_21 : i32
    "tpu.region"() ({
      %run_scoped3A = tpu.sem_alloc : memref<!tpu.dma_semaphore, #tpu.memory_space<semaphore_mem>>
      %dma_start3A_87 = arith.constant 0 : i32
      %dma_start3A_88 = tpu.memref_slice %arg9[%add3A_22, %dma_start3A_87] : memref<10240x128xf32, #tpu.memory_space<vmem_shared>> -> memref<80x128xf32, #tpu.memory_space<vmem_shared>>
      %dma_start3A_89 = arith.constant 0 : i32
      %dma_start3A_90 = tpu.memref_slice %arg9[%add3A_22, %dma_start3A_89] : memref<10240x128xf32, #tpu.memory_space<vmem_shared>> -> memref<80x128xf32, #tpu.memory_space<vmem_shared>>
      tpu.enqueue_dma source(%arg7 : memref<80x128xf32, #tpu.memory_space<vmem>>) target(%dma_start3A_90 : memref<80x128xf32, #tpu.memory_space<vmem_shared>>) target_semaphore(%run_scoped3A : memref<!tpu.dma_semaphore, #tpu.memory_space<semaphore_mem>>)
      %dma_wait3A = arith.constant 0 : i32
      %dma_wait3A_91 = tpu.memref_slice %arg9[%add3A_22, %dma_wait3A] : memref<10240x128xf32, #tpu.memory_space<vmem_shared>> -> memref<80x128xf32, #tpu.memory_space<vmem_shared>>
      %dma_wait3A_92 = arith.constant 0 : i32
      %dma_wait3A_93 = tpu.memref_slice %arg9[%add3A_22, %dma_wait3A_92] : memref<10240x128xf32, #tpu.memory_space<vmem_shared>> -> memref<80x128xf32, #tpu.memory_space<vmem_shared>>
      tpu.wait_dma2 semaphore(%run_scoped3A : memref<!tpu.dma_semaphore, #tpu.memory_space<semaphore_mem>>) src(%arg7 : memref<80x128xf32, #tpu.memory_space<vmem>>) dst(%dma_wait3A_93 : memref<80x128xf32, #tpu.memory_space<vmem_shared>>)
      tpu.yield
    }) : () -> ()
    %mul3A_23 = arith.constant 640 : i32
    %mul3A_24 = arith.muli %arg1, %mul3A_23 : i32
    %add3A_25 = arith.constant 400 : i32
    %add3A_26 = arith.addi %mul3A_24, %add3A_25 : i32
    "tpu.region"() ({
      %run_scoped3A = tpu.sem_alloc : memref<!tpu.dma_semaphore, #tpu.memory_space<semaphore_mem>>
      %dma_start3A_87 = arith.constant 0 : i32
      %dma_start3A_88 = tpu.memref_slice %arg9[%add3A_26, %dma_start3A_87] : memref<10240x128xf32, #tpu.memory_space<vmem_shared>> -> memref<80x128xf32, #tpu.memory_space<vmem_shared>>
      %dma_start3A_89 = arith.constant 0 : i32
      %dma_start3A_90 = tpu.memref_slice %arg9[%add3A_26, %dma_start3A_89] : memref<10240x128xf32, #tpu.memory_space<vmem_shared>> -> memref<80x128xf32, #tpu.memory_space<vmem_shared>>
      tpu.enqueue_dma source(%arg7 : memref<80x128xf32, #tpu.memory_space<vmem>>) target(%dma_start3A_90 : memref<80x128xf32, #tpu.memory_space<vmem_shared>>) target_semaphore(%run_scoped3A : memref<!tpu.dma_semaphore, #tpu.memory_space<semaphore_mem>>)
      %dma_wait3A = arith.constant 0 : i32
      %dma_wait3A_91 = tpu.memref_slice %arg9[%add3A_26, %dma_wait3A] : memref<10240x128xf32, #tpu.memory_space<vmem_shared>> -> memref<80x128xf32, #tpu.memory_space<vmem_shared>>
      %dma_wait3A_92 = arith.constant 0 : i32
      %dma_wait3A_93 = tpu.memref_slice %arg9[%add3A_26, %dma_wait3A_92] : memref<10240x128xf32, #tpu.memory_space<vmem_shared>> -> memref<80x128xf32, #tpu.memory_space<vmem_shared>>
      tpu.wait_dma2 semaphore(%run_scoped3A : memref<!tpu.dma_semaphore, #tpu.memory_space<semaphore_mem>>) src(%arg7 : memref<80x128xf32, #tpu.memory_space<vmem>>) dst(%dma_wait3A_93 : memref<80x128xf32, #tpu.memory_space<vmem_shared>>)
      tpu.yield
    }) : () -> ()
    %mul3A_27 = arith.constant 640 : i32
    %mul3A_28 = arith.muli %arg1, %mul3A_27 : i32
    %add3A_29 = arith.constant 480 : i32
    %add3A_30 = arith.addi %mul3A_28, %add3A_29 : i32
    "tpu.region"() ({
      %run_scoped3A = tpu.sem_alloc : memref<!tpu.dma_semaphore, #tpu.memory_space<semaphore_mem>>
      %dma_start3A_87 = arith.constant 0 : i32
      %dma_start3A_88 = tpu.memref_slice %arg9[%add3A_30, %dma_start3A_87] : memref<10240x128xf32, #tpu.memory_space<vmem_shared>> -> memref<80x128xf32, #tpu.memory_space<vmem_shared>>
      %dma_start3A_89 = arith.constant 0 : i32
      %dma_start3A_90 = tpu.memref_slice %arg9[%add3A_30, %dma_start3A_89] : memref<10240x128xf32, #tpu.memory_space<vmem_shared>> -> memref<80x128xf32, #tpu.memory_space<vmem_shared>>
      tpu.enqueue_dma source(%arg7 : memref<80x128xf32, #tpu.memory_space<vmem>>) target(%dma_start3A_90 : memref<80x128xf32, #tpu.memory_space<vmem_shared>>) target_semaphore(%run_scoped3A : memref<!tpu.dma_semaphore, #tpu.memory_space<semaphore_mem>>)
      %dma_wait3A = arith.constant 0 : i32
      %dma_wait3A_91 = tpu.memref_slice %arg9[%add3A_30, %dma_wait3A] : memref<10240x128xf32, #tpu.memory_space<vmem_shared>> -> memref<80x128xf32, #tpu.memory_space<vmem_shared>>
      %dma_wait3A_92 = arith.constant 0 : i32
      %dma_wait3A_93 = tpu.memref_slice %arg9[%add3A_30, %dma_wait3A_92] : memref<10240x128xf32, #tpu.memory_space<vmem_shared>> -> memref<80x128xf32, #tpu.memory_space<vmem_shared>>
      tpu.wait_dma2 semaphore(%run_scoped3A : memref<!tpu.dma_semaphore, #tpu.memory_space<semaphore_mem>>) src(%arg7 : memref<80x128xf32, #tpu.memory_space<vmem>>) dst(%dma_wait3A_93 : memref<80x128xf32, #tpu.memory_space<vmem_shared>>)
      tpu.yield
    }) : () -> ()
    %mul3A_31 = arith.constant 640 : i32
    %mul3A_32 = arith.muli %arg1, %mul3A_31 : i32
    %add3A_33 = arith.constant 560 : i32
    %add3A_34 = arith.addi %mul3A_32, %add3A_33 : i32
    "tpu.region"() ({
      %run_scoped3A = tpu.sem_alloc : memref<!tpu.dma_semaphore, #tpu.memory_space<semaphore_mem>>
      %dma_start3A_87 = arith.constant 0 : i32
      %dma_start3A_88 = tpu.memref_slice %arg9[%add3A_34, %dma_start3A_87] : memref<10240x128xf32, #tpu.memory_space<vmem_shared>> -> memref<80x128xf32, #tpu.memory_space<vmem_shared>>
      %dma_start3A_89 = arith.constant 0 : i32
      %dma_start3A_90 = tpu.memref_slice %arg9[%add3A_34, %dma_start3A_89] : memref<10240x128xf32, #tpu.memory_space<vmem_shared>> -> memref<80x128xf32, #tpu.memory_space<vmem_shared>>
      tpu.enqueue_dma source(%arg7 : memref<80x128xf32, #tpu.memory_space<vmem>>) target(%dma_start3A_90 : memref<80x128xf32, #tpu.memory_space<vmem_shared>>) target_semaphore(%run_scoped3A : memref<!tpu.dma_semaphore, #tpu.memory_space<semaphore_mem>>)
      %dma_wait3A = arith.constant 0 : i32
      %dma_wait3A_91 = tpu.memref_slice %arg9[%add3A_34, %dma_wait3A] : memref<10240x128xf32, #tpu.memory_space<vmem_shared>> -> memref<80x128xf32, #tpu.memory_space<vmem_shared>>
      %dma_wait3A_92 = arith.constant 0 : i32
      %dma_wait3A_93 = tpu.memref_slice %arg9[%add3A_34, %dma_wait3A_92] : memref<10240x128xf32, #tpu.memory_space<vmem_shared>> -> memref<80x128xf32, #tpu.memory_space<vmem_shared>>
      tpu.wait_dma2 semaphore(%run_scoped3A : memref<!tpu.dma_semaphore, #tpu.memory_space<semaphore_mem>>) src(%arg7 : memref<80x128xf32, #tpu.memory_space<vmem>>) dst(%dma_wait3A_93 : memref<80x128xf32, #tpu.memory_space<vmem_shared>>)
      tpu.yield
    }) : () -> ()
    %barrier3A = arith.constant 0 : index
    tpu.barrier barrier_id(%barrier3A)
    %add3A_35 = arith.constant 0 : i32
    %add3A_36 = arith.addi %mul3A_2, %add3A_35 : i32
    %mul3A_37 = arith.constant 80 : i32
    %mul3A_38 = arith.muli %add3A_36, %mul3A_37 : i32
    %dma_start3A = arith.constant 0 : i32
    %dma_start3A_39 = tpu.memref_slice %arg2[%mul3A_38, %dma_start3A] : memref<323584x128xf32, #tpu.memory_space<hbm>> -> memref<80x128xf32, #tpu.memory_space<hbm>>
    %dma_start3A_40 = arith.constant 0 : i32
    %dma_start3A_41 = tpu.memref_slice %arg2[%mul3A_38, %dma_start3A_40] : memref<323584x128xf32, #tpu.memory_space<hbm>> -> memref<80x128xf32, #tpu.memory_space<hbm>>
    tpu.enqueue_dma source(%dma_start3A_41 : memref<80x128xf32, #tpu.memory_space<hbm>>) target(%arg7 : memref<80x128xf32, #tpu.memory_space<vmem>>) target_semaphore(%arg10 : memref<!tpu.dma_semaphore, #tpu.memory_space<semaphore_mem>>)
    %add3A_42 = arith.constant 1 : i32
    %add3A_43 = arith.addi %mul3A_2, %add3A_42 : i32
    %mul3A_44 = arith.constant 80 : i32
    %mul3A_45 = arith.muli %add3A_43, %mul3A_44 : i32
    %dma_start3A_46 = arith.constant 0 : i32
    %dma_start3A_47 = tpu.memref_slice %arg2[%mul3A_45, %dma_start3A_46] : memref<323584x128xf32, #tpu.memory_space<hbm>> -> memref<80x128xf32, #tpu.memory_space<hbm>>
    %dma_start3A_48 = arith.constant 0 : i32
    %dma_start3A_49 = tpu.memref_slice %arg2[%mul3A_45, %dma_start3A_48] : memref<323584x128xf32, #tpu.memory_space<hbm>> -> memref<80x128xf32, #tpu.memory_space<hbm>>
    tpu.enqueue_dma source(%dma_start3A_49 : memref<80x128xf32, #tpu.memory_space<hbm>>) target(%arg8 : memref<80x128xf32, #tpu.memory_space<vmem>>) target_semaphore(%arg11 : memref<!tpu.dma_semaphore, #tpu.memory_space<semaphore_mem>>)
    %scan3A = arith.constant 0 : i32
    %scan3A_50 = arith.constant 63 : i32
    %scan3A_51 = arith.addi %scan3A, %scan3A_50 : i32
    %scan3A_52 = arith.constant 1 : i32
    scf.for %scan3A_87 = %scan3A to %scan3A_51 step %scan3A_52  : i32 {
      %mul3A_88 = arith.constant 2 : i32
      %mul3A_89 = arith.muli %scan3A_87, %mul3A_88 : i32
      %add3A_90 = arith.constant 0 : i32
      %add3A_91 = arith.addi %add3A_90, %mul3A_89 : i32
      %add3A_92 = arith.constant 0 : i32
      %add3A_93 = arith.addi %add3A_91, %add3A_92 : i32
      %lt3A = arith.constant 125 : i32
      %lt3A_94 = arith.cmpi slt, %add3A_93, %lt3A : i32
      %convert_element_type3A = arith.extui %lt3A_94 : i1 to i32
      %cond3A = arith.constant 0 : i32
      %cond3A_95 = arith.cmpi ne, %convert_element_type3A, %cond3A : i32
      scf.if %cond3A_95 {
        %dma_wait3A = arith.constant 0 : i32
        %dma_wait3A_103 = arith.constant 0 : i32
        %dma_wait3A_104 = tpu.memref_slice %arg2[%dma_wait3A, %dma_wait3A_103] : memref<323584x128xf32, #tpu.memory_space<hbm>> -> memref<80x128xf32, #tpu.memory_space<hbm>>
        %dma_wait3A_105 = arith.constant 0 : i32
        %dma_wait3A_106 = arith.constant 0 : i32
        %dma_wait3A_107 = tpu.memref_slice %arg2[%dma_wait3A_105, %dma_wait3A_106] : memref<323584x128xf32, #tpu.memory_space<hbm>> -> memref<80x128xf32, #tpu.memory_space<hbm>>
        tpu.wait_dma2 semaphore(%arg10 : memref<!tpu.dma_semaphore, #tpu.memory_space<semaphore_mem>>) src(%dma_wait3A_107 : memref<80x128xf32, #tpu.memory_space<hbm>>) dst(%arg7 : memref<80x128xf32, #tpu.memory_space<vmem>>)
        %run_scoped3A = arith.constant 0 : i32
        "tpu.region"() ({
          %run_scoped3A_115 = tpu.sem_alloc : memref<!tpu.dma_semaphore, #tpu.memory_space<semaphore_mem>>
          %dma_start3A_116 = arith.constant 0 : i32
          %dma_start3A_117 = tpu.memref_slice %arg6[%add3A_93, %run_scoped3A, %dma_start3A_116] : memref<125x1x80xi32, #tpu.memory_space<vmem>> -> memref<1x1x80xi32, #tpu.memory_space<vmem>>
          %dma_start3A_118 = tpu.memref_squeeze %dma_start3A_117 : memref<1x1x80xi32, #tpu.memory_space<vmem>> -> memref<80xi32, #tpu.memory_space<vmem>>
          %dma_start3A_119 = arith.constant 0 : i32
          %dma_start3A_120 = arith.constant 0 : i32
          %dma_start3A_121 = tpu.memref_slice %arg9[%dma_start3A_119, %dma_start3A_120] : memref<10240x128xf32, #tpu.memory_space<vmem_shared>> -> memref<10240x128xf32, #tpu.memory_space<vmem_shared>>
          tpu.enqueue_indirect_dma source(%arg7 : memref<80x128xf32, #tpu.memory_space<vmem>>) target(%dma_start3A_121 : memref<10240x128xf32, #tpu.memory_space<vmem_shared>>) offsets(%dma_start3A_118 : memref<80xi32, #tpu.memory_space<vmem>>) semaphore(%run_scoped3A_115 : memref<!tpu.dma_semaphore, #tpu.memory_space<semaphore_mem>>) {add = true}
          %dma_wait3A_122 = arith.constant 0 : i32
          %dma_wait3A_123 = tpu.memref_slice %arg6[%add3A_93, %run_scoped3A, %dma_wait3A_122] : memref<125x1x80xi32, #tpu.memory_space<vmem>> -> memref<1x1x80xi32, #tpu.memory_space<vmem>>
          %dma_wait3A_124 = tpu.memref_squeeze %dma_wait3A_123 : memref<1x1x80xi32, #tpu.memory_space<vmem>> -> memref<80xi32, #tpu.memory_space<vmem>>
          %dma_wait3A_125 = arith.constant 0 : i32
          %dma_wait3A_126 = arith.constant 0 : i32
          %dma_wait3A_127 = tpu.memref_slice %arg9[%dma_wait3A_125, %dma_wait3A_126] : memref<10240x128xf32, #tpu.memory_space<vmem_shared>> -> memref<10240x128xf32, #tpu.memory_space<vmem_shared>>
          tpu.wait_indirect_dma semaphore(%run_scoped3A_115 : memref<!tpu.dma_semaphore, #tpu.memory_space<semaphore_mem>>) src(%arg7 : memref<80x128xf32, #tpu.memory_space<vmem>>) dst(%dma_wait3A_127 : memref<10240x128xf32, #tpu.memory_space<vmem_shared>>)
          tpu.yield
        }) : () -> ()
        %add3A_108 = arith.constant 2 : i32
        %add3A_109 = arith.addi %add3A_93, %add3A_108 : i32
        %lt3A_110 = arith.constant 125 : i32
        %lt3A_111 = arith.cmpi slt, %add3A_109, %lt3A_110 : i32
        %convert_element_type3A_112 = arith.extui %lt3A_111 : i1 to i32
        %cond3A_113 = arith.constant 0 : i32
        %cond3A_114 = arith.cmpi ne, %convert_element_type3A_112, %cond3A_113 : i32
        scf.if %cond3A_114 {
          %add3A_115 = arith.constant 2 : i32
          %add3A_116 = arith.addi %add3A_93, %add3A_115 : i32
          %add3A_117 = arith.addi %mul3A_2, %add3A_116 : i32
          %mul3A_118 = arith.constant 80 : i32
          %mul3A_119 = arith.muli %add3A_117, %mul3A_118 : i32
          %dma_start3A_120 = arith.constant 0 : i32
          %dma_start3A_121 = tpu.memref_slice %arg2[%mul3A_119, %dma_start3A_120] : memref<323584x128xf32, #tpu.memory_space<hbm>> -> memref<80x128xf32, #tpu.memory_space<hbm>>
          %dma_start3A_122 = arith.constant 0 : i32
          %dma_start3A_123 = tpu.memref_slice %arg2[%mul3A_119, %dma_start3A_122] : memref<323584x128xf32, #tpu.memory_space<hbm>> -> memref<80x128xf32, #tpu.memory_space<hbm>>
          tpu.enqueue_dma source(%dma_start3A_123 : memref<80x128xf32, #tpu.memory_space<hbm>>) target(%arg7 : memref<80x128xf32, #tpu.memory_space<vmem>>) target_semaphore(%arg10 : memref<!tpu.dma_semaphore, #tpu.memory_space<semaphore_mem>>)
        } else {
        }
      } else {
      }
      %add3A_96 = arith.constant 1 : i32
      %add3A_97 = arith.addi %add3A_91, %add3A_96 : i32
      %lt3A_98 = arith.constant 125 : i32
      %lt3A_99 = arith.cmpi slt, %add3A_97, %lt3A_98 : i32
      %convert_element_type3A_100 = arith.extui %lt3A_99 : i1 to i32
      %cond3A_101 = arith.constant 0 : i32
      %cond3A_102 = arith.cmpi ne, %convert_element_type3A_100, %cond3A_101 : i32
      scf.if %cond3A_102 {
        %dma_wait3A = arith.constant 0 : i32
        %dma_wait3A_103 = arith.constant 0 : i32
        %dma_wait3A_104 = tpu.memref_slice %arg2[%dma_wait3A, %dma_wait3A_103] : memref<323584x128xf32, #tpu.memory_space<hbm>> -> memref<80x128xf32, #tpu.memory_space<hbm>>
        %dma_wait3A_105 = arith.constant 0 : i32
        %dma_wait3A_106 = arith.constant 0 : i32
        %dma_wait3A_107 = tpu.memref_slice %arg2[%dma_wait3A_105, %dma_wait3A_106] : memref<323584x128xf32, #tpu.memory_space<hbm>> -> memref<80x128xf32, #tpu.memory_space<hbm>>
        tpu.wait_dma2 semaphore(%arg11 : memref<!tpu.dma_semaphore, #tpu.memory_space<semaphore_mem>>) src(%dma_wait3A_107 : memref<80x128xf32, #tpu.memory_space<hbm>>) dst(%arg8 : memref<80x128xf32, #tpu.memory_space<vmem>>)
        %run_scoped3A = arith.constant 0 : i32
        "tpu.region"() ({
          %run_scoped3A_115 = tpu.sem_alloc : memref<!tpu.dma_semaphore, #tpu.memory_space<semaphore_mem>>
          %dma_start3A_116 = arith.constant 0 : i32
          %dma_start3A_117 = tpu.memref_slice %arg6[%add3A_97, %run_scoped3A, %dma_start3A_116] : memref<125x1x80xi32, #tpu.memory_space<vmem>> -> memref<1x1x80xi32, #tpu.memory_space<vmem>>
          %dma_start3A_118 = tpu.memref_squeeze %dma_start3A_117 : memref<1x1x80xi32, #tpu.memory_space<vmem>> -> memref<80xi32, #tpu.memory_space<vmem>>
          %dma_start3A_119 = arith.constant 0 : i32
          %dma_start3A_120 = arith.constant 0 : i32
          %dma_start3A_121 = tpu.memref_slice %arg9[%dma_start3A_119, %dma_start3A_120] : memref<10240x128xf32, #tpu.memory_space<vmem_shared>> -> memref<10240x128xf32, #tpu.memory_space<vmem_shared>>
          tpu.enqueue_indirect_dma source(%arg8 : memref<80x128xf32, #tpu.memory_space<vmem>>) target(%dma_start3A_121 : memref<10240x128xf32, #tpu.memory_space<vmem_shared>>) offsets(%dma_start3A_118 : memref<80xi32, #tpu.memory_space<vmem>>) semaphore(%run_scoped3A_115 : memref<!tpu.dma_semaphore, #tpu.memory_space<semaphore_mem>>) {add = true}
          %dma_wait3A_122 = arith.constant 0 : i32
          %dma_wait3A_123 = tpu.memref_slice %arg6[%add3A_97, %run_scoped3A, %dma_wait3A_122] : memref<125x1x80xi32, #tpu.memory_space<vmem>> -> memref<1x1x80xi32, #tpu.memory_space<vmem>>
          %dma_wait3A_124 = tpu.memref_squeeze %dma_wait3A_123 : memref<1x1x80xi32, #tpu.memory_space<vmem>> -> memref<80xi32, #tpu.memory_space<vmem>>
          %dma_wait3A_125 = arith.constant 0 : i32
          %dma_wait3A_126 = arith.constant 0 : i32
          %dma_wait3A_127 = tpu.memref_slice %arg9[%dma_wait3A_125, %dma_wait3A_126] : memref<10240x128xf32, #tpu.memory_space<vmem_shared>> -> memref<10240x128xf32, #tpu.memory_space<vmem_shared>>
          tpu.wait_indirect_dma semaphore(%run_scoped3A_115 : memref<!tpu.dma_semaphore, #tpu.memory_space<semaphore_mem>>) src(%arg8 : memref<80x128xf32, #tpu.memory_space<vmem>>) dst(%dma_wait3A_127 : memref<10240x128xf32, #tpu.memory_space<vmem_shared>>)
          tpu.yield
        }) : () -> ()
        %add3A_108 = arith.constant 2 : i32
        %add3A_109 = arith.addi %add3A_97, %add3A_108 : i32
        %lt3A_110 = arith.constant 125 : i32
        %lt3A_111 = arith.cmpi slt, %add3A_109, %lt3A_110 : i32
        %convert_element_type3A_112 = arith.extui %lt3A_111 : i1 to i32
        %cond3A_113 = arith.constant 0 : i32
        %cond3A_114 = arith.cmpi ne, %convert_element_type3A_112, %cond3A_113 : i32
        scf.if %cond3A_114 {
          %add3A_115 = arith.constant 2 : i32
          %add3A_116 = arith.addi %add3A_97, %add3A_115 : i32
          %add3A_117 = arith.addi %mul3A_2, %add3A_116 : i32
          %mul3A_118 = arith.constant 80 : i32
          %mul3A_119 = arith.muli %add3A_117, %mul3A_118 : i32
          %dma_start3A_120 = arith.constant 0 : i32
          %dma_start3A_121 = tpu.memref_slice %arg2[%mul3A_119, %dma_start3A_120] : memref<323584x128xf32, #tpu.memory_space<hbm>> -> memref<80x128xf32, #tpu.memory_space<hbm>>
          %dma_start3A_122 = arith.constant 0 : i32
          %dma_start3A_123 = tpu.memref_slice %arg2[%mul3A_119, %dma_start3A_122] : memref<323584x128xf32, #tpu.memory_space<hbm>> -> memref<80x128xf32, #tpu.memory_space<hbm>>
          tpu.enqueue_dma source(%dma_start3A_123 : memref<80x128xf32, #tpu.memory_space<hbm>>) target(%arg8 : memref<80x128xf32, #tpu.memory_space<vmem>>) target_semaphore(%arg11 : memref<!tpu.dma_semaphore, #tpu.memory_space<semaphore_mem>>)
        } else {
        }
      } else {
      }
    }
    %scan3A_53 = arith.constant 63 : i32
    %barrier3A_54 = arith.constant 0 : index
    tpu.barrier barrier_id(%barrier3A_54)
    %mul3A_55 = arith.constant 640 : i32
    %mul3A_56 = arith.muli %arg1, %mul3A_55 : i32
    %add3A_57 = arith.constant 0 : i32
    %add3A_58 = arith.addi %mul3A_56, %add3A_57 : i32
    "tpu.region"() ({
      %run_scoped3A = tpu.sem_alloc : memref<!tpu.dma_semaphore, #tpu.memory_space<semaphore_mem>>
      %dma_start3A_87 = arith.constant 0 : i32
      %dma_start3A_88 = tpu.memref_slice %arg9[%add3A_58, %dma_start3A_87] : memref<10240x128xf32, #tpu.memory_space<vmem_shared>> -> memref<80x128xf32, #tpu.memory_space<vmem_shared>>
      %dma_start3A_89 = arith.constant 0 : i32
      %dma_start3A_90 = tpu.memref_slice %arg9[%add3A_58, %dma_start3A_89] : memref<10240x128xf32, #tpu.memory_space<vmem_shared>> -> memref<80x128xf32, #tpu.memory_space<vmem_shared>>
      tpu.enqueue_dma source(%dma_start3A_90 : memref<80x128xf32, #tpu.memory_space<vmem_shared>>) target(%arg7 : memref<80x128xf32, #tpu.memory_space<vmem>>) target_semaphore(%run_scoped3A : memref<!tpu.dma_semaphore, #tpu.memory_space<semaphore_mem>>)
      %dma_wait3A = arith.constant 0 : i32
      %dma_wait3A_91 = tpu.memref_slice %arg9[%add3A_58, %dma_wait3A] : memref<10240x128xf32, #tpu.memory_space<vmem_shared>> -> memref<80x128xf32, #tpu.memory_space<vmem_shared>>
      %dma_wait3A_92 = arith.constant 0 : i32
      %dma_wait3A_93 = tpu.memref_slice %arg9[%add3A_58, %dma_wait3A_92] : memref<10240x128xf32, #tpu.memory_space<vmem_shared>> -> memref<80x128xf32, #tpu.memory_space<vmem_shared>>
      tpu.wait_dma2 semaphore(%run_scoped3A : memref<!tpu.dma_semaphore, #tpu.memory_space<semaphore_mem>>) src(%dma_wait3A_93 : memref<80x128xf32, #tpu.memory_space<vmem_shared>>) dst(%arg7 : memref<80x128xf32, #tpu.memory_space<vmem>>)
      tpu.yield
    }) : () -> ()
    "tpu.region"() ({
      %run_scoped3A = tpu.sem_alloc : memref<!tpu.dma_semaphore, #tpu.memory_space<semaphore_mem>>
      %dma_start3A_87 = arith.constant 0 : i32
      %dma_start3A_88 = tpu.memref_slice %arg5[%arg0, %add3A_58, %dma_start3A_87] : memref<2x10240x128xf32, #tpu.memory_space<hbm>> -> memref<1x80x128xf32, #tpu.memory_space<hbm>>
      %dma_start3A_89 = tpu.memref_squeeze %dma_start3A_88 : memref<1x80x128xf32, #tpu.memory_space<hbm>> -> memref<80x128xf32, #tpu.memory_space<hbm>>
      %dma_start3A_90 = arith.constant 0 : i32
      %dma_start3A_91 = tpu.memref_slice %arg5[%arg0, %add3A_58, %dma_start3A_90] : memref<2x10240x128xf32, #tpu.memory_space<hbm>> -> memref<1x80x128xf32, #tpu.memory_space<hbm>>
      %dma_start3A_92 = tpu.memref_squeeze %dma_start3A_91 : memref<1x80x128xf32, #tpu.memory_space<hbm>> -> memref<80x128xf32, #tpu.memory_space<hbm>>
      tpu.enqueue_dma source(%arg7 : memref<80x128xf32, #tpu.memory_space<vmem>>) target(%dma_start3A_92 : memref<80x128xf32, #tpu.memory_space<hbm>>) target_semaphore(%run_scoped3A : memref<!tpu.dma_semaphore, #tpu.memory_space<semaphore_mem>>)
      %dma_wait3A = arith.constant 0 : i32
      %dma_wait3A_93 = tpu.memref_slice %arg5[%arg0, %add3A_58, %dma_wait3A] : memref<2x10240x128xf32, #tpu.memory_space<hbm>> -> memref<1x80x128xf32, #tpu.memory_space<hbm>>
      %dma_wait3A_94 = tpu.memref_squeeze %dma_wait3A_93 : memref<1x80x128xf32, #tpu.memory_space<hbm>> -> memref<80x128xf32, #tpu.memory_space<hbm>>
      %dma_wait3A_95 = arith.constant 0 : i32
      %dma_wait3A_96 = tpu.memref_slice %arg5[%arg0, %add3A_58, %dma_wait3A_95] : memref<2x10240x128xf32, #tpu.memory_space<hbm>> -> memref<1x80x128xf32, #tpu.memory_space<hbm>>
      %dma_wait3A_97 = tpu.memref_squeeze %dma_wait3A_96 : memref<1x80x128xf32, #tpu.memory_space<hbm>> -> memref<80x128xf32, #tpu.memory_space<hbm>>
      tpu.wait_dma2 semaphore(%run_scoped3A : memref<!tpu.dma_semaphore, #tpu.memory_space<semaphore_mem>>) src(%arg7 : memref<80x128xf32, #tpu.memory_space<vmem>>) dst(%dma_wait3A_97 : memref<80x128xf32, #tpu.memory_space<hbm>>)
      tpu.yield
    }) : () -> ()
    %mul3A_59 = arith.constant 640 : i32
    %mul3A_60 = arith.muli %arg1, %mul3A_59 : i32
    %add3A_61 = arith.constant 80 : i32
    %add3A_62 = arith.addi %mul3A_60, %add3A_61 : i32
    "tpu.region"() ({
      %run_scoped3A = tpu.sem_alloc : memref<!tpu.dma_semaphore, #tpu.memory_space<semaphore_mem>>
      %dma_start3A_87 = arith.constant 0 : i32
      %dma_start3A_88 = tpu.memref_slice %arg9[%add3A_62, %dma_start3A_87] : memref<10240x128xf32, #tpu.memory_space<vmem_shared>> -> memref<80x128xf32, #tpu.memory_space<vmem_shared>>
      %dma_start3A_89 = arith.constant 0 : i32
      %dma_start3A_90 = tpu.memref_slice %arg9[%add3A_62, %dma_start3A_89] : memref<10240x128xf32, #tpu.memory_space<vmem_shared>> -> memref<80x128xf32, #tpu.memory_space<vmem_shared>>
      tpu.enqueue_dma source(%dma_start3A_90 : memref<80x128xf32, #tpu.memory_space<vmem_shared>>) target(%arg7 : memref<80x128xf32, #tpu.memory_space<vmem>>) target_semaphore(%run_scoped3A : memref<!tpu.dma_semaphore, #tpu.memory_space<semaphore_mem>>)
      %dma_wait3A = arith.constant 0 : i32
      %dma_wait3A_91 = tpu.memref_slice %arg9[%add3A_62, %dma_wait3A] : memref<10240x128xf32, #tpu.memory_space<vmem_shared>> -> memref<80x128xf32, #tpu.memory_space<vmem_shared>>
      %dma_wait3A_92 = arith.constant 0 : i32
      %dma_wait3A_93 = tpu.memref_slice %arg9[%add3A_62, %dma_wait3A_92] : memref<10240x128xf32, #tpu.memory_space<vmem_shared>> -> memref<80x128xf32, #tpu.memory_space<vmem_shared>>
      tpu.wait_dma2 semaphore(%run_scoped3A : memref<!tpu.dma_semaphore, #tpu.memory_space<semaphore_mem>>) src(%dma_wait3A_93 : memref<80x128xf32, #tpu.memory_space<vmem_shared>>) dst(%arg7 : memref<80x128xf32, #tpu.memory_space<vmem>>)
      tpu.yield
    }) : () -> ()
    "tpu.region"() ({
      %run_scoped3A = tpu.sem_alloc : memref<!tpu.dma_semaphore, #tpu.memory_space<semaphore_mem>>
      %dma_start3A_87 = arith.constant 0 : i32
      %dma_start3A_88 = tpu.memref_slice %arg5[%arg0, %add3A_62, %dma_start3A_87] : memref<2x10240x128xf32, #tpu.memory_space<hbm>> -> memref<1x80x128xf32, #tpu.memory_space<hbm>>
      %dma_start3A_89 = tpu.memref_squeeze %dma_start3A_88 : memref<1x80x128xf32, #tpu.memory_space<hbm>> -> memref<80x128xf32, #tpu.memory_space<hbm>>
      %dma_start3A_90 = arith.constant 0 : i32
      %dma_start3A_91 = tpu.memref_slice %arg5[%arg0, %add3A_62, %dma_start3A_90] : memref<2x10240x128xf32, #tpu.memory_space<hbm>> -> memref<1x80x128xf32, #tpu.memory_space<hbm>>
      %dma_start3A_92 = tpu.memref_squeeze %dma_start3A_91 : memref<1x80x128xf32, #tpu.memory_space<hbm>> -> memref<80x128xf32, #tpu.memory_space<hbm>>
      tpu.enqueue_dma source(%arg7 : memref<80x128xf32, #tpu.memory_space<vmem>>) target(%dma_start3A_92 : memref<80x128xf32, #tpu.memory_space<hbm>>) target_semaphore(%run_scoped3A : memref<!tpu.dma_semaphore, #tpu.memory_space<semaphore_mem>>)
      %dma_wait3A = arith.constant 0 : i32
      %dma_wait3A_93 = tpu.memref_slice %arg5[%arg0, %add3A_62, %dma_wait3A] : memref<2x10240x128xf32, #tpu.memory_space<hbm>> -> memref<1x80x128xf32, #tpu.memory_space<hbm>>
      %dma_wait3A_94 = tpu.memref_squeeze %dma_wait3A_93 : memref<1x80x128xf32, #tpu.memory_space<hbm>> -> memref<80x128xf32, #tpu.memory_space<hbm>>
      %dma_wait3A_95 = arith.constant 0 : i32
      %dma_wait3A_96 = tpu.memref_slice %arg5[%arg0, %add3A_62, %dma_wait3A_95] : memref<2x10240x128xf32, #tpu.memory_space<hbm>> -> memref<1x80x128xf32, #tpu.memory_space<hbm>>
      %dma_wait3A_97 = tpu.memref_squeeze %dma_wait3A_96 : memref<1x80x128xf32, #tpu.memory_space<hbm>> -> memref<80x128xf32, #tpu.memory_space<hbm>>
      tpu.wait_dma2 semaphore(%run_scoped3A : memref<!tpu.dma_semaphore, #tpu.memory_space<semaphore_mem>>) src(%arg7 : memref<80x128xf32, #tpu.memory_space<vmem>>) dst(%dma_wait3A_97 : memref<80x128xf32, #tpu.memory_space<hbm>>)
      tpu.yield
    }) : () -> ()
    %mul3A_63 = arith.constant 640 : i32
    %mul3A_64 = arith.muli %arg1, %mul3A_63 : i32
    %add3A_65 = arith.constant 160 : i32
    %add3A_66 = arith.addi %mul3A_64, %add3A_65 : i32
    "tpu.region"() ({
      %run_scoped3A = tpu.sem_alloc : memref<!tpu.dma_semaphore, #tpu.memory_space<semaphore_mem>>
      %dma_start3A_87 = arith.constant 0 : i32
      %dma_start3A_88 = tpu.memref_slice %arg9[%add3A_66, %dma_start3A_87] : memref<10240x128xf32, #tpu.memory_space<vmem_shared>> -> memref<80x128xf32, #tpu.memory_space<vmem_shared>>
      %dma_start3A_89 = arith.constant 0 : i32
      %dma_start3A_90 = tpu.memref_slice %arg9[%add3A_66, %dma_start3A_89] : memref<10240x128xf32, #tpu.memory_space<vmem_shared>> -> memref<80x128xf32, #tpu.memory_space<vmem_shared>>
      tpu.enqueue_dma source(%dma_start3A_90 : memref<80x128xf32, #tpu.memory_space<vmem_shared>>) target(%arg7 : memref<80x128xf32, #tpu.memory_space<vmem>>) target_semaphore(%run_scoped3A : memref<!tpu.dma_semaphore, #tpu.memory_space<semaphore_mem>>)
      %dma_wait3A = arith.constant 0 : i32
      %dma_wait3A_91 = tpu.memref_slice %arg9[%add3A_66, %dma_wait3A] : memref<10240x128xf32, #tpu.memory_space<vmem_shared>> -> memref<80x128xf32, #tpu.memory_space<vmem_shared>>
      %dma_wait3A_92 = arith.constant 0 : i32
      %dma_wait3A_93 = tpu.memref_slice %arg9[%add3A_66, %dma_wait3A_92] : memref<10240x128xf32, #tpu.memory_space<vmem_shared>> -> memref<80x128xf32, #tpu.memory_space<vmem_shared>>
      tpu.wait_dma2 semaphore(%run_scoped3A : memref<!tpu.dma_semaphore, #tpu.memory_space<semaphore_mem>>) src(%dma_wait3A_93 : memref<80x128xf32, #tpu.memory_space<vmem_shared>>) dst(%arg7 : memref<80x128xf32, #tpu.memory_space<vmem>>)
      tpu.yield
    }) : () -> ()
    "tpu.region"() ({
      %run_scoped3A = tpu.sem_alloc : memref<!tpu.dma_semaphore, #tpu.memory_space<semaphore_mem>>
      %dma_start3A_87 = arith.constant 0 : i32
      %dma_start3A_88 = tpu.memref_slice %arg5[%arg0, %add3A_66, %dma_start3A_87] : memref<2x10240x128xf32, #tpu.memory_space<hbm>> -> memref<1x80x128xf32, #tpu.memory_space<hbm>>
      %dma_start3A_89 = tpu.memref_squeeze %dma_start3A_88 : memref<1x80x128xf32, #tpu.memory_space<hbm>> -> memref<80x128xf32, #tpu.memory_space<hbm>>
      %dma_start3A_90 = arith.constant 0 : i32
      %dma_start3A_91 = tpu.memref_slice %arg5[%arg0, %add3A_66, %dma_start3A_90] : memref<2x10240x128xf32, #tpu.memory_space<hbm>> -> memref<1x80x128xf32, #tpu.memory_space<hbm>>
      %dma_start3A_92 = tpu.memref_squeeze %dma_start3A_91 : memref<1x80x128xf32, #tpu.memory_space<hbm>> -> memref<80x128xf32, #tpu.memory_space<hbm>>
      tpu.enqueue_dma source(%arg7 : memref<80x128xf32, #tpu.memory_space<vmem>>) target(%dma_start3A_92 : memref<80x128xf32, #tpu.memory_space<hbm>>) target_semaphore(%run_scoped3A : memref<!tpu.dma_semaphore, #tpu.memory_space<semaphore_mem>>)
      %dma_wait3A = arith.constant 0 : i32
      %dma_wait3A_93 = tpu.memref_slice %arg5[%arg0, %add3A_66, %dma_wait3A] : memref<2x10240x128xf32, #tpu.memory_space<hbm>> -> memref<1x80x128xf32, #tpu.memory_space<hbm>>
      %dma_wait3A_94 = tpu.memref_squeeze %dma_wait3A_93 : memref<1x80x128xf32, #tpu.memory_space<hbm>> -> memref<80x128xf32, #tpu.memory_space<hbm>>
      %dma_wait3A_95 = arith.constant 0 : i32
      %dma_wait3A_96 = tpu.memref_slice %arg5[%arg0, %add3A_66, %dma_wait3A_95] : memref<2x10240x128xf32, #tpu.memory_space<hbm>> -> memref<1x80x128xf32, #tpu.memory_space<hbm>>
      %dma_wait3A_97 = tpu.memref_squeeze %dma_wait3A_96 : memref<1x80x128xf32, #tpu.memory_space<hbm>> -> memref<80x128xf32, #tpu.memory_space<hbm>>
      tpu.wait_dma2 semaphore(%run_scoped3A : memref<!tpu.dma_semaphore, #tpu.memory_space<semaphore_mem>>) src(%arg7 : memref<80x128xf32, #tpu.memory_space<vmem>>) dst(%dma_wait3A_97 : memref<80x128xf32, #tpu.memory_space<hbm>>)
      tpu.yield
    }) : () -> ()
    %mul3A_67 = arith.constant 640 : i32
    %mul3A_68 = arith.muli %arg1, %mul3A_67 : i32
    %add3A_69 = arith.constant 240 : i32
    %add3A_70 = arith.addi %mul3A_68, %add3A_69 : i32
    "tpu.region"() ({
      %run_scoped3A = tpu.sem_alloc : memref<!tpu.dma_semaphore, #tpu.memory_space<semaphore_mem>>
      %dma_start3A_87 = arith.constant 0 : i32
      %dma_start3A_88 = tpu.memref_slice %arg9[%add3A_70, %dma_start3A_87] : memref<10240x128xf32, #tpu.memory_space<vmem_shared>> -> memref<80x128xf32, #tpu.memory_space<vmem_shared>>
      %dma_start3A_89 = arith.constant 0 : i32
      %dma_start3A_90 = tpu.memref_slice %arg9[%add3A_70, %dma_start3A_89] : memref<10240x128xf32, #tpu.memory_space<vmem_shared>> -> memref<80x128xf32, #tpu.memory_space<vmem_shared>>
      tpu.enqueue_dma source(%dma_start3A_90 : memref<80x128xf32, #tpu.memory_space<vmem_shared>>) target(%arg7 : memref<80x128xf32, #tpu.memory_space<vmem>>) target_semaphore(%run_scoped3A : memref<!tpu.dma_semaphore, #tpu.memory_space<semaphore_mem>>)
      %dma_wait3A = arith.constant 0 : i32
      %dma_wait3A_91 = tpu.memref_slice %arg9[%add3A_70, %dma_wait3A] : memref<10240x128xf32, #tpu.memory_space<vmem_shared>> -> memref<80x128xf32, #tpu.memory_space<vmem_shared>>
      %dma_wait3A_92 = arith.constant 0 : i32
      %dma_wait3A_93 = tpu.memref_slice %arg9[%add3A_70, %dma_wait3A_92] : memref<10240x128xf32, #tpu.memory_space<vmem_shared>> -> memref<80x128xf32, #tpu.memory_space<vmem_shared>>
      tpu.wait_dma2 semaphore(%run_scoped3A : memref<!tpu.dma_semaphore, #tpu.memory_space<semaphore_mem>>) src(%dma_wait3A_93 : memref<80x128xf32, #tpu.memory_space<vmem_shared>>) dst(%arg7 : memref<80x128xf32, #tpu.memory_space<vmem>>)
      tpu.yield
    }) : () -> ()
    "tpu.region"() ({
      %run_scoped3A = tpu.sem_alloc : memref<!tpu.dma_semaphore, #tpu.memory_space<semaphore_mem>>
      %dma_start3A_87 = arith.constant 0 : i32
      %dma_start3A_88 = tpu.memref_slice %arg5[%arg0, %add3A_70, %dma_start3A_87] : memref<2x10240x128xf32, #tpu.memory_space<hbm>> -> memref<1x80x128xf32, #tpu.memory_space<hbm>>
      %dma_start3A_89 = tpu.memref_squeeze %dma_start3A_88 : memref<1x80x128xf32, #tpu.memory_space<hbm>> -> memref<80x128xf32, #tpu.memory_space<hbm>>
      %dma_start3A_90 = arith.constant 0 : i32
      %dma_start3A_91 = tpu.memref_slice %arg5[%arg0, %add3A_70, %dma_start3A_90] : memref<2x10240x128xf32, #tpu.memory_space<hbm>> -> memref<1x80x128xf32, #tpu.memory_space<hbm>>
      %dma_start3A_92 = tpu.memref_squeeze %dma_start3A_91 : memref<1x80x128xf32, #tpu.memory_space<hbm>> -> memref<80x128xf32, #tpu.memory_space<hbm>>
      tpu.enqueue_dma source(%arg7 : memref<80x128xf32, #tpu.memory_space<vmem>>) target(%dma_start3A_92 : memref<80x128xf32, #tpu.memory_space<hbm>>) target_semaphore(%run_scoped3A : memref<!tpu.dma_semaphore, #tpu.memory_space<semaphore_mem>>)
      %dma_wait3A = arith.constant 0 : i32
      %dma_wait3A_93 = tpu.memref_slice %arg5[%arg0, %add3A_70, %dma_wait3A] : memref<2x10240x128xf32, #tpu.memory_space<hbm>> -> memref<1x80x128xf32, #tpu.memory_space<hbm>>
      %dma_wait3A_94 = tpu.memref_squeeze %dma_wait3A_93 : memref<1x80x128xf32, #tpu.memory_space<hbm>> -> memref<80x128xf32, #tpu.memory_space<hbm>>
      %dma_wait3A_95 = arith.constant 0 : i32
      %dma_wait3A_96 = tpu.memref_slice %arg5[%arg0, %add3A_70, %dma_wait3A_95] : memref<2x10240x128xf32, #tpu.memory_space<hbm>> -> memref<1x80x128xf32, #tpu.memory_space<hbm>>
      %dma_wait3A_97 = tpu.memref_squeeze %dma_wait3A_96 : memref<1x80x128xf32, #tpu.memory_space<hbm>> -> memref<80x128xf32, #tpu.memory_space<hbm>>
      tpu.wait_dma2 semaphore(%run_scoped3A : memref<!tpu.dma_semaphore, #tpu.memory_space<semaphore_mem>>) src(%arg7 : memref<80x128xf32, #tpu.memory_space<vmem>>) dst(%dma_wait3A_97 : memref<80x128xf32, #tpu.memory_space<hbm>>)
      tpu.yield
    }) : () -> ()
    %mul3A_71 = arith.constant 640 : i32
    %mul3A_72 = arith.muli %arg1, %mul3A_71 : i32
    %add3A_73 = arith.constant 320 : i32
    %add3A_74 = arith.addi %mul3A_72, %add3A_73 : i32
    "tpu.region"() ({
      %run_scoped3A = tpu.sem_alloc : memref<!tpu.dma_semaphore, #tpu.memory_space<semaphore_mem>>
      %dma_start3A_87 = arith.constant 0 : i32
      %dma_start3A_88 = tpu.memref_slice %arg9[%add3A_74, %dma_start3A_87] : memref<10240x128xf32, #tpu.memory_space<vmem_shared>> -> memref<80x128xf32, #tpu.memory_space<vmem_shared>>
      %dma_start3A_89 = arith.constant 0 : i32
      %dma_start3A_90 = tpu.memref_slice %arg9[%add3A_74, %dma_start3A_89] : memref<10240x128xf32, #tpu.memory_space<vmem_shared>> -> memref<80x128xf32, #tpu.memory_space<vmem_shared>>
      tpu.enqueue_dma source(%dma_start3A_90 : memref<80x128xf32, #tpu.memory_space<vmem_shared>>) target(%arg7 : memref<80x128xf32, #tpu.memory_space<vmem>>) target_semaphore(%run_scoped3A : memref<!tpu.dma_semaphore, #tpu.memory_space<semaphore_mem>>)
      %dma_wait3A = arith.constant 0 : i32
      %dma_wait3A_91 = tpu.memref_slice %arg9[%add3A_74, %dma_wait3A] : memref<10240x128xf32, #tpu.memory_space<vmem_shared>> -> memref<80x128xf32, #tpu.memory_space<vmem_shared>>
      %dma_wait3A_92 = arith.constant 0 : i32
      %dma_wait3A_93 = tpu.memref_slice %arg9[%add3A_74, %dma_wait3A_92] : memref<10240x128xf32, #tpu.memory_space<vmem_shared>> -> memref<80x128xf32, #tpu.memory_space<vmem_shared>>
      tpu.wait_dma2 semaphore(%run_scoped3A : memref<!tpu.dma_semaphore, #tpu.memory_space<semaphore_mem>>) src(%dma_wait3A_93 : memref<80x128xf32, #tpu.memory_space<vmem_shared>>) dst(%arg7 : memref<80x128xf32, #tpu.memory_space<vmem>>)
      tpu.yield
    }) : () -> ()
    "tpu.region"() ({
      %run_scoped3A = tpu.sem_alloc : memref<!tpu.dma_semaphore, #tpu.memory_space<semaphore_mem>>
      %dma_start3A_87 = arith.constant 0 : i32
      %dma_start3A_88 = tpu.memref_slice %arg5[%arg0, %add3A_74, %dma_start3A_87] : memref<2x10240x128xf32, #tpu.memory_space<hbm>> -> memref<1x80x128xf32, #tpu.memory_space<hbm>>
      %dma_start3A_89 = tpu.memref_squeeze %dma_start3A_88 : memref<1x80x128xf32, #tpu.memory_space<hbm>> -> memref<80x128xf32, #tpu.memory_space<hbm>>
      %dma_start3A_90 = arith.constant 0 : i32
      %dma_start3A_91 = tpu.memref_slice %arg5[%arg0, %add3A_74, %dma_start3A_90] : memref<2x10240x128xf32, #tpu.memory_space<hbm>> -> memref<1x80x128xf32, #tpu.memory_space<hbm>>
      %dma_start3A_92 = tpu.memref_squeeze %dma_start3A_91 : memref<1x80x128xf32, #tpu.memory_space<hbm>> -> memref<80x128xf32, #tpu.memory_space<hbm>>
      tpu.enqueue_dma source(%arg7 : memref<80x128xf32, #tpu.memory_space<vmem>>) target(%dma_start3A_92 : memref<80x128xf32, #tpu.memory_space<hbm>>) target_semaphore(%run_scoped3A : memref<!tpu.dma_semaphore, #tpu.memory_space<semaphore_mem>>)
      %dma_wait3A = arith.constant 0 : i32
      %dma_wait3A_93 = tpu.memref_slice %arg5[%arg0, %add3A_74, %dma_wait3A] : memref<2x10240x128xf32, #tpu.memory_space<hbm>> -> memref<1x80x128xf32, #tpu.memory_space<hbm>>
      %dma_wait3A_94 = tpu.memref_squeeze %dma_wait3A_93 : memref<1x80x128xf32, #tpu.memory_space<hbm>> -> memref<80x128xf32, #tpu.memory_space<hbm>>
      %dma_wait3A_95 = arith.constant 0 : i32
      %dma_wait3A_96 = tpu.memref_slice %arg5[%arg0, %add3A_74, %dma_wait3A_95] : memref<2x10240x128xf32, #tpu.memory_space<hbm>> -> memref<1x80x128xf32, #tpu.memory_space<hbm>>
      %dma_wait3A_97 = tpu.memref_squeeze %dma_wait3A_96 : memref<1x80x128xf32, #tpu.memory_space<hbm>> -> memref<80x128xf32, #tpu.memory_space<hbm>>
      tpu.wait_dma2 semaphore(%run_scoped3A : memref<!tpu.dma_semaphore, #tpu.memory_space<semaphore_mem>>) src(%arg7 : memref<80x128xf32, #tpu.memory_space<vmem>>) dst(%dma_wait3A_97 : memref<80x128xf32, #tpu.memory_space<hbm>>)
      tpu.yield
    }) : () -> ()
    %mul3A_75 = arith.constant 640 : i32
    %mul3A_76 = arith.muli %arg1, %mul3A_75 : i32
    %add3A_77 = arith.constant 400 : i32
    %add3A_78 = arith.addi %mul3A_76, %add3A_77 : i32
    "tpu.region"() ({
      %run_scoped3A = tpu.sem_alloc : memref<!tpu.dma_semaphore, #tpu.memory_space<semaphore_mem>>
      %dma_start3A_87 = arith.constant 0 : i32
      %dma_start3A_88 = tpu.memref_slice %arg9[%add3A_78, %dma_start3A_87] : memref<10240x128xf32, #tpu.memory_space<vmem_shared>> -> memref<80x128xf32, #tpu.memory_space<vmem_shared>>
      %dma_start3A_89 = arith.constant 0 : i32
      %dma_start3A_90 = tpu.memref_slice %arg9[%add3A_78, %dma_start3A_89] : memref<10240x128xf32, #tpu.memory_space<vmem_shared>> -> memref<80x128xf32, #tpu.memory_space<vmem_shared>>
      tpu.enqueue_dma source(%dma_start3A_90 : memref<80x128xf32, #tpu.memory_space<vmem_shared>>) target(%arg7 : memref<80x128xf32, #tpu.memory_space<vmem>>) target_semaphore(%run_scoped3A : memref<!tpu.dma_semaphore, #tpu.memory_space<semaphore_mem>>)
      %dma_wait3A = arith.constant 0 : i32
      %dma_wait3A_91 = tpu.memref_slice %arg9[%add3A_78, %dma_wait3A] : memref<10240x128xf32, #tpu.memory_space<vmem_shared>> -> memref<80x128xf32, #tpu.memory_space<vmem_shared>>
      %dma_wait3A_92 = arith.constant 0 : i32
      %dma_wait3A_93 = tpu.memref_slice %arg9[%add3A_78, %dma_wait3A_92] : memref<10240x128xf32, #tpu.memory_space<vmem_shared>> -> memref<80x128xf32, #tpu.memory_space<vmem_shared>>
      tpu.wait_dma2 semaphore(%run_scoped3A : memref<!tpu.dma_semaphore, #tpu.memory_space<semaphore_mem>>) src(%dma_wait3A_93 : memref<80x128xf32, #tpu.memory_space<vmem_shared>>) dst(%arg7 : memref<80x128xf32, #tpu.memory_space<vmem>>)
      tpu.yield
    }) : () -> ()
    "tpu.region"() ({
      %run_scoped3A = tpu.sem_alloc : memref<!tpu.dma_semaphore, #tpu.memory_space<semaphore_mem>>
      %dma_start3A_87 = arith.constant 0 : i32
      %dma_start3A_88 = tpu.memref_slice %arg5[%arg0, %add3A_78, %dma_start3A_87] : memref<2x10240x128xf32, #tpu.memory_space<hbm>> -> memref<1x80x128xf32, #tpu.memory_space<hbm>>
      %dma_start3A_89 = tpu.memref_squeeze %dma_start3A_88 : memref<1x80x128xf32, #tpu.memory_space<hbm>> -> memref<80x128xf32, #tpu.memory_space<hbm>>
      %dma_start3A_90 = arith.constant 0 : i32
      %dma_start3A_91 = tpu.memref_slice %arg5[%arg0, %add3A_78, %dma_start3A_90] : memref<2x10240x128xf32, #tpu.memory_space<hbm>> -> memref<1x80x128xf32, #tpu.memory_space<hbm>>
      %dma_start3A_92 = tpu.memref_squeeze %dma_start3A_91 : memref<1x80x128xf32, #tpu.memory_space<hbm>> -> memref<80x128xf32, #tpu.memory_space<hbm>>
      tpu.enqueue_dma source(%arg7 : memref<80x128xf32, #tpu.memory_space<vmem>>) target(%dma_start3A_92 : memref<80x128xf32, #tpu.memory_space<hbm>>) target_semaphore(%run_scoped3A : memref<!tpu.dma_semaphore, #tpu.memory_space<semaphore_mem>>)
      %dma_wait3A = arith.constant 0 : i32
      %dma_wait3A_93 = tpu.memref_slice %arg5[%arg0, %add3A_78, %dma_wait3A] : memref<2x10240x128xf32, #tpu.memory_space<hbm>> -> memref<1x80x128xf32, #tpu.memory_space<hbm>>
      %dma_wait3A_94 = tpu.memref_squeeze %dma_wait3A_93 : memref<1x80x128xf32, #tpu.memory_space<hbm>> -> memref<80x128xf32, #tpu.memory_space<hbm>>
      %dma_wait3A_95 = arith.constant 0 : i32
      %dma_wait3A_96 = tpu.memref_slice %arg5[%arg0, %add3A_78, %dma_wait3A_95] : memref<2x10240x128xf32, #tpu.memory_space<hbm>> -> memref<1x80x128xf32, #tpu.memory_space<hbm>>
      %dma_wait3A_97 = tpu.memref_squeeze %dma_wait3A_96 : memref<1x80x128xf32, #tpu.memory_space<hbm>> -> memref<80x128xf32, #tpu.memory_space<hbm>>
      tpu.wait_dma2 semaphore(%run_scoped3A : memref<!tpu.dma_semaphore, #tpu.memory_space<semaphore_mem>>) src(%arg7 : memref<80x128xf32, #tpu.memory_space<vmem>>) dst(%dma_wait3A_97 : memref<80x128xf32, #tpu.memory_space<hbm>>)
      tpu.yield
    }) : () -> ()
    %mul3A_79 = arith.constant 640 : i32
    %mul3A_80 = arith.muli %arg1, %mul3A_79 : i32
    %add3A_81 = arith.constant 480 : i32
    %add3A_82 = arith.addi %mul3A_80, %add3A_81 : i32
    "tpu.region"() ({
      %run_scoped3A = tpu.sem_alloc : memref<!tpu.dma_semaphore, #tpu.memory_space<semaphore_mem>>
      %dma_start3A_87 = arith.constant 0 : i32
      %dma_start3A_88 = tpu.memref_slice %arg9[%add3A_82, %dma_start3A_87] : memref<10240x128xf32, #tpu.memory_space<vmem_shared>> -> memref<80x128xf32, #tpu.memory_space<vmem_shared>>
      %dma_start3A_89 = arith.constant 0 : i32
      %dma_start3A_90 = tpu.memref_slice %arg9[%add3A_82, %dma_start3A_89] : memref<10240x128xf32, #tpu.memory_space<vmem_shared>> -> memref<80x128xf32, #tpu.memory_space<vmem_shared>>
      tpu.enqueue_dma source(%dma_start3A_90 : memref<80x128xf32, #tpu.memory_space<vmem_shared>>) target(%arg7 : memref<80x128xf32, #tpu.memory_space<vmem>>) target_semaphore(%run_scoped3A : memref<!tpu.dma_semaphore, #tpu.memory_space<semaphore_mem>>)
      %dma_wait3A = arith.constant 0 : i32
      %dma_wait3A_91 = tpu.memref_slice %arg9[%add3A_82, %dma_wait3A] : memref<10240x128xf32, #tpu.memory_space<vmem_shared>> -> memref<80x128xf32, #tpu.memory_space<vmem_shared>>
      %dma_wait3A_92 = arith.constant 0 : i32
      %dma_wait3A_93 = tpu.memref_slice %arg9[%add3A_82, %dma_wait3A_92] : memref<10240x128xf32, #tpu.memory_space<vmem_shared>> -> memref<80x128xf32, #tpu.memory_space<vmem_shared>>
      tpu.wait_dma2 semaphore(%run_scoped3A : memref<!tpu.dma_semaphore, #tpu.memory_space<semaphore_mem>>) src(%dma_wait3A_93 : memref<80x128xf32, #tpu.memory_space<vmem_shared>>) dst(%arg7 : memref<80x128xf32, #tpu.memory_space<vmem>>)
      tpu.yield
    }) : () -> ()
    "tpu.region"() ({
      %run_scoped3A = tpu.sem_alloc : memref<!tpu.dma_semaphore, #tpu.memory_space<semaphore_mem>>
      %dma_start3A_87 = arith.constant 0 : i32
      %dma_start3A_88 = tpu.memref_slice %arg5[%arg0, %add3A_82, %dma_start3A_87] : memref<2x10240x128xf32, #tpu.memory_space<hbm>> -> memref<1x80x128xf32, #tpu.memory_space<hbm>>
      %dma_start3A_89 = tpu.memref_squeeze %dma_start3A_88 : memref<1x80x128xf32, #tpu.memory_space<hbm>> -> memref<80x128xf32, #tpu.memory_space<hbm>>
      %dma_start3A_90 = arith.constant 0 : i32
      %dma_start3A_91 = tpu.memref_slice %arg5[%arg0, %add3A_82, %dma_start3A_90] : memref<2x10240x128xf32, #tpu.memory_space<hbm>> -> memref<1x80x128xf32, #tpu.memory_space<hbm>>
      %dma_start3A_92 = tpu.memref_squeeze %dma_start3A_91 : memref<1x80x128xf32, #tpu.memory_space<hbm>> -> memref<80x128xf32, #tpu.memory_space<hbm>>
      tpu.enqueue_dma source(%arg7 : memref<80x128xf32, #tpu.memory_space<vmem>>) target(%dma_start3A_92 : memref<80x128xf32, #tpu.memory_space<hbm>>) target_semaphore(%run_scoped3A : memref<!tpu.dma_semaphore, #tpu.memory_space<semaphore_mem>>)
      %dma_wait3A = arith.constant 0 : i32
      %dma_wait3A_93 = tpu.memref_slice %arg5[%arg0, %add3A_82, %dma_wait3A] : memref<2x10240x128xf32, #tpu.memory_space<hbm>> -> memref<1x80x128xf32, #tpu.memory_space<hbm>>
      %dma_wait3A_94 = tpu.memref_squeeze %dma_wait3A_93 : memref<1x80x128xf32, #tpu.memory_space<hbm>> -> memref<80x128xf32, #tpu.memory_space<hbm>>
      %dma_wait3A_95 = arith.constant 0 : i32
      %dma_wait3A_96 = tpu.memref_slice %arg5[%arg0, %add3A_82, %dma_wait3A_95] : memref<2x10240x128xf32, #tpu.memory_space<hbm>> -> memref<1x80x128xf32, #tpu.memory_space<hbm>>
      %dma_wait3A_97 = tpu.memref_squeeze %dma_wait3A_96 : memref<1x80x128xf32, #tpu.memory_space<hbm>> -> memref<80x128xf32, #tpu.memory_space<hbm>>
      tpu.wait_dma2 semaphore(%run_scoped3A : memref<!tpu.dma_semaphore, #tpu.memory_space<semaphore_mem>>) src(%arg7 : memref<80x128xf32, #tpu.memory_space<vmem>>) dst(%dma_wait3A_97 : memref<80x128xf32, #tpu.memory_space<hbm>>)
      tpu.yield
    }) : () -> ()
    %mul3A_83 = arith.constant 640 : i32
    %mul3A_84 = arith.muli %arg1, %mul3A_83 : i32
    %add3A_85 = arith.constant 560 : i32
    %add3A_86 = arith.addi %mul3A_84, %add3A_85 : i32
    "tpu.region"() ({
      %run_scoped3A = tpu.sem_alloc : memref<!tpu.dma_semaphore, #tpu.memory_space<semaphore_mem>>
      %dma_start3A_87 = arith.constant 0 : i32
      %dma_start3A_88 = tpu.memref_slice %arg9[%add3A_86, %dma_start3A_87] : memref<10240x128xf32, #tpu.memory_space<vmem_shared>> -> memref<80x128xf32, #tpu.memory_space<vmem_shared>>
      %dma_start3A_89 = arith.constant 0 : i32
      %dma_start3A_90 = tpu.memref_slice %arg9[%add3A_86, %dma_start3A_89] : memref<10240x128xf32, #tpu.memory_space<vmem_shared>> -> memref<80x128xf32, #tpu.memory_space<vmem_shared>>
      tpu.enqueue_dma source(%dma_start3A_90 : memref<80x128xf32, #tpu.memory_space<vmem_shared>>) target(%arg7 : memref<80x128xf32, #tpu.memory_space<vmem>>) target_semaphore(%run_scoped3A : memref<!tpu.dma_semaphore, #tpu.memory_space<semaphore_mem>>)
      %dma_wait3A = arith.constant 0 : i32
      %dma_wait3A_91 = tpu.memref_slice %arg9[%add3A_86, %dma_wait3A] : memref<10240x128xf32, #tpu.memory_space<vmem_shared>> -> memref<80x128xf32, #tpu.memory_space<vmem_shared>>
      %dma_wait3A_92 = arith.constant 0 : i32
      %dma_wait3A_93 = tpu.memref_slice %arg9[%add3A_86, %dma_wait3A_92] : memref<10240x128xf32, #tpu.memory_space<vmem_shared>> -> memref<80x128xf32, #tpu.memory_space<vmem_shared>>
      tpu.wait_dma2 semaphore(%run_scoped3A : memref<!tpu.dma_semaphore, #tpu.memory_space<semaphore_mem>>) src(%dma_wait3A_93 : memref<80x128xf32, #tpu.memory_space<vmem_shared>>) dst(%arg7 : memref<80x128xf32, #tpu.memory_space<vmem>>)
      tpu.yield
    }) : () -> ()
    "tpu.region"() ({
      %run_scoped3A = tpu.sem_alloc : memref<!tpu.dma_semaphore, #tpu.memory_space<semaphore_mem>>
      %dma_start3A_87 = arith.constant 0 : i32
      %dma_start3A_88 = tpu.memref_slice %arg5[%arg0, %add3A_86, %dma_start3A_87] : memref<2x10240x128xf32, #tpu.memory_space<hbm>> -> memref<1x80x128xf32, #tpu.memory_space<hbm>>
      %dma_start3A_89 = tpu.memref_squeeze %dma_start3A_88 : memref<1x80x128xf32, #tpu.memory_space<hbm>> -> memref<80x128xf32, #tpu.memory_space<hbm>>
      %dma_start3A_90 = arith.constant 0 : i32
      %dma_start3A_91 = tpu.memref_slice %arg5[%arg0, %add3A_86, %dma_start3A_90] : memref<2x10240x128xf32, #tpu.memory_space<hbm>> -> memref<1x80x128xf32, #tpu.memory_space<hbm>>
      %dma_start3A_92 = tpu.memref_squeeze %dma_start3A_91 : memref<1x80x128xf32, #tpu.memory_space<hbm>> -> memref<80x128xf32, #tpu.memory_space<hbm>>
      tpu.enqueue_dma source(%arg7 : memref<80x128xf32, #tpu.memory_space<vmem>>) target(%dma_start3A_92 : memref<80x128xf32, #tpu.memory_space<hbm>>) target_semaphore(%run_scoped3A : memref<!tpu.dma_semaphore, #tpu.memory_space<semaphore_mem>>)
      %dma_wait3A = arith.constant 0 : i32
      %dma_wait3A_93 = tpu.memref_slice %arg5[%arg0, %add3A_86, %dma_wait3A] : memref<2x10240x128xf32, #tpu.memory_space<hbm>> -> memref<1x80x128xf32, #tpu.memory_space<hbm>>
      %dma_wait3A_94 = tpu.memref_squeeze %dma_wait3A_93 : memref<1x80x128xf32, #tpu.memory_space<hbm>> -> memref<80x128xf32, #tpu.memory_space<hbm>>
      %dma_wait3A_95 = arith.constant 0 : i32
      %dma_wait3A_96 = tpu.memref_slice %arg5[%arg0, %add3A_86, %dma_wait3A_95] : memref<2x10240x128xf32, #tpu.memory_space<hbm>> -> memref<1x80x128xf32, #tpu.memory_space<hbm>>
      %dma_wait3A_97 = tpu.memref_squeeze %dma_wait3A_96 : memref<1x80x128xf32, #tpu.memory_space<hbm>> -> memref<80x128xf32, #tpu.memory_space<hbm>>
      tpu.wait_dma2 semaphore(%run_scoped3A : memref<!tpu.dma_semaphore, #tpu.memory_space<semaphore_mem>>) src(%arg7 : memref<80x128xf32, #tpu.memory_space<vmem>>) dst(%dma_wait3A_97 : memref<80x128xf32, #tpu.memory_space<hbm>>)
      tpu.yield
    }) : () -> ()
    return
  }
}

module attributes {stable_mosaic.version = 14 : i64} {
  func.func @_prep_body(%arg0: memref<10000x128xf32, #tpu.memory_space<vmem>>, %arg1: memref<1x128xf32, #tpu.memory_space<vmem>>, %arg2: memref<1x128xf32, #tpu.memory_space<vmem>>, %arg3: memref<256x9xf32, #tpu.memory_space<vmem>>, %arg4: memref<128x128xf32, #tpu.memory_space<vmem>>, %arg5: memref<128x128xf32, #tpu.memory_space<vmem>>, %arg6: memref<9x128xf32, #tpu.memory_space<vmem>>, %arg7: memref<1x128xf32, #tpu.memory_space<vmem>>, %arg8: memref<10000x128xf32, #tpu.memory_space<vmem>>, %arg9: memref<10000x128xf32, #tpu.memory_space<vmem>>, %arg10: memref<10000x128xf32, #tpu.memory_space<vmem>>, %arg11: memref<256x128xf32, #tpu.memory_space<vmem>>) attributes {dimension_semantics = [], scalar_prefetch = 0 : i64, scratch_operands = 0 : i64, tpu.core_type = #tpu.core_type<tc>} {
    %get3A = arith.constant 0 : index
    %get3A_0 = arith.constant 0 : index
    %get3A_1 = vector.load %arg0[%get3A, %get3A_0] : memref<10000x128xf32, #tpu.memory_space<vmem>>, vector<10000x128xf32>
    %reduce_sum3A = arith.constant dense<0.000000e+00> : vector<10000xf32>
    %reduce_sum3A_2 = vector.multi_reduction <add>, %get3A_1, %reduce_sum3A [1] : vector<10000x128xf32> to vector<10000xf32>
    %broadcast_in_dim3A = vector.shape_cast %reduce_sum3A_2 : vector<10000xf32> to vector<10000x1xf32>
    %div3A = arith.constant 1.280000e+02 : f32
    %div3A_3 = vector.broadcast %div3A : f32 to vector<10000x1xf32>
    %div3A_4 = arith.divf %broadcast_in_dim3A, %div3A_3 : vector<10000x1xf32>
    %sub3A = vector.broadcast %div3A_4 : vector<10000x1xf32> to vector<10000x128xf32>
    %sub3A_5 = arith.subf %get3A_1, %sub3A : vector<10000x128xf32>
    %integer_pow3A = arith.mulf %sub3A_5, %sub3A_5 : vector<10000x128xf32>
    %reduce_sum3A_6 = arith.constant dense<0.000000e+00> : vector<10000xf32>
    %reduce_sum3A_7 = vector.multi_reduction <add>, %integer_pow3A, %reduce_sum3A_6 [1] : vector<10000x128xf32> to vector<10000xf32>
    %broadcast_in_dim3A_8 = vector.shape_cast %reduce_sum3A_7 : vector<10000xf32> to vector<10000x1xf32>
    %div3A_9 = arith.constant 1.280000e+02 : f32
    %div3A_10 = vector.broadcast %div3A_9 : f32 to vector<10000x1xf32>
    %div3A_11 = arith.divf %broadcast_in_dim3A_8, %div3A_10 : vector<10000x1xf32>
    %sub3A_12 = vector.broadcast %div3A_4 : vector<10000x1xf32> to vector<10000x128xf32>
    %sub3A_13 = arith.subf %get3A_1, %sub3A_12 : vector<10000x128xf32>
    %add3A = arith.constant 9.99999974E-6 : f32
    %add3A_14 = vector.broadcast %add3A : f32 to vector<10000x1xf32>
    %add3A_15 = arith.addf %div3A_11, %add3A_14 : vector<10000x1xf32>
    %rsqrt3A = math.rsqrt %add3A_15 : vector<10000x1xf32>
    %mul3A = vector.broadcast %rsqrt3A : vector<10000x1xf32> to vector<10000x128xf32>
    %mul3A_16 = arith.mulf %sub3A_13, %mul3A : vector<10000x128xf32>
    %get3A_17 = arith.constant 0 : index
    %get3A_18 = arith.constant 0 : index
    %get3A_19 = vector.load %arg1[%get3A_17, %get3A_18] : memref<1x128xf32, #tpu.memory_space<vmem>>, vector<1x128xf32>
    %mul3A_20 = vector.broadcast %get3A_19 : vector<1x128xf32> to vector<10000x128xf32>
    %mul3A_21 = arith.mulf %mul3A_16, %mul3A_20 : vector<10000x128xf32>
    %get3A_22 = arith.constant 0 : index
    %get3A_23 = arith.constant 0 : index
    %get3A_24 = vector.load %arg2[%get3A_22, %get3A_23] : memref<1x128xf32, #tpu.memory_space<vmem>>, vector<1x128xf32>
    %add3A_25 = vector.broadcast %get3A_24 : vector<1x128xf32> to vector<10000x128xf32>
    %add3A_26 = arith.addf %mul3A_21, %add3A_25 : vector<10000x128xf32>
    %swap3A = arith.constant 0 : index
    %swap3A_27 = arith.constant 0 : index
    %swap3A_28 = vector.load %arg8[%swap3A, %swap3A_27] : memref<10000x128xf32, #tpu.memory_space<vmem>>, vector<10000x128xf32>
    tpu.vector_store %arg8[%swap3A, %swap3A_27], %add3A_26 {strides = array<i32>} : memref<10000x128xf32, #tpu.memory_space<vmem>>, vector<10000x128xf32>,
    %get3A_29 = arith.constant 0 : index
    %get3A_30 = arith.constant 0 : index
    %get3A_31 = vector.load %arg4[%get3A_29, %get3A_30] : memref<128x128xf32, #tpu.memory_space<vmem>>, vector<128x128xf32>
    %dot_general3A = arith.constant dense<0.000000e+00> : vector<10000x128xf32>
    %dot_general3A_32 = tpu.matmul %add3A_26, %get3A_31, %dot_general3A {dimension_numbers = #tpu.dot_dimension_numbers<[1], [0], [0], [1], [0, 0, 1, 1], [], []>, transpose_lhs_hint = false} : vector<10000x128xf32>, vector<128x128xf32>, vector<10000x128xf32> -> vector<10000x128xf32>
    %swap3A_33 = arith.constant 0 : index
    %swap3A_34 = arith.constant 0 : index
    %swap3A_35 = vector.load %arg9[%swap3A_33, %swap3A_34] : memref<10000x128xf32, #tpu.memory_space<vmem>>, vector<10000x128xf32>
    tpu.vector_store %arg9[%swap3A_33, %swap3A_34], %dot_general3A_32 {strides = array<i32>} : memref<10000x128xf32, #tpu.memory_space<vmem>>, vector<10000x128xf32>,
    %get3A_36 = arith.constant 0 : index
    %get3A_37 = arith.constant 0 : index
    %get3A_38 = vector.load %arg5[%get3A_36, %get3A_37] : memref<128x128xf32, #tpu.memory_space<vmem>>, vector<128x128xf32>
    %dot_general3A_39 = arith.constant dense<0.000000e+00> : vector<10000x128xf32>
    %dot_general3A_40 = tpu.matmul %add3A_26, %get3A_38, %dot_general3A_39 {dimension_numbers = #tpu.dot_dimension_numbers<[1], [0], [0], [1], [0, 0, 1, 1], [], []>, transpose_lhs_hint = false} : vector<10000x128xf32>, vector<128x128xf32>, vector<10000x128xf32> -> vector<10000x128xf32>
    %swap3A_41 = arith.constant 0 : index
    %swap3A_42 = arith.constant 0 : index
    %swap3A_43 = vector.load %arg10[%swap3A_41, %swap3A_42] : memref<10000x128xf32, #tpu.memory_space<vmem>>, vector<10000x128xf32>
    tpu.vector_store %arg10[%swap3A_41, %swap3A_42], %dot_general3A_40 {strides = array<i32>} : memref<10000x128xf32, #tpu.memory_space<vmem>>, vector<10000x128xf32>,
    %get3A_44 = arith.constant 0 : index
    %get3A_45 = arith.constant 0 : index
    %get3A_46 = vector.load %arg3[%get3A_44, %get3A_45] : memref<256x9xf32, #tpu.memory_space<vmem>>, vector<256x9xf32>
    %get3A_47 = arith.constant 0 : index
    %get3A_48 = arith.constant 0 : index
    %get3A_49 = vector.load %arg6[%get3A_47, %get3A_48] : memref<9x128xf32, #tpu.memory_space<vmem>>, vector<9x128xf32>
    %dot_general3A_50 = arith.constant dense<0.000000e+00> : vector<256x128xf32>
    %dot_general3A_51 = tpu.matmul %get3A_46, %get3A_49, %dot_general3A_50 {dimension_numbers = #tpu.dot_dimension_numbers<[1], [0], [0], [1], [0, 0, 1, 1], [], []>, transpose_lhs_hint = false} : vector<256x9xf32>, vector<9x128xf32>, vector<256x128xf32> -> vector<256x128xf32>
    %get3A_52 = arith.constant 0 : index
    %get3A_53 = arith.constant 0 : index
    %get3A_54 = vector.load %arg7[%get3A_52, %get3A_53] : memref<1x128xf32, #tpu.memory_space<vmem>>, vector<1x128xf32>
    %add3A_55 = vector.broadcast %get3A_54 : vector<1x128xf32> to vector<256x128xf32>
    %add3A_56 = arith.addf %dot_general3A_51, %add3A_55 : vector<256x128xf32>
    %swap3A_57 = arith.constant 0 : index
    %swap3A_58 = arith.constant 0 : index
    %swap3A_59 = vector.load %arg11[%swap3A_57, %swap3A_58] : memref<256x128xf32, #tpu.memory_space<vmem>>, vector<256x128xf32>
    tpu.vector_store %arg11[%swap3A_57, %swap3A_58], %add3A_56 {strides = array<i32>} : memref<256x128xf32, #tpu.memory_space<vmem>>, vector<256x128xf32>,
    return
  }
}

module attributes {stable_mosaic.version = 14 : i64} {
  func.func @_edge_body(%arg0: i32, %arg1: memref<2048x128xf32, #tpu.memory_space<vmem>>, %arg2: memref<2048x8xf32, #tpu.memory_space<vmem>>, %arg3: memref<8x128xf32, #tpu.memory_space<vmem>>, %arg4: memref<128x128xf32, #tpu.memory_space<vmem>>, %arg5: memref<1x128xf32, #tpu.memory_space<vmem>>, %arg6: memref<2048x128xf32, #tpu.memory_space<vmem>>) attributes {dimension_semantics = [#tpu.dimension_semantics<arbitrary>], iteration_bounds = array<i64: 158>, scalar_prefetch = 0 : i64, scratch_operands = 0 : i64, tpu.core_type = #tpu.core_type<tc>, window_params = [{transform_indices = @transform_0, window_bounds = array<i64: 2048, 128>}, {transform_indices = @transform_1, window_bounds = array<i64: 2048, 8>}, {pipeline_mode = #tpu.pipeline_mode<synchronous>, transform_indices = @transform_2, window_bounds = array<i64: 8, 128>}, {pipeline_mode = #tpu.pipeline_mode<synchronous>, transform_indices = @transform_3, window_bounds = array<i64: 128, 128>}, {pipeline_mode = #tpu.pipeline_mode<synchronous>, transform_indices = @transform_4, window_bounds = array<i64: 1, 128>}, {transform_indices = @transform_5, window_bounds = array<i64: 2048, 128>}]} {
    %get3A = arith.constant 0 : index
    %get3A_0 = arith.constant 0 : index
    %get3A_1 = vector.load %arg1[%get3A, %get3A_0] : memref<2048x128xf32, #tpu.memory_space<vmem>>, vector<2048x128xf32>
    %get3A_2 = arith.constant 0 : index
    %get3A_3 = arith.constant 0 : index
    %get3A_4 = vector.load %arg2[%get3A_2, %get3A_3] : memref<2048x8xf32, #tpu.memory_space<vmem>>, vector<2048x8xf32>
    %get3A_5 = arith.constant 0 : index
    %get3A_6 = arith.constant 0 : index
    %get3A_7 = vector.load %arg3[%get3A_5, %get3A_6] : memref<8x128xf32, #tpu.memory_space<vmem>>, vector<8x128xf32>
    %dot_general3A = arith.constant dense<0.000000e+00> : vector<2048x128xf32>
    %dot_general3A_8 = tpu.matmul %get3A_4, %get3A_7, %dot_general3A {dimension_numbers = #tpu.dot_dimension_numbers<[1], [0], [0], [1], [0, 0, 1, 1], [], []>, transpose_lhs_hint = false} : vector<2048x8xf32>, vector<8x128xf32>, vector<2048x128xf32> -> vector<2048x128xf32>
    %add3A = arith.addf %get3A_1, %dot_general3A_8 : vector<2048x128xf32>
    %logistic3A = arith.negf %add3A : vector<2048x128xf32>
    %logistic3A_9 = math.exp %logistic3A : vector<2048x128xf32>
    %logistic3A_10 = arith.constant 1.000000e+00 : f32
    %logistic3A_11 = vector.broadcast %logistic3A_10 : f32 to vector<2048x128xf32>
    %logistic3A_12 = arith.addf %logistic3A_11, %logistic3A_9 : vector<2048x128xf32>
    %logistic3A_13 = arith.divf %logistic3A_11, %logistic3A_12 : vector<2048x128xf32>
    %mul3A = arith.mulf %add3A, %logistic3A_13 : vector<2048x128xf32>
    %get3A_14 = arith.constant 0 : index
    %get3A_15 = arith.constant 0 : index
    %get3A_16 = vector.load %arg4[%get3A_14, %get3A_15] : memref<128x128xf32, #tpu.memory_space<vmem>>, vector<128x128xf32>
    %dot_general3A_17 = arith.constant dense<0.000000e+00> : vector<2048x128xf32>
    %dot_general3A_18 = tpu.matmul %mul3A, %get3A_16, %dot_general3A_17 {dimension_numbers = #tpu.dot_dimension_numbers<[1], [0], [0], [1], [0, 0, 1, 1], [], []>, transpose_lhs_hint = false} : vector<2048x128xf32>, vector<128x128xf32>, vector<2048x128xf32> -> vector<2048x128xf32>
    %get3A_19 = arith.constant 0 : index
    %get3A_20 = arith.constant 0 : index
    %get3A_21 = vector.load %arg5[%get3A_19, %get3A_20] : memref<1x128xf32, #tpu.memory_space<vmem>>, vector<1x128xf32>
    %add3A_22 = vector.broadcast %get3A_21 : vector<1x128xf32> to vector<2048x128xf32>
    %add3A_23 = arith.addf %dot_general3A_18, %add3A_22 : vector<2048x128xf32>
    %logistic3A_24 = arith.negf %add3A_23 : vector<2048x128xf32>
    %logistic3A_25 = math.exp %logistic3A_24 : vector<2048x128xf32>
    %logistic3A_26 = arith.constant 1.000000e+00 : f32
    %logistic3A_27 = vector.broadcast %logistic3A_26 : f32 to vector<2048x128xf32>
    %logistic3A_28 = arith.addf %logistic3A_27, %logistic3A_25 : vector<2048x128xf32>
    %logistic3A_29 = arith.divf %logistic3A_27, %logistic3A_28 : vector<2048x128xf32>
    %mul3A_30 = arith.mulf %add3A_23, %logistic3A_29 : vector<2048x128xf32>
    %swap3A = arith.constant 0 : index
    %swap3A_31 = arith.constant 0 : index
    %swap3A_32 = vector.load %arg6[%swap3A, %swap3A_31] : memref<2048x128xf32, #tpu.memory_space<vmem>>, vector<2048x128xf32>
    tpu.vector_store %arg6[%swap3A, %swap3A_31], %mul3A_30 {strides = array<i32>} : memref<2048x128xf32, #tpu.memory_space<vmem>>, vector<2048x128xf32>,
    return
  }
  func.func @transform_0(%arg0: i32) -> (i32, i32) {
    %c0_i32 = arith.constant 0 : i32
    %c0_i32_0 = arith.constant 0 : i32
    return %arg0, %c0_i32 : i32, i32
  }
  func.func @transform_1(%arg0: i32) -> (i32, i32) {
    %c0_i32 = arith.constant 0 : i32
    %c0_i32_0 = arith.constant 0 : i32
    return %arg0, %c0_i32 : i32, i32
  }
  func.func @transform_2(%arg0: i32) -> (i32, i32) {
    %c0_i32 = arith.constant 0 : i32
    %c0_i32_0 = arith.constant 0 : i32
    %c0_i32_1 = arith.constant 0 : i32
    return %c0_i32, %c0_i32_0 : i32, i32
  }
  func.func @transform_3(%arg0: i32) -> (i32, i32) {
    %c0_i32 = arith.constant 0 : i32
    %c0_i32_0 = arith.constant 0 : i32
    %c0_i32_1 = arith.constant 0 : i32
    return %c0_i32, %c0_i32_0 : i32, i32
  }
  func.func @transform_4(%arg0: i32) -> (i32, i32) {
    %c0_i32 = arith.constant 0 : i32
    %c0_i32_0 = arith.constant 0 : i32
    %c0_i32_1 = arith.constant 0 : i32
    return %c0_i32, %c0_i32_0 : i32, i32
  }
  func.func @transform_5(%arg0: i32) -> (i32, i32) {
    %c0_i32 = arith.constant 0 : i32
    %c0_i32_0 = arith.constant 0 : i32
    return %arg0, %c0_i32 : i32, i32
  }
}

module attributes {stable_mosaic.version = 14 : i64} {
  func.func @_node_body(%arg0: memref<10000x128xf32, #tpu.memory_space<vmem>>, %arg1: memref<10000x128xf32, #tpu.memory_space<vmem>>, %arg2: memref<2x10240x128xf32, #tpu.memory_space<vmem>>, %arg3: memref<2x10240x128xf32, #tpu.memory_space<vmem>>, %arg4: memref<128x128xf32, #tpu.memory_space<vmem>>, %arg5: memref<128x128xf32, #tpu.memory_space<vmem>>, %arg6: memref<1x128xf32, #tpu.memory_space<vmem>>, %arg7: memref<128x128xf32, #tpu.memory_space<vmem>>, %arg8: memref<1x128xf32, #tpu.memory_space<vmem>>, %arg9: memref<10000x128xf32, #tpu.memory_space<vmem>>) attributes {dimension_semantics = [], scalar_prefetch = 0 : i64, scratch_operands = 0 : i64, tpu.core_type = #tpu.core_type<tc>} {
    %get3A = arith.constant 0 : index
    %get3A_0 = arith.constant 0 : index
    %get3A_1 = arith.constant 0 : index
    %get3A_2 = vector.load %arg2[%get3A, %get3A_0, %get3A_1] : memref<2x10240x128xf32, #tpu.memory_space<vmem>>, vector<1x10000x128xf32>
    %get3A_3 = vector.shape_cast %get3A_2 : vector<1x10000x128xf32> to vector<10000x128xf32>
    %get3A_4 = arith.constant 1 : index
    %get3A_5 = arith.constant 0 : index
    %get3A_6 = arith.constant 0 : index
    %get3A_7 = vector.load %arg2[%get3A_4, %get3A_5, %get3A_6] : memref<2x10240x128xf32, #tpu.memory_space<vmem>>, vector<1x10000x128xf32>
    %get3A_8 = vector.shape_cast %get3A_7 : vector<1x10000x128xf32> to vector<10000x128xf32>
    %add3A = arith.addf %get3A_3, %get3A_8 : vector<10000x128xf32>
    %get3A_9 = arith.constant 0 : index
    %get3A_10 = arith.constant 0 : index
    %get3A_11 = arith.constant 0 : index
    %get3A_12 = vector.load %arg3[%get3A_9, %get3A_10, %get3A_11] : memref<2x10240x128xf32, #tpu.memory_space<vmem>>, vector<1x10000x1xf32>
    %get3A_13 = vector.shape_cast %get3A_12 : vector<1x10000x1xf32> to vector<10000x1xf32>
    %get3A_14 = arith.constant 1 : index
    %get3A_15 = arith.constant 0 : index
    %get3A_16 = arith.constant 0 : index
    %get3A_17 = vector.load %arg3[%get3A_14, %get3A_15, %get3A_16] : memref<2x10240x128xf32, #tpu.memory_space<vmem>>, vector<1x10000x1xf32>
    %get3A_18 = vector.shape_cast %get3A_17 : vector<1x10000x1xf32> to vector<10000x1xf32>
    %add3A_19 = arith.addf %get3A_13, %get3A_18 : vector<10000x1xf32>
    %max3A = arith.constant 1.000000e+00 : f32
    %max3A_20 = vector.broadcast %max3A : f32 to vector<10000x1xf32>
    %max3A_21 = arith.maximumf %add3A_19, %max3A_20 : vector<10000x1xf32>
    %div3A = vector.broadcast %max3A_21 : vector<10000x1xf32> to vector<10000x128xf32>
    %div3A_22 = arith.divf %add3A, %div3A : vector<10000x128xf32>
    %get3A_23 = arith.constant 0 : index
    %get3A_24 = arith.constant 0 : index
    %get3A_25 = vector.load %arg1[%get3A_23, %get3A_24] : memref<10000x128xf32, #tpu.memory_space<vmem>>, vector<10000x128xf32>
    %get3A_26 = arith.constant 0 : index
    %get3A_27 = arith.constant 0 : index
    %get3A_28 = vector.load %arg4[%get3A_26, %get3A_27] : memref<128x128xf32, #tpu.memory_space<vmem>>, vector<128x128xf32>
    %dot_general3A = arith.constant dense<0.000000e+00> : vector<10000x128xf32>
    %dot_general3A_29 = tpu.matmul %get3A_25, %get3A_28, %dot_general3A {dimension_numbers = #tpu.dot_dimension_numbers<[1], [0], [0], [1], [0, 0, 1, 1], [], []>, transpose_lhs_hint = false} : vector<10000x128xf32>, vector<128x128xf32>, vector<10000x128xf32> -> vector<10000x128xf32>
    %get3A_30 = arith.constant 0 : index
    %get3A_31 = arith.constant 0 : index
    %get3A_32 = vector.load %arg5[%get3A_30, %get3A_31] : memref<128x128xf32, #tpu.memory_space<vmem>>, vector<128x128xf32>
    %dot_general3A_33 = arith.constant dense<0.000000e+00> : vector<10000x128xf32>
    %dot_general3A_34 = tpu.matmul %div3A_22, %get3A_32, %dot_general3A_33 {dimension_numbers = #tpu.dot_dimension_numbers<[1], [0], [0], [1], [0, 0, 1, 1], [], []>, transpose_lhs_hint = false} : vector<10000x128xf32>, vector<128x128xf32>, vector<10000x128xf32> -> vector<10000x128xf32>
    %add3A_35 = arith.addf %dot_general3A_29, %dot_general3A_34 : vector<10000x128xf32>
    %get3A_36 = arith.constant 0 : index
    %get3A_37 = arith.constant 0 : index
    %get3A_38 = vector.load %arg6[%get3A_36, %get3A_37] : memref<1x128xf32, #tpu.memory_space<vmem>>, vector<1x128xf32>
    %add3A_39 = vector.broadcast %get3A_38 : vector<1x128xf32> to vector<10000x128xf32>
    %add3A_40 = arith.addf %add3A_35, %add3A_39 : vector<10000x128xf32>
    %logistic3A = arith.negf %add3A_40 : vector<10000x128xf32>
    %logistic3A_41 = math.exp %logistic3A : vector<10000x128xf32>
    %logistic3A_42 = arith.constant 1.000000e+00 : f32
    %logistic3A_43 = vector.broadcast %logistic3A_42 : f32 to vector<10000x128xf32>
    %logistic3A_44 = arith.addf %logistic3A_43, %logistic3A_41 : vector<10000x128xf32>
    %logistic3A_45 = arith.divf %logistic3A_43, %logistic3A_44 : vector<10000x128xf32>
    %mul3A = arith.mulf %add3A_40, %logistic3A_45 : vector<10000x128xf32>
    %get3A_46 = arith.constant 0 : index
    %get3A_47 = arith.constant 0 : index
    %get3A_48 = vector.load %arg7[%get3A_46, %get3A_47] : memref<128x128xf32, #tpu.memory_space<vmem>>, vector<128x128xf32>
    %dot_general3A_49 = arith.constant dense<0.000000e+00> : vector<10000x128xf32>
    %dot_general3A_50 = tpu.matmul %mul3A, %get3A_48, %dot_general3A_49 {dimension_numbers = #tpu.dot_dimension_numbers<[1], [0], [0], [1], [0, 0, 1, 1], [], []>, transpose_lhs_hint = false} : vector<10000x128xf32>, vector<128x128xf32>, vector<10000x128xf32> -> vector<10000x128xf32>
    %get3A_51 = arith.constant 0 : index
    %get3A_52 = arith.constant 0 : index
    %get3A_53 = vector.load %arg8[%get3A_51, %get3A_52] : memref<1x128xf32, #tpu.memory_space<vmem>>, vector<1x128xf32>
    %add3A_54 = vector.broadcast %get3A_53 : vector<1x128xf32> to vector<10000x128xf32>
    %add3A_55 = arith.addf %dot_general3A_50, %add3A_54 : vector<10000x128xf32>
    %get3A_56 = arith.constant 0 : index
    %get3A_57 = arith.constant 0 : index
    %get3A_58 = vector.load %arg0[%get3A_56, %get3A_57] : memref<10000x128xf32, #tpu.memory_space<vmem>>, vector<10000x128xf32>
    %logistic3A_59 = arith.negf %add3A_55 : vector<10000x128xf32>
    %logistic3A_60 = math.exp %logistic3A_59 : vector<10000x128xf32>
    %logistic3A_61 = arith.constant 1.000000e+00 : f32
    %logistic3A_62 = vector.broadcast %logistic3A_61 : f32 to vector<10000x128xf32>
    %logistic3A_63 = arith.addf %logistic3A_62, %logistic3A_60 : vector<10000x128xf32>
    %logistic3A_64 = arith.divf %logistic3A_62, %logistic3A_63 : vector<10000x128xf32>
    %mul3A_65 = arith.mulf %add3A_55, %logistic3A_64 : vector<10000x128xf32>
    %add3A_66 = arith.addf %get3A_58, %mul3A_65 : vector<10000x128xf32>
    %swap3A = arith.constant 0 : index
    %swap3A_67 = arith.constant 0 : index
    %swap3A_68 = vector.load %arg9[%swap3A, %swap3A_67] : memref<10000x128xf32, #tpu.memory_space<vmem>>, vector<10000x128xf32>
    tpu.vector_store %arg9[%swap3A, %swap3A_67], %add3A_66 {strides = array<i32>} : memref<10000x128xf32, #tpu.memory_space<vmem>>, vector<10000x128xf32>,
    return
  }
}

</mosaic_0001>

<sc_bundles>
// kernel: kernel.11.cloned.1.call-start
scs
__scs_entry_jumppad:
0x0: {  	(pc) =	sbr.rel $0x88, $3  }
0x1: {  	(tag) =	ssettag $0x0;
	lr =	simm.s32 $0x1  }
0x2: {  	[smem:$0x3F92] =	sst lr;
	_ =	strace $0xD0000000  }
0x3: {  	_ = 	snop  }
0x4: {  	_ = 	snop  }
0x5: {  	_ = 	snop  }
0x6: {  	_ = 	snop  }
0x7: {  	_ = 	snop  }
__scs_overlays_trampoline_lowered:
0x8: {  	[smem:$0x3FA1] =	sst s0  }
0x9: {  	[smem:$0x3FA2] =	sst s1  }
0xa: {  	[smem:$0x3FA3] =	sst s2  }
0xb: {  	[smem:$0x3FA4] =	sst s3  }
0xc: {  	[smem:$0x3FA5] =	sst s4  }
0xd: {  	[smem:$0x3FA6] =	sst s5  }
0xe: {  	[smem:$0x3FA7] =	sst s6  }
0xf: {  	[smem:$0x3FA8] =	sst s7  }
0x10: {  	[smem:$0x3FA9] =	sst s8  }
0x11: {  	[smem:$0x3FAA] =	sst s9;
	s0 =	simm.s32 @!p0 $0x0  }
0x12: {  	s1 =	sld [smem:$0x3F90];
	s0 =	simm.s32 @p0 $0x1  }
0x13: {  	[smem:$0x3FAB] =	sst s0;
	s0 =	simm.s32 @!p1 $0x0  }
0x14: {  	s2 =	sld [smem:$0x3F8F];
	s0 =	simm.s32 @p1 $0x1  }
0x15: {  	[smem:$0x3FAC] =	sst s0;
	s0 =	simm.s32 @!p2 $0x0  }
0x16: {  	s3 =	sld [smem:$0x3FDB];
	s0 =	simm.s32 @p2 $0x1  }
0x17: {  	s4 =	simm.s32 $0x1BF5;
	[smem:$0x3FAE] =	sst s0  }
0x18: {  	s0 =	sld [smem:$0x3F91];
	_ =	swait.ge [sflag:s4], $0x0  }
0x19: {  	s7 =	sld [smem:$0x3F92]  }
0x1a: {  	s8 =	sadd.s32 $0xFFFFE003, lr  }
0x1b: {  	s9 =	sadd.s32 $0xFFFFFEF7, lr;
	s5 =	simm.s32 $0xFFFFFFFF;
	p2 =	slt.u32 s8, $0xFFFFF086  }
0x1c: {  	p1 =	slt.u32 s9, $0xF7A;
	s5 =	simm.s32 @!p2 $0x0  }
0x1d: {  	s5 =	simm.s32 @p1 $0x1;
	p0 =	seq.s32 s7, s2  }
0x1e: {  	s7 =	smul.u32 @!p0 $0xF7A, s2;
	p2 =	seq.s32 @!p0 s5, $0x0  }
0x1f: {  	s9 =	smul.u32 $0xF7A, s1;
	s8 =	simm.s32 @!p0 $0x1BF5;
	p2 =	por !p2, p0  }
0x20: {  	[sflag:s8] =	ssyncset.s32 @!p0 $0xFFFFF086;
	s6 =	sadd.s32 @!p0 s3, s7;
	s7 =	simm.s32 @!p0 $0x108  }
0x21: {  	s3 =	sadd.s32 s3, s9;
	s6 =	sadd.s32 @!p0 $0x88, s6;
	s7 =	simm.s32 @p2 $0x1082  }
0x22: {  	[simem:s7], [sflag:s8] =	dma.local @!p0 [hbm:s6], $0xF7A  }
0x23: {  	s9 =	sor.u32 $0xD0000000, s2;
	s6 =	simm.s32 $0x108;
	_ =	swait.ge @!p0 [sflag:s8], $0x0  }
0x24: {  	s3 =	sadd.s32 $0x88, s3;
	s6 =	simm.s32 @!p1 $0x1082;
	[sflag:s4] =	ssyncset.s32 $0xFFFFF086  }
0x25: {  	[simem:s6], [sflag:s4] =	dma.local [hbm:s3], $0xF7A  }
0x26: {  	[smem:$0x3F92] =	sst s1;
	(tag) =	ssettag s2;
	_ =	strace s9  }
0x27: {  	s1 =	sld [smem:$0x3FA2]  }
0x28: {  	s2 =	sld [smem:$0x3FA3]  }
0x29: {  	s4 =	sld [smem:$0x3FA5]  }
0x2a: {  	p0 =	seq.s32 s5, $0x0;
	s5 =	sld [smem:$0x3FA6]  }
0x2b: {  	s6 =	sld [smem:$0x3FA7]  }
0x2c: {  	s7 =	sld [smem:$0x3FA8]  }
0x2d: {  	s3 =	simm.s32 $0x108;
	s8 =	sld [smem:$0x3FA9]  }
0x2e: {  	s3 =	simm.s32 @!p0 $0x1082;
	s9 =	sld [smem:$0x3FAA]  }
0x2f: {  	lr =	sadd.s32 s0, s3;
	s0 =	sld [smem:$0x3FA1]  }
0x30: {  	s3 =	sld [smem:$0x3FA4]  }
0x31: {  	[smem:$0x3FAD] =	sst s10  }
0x32: {  	s10 =	sld [smem:$0x3FAB];
	_ =	sdelay $0x3  }
0x33: {  	p0 =	seq.s32 s10, $0x1;
	s10 =	sld [smem:$0x3FAD];
	_ =	sdelay $0x3  }
0x34: {  	[smem:$0x3FAD] =	sst s10  }
0x35: {  	s10 =	sld [smem:$0x3FAC];
	_ =	sdelay $0x3  }
0x36: {  	p1 =	seq.s32 s10, $0x1;
	s10 =	sld [smem:$0x3FAD];
	_ =	sdelay $0x3  }
0x37: {  	[smem:$0x3FAD] =	sst s10  }
0x38: {  	s10 =	sld [smem:$0x3FAE]  }
0x39: {  	_ = 	snop;
	(pc) =	sbr.ind lr, $3  }
0x3a: {  	_ = 	snop  }
0x3b: {  	_ = 	snop  }
0x3c: {  	p2 =	seq.s32 s10, $0x1;
	s10 =	sld [smem:$0x3FAD]  }
0x3d: {  	_ =	shalt  }
0x3e: {  	_ =	shalt  }
0x3f: {  	_ =	shalt  }
0x40: {  	_ =	shalt  }
0x41: {  	_ =	shalt  }
0x42: {  	_ =	shalt  }
0x43: {  	_ =	shalt  }
0x44: {  	_ =	shalt  }
0x45: {  	_ =	shalt  }
0x46: {  	_ =	shalt  }
0x47: {  	_ =	shalt  }
0x48: {  	_ =	shalt  }
0x49: {  	_ =	shalt  }
0x4a: {  	_ =	shalt  }
0x4b: {  	_ =	shalt  }
0x4c: {  	_ =	shalt  }
0x4d: {  	_ =	shalt  }
0x4e: {  	_ =	shalt  }
0x4f: {  	_ =	shalt  }
0x50: {  	_ =	shalt  }
0x51: {  	_ =	shalt  }
0x52: {  	_ =	shalt  }
0x53: {  	_ =	shalt  }
0x54: {  	_ =	shalt  }
0x55: {  	_ =	shalt  }
0x56: {  	_ =	shalt  }
0x57: {  	_ =	shalt  }
0x58: {  	_ =	shalt  }
0x59: {  	_ =	shalt  }
0x5a: {  	_ =	shalt  }
0x5b: {  	_ =	shalt  }
0x5c: {  	_ =	shalt  }
0x5d: {  	_ =	shalt  }
0x5e: {  	_ =	shalt  }
0x5f: {  	_ =	shalt  }
0x60: {  	_ =	shalt  }
0x61: {  	_ =	shalt  }
0x62: {  	_ =	shalt  }
0x63: {  	_ =	shalt  }
0x64: {  	_ =	shalt  }
0x65: {  	_ =	shalt  }
0x66: {  	_ =	shalt  }
0x67: {  	_ =	shalt  }
0x68: {  	_ =	shalt  }
0x69: {  	_ =	shalt  }
0x6a: {  	_ =	shalt  }
0x6b: {  	_ =	shalt  }
0x6c: {  	_ =	shalt  }
0x6d: {  	_ =	shalt  }
0x6e: {  	_ =	shalt  }
0x6f: {  	_ =	shalt  }
0x70: {  	_ =	shalt  }
0x71: {  	_ =	shalt  }
0x72: {  	_ =	shalt  }
0x73: {  	_ =	shalt  }
0x74: {  	_ =	shalt  }
0x75: {  	_ =	shalt  }
0x76: {  	_ =	shalt  }
0x77: {  	_ =	shalt  }
0x78: {  	_ =	shalt  }
0x79: {  	_ =	shalt  }
0x7a: {  	_ =	shalt  }
0x7b: {  	_ =	shalt  }
0x7c: {  	_ =	shalt  }
0x7d: {  	_ =	shalt  }
0x7e: {  	_ =	shalt  }
0x7f: {  	_ =	shalt  }
0x80: {  	_ =	shalt  }
0x81: {  	_ =	shalt  }
0x82: {  	_ =	shalt  }
0x83: {  	_ =	shalt  }
0x84: {  	_ =	shalt  }
0x85: {  	_ =	shalt  }
0x86: {  	_ =	shalt  }
0x87: {  	_ =	shalt  }
.Lfunc_end0:
.L_simem_size_0:
called_computation.1_lowered:
.L_overlay_start_0:
0x88: {  	s2 =	sld [smem:$0x3FD9]  }
0x89: {  	s3 =	sld [smem:$0x3FFE];
	_ =	sdelay $0x1  }
0x8a: {  	s1 =	srdreg.scid  }
0x8b: {  	s0 =	sand.u32 $0x1, s1  }
0x8c: {  	s17 =	sshll.u32 s0, $0xA;
	s2 =	sadd.s32 s3, s2  }
0x8d: {  	s2 =	sadd.s32 s2, s17  }
0x8e: {  	[smem:$0x3FB9] =	sst s2  }
0x8f: {  	_ = 	snop  }
0x90: {  	(tm) =	ssettm $0x1  }
0x91: {  	s18 =	sld [smem:$0x3FFB];
	_ =	sdelay $0x3  }
0x92: {  	_ =	strace s18  }
0x93: {  	s2 =	sld [smem:$0x3FFC];
	_ =	sdelay $0x3  }
0x94: {  	_ =	strace s2  }
0x95: {  	s2 =	sld [smem:$0x3FFD];
	_ =	sdelay $0x3  }
0x96: {  	_ =	strace s2  }
0x97: {  	_ =	strace $0x8FFFFFFF  }
0x98: {  	s19 =	sld [smem:$0x3FDB];
	_ =	sdelay $0x1  }
0x99: {  	s20 =	simm.s32 $_scs_section_size  }
0x9a: {  	s4 =	simm.s32 $_size__tile_overlayer_lowered;
	s5 =	simm.s32 $_tile_overlayer_lowered  }
0x9b: {  	s6 =	simm.s32 $0x1BFF;
	s21 =	sshll.u32 s5, $0x1;
	s3 =	sadd.s32 s20, s19  }
0x9c: {  	s22 =	simm.s32 $0x0;
	s4 =	sshll.u32 s4, $0x1;
	s5 =	sadd.s32 s21, s3  }
0x9d: {  	[timem:s22], [sflag:s6] =	dma.local [hbm:s5], s4  }
0x9e: {  	_ =	swait.ge [sflag:s6], s4  }
0x9f: {  	s4 =	ssub.s32 $0x0, s4;
	[sflag:s6] =	ssyncset.done $0x0  }
0xa0: {  	[sflag:s6] =	ssyncadd.s32 s4;
	_ =	sdelay $0x1  }
0xa1: {  	s23 =	simm.s32 $0x1B8B  }
0xa2: {  	_ =	swait.ge [sflag:s23], $0x1  }
0xa3: {  	[sflag:s23] =	ssyncset.done $0x0  }
0xa4: {  	[sflag:s23] =	ssyncadd.s32 $0xFFFFFFFF  }
0xa5: {  	s4 =	sld [smem:$0x0]  }
0xa6: {  	s5 =	sand.u32 $0xFFFFFFFE, s1  }
0xa7: {  	p0 =	sne.s32 s1, s5  }
0xa8: {  	s5 =	sshll.u32 @p0 s5, $0xE  }
0xa9: {  	s5 =	sadd.s32 @p0 $0x11B8D, s5;
	s6 =	sshll.u32 @p0 s4, $0x11  }
0xaa: {  	s5 =	sor.u32 @p0 s6, s5  }
0xab: {  	[sflag:s5] =	ssyncadd.remote.s32 @p0 $0x1;
	_ =	sdelay $0x1  }
0xac: {  	s5 =	simm.s32 @p0 $0x1B8D  }
0xad: {  	_ =	swait.eq @p0 [sflag:s5], $0x1  }
0xae: {  	[sflag:s5] =	ssyncadd.s32 @p0 $0xFFFFFFFF  }
0xaf: {  	s6 =	sshll.u32 @!p0 s1, $0xE  }
0xb0: {  	s6 =	sor.u32 @!p0 $0x4000, s6;
	s5 =	simm.s32 @!p0 $0x1B8D  }
0xb1: {  	s4 =	sshll.u32 @!p0 s4, $0x11;
	s6 =	sadd.s32 @!p0 $0x11B8D, s6;
	_ =	swait.eq @!p0 [sflag:s5], $0x1  }
0xb2: {  	s4 =	sor.u32 @!p0 s4, s6;
	[sflag:s5] =	ssyncadd.s32 @!p0 $0xFFFFFFFF  }
0xb3: {  	s25 =	simm.s32 $0x1B8E;
	s24 =	sld [smem:$0x3FFE];
	[sflag:s4] =	ssyncadd.remote.s32 @!p0 $0x1  }
0xb4: {  	s26 =	simm.s32 $execute0_lowered;
	[smem:$0x3FD2] =	sst s25  }
0xb5: {  	s5 =	sshll.u32 s26, $0x1;
	_ =	strace $0x80000049;
	[dreg:$0x1] =	wrdreg $0xFFFFFFFF  }
0xb6: {  	s28 =	simm.s32 $_size_execute0_lowered;
	s3 =	sadd.s32 s3, s5;
	[dreg:$0x0] =	wrdreg $0x0  }
0xb7: {  	s5 =	sshll.u32 s28, $0x1;
	[dreg:$0x2] =	wrdreg s3  }
0xb8: {  	[dreg:$0x3] =	wrdreg s5  }
0xb9: {  	[dreg:$0x4] =	wrdreg $0xC0  }
0xba: {  	_ =	task [dreg:s22], $0x5FFFF  }
0xbb: {  	[dreg:$0x1] =	wrdreg $0xFFFFFFFF  }
0xbc: {  	[dreg:$0x0] =	wrdreg $0x60  }
0xbd: {  	[dreg:$0x2] =	wrdreg s24  }
0xbe: {  	[dreg:$0x3] =	wrdreg $0x8E800  }
0xbf: {  	[dreg:$0x4] =	wrdreg $0x9  }
0xc0: {  	_ =	task.clear_ibuf [dreg:s22], $0x5FFFF;
	_ =	strace $0x90000049  }
0xc1: {  	s29 =	simm.s32 $0x9;
	_ =	strace $0x8000004B  }
0xc2: {  	_ =	swait.ge [sflag:s29], $0x1  }
0xc3: {  	[sflag:s29] =	ssyncadd.s32 $0xFFFFFFFF  }
0xc4: {  	_ =	strace $0x9000004B  }
0xc5: {  	_ =	sfence  }
0xc6: {  	s30 =	sld [smem:$0x0];
	_ =	sdelay $0x2  }
0xc7: {  	s31 =	sshll.u32 s1, $0xD;
	s1 =	sshrl.u32 s1, $0x2  }
0xc8: {  	s4 =	sand.u32 $0x4000, s31;
	s1 =	sadd.s32 s1, s30  }
0xc9: {  	s0 =	sor.u32 s4, s0;
	s1 =	sshll.u32 s1, $0x11  }
0xca: {  	s0 =	sor.u32 s1, s0  }
0xcb: {  	s0 =	sadd.s32 $0x8F2B, s0  }
0xcc: {  	[sflag:s0] =	ssyncadd.remote.s32 $0x1  }
0xcd: {  	_ =	sfence.sel $0xFFFF  }
0xce: {  	[dreg:$0x0] =	wrdreg $0xFFFFFFFF;
	(pc) =	sbr.abs _section_cstart, $3  }
0xcf: {  	[dreg:$0x1] =	wrdreg $0xFFFFFFFF  }
0xd0: {  	_ =	task.clear_ibuf [dreg:s22], $0x2FFFF;
	_ =	strace $0x9FFFFFFF  }
0xd1: {  	(tm) =	ssettm $0x7FFFFFFF  }
tec
execute0_lowered:
.L_overlay_start_1:
0x0: {  	(tag) =	ssettag $0x1  }
0x1: {  	s6 =	rddreg [dreg:$0x0]  }
0x2: {  	s1 =	srdreg.scid;
	s0 =	stileid.u32  }
0x3: {  	s2 =	rddreg [dreg:$0x1];
	s3 =	simm.s32 $0x0;
	s28 =	simm.s32 $0x50  }
0x4: {  	s29 =	simm.s32 $0x0;
	s11 =	sand.u32 $0x1, s1;
	s1 =	rddreg [dreg:$0x2]  }
0x5: {  	s4 =	sshll.u32 s0, $0x1;
	[smem:$0x7FF] =	sst s3;
	s8 =	smul.u32 $0x50000, s0  }
0x6: {  	s5 =	sadd.s32 $0x4600, s6;
	s22 =	sadd.s32 $0x57A600, s6;
	s14 =	smul.u32 $0x14000, s0  }
0x7: {  	s4 =	sor.u32 s11, s4;
	s31 =	ssub.s32 $0x2, s11;
	s21 =	smul.u32 $0x140000, s11  }
0x8: {  	_ =	strace $0x8000004A;
	s4 =	smul.u32 $0x7D0, s4;
	s9 =	sshrl.u32 s31, $0x1  }
0x9: {  	s8 =	sshrl.u32 s8, $0x2;
	s15 =	sor.u32 $0x2800, s14;
	s17 =	sadd.s32 $0x5000, s14  }
0xa: {  	s18 =	sadd.s32 $0x7800, s14;
	s19 =	sadd.s32 $0xA000, s14;
	s20 =	sadd.s32 $0xC800, s14  }
0xb: {  	s24 =	sadd.s32 $0xF000, s14;
	s25 =	sadd.s32 $0x11800, s14;
	s23 =	ssub.s32 s31, s9  }
0xc: {  	s9 =	sadd.s32 s17, s2;
	s10 =	sadd.s32 s18, s2;
	s11 =	sadd.s32 s19, s2  }
0xd: {  	s12 =	sadd.s32 s20, s2;
	s13 =	sadd.s32 s24, s2;
	s16 =	sadd.s32 s14, s21  }
0xe: {  	s14 =	sadd.s32 s25, s2;
	s17 =	sadd.s32 s21, s17;
	s18 =	sadd.s32 s21, s18  }
0xf: {  	s19 =	sadd.s32 s21, s19;
	s20 =	sadd.s32 s21, s20;
	s24 =	sadd.s32 s21, s24  }
0x10: {  	s7 =	sadd.s32 s4, s6;
	s4 =	sadd.s32 $0x4000, s6;
	s16 =	sshrl.u32 s16, $0x3  }
0x11: {  	s17 =	sshrl.u32 s17, $0x3;
	s18 =	sshrl.u32 s18, $0x3;
	s19 =	sshrl.u32 s19, $0x3  }
0x12: {  	s20 =	sshrl.u32 s20, $0x3;
	s24 =	sshrl.u32 s24, $0x3;
	s23 =	smax.u32 s23, $0x1  }
0x13: {  	s6 =	sadd.s32 $0x56AC00, s7;
	s7 =	sadd.s32 s8, s2;
	s8 =	sadd.s32 s15, s2  }
0x14: {  	s15 =	sadd.s32 s21, s15;
	s17 =	sadd.s32 s22, s17;
	s18 =	sadd.s32 s22, s18  }
0x15: {  	s19 =	sadd.s32 s22, s19;
	s21 =	sadd.s32 s21, s25;
	s20 =	sadd.s32 s22, s20  }
0x16: {  	s26 =	sshrl.u32 s15, $0x3;
	s15 =	sadd.s32 s22, s16;
	s25 =	sshrl.u32 s21, $0x3  }
0x17: {  	s21 =	sadd.s32 s22, s24;
	s24 =	simm.s32 $0x1;
	s16 =	sadd.s32 s22, s26  }
0x18: {  	s22 =	sadd.s32 s22, s25;
	s25 =	simm.s32 $0x6680;
	s26 =	simm.s32 $0x3E80  }
.LBB2_1:
0x19: {  	[tilespmem:s3], [sflag:$0x1] =	stream.linear.gather [hbm4b:s6+s3], $0x3E80, $0x38;
	[tilespmem:$0x1CE80] =	vst v63  }
0x1a: {  	_ =	swait.ge [sflag:s24], $0x3E80  }
0x1b: {  	[sflag:s24] =	ssyncset.done $0x0  }
0x1c: {  	[sflag:s24] =	ssyncadd.s32 $0xFFFFC180  }
0x1d: {  	[tilespmem:s25], [sflag:$0x1] =	stream.linear.gather [hbm4b:s5+s3], $0x2800, $0x38;
	[tilespmem:$0x1CE80] =	vst v63  }
0x1e: {  	_ =	swait.ge [sflag:s24], $0x2800  }
0x1f: {  	[sflag:s24] =	ssyncset.done $0x0  }
0x20: {  	[sflag:s24] =	ssyncadd.s32 $0xFFFFD800  }
0x21: {  	[tilespmem:s26], [sflag:$0x1] =	stream.linear.gather [hbm4b:s4+s3], $0x2800, $0x38;
	[tilespmem:$0x1CE80] =	vst v63  }
0x22: {  	_ =	swait.ge [sflag:s24], $0x2800  }
0x23: {  	[sflag:s24] =	ssyncset.done $0x0  }
0x24: {  	[sflag:s24] =	ssyncadd.s32 $0xFFFFD800  }
0x25: {  	[spmem:s7] =	stream.linear.scatter [tilespmem:s26], [sflag:$0x1], $0x2800, $0x38;
	[tilespmem:$0x1CE80] =	vst v63  }
0x26: {  	_ =	swait.ge [sflag:s24], $0x2800  }
0x27: {  	[sflag:s24] =	ssyncset.done $0x0  }
0x28: {  	[sflag:s24] =	ssyncadd.s32 $0xFFFFD800  }
0x29: {  	[spmem:s8] =	stream.linear.scatter [tilespmem:s26], [sflag:$0x1], $0x2800, $0x38;
	[tilespmem:$0x1CE80] =	vst v63  }
0x2a: {  	_ =	swait.ge [sflag:s24], $0x2800  }
0x2b: {  	[sflag:s24] =	ssyncset.done $0x0  }
0x2c: {  	[sflag:s24] =	ssyncadd.s32 $0xFFFFD800  }
0x2d: {  	[spmem:s9] =	stream.linear.scatter [tilespmem:s26], [sflag:$0x1], $0x2800, $0x38;
	[tilespmem:$0x1CE80] =	vst v63  }
0x2e: {  	_ =	swait.ge [sflag:s24], $0x2800  }
0x2f: {  	[sflag:s24] =	ssyncset.done $0x0  }
0x30: {  	[sflag:s24] =	ssyncadd.s32 $0xFFFFD800  }
0x31: {  	[spmem:s10] =	stream.linear.scatter [tilespmem:s26], [sflag:$0x1], $0x2800, $0x38;
	[tilespmem:$0x1CE80] =	vst v63  }
0x32: {  	_ =	swait.ge [sflag:s24], $0x2800  }
0x33: {  	[sflag:s24] =	ssyncset.done $0x0  }
0x34: {  	[sflag:s24] =	ssyncadd.s32 $0xFFFFD800  }
0x35: {  	[spmem:s11] =	stream.linear.scatter [tilespmem:s26], [sflag:$0x1], $0x2800, $0x38;
	[tilespmem:$0x1CE80] =	vst v63  }
0x36: {  	_ =	swait.ge [sflag:s24], $0x2800  }
0x37: {  	[sflag:s24] =	ssyncset.done $0x0  }
0x38: {  	[sflag:s24] =	ssyncadd.s32 $0xFFFFD800  }
0x39: {  	[spmem:s12] =	stream.linear.scatter [tilespmem:s26], [sflag:$0x1], $0x2800, $0x38;
	[tilespmem:$0x1CE80] =	vst v63  }
0x3a: {  	_ =	swait.ge [sflag:s24], $0x2800  }
0x3b: {  	[sflag:s24] =	ssyncset.done $0x0  }
0x3c: {  	[sflag:s24] =	ssyncadd.s32 $0xFFFFD800  }
0x3d: {  	[spmem:s13] =	stream.linear.scatter [tilespmem:s26], [sflag:$0x1], $0x2800, $0x38;
	[tilespmem:$0x1CE80] =	vst v63  }
0x3e: {  	_ =	swait.ge [sflag:s24], $0x2800  }
0x3f: {  	[sflag:s24] =	ssyncset.done $0x0  }
0x40: {  	[sflag:s24] =	ssyncadd.s32 $0xFFFFD800  }
0x41: {  	[spmem:s14] =	stream.linear.scatter [tilespmem:s26], [sflag:$0x1], $0x2800, $0x38;
	[tilespmem:$0x1CE80] =	vst v63  }
0x42: {  	_ =	swait.ge [sflag:s24], $0x2800  }
0x43: {  	[sflag:s24] =	ssyncset.done $0x0  }
0x44: {  	[sflag:s24] =	ssyncadd.s32 $0xFFFFD800  }
0x45: {  	s30 =	simm.s32 $0x0;
	[bflag:$0x0] =	sbarrier.arrive $0xFFFF  }
0x46: {  	[spmem:s2] =	stream.indirect.scatter.add.f32 [tilespmem:s25], [sflag:$0x1], $0x80, s30, s28, $0xb8;
	[tilespmem:$0x1CE80] =	vst v63  }
0x47: {  	_ =	swait.ge [sflag:s24], $0x2800  }
0x48: {  	s30 =	simm.s32 $0x200;
	[sflag:s24] =	ssyncset.done $0x0  }
.LBB2_2:
0x49: {  	s31 =	sshra.s32 s30, $0x2;
	[sflag:s24] =	ssyncadd.s32 $0xFFFFD800;
	p0 =	sne.s32 s30, $0xF800  }
0x4a: {  	[spmem:s2] =	stream.indirect.scatter.add.f32 [tilespmem:s25], [sflag:$0x1], $0x80, s31, s28, $0xb8;
	[tilespmem:$0x1CE80] =	vst v63  }
.Ltmp0:
0x4b: {  	_ = 	snop;
	(pc) =	sbr.rel @p0 .LBB2_2-.Ltmp0, $4  }
0x4c: {  	_ = 	snop  }
0x4d: {  	s30 =	sadd.s32 $0x200, s30  }
0x4e: {  	_ =	swait.ge [sflag:s24], $0x2800  }
0x4f: {  	[sflag:s24] =	ssyncset.done $0x0  }
0x50: {  	[sflag:s24] =	ssyncadd.s32 $0xFFFFD800  }
0x51: {  	[bflag:$0x0] =	sbarrier.arrive $0xFFFF  }
0x52: {  	[tilespmem:s26], [sflag:$0x1] =	stream.linear.gather [spmem:s7], $0x2800, $0x38;
	[tilespmem:$0x1CE80] =	vst v63  }
0x53: {  	_ =	swait.ge [sflag:s24], $0x2800  }
0x54: {  	[sflag:s24] =	ssyncset.done $0x0  }
0x55: {  	[sflag:s24] =	ssyncadd.s32 $0xFFFFD800  }
0x56: {  	[hbm4b:s15+s3] =	stream.linear.scatter [tilespmem:s26], [sflag:$0x1], $0x2800, $0x38;
	[tilespmem:$0x1CE80] =	vst v63  }
0x57: {  	_ =	swait.ge [sflag:s24], $0x2800  }
0x58: {  	[sflag:s24] =	ssyncset.done $0x0  }
0x59: {  	[sflag:s24] =	ssyncadd.s32 $0xFFFFD800  }
0x5a: {  	[tilespmem:s26], [sflag:$0x1] =	stream.linear.gather [spmem:s8], $0x2800, $0x38;
	[tilespmem:$0x1CE80] =	vst v63  }
0x5b: {  	_ =	swait.ge [sflag:s24], $0x2800  }
0x5c: {  	[sflag:s24] =	ssyncset.done $0x0  }
0x5d: {  	[sflag:s24] =	ssyncadd.s32 $0xFFFFD800  }
0x5e: {  	[hbm4b:s16+s3] =	stream.linear.scatter [tilespmem:s26], [sflag:$0x1], $0x2800, $0x38;
	[tilespmem:$0x1CE80] =	vst v63  }
0x5f: {  	_ =	swait.ge [sflag:s24], $0x2800  }
0x60: {  	[sflag:s24] =	ssyncset.done $0x0  }
0x61: {  	[sflag:s24] =	ssyncadd.s32 $0xFFFFD800  }
0x62: {  	[tilespmem:s26], [sflag:$0x1] =	stream.linear.gather [spmem:s9], $0x2800, $0x38;
	[tilespmem:$0x1CE80] =	vst v63  }
0x63: {  	_ =	swait.ge [sflag:s24], $0x2800  }
0x64: {  	[sflag:s24] =	ssyncset.done $0x0  }
0x65: {  	[sflag:s24] =	ssyncadd.s32 $0xFFFFD800  }
0x66: {  	[hbm4b:s17+s3] =	stream.linear.scatter [tilespmem:s26], [sflag:$0x1], $0x2800, $0x38;
	[tilespmem:$0x1CE80] =	vst v63  }
0x67: {  	_ =	swait.ge [sflag:s24], $0x2800  }
0x68: {  	[sflag:s24] =	ssyncset.done $0x0  }
0x69: {  	[sflag:s24] =	ssyncadd.s32 $0xFFFFD800  }
0x6a: {  	[tilespmem:s26], [sflag:$0x1] =	stream.linear.gather [spmem:s10], $0x2800, $0x38;
	[tilespmem:$0x1CE80] =	vst v63  }
0x6b: {  	_ =	swait.ge [sflag:s24], $0x2800  }
0x6c: {  	[sflag:s24] =	ssyncset.done $0x0  }
0x6d: {  	[sflag:s24] =	ssyncadd.s32 $0xFFFFD800  }
0x6e: {  	[hbm4b:s18+s3] =	stream.linear.scatter [tilespmem:s26], [sflag:$0x1], $0x2800, $0x38;
	[tilespmem:$0x1CE80] =	vst v63  }
0x6f: {  	_ =	swait.ge [sflag:s24], $0x2800  }
0x70: {  	[sflag:s24] =	ssyncset.done $0x0  }
0x71: {  	[sflag:s24] =	ssyncadd.s32 $0xFFFFD800  }
0x72: {  	[tilespmem:s26], [sflag:$0x1] =	stream.linear.gather [spmem:s11], $0x2800, $0x38;
	[tilespmem:$0x1CE80] =	vst v63  }
0x73: {  	_ =	swait.ge [sflag:s24], $0x2800  }
0x74: {  	[sflag:s24] =	ssyncset.done $0x0  }
0x75: {  	[sflag:s24] =	ssyncadd.s32 $0xFFFFD800  }
0x76: {  	[hbm4b:s19+s3] =	stream.linear.scatter [tilespmem:s26], [sflag:$0x1], $0x2800, $0x38;
	[tilespmem:$0x1CE80] =	vst v63  }
0x77: {  	_ =	swait.ge [sflag:s24], $0x2800  }
0x78: {  	[sflag:s24] =	ssyncset.done $0x0  }
0x79: {  	[sflag:s24] =	ssyncadd.s32 $0xFFFFD800  }
0x7a: {  	[tilespmem:s26], [sflag:$0x1] =	stream.linear.gather [spmem:s12], $0x2800, $0x38;
	[tilespmem:$0x1CE80] =	vst v63  }
0x7b: {  	_ =	swait.ge [sflag:s24], $0x2800  }
0x7c: {  	[sflag:s24] =	ssyncset.done $0x0  }
0x7d: {  	[sflag:s24] =	ssyncadd.s32 $0xFFFFD800  }
0x7e: {  	[hbm4b:s20+s3] =	stream.linear.scatter [tilespmem:s26], [sflag:$0x1], $0x2800, $0x38;
	[tilespmem:$0x1CE80] =	vst v63  }
0x7f: {  	_ =	swait.ge [sflag:s24], $0x2800  }
0x80: {  	[sflag:s24] =	ssyncset.done $0x0  }
0x81: {  	[sflag:s24] =	ssyncadd.s32 $0xFFFFD800  }
0x82: {  	[tilespmem:s26], [sflag:$0x1] =	stream.linear.gather [spmem:s13], $0x2800, $0x38;
	[tilespmem:$0x1CE80] =	vst v63  }
0x83: {  	_ =	swait.ge [sflag:s24], $0x2800  }
0x84: {  	[sflag:s24] =	ssyncset.done $0x0  }
0x85: {  	[sflag:s24] =	ssyncadd.s32 $0xFFFFD800  }
0x86: {  	[hbm4b:s21+s3] =	stream.linear.scatter [tilespmem:s26], [sflag:$0x1], $0x2800, $0x38;
	[tilespmem:$0x1CE80] =	vst v63  }
0x87: {  	_ =	swait.ge [sflag:s24], $0x2800  }
0x88: {  	[sflag:s24] =	ssyncset.done $0x0  }
0x89: {  	[sflag:s24] =	ssyncadd.s32 $0xFFFFD800  }
0x8a: {  	[tilespmem:s26], [sflag:$0x1] =	stream.linear.gather [spmem:s14], $0x2800, $0x38;
	[tilespmem:$0x1CE80] =	vst v63  }
0x8b: {  	s29 =	sadd.s32 $0x1, s29;
	_ =	swait.ge [sflag:s24], $0x2800  }
0x8c: {  	p0 =	sne.s32 s29, s23;
	[sflag:s24] =	ssyncset.done $0x0  }
.Ltmp1:
0x8d: {  	[sflag:s24] =	ssyncadd.s32 $0xFFFFD800;
	(pc) =	sbr.rel @p0 .LBB2_1-.Ltmp1, $4  }
0x8e: {  	[hbm4b:s22+s3] =	stream.linear.scatter [tilespmem:s26], [sflag:$0x1], $0x2800, $0x38;
	[tilespmem:$0x1CE80] =	vst v63  }
0x8f: {  	_ =	swait.ge [sflag:s24], $0x2800  }
0x90: {  	[sflag:s24] =	ssyncset.done $0x0  }
0x91: {  	[sflag:s24] =	ssyncadd.s32 $0xFFFFD800  }
0x92: {  	_ =	sfence.sel $0x180000  }
0x93: {  	[bflag:$0x0] =	sbarrier.arrive $0xFFFF  }
0x94: {  	p0 =	sne.s32 s0, $0x0;
	_ =	strace $0x9000004A  }
0x95: {  	s0 =	sadd.s32 @!p0 $0x100000, s1;
	[bflag:$0x2] =	sbarrier.arrive $0xFFFF  }
0x96: {  	[sflag:s0] =	ssyncadd.tile.s32 @!p0 $0x1;
	_ =	shalt  }
.Lfunc_end2:
_tile_overlayer_lowered:
.L_overlay_start_2:
0x97: {  	(tag) =	ssettag $0x2  }
0x98: {  	s0 =	rddreg [dreg:$0x0];
	s2 =	stileid.u32  }
0x99: {  	s1 =	rddreg [dreg:$0x1];
	p0 =	sne.s32 s2, $0x0  }
0x9a: {  	s3 =	rddreg [dreg:$0x2];
	[bflag:$0x3] =	sbarrier.arrive $0xFFFF;
	s2 =	simm.s32 @!p0 $0x1C01  }
0x9b: {  	[timem:s3], [sflag:s2] =	dma.local @!p0 [hbm:s0], s1  }
0x9c: {  	s0 =	simm.s32 @!p0 $0x1  }
0x9d: {  	_ =	swait.ge @!p0 [sflag:s0], s1  }
0x9e: {  	s1 =	ssub.s32 @!p0 $0x0, s1;
	[sflag:s0] =	ssyncset.done @!p0 $0x0  }
0x9f: {  	[sflag:s0] =	ssyncadd.s32 @!p0 s1  }
0xa0: {  	[bflag:$0x3] =	sbarrier.arrive $0xFFFF  }
0xa1: {  	_ =	shalt  }

// kernel: kernel.14.cloned.1.call-start
scs
__scs_entry_jumppad:
0x0: {  	(pc) =	sbr.rel $0x88, $3  }
0x1: {  	(tag) =	ssettag $0x0;
	lr =	simm.s32 $0x1  }
0x2: {  	[smem:$0x3F92] =	sst lr;
	_ =	strace $0xD0000000  }
0x3: {  	_ = 	snop  }
0x4: {  	_ = 	snop  }
0x5: {  	_ = 	snop  }
0x6: {  	_ = 	snop  }
0x7: {  	_ = 	snop  }
__scs_overlays_trampoline_lowered:
0x8: {  	[smem:$0x3FA1] =	sst s0  }
0x9: {  	[smem:$0x3FA2] =	sst s1  }
0xa: {  	[smem:$0x3FA3] =	sst s2  }
0xb: {  	[smem:$0x3FA4] =	sst s3  }
0xc: {  	[smem:$0x3FA5] =	sst s4  }
0xd: {  	[smem:$0x3FA6] =	sst s5  }
0xe: {  	[smem:$0x3FA7] =	sst s6  }
0xf: {  	[smem:$0x3FA8] =	sst s7  }
0x10: {  	[smem:$0x3FA9] =	sst s8  }
0x11: {  	[smem:$0x3FAA] =	sst s9;
	s0 =	simm.s32 @!p0 $0x0  }
0x12: {  	s1 =	sld [smem:$0x3F90];
	s0 =	simm.s32 @p0 $0x1  }
0x13: {  	[smem:$0x3FAB] =	sst s0;
	s0 =	simm.s32 @!p1 $0x0  }
0x14: {  	s2 =	sld [smem:$0x3F8F];
	s0 =	simm.s32 @p1 $0x1  }
0x15: {  	[smem:$0x3FAC] =	sst s0;
	s0 =	simm.s32 @!p2 $0x0  }
0x16: {  	s3 =	sld [smem:$0x3FDB];
	s0 =	simm.s32 @p2 $0x1  }
0x17: {  	s4 =	simm.s32 $0x1BF5;
	[smem:$0x3FAE] =	sst s0  }
0x18: {  	s0 =	sld [smem:$0x3F91];
	_ =	swait.ge [sflag:s4], $0x0  }
0x19: {  	s7 =	sld [smem:$0x3F92]  }
0x1a: {  	s8 =	sadd.s32 $0xFFFFE003, lr  }
0x1b: {  	s9 =	sadd.s32 $0xFFFFFEF7, lr;
	s5 =	simm.s32 $0xFFFFFFFF;
	p2 =	slt.u32 s8, $0xFFFFF086  }
0x1c: {  	p1 =	slt.u32 s9, $0xF7A;
	s5 =	simm.s32 @!p2 $0x0  }
0x1d: {  	s5 =	simm.s32 @p1 $0x1;
	p0 =	seq.s32 s7, s2  }
0x1e: {  	s7 =	smul.u32 @!p0 $0xF7A, s2;
	p2 =	seq.s32 @!p0 s5, $0x0  }
0x1f: {  	s9 =	smul.u32 $0xF7A, s1;
	s8 =	simm.s32 @!p0 $0x1BF5;
	p2 =	por !p2, p0  }
0x20: {  	[sflag:s8] =	ssyncset.s32 @!p0 $0xFFFFF086;
	s6 =	sadd.s32 @!p0 s3, s7;
	s7 =	simm.s32 @!p0 $0x108  }
0x21: {  	s3 =	sadd.s32 s3, s9;
	s6 =	sadd.s32 @!p0 $0x88, s6;
	s7 =	simm.s32 @p2 $0x1082  }
0x22: {  	[simem:s7], [sflag:s8] =	dma.local @!p0 [hbm:s6], $0xF7A  }
0x23: {  	s9 =	sor.u32 $0xD0000000, s2;
	s6 =	simm.s32 $0x108;
	_ =	swait.ge @!p0 [sflag:s8], $0x0  }
0x24: {  	s3 =	sadd.s32 $0x88, s3;
	s6 =	simm.s32 @!p1 $0x1082;
	[sflag:s4] =	ssyncset.s32 $0xFFFFF086  }
0x25: {  	[simem:s6], [sflag:s4] =	dma.local [hbm:s3], $0xF7A  }
0x26: {  	[smem:$0x3F92] =	sst s1;
	(tag) =	ssettag s2;
	_ =	strace s9  }
0x27: {  	s1 =	sld [smem:$0x3FA2]  }
0x28: {  	s2 =	sld [smem:$0x3FA3]  }
0x29: {  	s4 =	sld [smem:$0x3FA5]  }
0x2a: {  	p0 =	seq.s32 s5, $0x0;
	s5 =	sld [smem:$0x3FA6]  }
0x2b: {  	s6 =	sld [smem:$0x3FA7]  }
0x2c: {  	s7 =	sld [smem:$0x3FA8]  }
0x2d: {  	s3 =	simm.s32 $0x108;
	s8 =	sld [smem:$0x3FA9]  }
0x2e: {  	s3 =	simm.s32 @!p0 $0x1082;
	s9 =	sld [smem:$0x3FAA]  }
0x2f: {  	lr =	sadd.s32 s0, s3;
	s0 =	sld [smem:$0x3FA1]  }
0x30: {  	s3 =	sld [smem:$0x3FA4]  }
0x31: {  	[smem:$0x3FAD] =	sst s10  }
0x32: {  	s10 =	sld [smem:$0x3FAB];
	_ =	sdelay $0x3  }
0x33: {  	p0 =	seq.s32 s10, $0x1;
	s10 =	sld [smem:$0x3FAD];
	_ =	sdelay $0x3  }
0x34: {  	[smem:$0x3FAD] =	sst s10  }
0x35: {  	s10 =	sld [smem:$0x3FAC];
	_ =	sdelay $0x3  }
0x36: {  	p1 =	seq.s32 s10, $0x1;
	s10 =	sld [smem:$0x3FAD];
	_ =	sdelay $0x3  }
0x37: {  	[smem:$0x3FAD] =	sst s10  }
0x38: {  	s10 =	sld [smem:$0x3FAE]  }
0x39: {  	_ = 	snop;
	(pc) =	sbr.ind lr, $3  }
0x3a: {  	_ = 	snop  }
0x3b: {  	_ = 	snop  }
0x3c: {  	p2 =	seq.s32 s10, $0x1;
	s10 =	sld [smem:$0x3FAD]  }
0x3d: {  	_ =	shalt  }
0x3e: {  	_ =	shalt  }
0x3f: {  	_ =	shalt  }
0x40: {  	_ =	shalt  }
0x41: {  	_ =	shalt  }
0x42: {  	_ =	shalt  }
0x43: {  	_ =	shalt  }
0x44: {  	_ =	shalt  }
0x45: {  	_ =	shalt  }
0x46: {  	_ =	shalt  }
0x47: {  	_ =	shalt  }
0x48: {  	_ =	shalt  }
0x49: {  	_ =	shalt  }
0x4a: {  	_ =	shalt  }
0x4b: {  	_ =	shalt  }
0x4c: {  	_ =	shalt  }
0x4d: {  	_ =	shalt  }
0x4e: {  	_ =	shalt  }
0x4f: {  	_ =	shalt  }
0x50: {  	_ =	shalt  }
0x51: {  	_ =	shalt  }
0x52: {  	_ =	shalt  }
0x53: {  	_ =	shalt  }
0x54: {  	_ =	shalt  }
0x55: {  	_ =	shalt  }
0x56: {  	_ =	shalt  }
0x57: {  	_ =	shalt  }
0x58: {  	_ =	shalt  }
0x59: {  	_ =	shalt  }
0x5a: {  	_ =	shalt  }
0x5b: {  	_ =	shalt  }
0x5c: {  	_ =	shalt  }
0x5d: {  	_ =	shalt  }
0x5e: {  	_ =	shalt  }
0x5f: {  	_ =	shalt  }
0x60: {  	_ =	shalt  }
0x61: {  	_ =	shalt  }
0x62: {  	_ =	shalt  }
0x63: {  	_ =	shalt  }
0x64: {  	_ =	shalt  }
0x65: {  	_ =	shalt  }
0x66: {  	_ =	shalt  }
0x67: {  	_ =	shalt  }
0x68: {  	_ =	shalt  }
0x69: {  	_ =	shalt  }
0x6a: {  	_ =	shalt  }
0x6b: {  	_ =	shalt  }
0x6c: {  	_ =	shalt  }
0x6d: {  	_ =	shalt  }
0x6e: {  	_ =	shalt  }
0x6f: {  	_ =	shalt  }
0x70: {  	_ =	shalt  }
0x71: {  	_ =	shalt  }
0x72: {  	_ =	shalt  }
0x73: {  	_ =	shalt  }
0x74: {  	_ =	shalt  }
0x75: {  	_ =	shalt  }
0x76: {  	_ =	shalt  }
0x77: {  	_ =	shalt  }
0x78: {  	_ =	shalt  }
0x79: {  	_ =	shalt  }
0x7a: {  	_ =	shalt  }
0x7b: {  	_ =	shalt  }
0x7c: {  	_ =	shalt  }
0x7d: {  	_ =	shalt  }
0x7e: {  	_ =	shalt  }
0x7f: {  	_ =	shalt  }
0x80: {  	_ =	shalt  }
0x81: {  	_ =	shalt  }
0x82: {  	_ =	shalt  }
0x83: {  	_ =	shalt  }
0x84: {  	_ =	shalt  }
0x85: {  	_ =	shalt  }
0x86: {  	_ =	shalt  }
0x87: {  	_ =	shalt  }
.Lfunc_end0:
.L_simem_size_0:
called_computation.2_lowered:
.L_overlay_start_0:
0x88: {  	s2 =	sld [smem:$0x3FD9]  }
0x89: {  	s3 =	sld [smem:$0x3FFE];
	_ =	sdelay $0x1  }
0x8a: {  	s1 =	srdreg.scid  }
0x8b: {  	s0 =	sand.u32 $0x1, s1  }
0x8c: {  	s17 =	sshll.u32 s0, $0xA;
	s2 =	sadd.s32 s3, s2  }
0x8d: {  	s2 =	sadd.s32 s2, s17  }
0x8e: {  	[smem:$0x3FB9] =	sst s2  }
0x8f: {  	_ = 	snop  }
0x90: {  	(tm) =	ssettm $0x1  }
0x91: {  	s18 =	sld [smem:$0x3FFB];
	_ =	sdelay $0x3  }
0x92: {  	_ =	strace s18  }
0x93: {  	s2 =	sld [smem:$0x3FFC];
	_ =	sdelay $0x3  }
0x94: {  	_ =	strace s2  }
0x95: {  	s2 =	sld [smem:$0x3FFD];
	_ =	sdelay $0x3  }
0x96: {  	_ =	strace s2  }
0x97: {  	_ =	strace $0x8FFFFFFF  }
0x98: {  	s19 =	sld [smem:$0x3FDB];
	_ =	sdelay $0x1  }
0x99: {  	s20 =	simm.s32 $_scs_section_size  }
0x9a: {  	s4 =	simm.s32 $_size__tile_overlayer_lowered;
	s5 =	simm.s32 $_tile_overlayer_lowered  }
0x9b: {  	s6 =	simm.s32 $0x1BFF;
	s21 =	sshll.u32 s5, $0x1;
	s3 =	sadd.s32 s20, s19  }
0x9c: {  	s22 =	simm.s32 $0x0;
	s4 =	sshll.u32 s4, $0x1;
	s5 =	sadd.s32 s21, s3  }
0x9d: {  	[timem:s22], [sflag:s6] =	dma.local [hbm:s5], s4  }
0x9e: {  	_ =	swait.ge [sflag:s6], s4  }
0x9f: {  	s4 =	ssub.s32 $0x0, s4;
	[sflag:s6] =	ssyncset.done $0x0  }
0xa0: {  	[sflag:s6] =	ssyncadd.s32 s4;
	_ =	sdelay $0x1  }
0xa1: {  	s23 =	simm.s32 $0x1B8B  }
0xa2: {  	_ =	swait.ge [sflag:s23], $0x1  }
0xa3: {  	[sflag:s23] =	ssyncset.done $0x0  }
0xa4: {  	[sflag:s23] =	ssyncadd.s32 $0xFFFFFFFF  }
0xa5: {  	s4 =	sld [smem:$0x0]  }
0xa6: {  	s5 =	sand.u32 $0xFFFFFFFE, s1  }
0xa7: {  	p0 =	sne.s32 s1, s5  }
0xa8: {  	s5 =	sshll.u32 @p0 s5, $0xE  }
0xa9: {  	s5 =	sadd.s32 @p0 $0x11B8D, s5;
	s6 =	sshll.u32 @p0 s4, $0x11  }
0xaa: {  	s5 =	sor.u32 @p0 s6, s5  }
0xab: {  	[sflag:s5] =	ssyncadd.remote.s32 @p0 $0x1;
	_ =	sdelay $0x1  }
0xac: {  	s5 =	simm.s32 @p0 $0x1B8D  }
0xad: {  	_ =	swait.eq @p0 [sflag:s5], $0x1  }
0xae: {  	[sflag:s5] =	ssyncadd.s32 @p0 $0xFFFFFFFF  }
0xaf: {  	s6 =	sshll.u32 @!p0 s1, $0xE  }
0xb0: {  	s6 =	sor.u32 @!p0 $0x4000, s6;
	s5 =	simm.s32 @!p0 $0x1B8D  }
0xb1: {  	s4 =	sshll.u32 @!p0 s4, $0x11;
	s6 =	sadd.s32 @!p0 $0x11B8D, s6;
	_ =	swait.eq @!p0 [sflag:s5], $0x1  }
0xb2: {  	s4 =	sor.u32 @!p0 s4, s6;
	[sflag:s5] =	ssyncadd.s32 @!p0 $0xFFFFFFFF  }
0xb3: {  	s25 =	simm.s32 $0x1B8E;
	s24 =	sld [smem:$0x3FFE];
	[sflag:s4] =	ssyncadd.remote.s32 @!p0 $0x1  }
0xb4: {  	s26 =	simm.s32 $execute0_lowered;
	[smem:$0x3FD2] =	sst s25  }
0xb5: {  	s5 =	sshll.u32 s26, $0x1;
	_ =	strace $0x8000004C;
	[dreg:$0x1] =	wrdreg $0xFFFFFFFF  }
0xb6: {  	s28 =	simm.s32 $_size_execute0_lowered;
	s3 =	sadd.s32 s3, s5;
	[dreg:$0x0] =	wrdreg $0x0  }
0xb7: {  	s5 =	sshll.u32 s28, $0x1;
	[dreg:$0x2] =	wrdreg s3  }
0xb8: {  	[dreg:$0x3] =	wrdreg s5  }
0xb9: {  	[dreg:$0x4] =	wrdreg $0xC0  }
0xba: {  	_ =	task [dreg:s22], $0x5FFFF  }
0xbb: {  	[dreg:$0x1] =	wrdreg $0xFFFFFFFF  }
0xbc: {  	[dreg:$0x0] =	wrdreg $0x60  }
0xbd: {  	[dreg:$0x2] =	wrdreg s24  }
0xbe: {  	[dreg:$0x3] =	wrdreg $0x8E800  }
0xbf: {  	[dreg:$0x4] =	wrdreg $0xA  }
0xc0: {  	_ =	task.clear_ibuf [dreg:s22], $0x5FFFF;
	_ =	strace $0x9000004C  }
0xc1: {  	s29 =	simm.s32 $0xA;
	_ =	strace $0x8000004E  }
0xc2: {  	_ =	swait.ge [sflag:s29], $0x1  }
0xc3: {  	[sflag:s29] =	ssyncadd.s32 $0xFFFFFFFF  }
0xc4: {  	_ =	strace $0x9000004E  }
0xc5: {  	_ =	sfence  }
0xc6: {  	s30 =	sld [smem:$0x0];
	_ =	sdelay $0x2  }
0xc7: {  	s31 =	sshll.u32 s1, $0xD;
	s1 =	sshrl.u32 s1, $0x2  }
0xc8: {  	s4 =	sand.u32 $0x4000, s31;
	s1 =	sadd.s32 s1, s30  }
0xc9: {  	s0 =	sor.u32 s4, s0;
	s1 =	sshll.u32 s1, $0x11  }
0xca: {  	s0 =	sor.u32 s1, s0  }
0xcb: {  	s0 =	sadd.s32 $0x8F2B, s0  }
0xcc: {  	[sflag:s0] =	ssyncadd.remote.s32 $0x1  }
0xcd: {  	_ =	sfence.sel $0xFFFF  }
0xce: {  	[dreg:$0x0] =	wrdreg $0xFFFFFFFF;
	(pc) =	sbr.abs _section_cstart, $3  }
0xcf: {  	[dreg:$0x1] =	wrdreg $0xFFFFFFFF  }
0xd0: {  	_ =	task.clear_ibuf [dreg:s22], $0x2FFFF;
	_ =	strace $0x9FFFFFFF  }
0xd1: {  	(tm) =	ssettm $0x7FFFFFFF  }
tec
execute0_lowered:
.L_overlay_start_1:
0x0: {  	(tag) =	ssettag $0x1  }
0x1: {  	s0 =	rddreg [dreg:$0x0]  }
0x2: {  	s2 =	rddreg [dreg:$0x1]  }
0x3: {  	s1 =	srdreg.scid;
	s15 =	stileid.u32;
	s28 =	simm.s32 $0x3  }
0x4: {  	s29 =	simm.s32 $0x3E80;
	s30 =	simm.s32 $0x6680;
	s31 =	simm.s32 $0x1  }
0x5: {  	s3 =	sadd.s32 $0xF9C600, s0;
	s1 =	sand.u32 $0x1, s1;
	s6 =	smul.u32 $0x14000, s15  }
0x6: {  	s4 =	sshll.u32 s15, $0x1;
	s12 =	sadd.s32 $0x4C00, s0;
	s11 =	smul.u32 $0x140000, s1  }
0x7: {  	s4 =	sor.u32 s1, s4;
	s5 =	ssub.s32 $0x2, s1;
	s1 =	smul.u32 $0x27100, s1  }
0x8: {  	s13 =	smul.u32 $0x7D0, s4;
	s7 =	sshrl.u32 s5, $0x1;
	s16 =	sor.u32 $0x2800, s6  }
0x9: {  	s25 =	smul.u32 $0x27100, s4;
	s17 =	sadd.s32 $0x5000, s6;
	s18 =	sadd.s32 $0x7800, s6  }
0xa: {  	s4 =	smul.u32 $0x138800, s4;
	s19 =	sadd.s32 $0xA000, s6;
	s20 =	sadd.s32 $0xC800, s6  }
0xb: {  	s21 =	sadd.s32 $0xF000, s6;
	s22 =	sadd.s32 $0x11800, s6;
	s5 =	ssub.s32 s5, s7  }
0xc: {  	s6 =	sadd.s32 s6, s11;
	s26 =	sadd.s32 s11, s16;
	s8 =	sadd.s32 s11, s17  }
0xd: {  	s23 =	sadd.s32 s11, s18;
	s24 =	sadd.s32 s11, s19;
	s7 =	sadd.s32 s11, s20  }
0xe: {  	s16 =	sadd.s32 s16, s2;
	s17 =	sadd.s32 s17, s2;
	s18 =	sadd.s32 s18, s2  }
0xf: {  	s19 =	sadd.s32 s19, s2;
	s20 =	sadd.s32 s20, s2;
	s4 =	sshrl.u32 s4, $0x3  }
0x10: {  	s25 =	sadd.s32 s3, s25;
	s6 =	sshrl.u32 s6, $0x3;
	s9 =	sshrl.u32 s26, $0x3  }
0x11: {  	s10 =	sshrl.u32 s8, $0x3;
	s26 =	sshrl.u32 s24, $0x3;
	s24 =	sadd.s32 s13, s0  }
0x12: {  	s13 =	sadd.s32 $0x4000, s0;
	s0 =	simm.s32 $0x50;
	s6 =	sadd.s32 s12, s6  }
0x13: {  	s4 =	sadd.s32 s3, s4;
	s14 =	sadd.s32 s12, s10;
	[dreg:$0x3] =	wrdreg s6  }
0x14: {  	s10 =	sshrl.u32 s7, $0x3;
	s6 =	sadd.s32 s12, s9;
	[dreg:$0x5] =	wrdreg s14  }
0x15: {  	s9 =	smul.u32 $0x4E200, s15;
	s14 =	sadd.s32 s11, s21;
	s21 =	sadd.s32 s21, s2  }
0x16: {  	[dreg:$0x4] =	wrdreg s6;
	s6 =	sshrl.u32 s23, $0x3;
	s23 =	smul.u32 $0x50000, s15  }
0x17: {  	s6 =	sadd.s32 s12, s6;
	s3 =	sadd.s32 s9, s3;
	s9 =	sadd.s32 s12, s10  }
0x18: {  	s10 =	sshrl.u32 s14, $0x3;
	s14 =	sadd.s32 s11, s22;
	s11 =	simm.s32 $0x0  }
0x19: {  	s22 =	sadd.s32 s22, s2;
	[dreg:$0x6] =	wrdreg s6;
	s6 =	sadd.s32 s12, s26  }
0x1a: {  	[dreg:$0x8] =	wrdreg s9;
	s10 =	sadd.s32 s12, s10;
	s1 =	sadd.s32 s1, s3  }
0x1b: {  	[smem:$0x7FF] =	sst s11;
	s26 =	sshrl.u32 s23, $0x2;
	s23 =	sadd.s32 $0x500, s4  }
0x1c: {  	s9 =	smov.u32 s25;
	s4 =	simm.s32 $0x0;
	[dreg:$0x7] =	wrdreg s6  }
0x1d: {  	s6 =	sshrl.u32 s14, $0x3;
	s14 =	sadd.s32 $0x56AC00, s24;
	s15 =	sadd.s32 s26, s2  }
0x1e: {  	s24 =	smax.u32 s5, $0x1;
	s26 =	sadd.s32 $0x26C00, s25;
	s12 =	sadd.s32 s12, s6  }
0x1f: {  	_ =	strace $0x8000004D;
	s6 =	sadd.s32 $0xF00, s1;
	s1 =	simm.s32 $0x2  }
.LBB2_1:
0x20: {  	[tilespmem:s11], [sflag:$0x3] =	stream.linear.gather [hbm4b:s14+s11], $0x3E80, $0x38;
	[tilespmem:$0x1CE80] =	vst v63  }
0x21: {  	_ =	swait.ge [sflag:s28], $0x3E80  }
0x22: {  	[sflag:s28] =	ssyncset.done $0x0  }
0x23: {  	[sflag:s28] =	ssyncadd.s32 $0xFFFFC180  }
0x24: {  	[tilespmem:s29], [sflag:$0x3] =	stream.linear.gather [hbm4b:s13+s11], $0x2800, $0x38;
	[tilespmem:$0x1CE80] =	vst v63  }
0x25: {  	_ =	swait.ge [sflag:s28], $0x2800  }
0x26: {  	[sflag:s28] =	ssyncset.done $0x0  }
0x27: {  	[sflag:s28] =	ssyncadd.s32 $0xFFFFD800  }
0x28: {  	[spmem:s15] =	stream.linear.scatter [tilespmem:s29], [sflag:$0x3], $0x2800, $0x38;
	[tilespmem:$0x1CE80] =	vst v63  }
0x29: {  	_ =	swait.ge [sflag:s28], $0x2800  }
0x2a: {  	[sflag:s28] =	ssyncset.done $0x0  }
0x2b: {  	[sflag:s28] =	ssyncadd.s32 $0xFFFFD800  }
0x2c: {  	[spmem:s16] =	stream.linear.scatter [tilespmem:s29], [sflag:$0x3], $0x2800, $0x38;
	[tilespmem:$0x1CE80] =	vst v63  }
0x2d: {  	_ =	swait.ge [sflag:s28], $0x2800  }
0x2e: {  	[sflag:s28] =	ssyncset.done $0x0  }
0x2f: {  	[sflag:s28] =	ssyncadd.s32 $0xFFFFD800  }
0x30: {  	[spmem:s17] =	stream.linear.scatter [tilespmem:s29], [sflag:$0x3], $0x2800, $0x38;
	[tilespmem:$0x1CE80] =	vst v63  }
0x31: {  	_ =	swait.ge [sflag:s28], $0x2800  }
0x32: {  	[sflag:s28] =	ssyncset.done $0x0  }
0x33: {  	[sflag:s28] =	ssyncadd.s32 $0xFFFFD800  }
0x34: {  	[spmem:s18] =	stream.linear.scatter [tilespmem:s29], [sflag:$0x3], $0x2800, $0x38;
	[tilespmem:$0x1CE80] =	vst v63  }
0x35: {  	_ =	swait.ge [sflag:s28], $0x2800  }
0x36: {  	[sflag:s28] =	ssyncset.done $0x0  }
0x37: {  	[sflag:s28] =	ssyncadd.s32 $0xFFFFD800  }
0x38: {  	[spmem:s19] =	stream.linear.scatter [tilespmem:s29], [sflag:$0x3], $0x2800, $0x38;
	[tilespmem:$0x1CE80] =	vst v63  }
0x39: {  	_ =	swait.ge [sflag:s28], $0x2800  }
0x3a: {  	[sflag:s28] =	ssyncset.done $0x0  }
0x3b: {  	[sflag:s28] =	ssyncadd.s32 $0xFFFFD800  }
0x3c: {  	[spmem:s20] =	stream.linear.scatter [tilespmem:s29], [sflag:$0x3], $0x2800, $0x38;
	[tilespmem:$0x1CE80] =	vst v63  }
0x3d: {  	_ =	swait.ge [sflag:s28], $0x2800  }
0x3e: {  	[sflag:s28] =	ssyncset.done $0x0  }
0x3f: {  	[sflag:s28] =	ssyncadd.s32 $0xFFFFD800  }
0x40: {  	[spmem:s21] =	stream.linear.scatter [tilespmem:s29], [sflag:$0x3], $0x2800, $0x38;
	[tilespmem:$0x1CE80] =	vst v63  }
0x41: {  	_ =	swait.ge [sflag:s28], $0x2800  }
0x42: {  	[sflag:s28] =	ssyncset.done $0x0  }
0x43: {  	[sflag:s28] =	ssyncadd.s32 $0xFFFFD800  }
0x44: {  	[spmem:s22] =	stream.linear.scatter [tilespmem:s29], [sflag:$0x3], $0x2800, $0x38;
	[tilespmem:$0x1CE80] =	vst v63  }
0x45: {  	_ =	swait.ge [sflag:s28], $0x2800  }
0x46: {  	[sflag:s28] =	ssyncset.done $0x0  }
0x47: {  	[sflag:s28] =	ssyncadd.s32 $0xFFFFD800  }
0x48: {  	[bflag:$0x0] =	sbarrier.arrive $0xFFFF  }
0x49: {  	[tilespmem:s29], [sflag:$0x1] =	stream.linear.gather [hbm4b:s9+s11], $0x2800, $0x38;
	[tilespmem:$0x1CE80] =	vst v63  }
0x4a: {  	_ = 	snop  }
0x4b: {  	[tilespmem:s30], [sflag:$0x2] =	stream.linear.gather [hbm4b:s23+s11], $0x2800, $0x38;
	[tilespmem:$0x1CE80] =	vst v63  }
0x4c: {  	_ =	swait.ge [sflag:s31], $0x2800  }
0x4d: {  	[sflag:s31] =	ssyncset.done $0x0  }
0x4e: {  	s3 =	simm.s32 $0x0;
	[sflag:s31] =	ssyncadd.s32 $0xFFFFD800  }
0x4f: {  	[spmem:s2] =	stream.indirect.scatter.add.f32 [tilespmem:s29], [sflag:$0x3], $0x80, s3, s0, $0xb8;
	[tilespmem:$0x1CE80] =	vst v63  }
0x50: {  	_ =	swait.ge [sflag:s28], $0x2800  }
0x51: {  	[sflag:s28] =	ssyncset.done $0x0  }
0x52: {  	s8 =	sadd.s32 $0xFFFFFB00, s6;
	[sflag:s28] =	ssyncadd.s32 $0xFFFFD800  }
0x53: {  	[tilespmem:s29], [sflag:$0x1] =	stream.linear.gather [hbm4b:s8+s11], $0x2800, $0x38;
	[tilespmem:$0x1CE80] =	vst v63  }
0x54: {  	_ =	swait.ge [sflag:s1], $0x2800  }
0x55: {  	[sflag:s1] =	ssyncset.done $0x0  }
0x56: {  	s25 =	simm.s32 $0x80;
	[sflag:s1] =	ssyncadd.s32 $0xFFFFD800  }
0x57: {  	[spmem:s2] =	stream.indirect.scatter.add.f32 [tilespmem:s30], [sflag:$0x3], $0x80, s25, s0, $0xb8;
	[tilespmem:$0x1CE80] =	vst v63  }
0x58: {  	_ =	swait.ge [sflag:s28], $0x2800  }
0x59: {  	s5 =	sadd.s32 $0xA00, s6;
	[sflag:s28] =	ssyncset.done $0x0  }
0x5a: {  	s3 =	simm.s32 $0x400;
	s25 =	smov.u32 s6;
	[sflag:s28] =	ssyncadd.s32 $0xFFFFD800  }
.LBB2_2:
0x5b: {  	[tilespmem:s30], [sflag:$0x2] =	stream.linear.gather [hbm4b:s25+s11], $0x2800, $0x38;
	[tilespmem:$0x1CE80] =	vst v63  }
0x5c: {  	s7 =	smov.u32 s3;
	s25 =	smov.u32 s5  }
0x5d: {  	p0 =	sne.s32 s3, $0xF000;
	s3 =	sadd.s32 $0x400, s3;
	_ =	swait.ge [sflag:s31], $0x2800  }
0x5e: {  	[sflag:s31] =	ssyncset.done $0x0  }
0x5f: {  	s7 =	sshra.s32 s7, $0x2;
	[sflag:s31] =	ssyncadd.s32 $0xFFFFD800  }
0x60: {  	[spmem:s2] =	stream.indirect.scatter.add.f32 [tilespmem:s29], [sflag:$0x3], $0x80, s7, s0, $0xb8;
	[tilespmem:$0x1CE80] =	vst v63  }
0x61: {  	_ =	swait.ge [sflag:s28], $0x2800  }
0x62: {  	[sflag:s28] =	ssyncset.done $0x0  }
0x63: {  	s8 =	sadd.s32 $0xFFFFFB00, s5;
	[sflag:s28] =	ssyncadd.s32 $0xFFFFD800  }
0x64: {  	[tilespmem:s29], [sflag:$0x1] =	stream.linear.gather [hbm4b:s8+s11], $0x2800, $0x38;
	[tilespmem:$0x1CE80] =	vst v63  }
0x65: {  	_ =	swait.ge [sflag:s1], $0x2800  }
0x66: {  	[sflag:s1] =	ssyncset.done $0x0  }
.Ltmp0:
0x67: {  	s7 =	sadd.s32 $0x80, s7;
	[sflag:s1] =	ssyncadd.s32 $0xFFFFD800;
	(pc) =	sbr.rel @p0 .LBB2_2-.Ltmp0, $4  }
0x68: {  	[spmem:s2] =	stream.indirect.scatter.add.f32 [tilespmem:s30], [sflag:$0x3], $0x80, s7, s0, $0xb8;
	[tilespmem:$0x1CE80] =	vst v63  }
0x69: {  	_ =	swait.ge [sflag:s28], $0x2800  }
0x6a: {  	[sflag:s28] =	ssyncset.done $0x0  }
0x6b: {  	s5 =	sadd.s32 $0xA00, s5;
	[sflag:s28] =	ssyncadd.s32 $0xFFFFD800  }
0x6c: {  	[tilespmem:s30], [sflag:$0x2] =	stream.linear.gather [hbm4b:s25+s11], $0x2800, $0x38;
	[tilespmem:$0x1CE80] =	vst v63  }
0x6d: {  	_ =	swait.ge [sflag:s31], $0x2800  }
0x6e: {  	[sflag:s31] =	ssyncset.done $0x0  }
0x6f: {  	s3 =	simm.s32 $0x3D00;
	[sflag:s31] =	ssyncadd.s32 $0xFFFFD800  }
0x70: {  	[spmem:s2] =	stream.indirect.scatter.add.f32 [tilespmem:s29], [sflag:$0x3], $0x80, s3, s0, $0xb8;
	[tilespmem:$0x1CE80] =	vst v63  }
0x71: {  	_ =	swait.ge [sflag:s28], $0x2800  }
0x72: {  	[sflag:s28] =	ssyncset.done $0x0  }
0x73: {  	[sflag:s28] =	ssyncadd.s32 $0xFFFFD800  }
0x74: {  	[tilespmem:s29], [sflag:$0x1] =	stream.linear.gather [hbm4b:s26+s11], $0x2800, $0x38;
	[tilespmem:$0x1CE80] =	vst v63  }
0x75: {  	_ =	swait.ge [sflag:s1], $0x2800  }
0x76: {  	[sflag:s1] =	ssyncset.done $0x0  }
0x77: {  	s5 =	simm.s32 $0x3D80;
	[sflag:s1] =	ssyncadd.s32 $0xFFFFD800  }
0x78: {  	[spmem:s2] =	stream.indirect.scatter.add.f32 [tilespmem:s30], [sflag:$0x3], $0x80, s5, s0, $0xb8;
	[tilespmem:$0x1CE80] =	vst v63  }
0x79: {  	_ =	swait.ge [sflag:s28], $0x2800  }
0x7a: {  	[sflag:s28] =	ssyncset.done $0x0  }
0x7b: {  	[sflag:s28] =	ssyncadd.s32 $0xFFFFD800  }
0x7c: {  	_ =	swait.ge [sflag:s31], $0x2800  }
0x7d: {  	[sflag:s31] =	ssyncset.done $0x0  }
0x7e: {  	s7 =	simm.s32 $0x3E00;
	[sflag:s31] =	ssyncadd.s32 $0xFFFFD800  }
0x7f: {  	[spmem:s2] =	stream.indirect.scatter.add.f32 [tilespmem:s29], [sflag:$0x3], $0x80, s7, s0, $0xb8;
	[tilespmem:$0x1CE80] =	vst v63  }
0x80: {  	_ =	swait.ge [sflag:s28], $0x2800  }
0x81: {  	[sflag:s28] =	ssyncset.done $0x0  }
0x82: {  	[sflag:s28] =	ssyncadd.s32 $0xFFFFD800  }
0x83: {  	[bflag:$0x0] =	sbarrier.arrive $0xFFFF  }
0x84: {  	[tilespmem:s29], [sflag:$0x3] =	stream.linear.gather [spmem:s15], $0x2800, $0x38;
	[tilespmem:$0x1CE80] =	vst v63  }
0x85: {  	_ =	swait.ge [sflag:s28], $0x2800  }
0x86: {  	[sflag:s28] =	ssyncset.done $0x0  }
0x87: {  	s8 =	rddreg [dreg:$0x3];
	[sflag:s28] =	ssyncadd.s32 $0xFFFFD800  }
0x88: {  	[hbm4b:s8+s11] =	stream.linear.scatter [tilespmem:s29], [sflag:$0x3], $0x2800, $0x38;
	[tilespmem:$0x1CE80] =	vst v63  }
0x89: {  	_ =	swait.ge [sflag:s28], $0x2800  }
0x8a: {  	[sflag:s28] =	ssyncset.done $0x0  }
0x8b: {  	[sflag:s28] =	ssyncadd.s32 $0xFFFFD800  }
0x8c: {  	[tilespmem:s29], [sflag:$0x3] =	stream.linear.gather [spmem:s16], $0x2800, $0x38;
	[tilespmem:$0x1CE80] =	vst v63  }
0x8d: {  	_ =	swait.ge [sflag:s28], $0x2800  }
0x8e: {  	[sflag:s28] =	ssyncset.done $0x0  }
0x8f: {  	s25 =	rddreg [dreg:$0x4];
	[sflag:s28] =	ssyncadd.s32 $0xFFFFD800  }
0x90: {  	[hbm4b:s25+s11] =	stream.linear.scatter [tilespmem:s29], [sflag:$0x3], $0x2800, $0x38;
	[tilespmem:$0x1CE80] =	vst v63  }
0x91: {  	_ =	swait.ge [sflag:s28], $0x2800  }
0x92: {  	[sflag:s28] =	ssyncset.done $0x0  }
0x93: {  	[sflag:s28] =	ssyncadd.s32 $0xFFFFD800  }
0x94: {  	[tilespmem:s29], [sflag:$0x3] =	stream.linear.gather [spmem:s17], $0x2800, $0x38;
	[tilespmem:$0x1CE80] =	vst v63  }
0x95: {  	_ =	swait.ge [sflag:s28], $0x2800  }
0x96: {  	[sflag:s28] =	ssyncset.done $0x0  }
0x97: {  	s5 =	rddreg [dreg:$0x5];
	[sflag:s28] =	ssyncadd.s32 $0xFFFFD800  }
0x98: {  	[hbm4b:s5+s11] =	stream.linear.scatter [tilespmem:s29], [sflag:$0x3], $0x2800, $0x38;
	[tilespmem:$0x1CE80] =	vst v63  }
0x99: {  	_ =	swait.ge [sflag:s28], $0x2800  }
0x9a: {  	[sflag:s28] =	ssyncset.done $0x0  }
0x9b: {  	[sflag:s28] =	ssyncadd.s32 $0xFFFFD800  }
0x9c: {  	[tilespmem:s29], [sflag:$0x3] =	stream.linear.gather [spmem:s18], $0x2800, $0x38;
	[tilespmem:$0x1CE80] =	vst v63  }
0x9d: {  	_ =	swait.ge [sflag:s28], $0x2800  }
0x9e: {  	[sflag:s28] =	ssyncset.done $0x0  }
0x9f: {  	s7 =	rddreg [dreg:$0x6];
	[sflag:s28] =	ssyncadd.s32 $0xFFFFD800  }
0xa0: {  	[hbm4b:s7+s11] =	stream.linear.scatter [tilespmem:s29], [sflag:$0x3], $0x2800, $0x38;
	[tilespmem:$0x1CE80] =	vst v63  }
0xa1: {  	_ =	swait.ge [sflag:s28], $0x2800  }
0xa2: {  	[sflag:s28] =	ssyncset.done $0x0  }
0xa3: {  	[sflag:s28] =	ssyncadd.s32 $0xFFFFD800  }
0xa4: {  	[tilespmem:s29], [sflag:$0x3] =	stream.linear.gather [spmem:s19], $0x2800, $0x38;
	[tilespmem:$0x1CE80] =	vst v63  }
0xa5: {  	_ =	swait.ge [sflag:s28], $0x2800  }
0xa6: {  	[sflag:s28] =	ssyncset.done $0x0  }
0xa7: {  	s8 =	rddreg [dreg:$0x7];
	[sflag:s28] =	ssyncadd.s32 $0xFFFFD800  }
0xa8: {  	[hbm4b:s8+s11] =	stream.linear.scatter [tilespmem:s29], [sflag:$0x3], $0x2800, $0x38;
	[tilespmem:$0x1CE80] =	vst v63  }
0xa9: {  	_ =	swait.ge [sflag:s28], $0x2800  }
0xaa: {  	[sflag:s28] =	ssyncset.done $0x0  }
0xab: {  	[sflag:s28] =	ssyncadd.s32 $0xFFFFD800  }
0xac: {  	[tilespmem:s29], [sflag:$0x3] =	stream.linear.gather [spmem:s20], $0x2800, $0x38;
	[tilespmem:$0x1CE80] =	vst v63  }
0xad: {  	_ =	swait.ge [sflag:s28], $0x2800  }
0xae: {  	[sflag:s28] =	ssyncset.done $0x0  }
0xaf: {  	s25 =	rddreg [dreg:$0x8];
	[sflag:s28] =	ssyncadd.s32 $0xFFFFD800  }
0xb0: {  	[hbm4b:s25+s11] =	stream.linear.scatter [tilespmem:s29], [sflag:$0x3], $0x2800, $0x38;
	[tilespmem:$0x1CE80] =	vst v63  }
0xb1: {  	_ =	swait.ge [sflag:s28], $0x2800  }
0xb2: {  	[sflag:s28] =	ssyncset.done $0x0  }
0xb3: {  	[sflag:s28] =	ssyncadd.s32 $0xFFFFD800  }
0xb4: {  	[tilespmem:s29], [sflag:$0x3] =	stream.linear.gather [spmem:s21], $0x2800, $0x38;
	[tilespmem:$0x1CE80] =	vst v63  }
0xb5: {  	_ =	swait.ge [sflag:s28], $0x2800  }
0xb6: {  	[sflag:s28] =	ssyncset.done $0x0  }
0xb7: {  	[sflag:s28] =	ssyncadd.s32 $0xFFFFD800  }
0xb8: {  	[hbm4b:s10+s11] =	stream.linear.scatter [tilespmem:s29], [sflag:$0x3], $0x2800, $0x38;
	[tilespmem:$0x1CE80] =	vst v63  }
0xb9: {  	_ =	swait.ge [sflag:s28], $0x2800  }
0xba: {  	[sflag:s28] =	ssyncset.done $0x0  }
0xbb: {  	[sflag:s28] =	ssyncadd.s32 $0xFFFFD800  }
0xbc: {  	[tilespmem:s29], [sflag:$0x3] =	stream.linear.gather [spmem:s22], $0x2800, $0x38;
	[tilespmem:$0x1CE80] =	vst v63  }
0xbd: {  	s4 =	sadd.s32 $0x1, s4;
	_ =	swait.ge [sflag:s28], $0x2800  }
0xbe: {  	p0 =	sne.s32 s4, s24;
	[sflag:s28] =	ssyncset.done $0x0  }
.Ltmp1:
0xbf: {  	[sflag:s28] =	ssyncadd.s32 $0xFFFFD800;
	(pc) =	sbr.rel @p0 .LBB2_1-.Ltmp1, $4  }
0xc0: {  	[hbm4b:s12+s11] =	stream.linear.scatter [tilespmem:s29], [sflag:$0x3], $0x2800, $0x38;
	[tilespmem:$0x1CE80] =	vst v63  }
0xc1: {  	_ =	swait.ge [sflag:s28], $0x2800  }
0xc2: {  	[sflag:s28] =	ssyncset.done $0x0  }
0xc3: {  	[sflag:s28] =	ssyncadd.s32 $0xFFFFD800  }
0xc4: {  	_ =	sfence.sel $0x180000  }
0xc5: {  	[bflag:$0x0] =	sbarrier.arrive $0xFFFF  }
0xc6: {  	_ =	strace $0x9000004D  }
0xc7: {  	s0 =	stileid.u32;
	[bflag:$0x2] =	sbarrier.arrive $0xFFFF  }
0xc8: {  	p0 =	sne.s32 s0, $0x0;
	s0 =	rddreg [dreg:$0x2]  }
0xc9: {  	s0 =	sadd.s32 @!p0 $0x100000, s0  }
0xca: {  	[sflag:s0] =	ssyncadd.tile.s32 @!p0 $0x1;
	_ =	shalt  }
.Lfunc_end2:
_tile_overlayer_lowered:
.L_overlay_start_2:
0xcb: {  	(tag) =	ssettag $0x2  }
0xcc: {  	s0 =	rddreg [dreg:$0x0];
	s2 =	stileid.u32  }
0xcd: {  	s1 =	rddreg [dreg:$0x1];
	p0 =	sne.s32 s2, $0x0  }
0xce: {  	s3 =	rddreg [dreg:$0x2];
	[bflag:$0x3] =	sbarrier.arrive $0xFFFF;
	s2 =	simm.s32 @!p0 $0x1C03  }
0xcf: {  	[timem:s3], [sflag:s2] =	dma.local @!p0 [hbm:s0], s1  }
0xd0: {  	s0 =	simm.s32 @!p0 $0x3  }
0xd1: {  	_ =	swait.ge @!p0 [sflag:s0], s1  }
0xd2: {  	s1 =	ssub.s32 @!p0 $0x0, s1;
	[sflag:s0] =	ssyncset.done @!p0 $0x0  }
0xd3: {  	[sflag:s0] =	ssyncadd.s32 @!p0 s1  }
0xd4: {  	[bflag:$0x3] =	sbarrier.arrive $0xFFFF  }
0xd5: {  	_ =	shalt  }

// kernel: kernel.8.cloned.1.call-start
scs
__scs_entry_jumppad:
0x0: {  	(pc) =	sbr.rel $0x88, $3  }
0x1: {  	(tag) =	ssettag $0x0;
	lr =	simm.s32 $0x1  }
0x2: {  	[smem:$0x3F92] =	sst lr;
	_ =	strace $0xD0000000  }
0x3: {  	_ = 	snop  }
0x4: {  	_ = 	snop  }
0x5: {  	_ = 	snop  }
0x6: {  	_ = 	snop  }
0x7: {  	_ = 	snop  }
__scs_overlays_trampoline_lowered:
0x8: {  	[smem:$0x3FA1] =	sst s0  }
0x9: {  	[smem:$0x3FA2] =	sst s1  }
0xa: {  	[smem:$0x3FA3] =	sst s2  }
0xb: {  	[smem:$0x3FA4] =	sst s3  }
0xc: {  	[smem:$0x3FA5] =	sst s4  }
0xd: {  	[smem:$0x3FA6] =	sst s5  }
0xe: {  	[smem:$0x3FA7] =	sst s6  }
0xf: {  	[smem:$0x3FA8] =	sst s7  }
0x10: {  	[smem:$0x3FA9] =	sst s8  }
0x11: {  	[smem:$0x3FAA] =	sst s9;
	s0 =	simm.s32 @!p0 $0x0  }
0x12: {  	s1 =	sld [smem:$0x3F90];
	s0 =	simm.s32 @p0 $0x1  }
0x13: {  	[smem:$0x3FAB] =	sst s0;
	s0 =	simm.s32 @!p1 $0x0  }
0x14: {  	s2 =	sld [smem:$0x3F8F];
	s0 =	simm.s32 @p1 $0x1  }
0x15: {  	[smem:$0x3FAC] =	sst s0;
	s0 =	simm.s32 @!p2 $0x0  }
0x16: {  	s3 =	sld [smem:$0x3FDB];
	s0 =	simm.s32 @p2 $0x1  }
0x17: {  	s4 =	simm.s32 $0x1BF5;
	[smem:$0x3FAE] =	sst s0  }
0x18: {  	s0 =	sld [smem:$0x3F91];
	_ =	swait.ge [sflag:s4], $0x0  }
0x19: {  	s7 =	sld [smem:$0x3F92]  }
0x1a: {  	s8 =	sadd.s32 $0xFFFFE003, lr  }
0x1b: {  	s9 =	sadd.s32 $0xFFFFFEF7, lr;
	s5 =	simm.s32 $0xFFFFFFFF;
	p2 =	slt.u32 s8, $0xFFFFF086  }
0x1c: {  	p1 =	slt.u32 s9, $0xF7A;
	s5 =	simm.s32 @!p2 $0x0  }
0x1d: {  	s5 =	simm.s32 @p1 $0x1;
	p0 =	seq.s32 s7, s2  }
0x1e: {  	s7 =	smul.u32 @!p0 $0xF7A, s2;
	p2 =	seq.s32 @!p0 s5, $0x0  }
0x1f: {  	s9 =	smul.u32 $0xF7A, s1;
	s8 =	simm.s32 @!p0 $0x1BF5;
	p2 =	por !p2, p0  }
0x20: {  	[sflag:s8] =	ssyncset.s32 @!p0 $0xFFFFF086;
	s6 =	sadd.s32 @!p0 s3, s7;
	s7 =	simm.s32 @!p0 $0x108  }
0x21: {  	s3 =	sadd.s32 s3, s9;
	s6 =	sadd.s32 @!p0 $0x88, s6;
	s7 =	simm.s32 @p2 $0x1082  }
0x22: {  	[simem:s7], [sflag:s8] =	dma.local @!p0 [hbm:s6], $0xF7A  }
0x23: {  	s9 =	sor.u32 $0xD0000000, s2;
	s6 =	simm.s32 $0x108;
	_ =	swait.ge @!p0 [sflag:s8], $0x0  }
0x24: {  	s3 =	sadd.s32 $0x88, s3;
	s6 =	simm.s32 @!p1 $0x1082;
	[sflag:s4] =	ssyncset.s32 $0xFFFFF086  }
0x25: {  	[simem:s6], [sflag:s4] =	dma.local [hbm:s3], $0xF7A  }
0x26: {  	[smem:$0x3F92] =	sst s1;
	(tag) =	ssettag s2;
	_ =	strace s9  }
0x27: {  	s1 =	sld [smem:$0x3FA2]  }
0x28: {  	s2 =	sld [smem:$0x3FA3]  }
0x29: {  	s4 =	sld [smem:$0x3FA5]  }
0x2a: {  	p0 =	seq.s32 s5, $0x0;
	s5 =	sld [smem:$0x3FA6]  }
0x2b: {  	s6 =	sld [smem:$0x3FA7]  }
0x2c: {  	s7 =	sld [smem:$0x3FA8]  }
0x2d: {  	s3 =	simm.s32 $0x108;
	s8 =	sld [smem:$0x3FA9]  }
0x2e: {  	s3 =	simm.s32 @!p0 $0x1082;
	s9 =	sld [smem:$0x3FAA]  }
0x2f: {  	lr =	sadd.s32 s0, s3;
	s0 =	sld [smem:$0x3FA1]  }
0x30: {  	s3 =	sld [smem:$0x3FA4]  }
0x31: {  	[smem:$0x3FAD] =	sst s10  }
0x32: {  	s10 =	sld [smem:$0x3FAB];
	_ =	sdelay $0x3  }
0x33: {  	p0 =	seq.s32 s10, $0x1;
	s10 =	sld [smem:$0x3FAD];
	_ =	sdelay $0x3  }
0x34: {  	[smem:$0x3FAD] =	sst s10  }
0x35: {  	s10 =	sld [smem:$0x3FAC];
	_ =	sdelay $0x3  }
0x36: {  	p1 =	seq.s32 s10, $0x1;
	s10 =	sld [smem:$0x3FAD];
	_ =	sdelay $0x3  }
0x37: {  	[smem:$0x3FAD] =	sst s10  }
0x38: {  	s10 =	sld [smem:$0x3FAE]  }
0x39: {  	_ = 	snop;
	(pc) =	sbr.ind lr, $3  }
0x3a: {  	_ = 	snop  }
0x3b: {  	_ = 	snop  }
0x3c: {  	p2 =	seq.s32 s10, $0x1;
	s10 =	sld [smem:$0x3FAD]  }
0x3d: {  	_ =	shalt  }
0x3e: {  	_ =	shalt  }
0x3f: {  	_ =	shalt  }
0x40: {  	_ =	shalt  }
0x41: {  	_ =	shalt  }
0x42: {  	_ =	shalt  }
0x43: {  	_ =	shalt  }
0x44: {  	_ =	shalt  }
0x45: {  	_ =	shalt  }
0x46: {  	_ =	shalt  }
0x47: {  	_ =	shalt  }
0x48: {  	_ =	shalt  }
0x49: {  	_ =	shalt  }
0x4a: {  	_ =	shalt  }
0x4b: {  	_ =	shalt  }
0x4c: {  	_ =	shalt  }
0x4d: {  	_ =	shalt  }
0x4e: {  	_ =	shalt  }
0x4f: {  	_ =	shalt  }
0x50: {  	_ =	shalt  }
0x51: {  	_ =	shalt  }
0x52: {  	_ =	shalt  }
0x53: {  	_ =	shalt  }
0x54: {  	_ =	shalt  }
0x55: {  	_ =	shalt  }
0x56: {  	_ =	shalt  }
0x57: {  	_ =	shalt  }
0x58: {  	_ =	shalt  }
0x59: {  	_ =	shalt  }
0x5a: {  	_ =	shalt  }
0x5b: {  	_ =	shalt  }
0x5c: {  	_ =	shalt  }
0x5d: {  	_ =	shalt  }
0x5e: {  	_ =	shalt  }
0x5f: {  	_ =	shalt  }
0x60: {  	_ =	shalt  }
0x61: {  	_ =	shalt  }
0x62: {  	_ =	shalt  }
0x63: {  	_ =	shalt  }
0x64: {  	_ =	shalt  }
0x65: {  	_ =	shalt  }
0x66: {  	_ =	shalt  }
0x67: {  	_ =	shalt  }
0x68: {  	_ =	shalt  }
0x69: {  	_ =	shalt  }
0x6a: {  	_ =	shalt  }
0x6b: {  	_ =	shalt  }
0x6c: {  	_ =	shalt  }
0x6d: {  	_ =	shalt  }
0x6e: {  	_ =	shalt  }
0x6f: {  	_ =	shalt  }
0x70: {  	_ =	shalt  }
0x71: {  	_ =	shalt  }
0x72: {  	_ =	shalt  }
0x73: {  	_ =	shalt  }
0x74: {  	_ =	shalt  }
0x75: {  	_ =	shalt  }
0x76: {  	_ =	shalt  }
0x77: {  	_ =	shalt  }
0x78: {  	_ =	shalt  }
0x79: {  	_ =	shalt  }
0x7a: {  	_ =	shalt  }
0x7b: {  	_ =	shalt  }
0x7c: {  	_ =	shalt  }
0x7d: {  	_ =	shalt  }
0x7e: {  	_ =	shalt  }
0x7f: {  	_ =	shalt  }
0x80: {  	_ =	shalt  }
0x81: {  	_ =	shalt  }
0x82: {  	_ =	shalt  }
0x83: {  	_ =	shalt  }
0x84: {  	_ =	shalt  }
0x85: {  	_ =	shalt  }
0x86: {  	_ =	shalt  }
0x87: {  	_ =	shalt  }
.Lfunc_end0:
.L_simem_size_0:
called_computation_lowered:
.L_overlay_start_0:
0x88: {  	s2 =	sld [smem:$0x3FD9]  }
0x89: {  	s3 =	sld [smem:$0x3FFE];
	_ =	sdelay $0x1  }
0x8a: {  	s1 =	srdreg.scid  }
0x8b: {  	s0 =	sand.u32 $0x1, s1  }
0x8c: {  	s16 =	sshll.u32 s0, $0xA;
	s2 =	sadd.s32 s3, s2  }
0x8d: {  	s2 =	sadd.s32 s2, s16  }
0x8e: {  	[smem:$0x3FB9] =	sst s2  }
0x8f: {  	_ = 	snop  }
0x90: {  	(tm) =	ssettm $0x1  }
0x91: {  	s17 =	sld [smem:$0x3FFB];
	_ =	sdelay $0x3  }
0x92: {  	_ =	strace s17  }
0x93: {  	s2 =	sld [smem:$0x3FFC];
	_ =	sdelay $0x3  }
0x94: {  	_ =	strace s2  }
0x95: {  	s2 =	sld [smem:$0x3FFD];
	_ =	sdelay $0x3  }
0x96: {  	_ =	strace s2  }
0x97: {  	_ =	strace $0x8FFFFFFF  }
0x98: {  	s18 =	sld [smem:$0x3FDB];
	_ =	sdelay $0x1  }
0x99: {  	s19 =	simm.s32 $_scs_section_size  }
0x9a: {  	s4 =	simm.s32 $_size__tile_overlayer_lowered;
	s5 =	simm.s32 $_tile_overlayer_lowered  }
0x9b: {  	s22 =	simm.s32 $0x1BFF;
	s21 =	sshll.u32 s5, $0x1;
	s2 =	sadd.s32 s19, s18  }
0x9c: {  	s6 =	simm.s32 $0x0;
	s20 =	sshll.u32 s4, $0x1;
	s4 =	sadd.s32 s21, s2  }
0x9d: {  	[timem:s6], [sflag:s22] =	dma.local [hbm:s4], s20  }
0x9e: {  	_ =	swait.ge [sflag:s22], s20  }
0x9f: {  	s3 =	ssub.s32 $0x0, s20;
	[sflag:s22] =	ssyncset.done $0x0  }
0xa0: {  	[sflag:s22] =	ssyncadd.s32 s3;
	_ =	sdelay $0x1  }
0xa1: {  	s23 =	simm.s32 $0x1B8B  }
0xa2: {  	_ =	swait.ge [sflag:s23], $0x1  }
0xa3: {  	[sflag:s23] =	ssyncset.done $0x0  }
0xa4: {  	s25 =	simm.s32 $0x1B8E;
	s24 =	sld [smem:$0x3FFE];
	[sflag:s23] =	ssyncadd.s32 $0xFFFFFFFF  }
0xa5: {  	s26 =	simm.s32 $execute0_lowered;
	[smem:$0x3FD2] =	sst s25  }
0xa6: {  	s4 =	sshll.u32 s26, $0x1;
	_ =	strace $0x80000046;
	[dreg:$0x1] =	wrdreg $0xFFFFFFFF  }
0xa7: {  	s28 =	simm.s32 $_size_execute0_lowered;
	s2 =	sadd.s32 s2, s4;
	[dreg:$0x0] =	wrdreg $0x0  }
0xa8: {  	s4 =	sshll.u32 s28, $0x1;
	[dreg:$0x2] =	wrdreg s2  }
0xa9: {  	[dreg:$0x3] =	wrdreg s4  }
0xaa: {  	[dreg:$0x4] =	wrdreg $0xC0  }
0xab: {  	_ =	task [dreg:s6], $0x5FFFF  }
0xac: {  	[dreg:$0x1] =	wrdreg $0xFFFFFFFF  }
0xad: {  	[dreg:$0x0] =	wrdreg $0x60  }
0xae: {  	[dreg:$0x2] =	wrdreg s24  }
0xaf: {  	[dreg:$0x3] =	wrdreg $0xA  }
0xb0: {  	_ =	task.clear_ibuf [dreg:s6], $0x4FFFF;
	_ =	strace $0x90000046  }
0xb1: {  	s29 =	simm.s32 $0xA;
	_ =	strace $0x80000048  }
0xb2: {  	_ =	swait.ge [sflag:s29], $0x1  }
0xb3: {  	[sflag:s29] =	ssyncadd.s32 $0xFFFFFFFF  }
0xb4: {  	_ =	strace $0x90000048  }
0xb5: {  	_ =	sfence  }
0xb6: {  	s30 =	sld [smem:$0x0];
	_ =	sdelay $0x2  }
0xb7: {  	s31 =	sshll.u32 s1, $0xD;
	s1 =	sshrl.u32 s1, $0x2  }
0xb8: {  	s3 =	sand.u32 $0x4000, s31;
	s1 =	sadd.s32 s1, s30  }
0xb9: {  	s0 =	sor.u32 s3, s0;
	s1 =	sshll.u32 s1, $0x11  }
0xba: {  	s0 =	sor.u32 s1, s0  }
0xbb: {  	s0 =	sadd.s32 $0x8F2B, s0  }
0xbc: {  	[sflag:s0] =	ssyncadd.remote.s32 $0x1  }
0xbd: {  	_ =	sfence.sel $0xFFFF  }
0xbe: {  	[dreg:$0x0] =	wrdreg $0xFFFFFFFF;
	(pc) =	sbr.abs _section_cstart, $3  }
0xbf: {  	[dreg:$0x1] =	wrdreg $0xFFFFFFFF  }
0xc0: {  	_ =	task.clear_ibuf [dreg:s6], $0x2FFFF;
	_ =	strace $0x9FFFFFFF  }
0xc1: {  	(tm) =	ssettm $0x7FFFFFFF  }
tec
execute0_lowered:
.L_overlay_start_1:
0x0: {  	(tag) =	ssettag $0x1  }
0x1: {  	s0 =	rddreg [dreg:$0x0]  }
0x2: {  	s2 =	simm.s32 $0x0;
	s1 =	srdreg.scid;
	s3 =	stileid.u32  }
0x3: {  	s12 =	simm.s32 $0x7;
	s15 =	simm.s32 $0x80;
	s16 =	simm.s32 $0x7680  }
0x4: {  	s17 =	simm.s32 $0xB680;
	s18 =	simm.s32 $0xF680;
	s19 =	simm.s32 $0x13680  }
0x5: {  	s24 =	simm.s32 $0x1;
	s25 =	simm.s32 $0x2;
	s28 =	simm.s32 $0x4  }
0x6: {  	s29 =	simm.s32 $0x5;
	s1 =	sand.u32 $0x1, s1;
	s3 =	sshll.u32 s3, $0x1  }
0x7: {  	s30 =	simm.s32 $0x6;
	s31 =	simm.s32 $0x0;
	s7 =	sor.u32 s1, s3  }
0x8: {  	[smem:$0x7FF] =	sst s2;
	s4 =	sadd.s32 $0x52A00, s0;
	s6 =	smul.u32 $0x4F0, s7  }
.Ltmp0:
0x9: {  	s5 =	sadd.s32 $0x79C00, s0;
	s1 =	ssub.s32 $0x2, s1;
	(pc) =	sbr.rel .LBB2_1-.Ltmp0, $4  }
0xa: {  	_ =	strace $0x80000047;
	s3 =	sadd.s32 $0x2B800, s0;
	s8 =	sshrl.u32 s1, $0x1  }
0xb: {  	s7 =	smul.u32 $0x4F, s7;
	s26 =	ssub.s32 s1, s8;
	s10 =	sadd.s32 s6, s0  }
0xc: {  	s6 =	sadd.s32 $0x7AC00, s0;
	s11 =	smax.u32 s26, $0x1;
	s26 =	simm.s32 $0x3  }
0xd: {  	s8 =	sadd.s32 $0xDE00, s10;
	s9 =	sadd.s32 $0x17C00, s10;
	s10 =	sadd.s32 $0x21A00, s10  }
.LBB2_10:
0xe: {  	s31 =	sadd.s32 $0x1, s31  }
0xf: {  	p0 =	sne.s32 s31, s11  }
.Ltmp1:
0x10: {  	_ = 	snop;
	(pc) =	sbr.rel @!p0 .LBB2_11-.Ltmp1, $1  }
0x11: {  	_ =	sdelay $0x3  }
.LBB2_1:
0x12: {  	[tilespmem:s2], [sflag:$0x7] =	stream.linear.gather [hbm4b:s8+s2], $0x2780, $0x38;
	[tilespmem:$0x1F680] =	vst v63  }
0x13: {  	_ =	swait.ge [sflag:s12], $0x2780  }
0x14: {  	[sflag:s12] =	ssyncset.done $0x0  }
0x15: {  	s0 =	simm.s32 $0x2780;
	[sflag:s12] =	ssyncadd.s32 $0xFFFFD880  }
0x16: {  	[tilespmem:s0], [sflag:$0x7] =	stream.linear.gather [hbm4b:s9+s2], $0x2780, $0x38;
	[tilespmem:$0x1F680] =	vst v63  }
0x17: {  	_ =	swait.ge [sflag:s12], $0x2780  }
0x18: {  	[sflag:s12] =	ssyncset.done $0x0  }
0x19: {  	s1 =	simm.s32 $0x4F00;
	[sflag:s12] =	ssyncadd.s32 $0xFFFFD880  }
0x1a: {  	[tilespmem:s1], [sflag:$0x7] =	stream.linear.gather [hbm4b:s10+s2], $0x2780, $0x38;
	[tilespmem:$0x1F680] =	vst v63  }
0x1b: {  	_ =	swait.ge [sflag:s12], $0x2780  }
0x1c: {  	[sflag:s12] =	ssyncset.done $0x0  }
0x1d: {  	[sflag:s12] =	ssyncadd.s32 $0xFFFFD880  }
0x1e: {  	[tilespmem:s16], [sflag:$0x1] =	stream.indirect.gather [hbm4b:s3+s15], $0x80, s2, s15, $0xb8;
	[tilespmem:$0x1F680] =	vst v63  }
0x1f: {  	_ = 	snop  }
0x20: {  	[tilespmem:s17], [sflag:$0x2] =	stream.indirect.gather [hbm4b:s4+s15], $0x80, s0, s15, $0xb8;
	[tilespmem:$0x1F680] =	vst v63  }
0x21: {  	_ = 	snop  }
0x22: {  	[tilespmem:s18], [sflag:$0x3] =	stream.indirect.gather [hbm4b:s5+s15], $0x80, s1, s15, $0xb8;
	[tilespmem:$0x1F680] =	vst v63  }
0x23: {  	_ = 	snop  }
0x24: {  	[tilespmem:s19], [sflag:$0x4] =	stream.indirect.gather [hbm4b:s3+s15], $0x80, s15, s15, $0xb8;
	[tilespmem:$0x1F680] =	vst v63  }
.Ltmp2:
0x25: {  	_ = 	snop;
	(pc) =	sbr.rel .LBB2_2-.Ltmp2, $4  }
0x26: {  	s20 =	simm.s32 $0x2800;
	s21 =	simm.s32 $0x17680  }
0x27: {  	[tilespmem:s21], [sflag:$0x5] =	stream.indirect.gather [hbm4b:s4+s15], $0x80, s20, s15, $0xb8;
	[tilespmem:$0x1F680] =	vst v63  }
0x28: {  	s22 =	simm.s32 $0x4F80;
	s23 =	simm.s32 $0x1B680;
	s0 =	simm.s32 $0x0  }
0x29: {  	[tilespmem:s23], [sflag:$0x6] =	stream.indirect.gather [hbm4b:s5+s15], $0x80, s22, s15, $0xb8;
	[tilespmem:$0x1F680] =	vst v63  }
.LBB2_9:
0x2a: {  	s0 =	sadd.s32 $0x1, s0  }
0x2b: {  	p0 =	sne.s32 s0, $0x28  }
.Ltmp3:
0x2c: {  	_ = 	snop;
	(pc) =	sbr.rel @!p0 .LBB2_10-.Ltmp3, $1  }
0x2d: {  	_ =	sdelay $0x3  }
.LBB2_2:
0x2e: {  	_ =	swait.ge [sflag:s24], $0x4000  }
0x2f: {  	[sflag:s24] =	ssyncset.done $0x0  }
0x30: {  	[sflag:s24] =	ssyncadd.s32 $0xFFFFC000  }
0x31: {  	_ =	swait.ge [sflag:s25], $0x4000  }
0x32: {  	[sflag:s25] =	ssyncset.done $0x0  }
0x33: {  	[sflag:s25] =	ssyncadd.s32 $0xFFFFC000  }
0x34: {  	_ =	swait.ge [sflag:s26], $0x4000  }
0x35: {  	[sflag:s26] =	ssyncset.done $0x0  }
0x36: {  	s20 =	simm.s32 $0x7780;
	[sflag:s26] =	ssyncadd.s32 $0xFFFFC000  }
0x37: {  	s1 =	simm.s32 $0xB780;
	v0 =	vld [tilespmem:s20+$0xFFFFFF00]  }
0x38: {  	v1 =	vld [tilespmem:s1+$0xFFFFFF00]  }
0x39: {  	s21 =	simm.s32 $0xF780  }
0x3a: {  	v2 =	vld [tilespmem:s21+$0xFFFFFF00];
	_ =	sdelay $0x2  }
0x3b: {  	v0 =	vadd.f32 v1, v0;
	_ =	sdelay $0x1  }
0x3c: {  	v0 =	vadd.f32 v2, v0;
	_ =	sdelay $0x1  }
0x3d: {  	[tilespmem:s20+$0xFFFFFF00] =	vst v0;
	v0 =	vld [tilespmem:s20+$0xFFFFFF10]  }
0x3e: {  	v1 =	vld [tilespmem:s1+$0xFFFFFF10];
	_ =	sdelay $0x1  }
0x3f: {  	v2 =	vld [tilespmem:s21+$0xFFFFFF10];
	_ =	sdelay $0x2  }
0x40: {  	v0 =	vadd.f32 v1, v0;
	_ =	sdelay $0x1  }
0x41: {  	v0 =	vadd.f32 v2, v0;
	_ =	sdelay $0x1  }
0x42: {  	[tilespmem:s20+$0xFFFFFF10] =	vst v0;
	v0 =	vld [tilespmem:s20+$0xFFFFFF20]  }
0x43: {  	v1 =	vld [tilespmem:s1+$0xFFFFFF20];
	_ =	sdelay $0x1  }
0x44: {  	v2 =	vld [tilespmem:s21+$0xFFFFFF20];
	_ =	sdelay $0x2  }
0x45: {  	v0 =	vadd.f32 v1, v0;
	_ =	sdelay $0x1  }
0x46: {  	v0 =	vadd.f32 v2, v0;
	_ =	sdelay $0x1  }
0x47: {  	[tilespmem:s20+$0xFFFFFF20] =	vst v0;
	v0 =	vld [tilespmem:s20+$0xFFFFFF30]  }
0x48: {  	v1 =	vld [tilespmem:s1+$0xFFFFFF30];
	_ =	sdelay $0x1  }
0x49: {  	v2 =	vld [tilespmem:s21+$0xFFFFFF30];
	_ =	sdelay $0x2  }
0x4a: {  	v0 =	vadd.f32 v1, v0;
	_ =	sdelay $0x1  }
0x4b: {  	v0 =	vadd.f32 v2, v0;
	_ =	sdelay $0x1  }
0x4c: {  	[tilespmem:s20+$0xFFFFFF30] =	vst v0;
	v0 =	vld [tilespmem:s20+$0xFFFFFF40]  }
0x4d: {  	v1 =	vld [tilespmem:s1+$0xFFFFFF40];
	_ =	sdelay $0x1  }
0x4e: {  	v2 =	vld [tilespmem:s21+$0xFFFFFF40];
	_ =	sdelay $0x2  }
0x4f: {  	v0 =	vadd.f32 v1, v0;
	_ =	sdelay $0x1  }
0x50: {  	v0 =	vadd.f32 v2, v0;
	_ =	sdelay $0x1  }
0x51: {  	[tilespmem:s20+$0xFFFFFF40] =	vst v0;
	v0 =	vld [tilespmem:s20+$0xFFFFFF50]  }
0x52: {  	v1 =	vld [tilespmem:s1+$0xFFFFFF50];
	_ =	sdelay $0x1  }
0x53: {  	v2 =	vld [tilespmem:s21+$0xFFFFFF50];
	_ =	sdelay $0x2  }
0x54: {  	v0 =	vadd.f32 v1, v0;
	_ =	sdelay $0x1  }
0x55: {  	v0 =	vadd.f32 v2, v0;
	_ =	sdelay $0x1  }
0x56: {  	[tilespmem:s20+$0xFFFFFF50] =	vst v0;
	v0 =	vld [tilespmem:s20+$0xFFFFFF60]  }
0x57: {  	v1 =	vld [tilespmem:s1+$0xFFFFFF60];
	_ =	sdelay $0x1  }
0x58: {  	v2 =	vld [tilespmem:s21+$0xFFFFFF60];
	_ =	sdelay $0x2  }
0x59: {  	v0 =	vadd.f32 v1, v0;
	_ =	sdelay $0x1  }
0x5a: {  	v0 =	vadd.f32 v2, v0;
	_ =	sdelay $0x1  }
0x5b: {  	[tilespmem:s20+$0xFFFFFF60] =	vst v0;
	v0 =	vld [tilespmem:s20+$0xFFFFFF70]  }
0x5c: {  	v1 =	vld [tilespmem:s1+$0xFFFFFF70];
	_ =	sdelay $0x1  }
0x5d: {  	v2 =	vld [tilespmem:s21+$0xFFFFFF70];
	_ =	sdelay $0x2  }
0x5e: {  	v0 =	vadd.f32 v1, v0;
	_ =	sdelay $0x1  }
0x5f: {  	v0 =	vadd.f32 v2, v0;
	_ =	sdelay $0x1  }
0x60: {  	[tilespmem:s20+$0xFFFFFF70] =	vst v0;
	v0 =	vld [tilespmem:s20+$0xFFFFFF80]  }
0x61: {  	v1 =	vld [tilespmem:s1+$0xFFFFFF80];
	_ =	sdelay $0x1  }
0x62: {  	v2 =	vld [tilespmem:s21+$0xFFFFFF80];
	_ =	sdelay $0x2  }
0x63: {  	v0 =	vadd.f32 v1, v0;
	_ =	sdelay $0x1  }
0x64: {  	v0 =	vadd.f32 v2, v0;
	_ =	sdelay $0x1  }
0x65: {  	[tilespmem:s20+$0xFFFFFF80] =	vst v0;
	v0 =	vld [tilespmem:s20+$0xFFFFFF90]  }
0x66: {  	v1 =	vld [tilespmem:s1+$0xFFFFFF90];
	_ =	sdelay $0x1  }
0x67: {  	v2 =	vld [tilespmem:s21+$0xFFFFFF90];
	_ =	sdelay $0x2  }
0x68: {  	v0 =	vadd.f32 v1, v0;
	_ =	sdelay $0x1  }
0x69: {  	v0 =	vadd.f32 v2, v0;
	_ =	sdelay $0x1  }
0x6a: {  	[tilespmem:s20+$0xFFFFFF90] =	vst v0;
	v0 =	vld [tilespmem:s20+$0xFFFFFFA0]  }
0x6b: {  	v1 =	vld [tilespmem:s1+$0xFFFFFFA0];
	_ =	sdelay $0x1  }
0x6c: {  	v2 =	vld [tilespmem:s21+$0xFFFFFFA0];
	_ =	sdelay $0x2  }
0x6d: {  	v0 =	vadd.f32 v1, v0;
	_ =	sdelay $0x1  }
0x6e: {  	v0 =	vadd.f32 v2, v0;
	_ =	sdelay $0x1  }
0x6f: {  	[tilespmem:s20+$0xFFFFFFA0] =	vst v0;
	v0 =	vld [tilespmem:s20+$0xFFFFFFB0]  }
0x70: {  	v1 =	vld [tilespmem:s1+$0xFFFFFFB0];
	_ =	sdelay $0x1  }
0x71: {  	v2 =	vld [tilespmem:s21+$0xFFFFFFB0];
	_ =	sdelay $0x2  }
0x72: {  	v0 =	vadd.f32 v1, v0;
	_ =	sdelay $0x1  }
0x73: {  	v0 =	vadd.f32 v2, v0;
	_ =	sdelay $0x1  }
0x74: {  	[tilespmem:s20+$0xFFFFFFB0] =	vst v0;
	v0 =	vld [tilespmem:s20+$0xFFFFFFC0]  }
0x75: {  	v1 =	vld [tilespmem:s1+$0xFFFFFFC0];
	_ =	sdelay $0x1  }
0x76: {  	v2 =	vld [tilespmem:s21+$0xFFFFFFC0];
	_ =	sdelay $0x2  }
0x77: {  	v0 =	vadd.f32 v1, v0;
	_ =	sdelay $0x1  }
0x78: {  	v0 =	vadd.f32 v2, v0;
	_ =	sdelay $0x1  }
0x79: {  	[tilespmem:s20+$0xFFFFFFC0] =	vst v0;
	v0 =	vld [tilespmem:s20+$0xFFFFFFD0]  }
0x7a: {  	v1 =	vld [tilespmem:s1+$0xFFFFFFD0];
	_ =	sdelay $0x1  }
0x7b: {  	v2 =	vld [tilespmem:s21+$0xFFFFFFD0];
	_ =	sdelay $0x2  }
0x7c: {  	v0 =	vadd.f32 v1, v0;
	_ =	sdelay $0x1  }
0x7d: {  	v0 =	vadd.f32 v2, v0;
	_ =	sdelay $0x1  }
0x7e: {  	[tilespmem:s20+$0xFFFFFFD0] =	vst v0;
	v0 =	vld [tilespmem:s20+$0xFFFFFFE0]  }
0x7f: {  	v1 =	vld [tilespmem:s1+$0xFFFFFFE0];
	_ =	sdelay $0x1  }
0x80: {  	v2 =	vld [tilespmem:s21+$0xFFFFFFE0];
	_ =	sdelay $0x2  }
0x81: {  	v0 =	vadd.f32 v1, v0;
	_ =	sdelay $0x1  }
0x82: {  	v0 =	vadd.f32 v2, v0;
	_ =	sdelay $0x1  }
0x83: {  	[tilespmem:s20+$0xFFFFFFE0] =	vst v0;
	v0 =	vld [tilespmem:s20+$0xFFFFFFF0]  }
0x84: {  	v1 =	vld [tilespmem:s1+$0xFFFFFFF0];
	_ =	sdelay $0x1  }
0x85: {  	v2 =	vld [tilespmem:s21+$0xFFFFFFF0];
	_ =	sdelay $0x2  }
0x86: {  	v0 =	vadd.f32 v1, v0;
	_ =	sdelay $0x1  }
0x87: {  	v0 =	vadd.f32 v2, v0;
	_ =	sdelay $0x1  }
0x88: {  	[tilespmem:s20+$0xFFFFFFF0] =	vst v0;
	v0 =	vld [tilespmem:s20+$0x0]  }
0x89: {  	v1 =	vld [tilespmem:s1+$0x0];
	_ =	sdelay $0x1  }
0x8a: {  	v2 =	vld [tilespmem:s21+$0x0];
	_ =	sdelay $0x2  }
0x8b: {  	v0 =	vadd.f32 v1, v0;
	_ =	sdelay $0x1  }
0x8c: {  	v0 =	vadd.f32 v2, v0;
	_ =	sdelay $0x1  }
0x8d: {  	[tilespmem:s20+$0x0] =	vst v0;
	v0 =	vld [tilespmem:s20+$0x10]  }
0x8e: {  	v1 =	vld [tilespmem:s1+$0x10];
	_ =	sdelay $0x1  }
0x8f: {  	v2 =	vld [tilespmem:s21+$0x10];
	_ =	sdelay $0x2  }
0x90: {  	v0 =	vadd.f32 v1, v0;
	_ =	sdelay $0x1  }
0x91: {  	v0 =	vadd.f32 v2, v0;
	_ =	sdelay $0x1  }
0x92: {  	[tilespmem:s20+$0x10] =	vst v0;
	v0 =	vld [tilespmem:s20+$0x20]  }
0x93: {  	v1 =	vld [tilespmem:s1+$0x20];
	_ =	sdelay $0x1  }
0x94: {  	v2 =	vld [tilespmem:s21+$0x20];
	_ =	sdelay $0x2  }
0x95: {  	v0 =	vadd.f32 v1, v0;
	_ =	sdelay $0x1  }
0x96: {  	v0 =	vadd.f32 v2, v0;
	_ =	sdelay $0x1  }
0x97: {  	[tilespmem:s20+$0x20] =	vst v0;
	v0 =	vld [tilespmem:s20+$0x30]  }
0x98: {  	v1 =	vld [tilespmem:s1+$0x30];
	_ =	sdelay $0x1  }
0x99: {  	v2 =	vld [tilespmem:s21+$0x30];
	_ =	sdelay $0x2  }
0x9a: {  	v0 =	vadd.f32 v1, v0;
	_ =	sdelay $0x1  }
0x9b: {  	v0 =	vadd.f32 v2, v0;
	_ =	sdelay $0x1  }
0x9c: {  	[tilespmem:s20+$0x30] =	vst v0;
	v0 =	vld [tilespmem:s20+$0x40]  }
0x9d: {  	v1 =	vld [tilespmem:s1+$0x40];
	_ =	sdelay $0x1  }
0x9e: {  	v2 =	vld [tilespmem:s21+$0x40];
	_ =	sdelay $0x2  }
0x9f: {  	v0 =	vadd.f32 v1, v0;
	_ =	sdelay $0x1  }
0xa0: {  	v0 =	vadd.f32 v2, v0;
	_ =	sdelay $0x1  }
0xa1: {  	[tilespmem:s20+$0x40] =	vst v0;
	v0 =	vld [tilespmem:s20+$0x50]  }
0xa2: {  	v1 =	vld [tilespmem:s1+$0x50];
	_ =	sdelay $0x1  }
0xa3: {  	v2 =	vld [tilespmem:s21+$0x50];
	_ =	sdelay $0x2  }
0xa4: {  	v0 =	vadd.f32 v1, v0;
	_ =	sdelay $0x1  }
0xa5: {  	v0 =	vadd.f32 v2, v0;
	_ =	sdelay $0x1  }
0xa6: {  	[tilespmem:s20+$0x50] =	vst v0;
	v0 =	vld [tilespmem:s20+$0x60]  }
0xa7: {  	v1 =	vld [tilespmem:s1+$0x60];
	_ =	sdelay $0x1  }
0xa8: {  	v2 =	vld [tilespmem:s21+$0x60];
	_ =	sdelay $0x2  }
0xa9: {  	v0 =	vadd.f32 v1, v0;
	_ =	sdelay $0x1  }
0xaa: {  	v0 =	vadd.f32 v2, v0;
	_ =	sdelay $0x1  }
0xab: {  	[tilespmem:s20+$0x60] =	vst v0;
	v0 =	vld [tilespmem:s20+$0x70]  }
0xac: {  	v1 =	vld [tilespmem:s1+$0x70];
	_ =	sdelay $0x1  }
0xad: {  	v2 =	vld [tilespmem:s21+$0x70];
	_ =	sdelay $0x2  }
0xae: {  	v0 =	vadd.f32 v1, v0;
	_ =	sdelay $0x1  }
0xaf: {  	v0 =	vadd.f32 v2, v0;
	_ =	sdelay $0x1  }
0xb0: {  	[tilespmem:s20+$0x70] =	vst v0;
	v0 =	vld [tilespmem:s20+$0x80]  }
0xb1: {  	v1 =	vld [tilespmem:s1+$0x80];
	_ =	sdelay $0x1  }
0xb2: {  	v2 =	vld [tilespmem:s21+$0x80];
	_ =	sdelay $0x2  }
0xb3: {  	v0 =	vadd.f32 v1, v0;
	_ =	sdelay $0x1  }
0xb4: {  	v0 =	vadd.f32 v2, v0;
	_ =	sdelay $0x1  }
0xb5: {  	[tilespmem:s20+$0x80] =	vst v0;
	v0 =	vld [tilespmem:s20+$0x90]  }
0xb6: {  	v1 =	vld [tilespmem:s1+$0x90];
	_ =	sdelay $0x1  }
0xb7: {  	v2 =	vld [tilespmem:s21+$0x90];
	_ =	sdelay $0x2  }
0xb8: {  	v0 =	vadd.f32 v1, v0;
	_ =	sdelay $0x1  }
0xb9: {  	v0 =	vadd.f32 v2, v0;
	_ =	sdelay $0x1  }
0xba: {  	[tilespmem:s20+$0x90] =	vst v0;
	v0 =	vld [tilespmem:s20+$0xA0]  }
0xbb: {  	v1 =	vld [tilespmem:s1+$0xA0];
	_ =	sdelay $0x1  }
0xbc: {  	v2 =	vld [tilespmem:s21+$0xA0];
	_ =	sdelay $0x2  }
0xbd: {  	v0 =	vadd.f32 v1, v0;
	_ =	sdelay $0x1  }
0xbe: {  	v0 =	vadd.f32 v2, v0;
	_ =	sdelay $0x1  }
0xbf: {  	[tilespmem:s20+$0xA0] =	vst v0;
	v0 =	vld [tilespmem:s20+$0xB0]  }
0xc0: {  	v1 =	vld [tilespmem:s1+$0xB0];
	_ =	sdelay $0x1  }
0xc1: {  	v2 =	vld [tilespmem:s21+$0xB0];
	_ =	sdelay $0x2  }
0xc2: {  	v0 =	vadd.f32 v1, v0;
	_ =	sdelay $0x1  }
0xc3: {  	v0 =	vadd.f32 v2, v0;
	_ =	sdelay $0x1  }
0xc4: {  	[tilespmem:s20+$0xB0] =	vst v0;
	v0 =	vld [tilespmem:s20+$0xC0]  }
0xc5: {  	v1 =	vld [tilespmem:s1+$0xC0];
	_ =	sdelay $0x1  }
0xc6: {  	v2 =	vld [tilespmem:s21+$0xC0];
	_ =	sdelay $0x2  }
0xc7: {  	v0 =	vadd.f32 v1, v0;
	_ =	sdelay $0x1  }
0xc8: {  	v0 =	vadd.f32 v2, v0;
	_ =	sdelay $0x1  }
0xc9: {  	[tilespmem:s20+$0xC0] =	vst v0;
	v0 =	vld [tilespmem:s20+$0xD0]  }
0xca: {  	v1 =	vld [tilespmem:s1+$0xD0];
	_ =	sdelay $0x1  }
0xcb: {  	v2 =	vld [tilespmem:s21+$0xD0];
	_ =	sdelay $0x2  }
0xcc: {  	v0 =	vadd.f32 v1, v0;
	_ =	sdelay $0x1  }
0xcd: {  	v0 =	vadd.f32 v2, v0;
	_ =	sdelay $0x1  }
0xce: {  	[tilespmem:s20+$0xD0] =	vst v0;
	v0 =	vld [tilespmem:s20+$0xE0]  }
0xcf: {  	v1 =	vld [tilespmem:s1+$0xE0];
	_ =	sdelay $0x1  }
0xd0: {  	v2 =	vld [tilespmem:s21+$0xE0];
	_ =	sdelay $0x2  }
0xd1: {  	v0 =	vadd.f32 v1, v0;
	_ =	sdelay $0x1  }
0xd2: {  	v0 =	vadd.f32 v2, v0;
	_ =	sdelay $0x1  }
0xd3: {  	[tilespmem:s20+$0xE0] =	vst v0;
	v0 =	vld [tilespmem:s20+$0xF0]  }
0xd4: {  	v1 =	vld [tilespmem:s1+$0xF0];
	_ =	sdelay $0x1  }
0xd5: {  	v2 =	vld [tilespmem:s21+$0xF0];
	_ =	sdelay $0x2  }
0xd6: {  	v0 =	vadd.f32 v1, v0;
	_ =	sdelay $0x1  }
0xd7: {  	v0 =	vadd.f32 v2, v0  }
0xd8: {  	s22 =	simm.s32 $0x0;
	s13 =	simm.s32 $0x7980  }
.LBB2_3:
0xd9: {  	v1 =	vld [tilespmem:s13+$0xFFFFFF00];
	s22 =	sadd.s32 $0x4, s22;
	[tilespmem:s20+$0xF0] =	vst v0;
	s1 =	sadd.s32 $0x200, s1;
	s21 =	sadd.s32 $0x200, s21  }
0xda: {  	s20 =	smov.u32 s13;
	v0 =	vld [tilespmem:s1+$0xFFFFFF00];
	p0 =	slt.u32 s22, $0x7C;
	_ =	sdelay $0x1  }
0xdb: {  	v2 =	vld [tilespmem:s21+$0xFFFFFF00];
	_ =	sdelay $0x2  }
0xdc: {  	v0 =	vadd.f32 v0, v1;
	_ =	sdelay $0x1  }
0xdd: {  	v0 =	vadd.f32 v2, v0;
	_ =	sdelay $0x1  }
0xde: {  	[tilespmem:s13+$0xFFFFFF00] =	vst v0;
	v0 =	vld [tilespmem:s13+$0xFFFFFF10]  }
0xdf: {  	v1 =	vld [tilespmem:s1+$0xFFFFFF10];
	_ =	sdelay $0x1  }
0xe0: {  	v2 =	vld [tilespmem:s21+$0xFFFFFF10];
	_ =	sdelay $0x2  }
0xe1: {  	v0 =	vadd.f32 v1, v0;
	_ =	sdelay $0x1  }
0xe2: {  	v0 =	vadd.f32 v2, v0;
	_ =	sdelay $0x1  }
0xe3: {  	[tilespmem:s13+$0xFFFFFF10] =	vst v0;
	v0 =	vld [tilespmem:s13+$0xFFFFFF20]  }
0xe4: {  	v1 =	vld [tilespmem:s1+$0xFFFFFF20];
	_ =	sdelay $0x1  }
0xe5: {  	v2 =	vld [tilespmem:s21+$0xFFFFFF20];
	_ =	sdelay $0x2  }
0xe6: {  	v0 =	vadd.f32 v1, v0;
	_ =	sdelay $0x1  }
0xe7: {  	v0 =	vadd.f32 v2, v0;
	_ =	sdelay $0x1  }
0xe8: {  	[tilespmem:s13+$0xFFFFFF20] =	vst v0;
	v0 =	vld [tilespmem:s13+$0xFFFFFF30]  }
0xe9: {  	v1 =	vld [tilespmem:s1+$0xFFFFFF30];
	_ =	sdelay $0x1  }
0xea: {  	v2 =	vld [tilespmem:s21+$0xFFFFFF30];
	_ =	sdelay $0x2  }
0xeb: {  	v0 =	vadd.f32 v1, v0;
	_ =	sdelay $0x1  }
0xec: {  	v0 =	vadd.f32 v2, v0;
	_ =	sdelay $0x1  }
0xed: {  	[tilespmem:s13+$0xFFFFFF30] =	vst v0;
	v0 =	vld [tilespmem:s13+$0xFFFFFF40]  }
0xee: {  	v1 =	vld [tilespmem:s1+$0xFFFFFF40];
	_ =	sdelay $0x1  }
0xef: {  	v2 =	vld [tilespmem:s21+$0xFFFFFF40];
	_ =	sdelay $0x2  }
0xf0: {  	v0 =	vadd.f32 v1, v0;
	_ =	sdelay $0x1  }
0xf1: {  	v0 =	vadd.f32 v2, v0;
	_ =	sdelay $0x1  }
0xf2: {  	[tilespmem:s13+$0xFFFFFF40] =	vst v0;
	v0 =	vld [tilespmem:s13+$0xFFFFFF50]  }
0xf3: {  	v1 =	vld [tilespmem:s1+$0xFFFFFF50];
	_ =	sdelay $0x1  }
0xf4: {  	v2 =	vld [tilespmem:s21+$0xFFFFFF50];
	_ =	sdelay $0x2  }
0xf5: {  	v0 =	vadd.f32 v1, v0;
	_ =	sdelay $0x1  }
0xf6: {  	v0 =	vadd.f32 v2, v0;
	_ =	sdelay $0x1  }
0xf7: {  	[tilespmem:s13+$0xFFFFFF50] =	vst v0;
	v0 =	vld [tilespmem:s13+$0xFFFFFF60]  }
0xf8: {  	v1 =	vld [tilespmem:s1+$0xFFFFFF60];
	_ =	sdelay $0x1  }
0xf9: {  	v2 =	vld [tilespmem:s21+$0xFFFFFF60];
	_ =	sdelay $0x2  }
0xfa: {  	v0 =	vadd.f32 v1, v0;
	_ =	sdelay $0x1  }
0xfb: {  	v0 =	vadd.f32 v2, v0;
	_ =	sdelay $0x1  }
0xfc: {  	[tilespmem:s13+$0xFFFFFF60] =	vst v0;
	v0 =	vld [tilespmem:s13+$0xFFFFFF70]  }
0xfd: {  	v1 =	vld [tilespmem:s1+$0xFFFFFF70];
	_ =	sdelay $0x1  }
0xfe: {  	v2 =	vld [tilespmem:s21+$0xFFFFFF70];
	_ =	sdelay $0x2  }
0xff: {  	v0 =	vadd.f32 v1, v0;
	_ =	sdelay $0x1  }
0x100: {  	v0 =	vadd.f32 v2, v0;
	_ =	sdelay $0x1  }
0x101: {  	[tilespmem:s13+$0xFFFFFF70] =	vst v0;
	v0 =	vld [tilespmem:s13+$0xFFFFFF80]  }
0x102: {  	v1 =	vld [tilespmem:s1+$0xFFFFFF80];
	_ =	sdelay $0x1  }
0x103: {  	v2 =	vld [tilespmem:s21+$0xFFFFFF80];
	_ =	sdelay $0x2  }
0x104: {  	v0 =	vadd.f32 v1, v0;
	_ =	sdelay $0x1  }
0x105: {  	v0 =	vadd.f32 v2, v0;
	_ =	sdelay $0x1  }
0x106: {  	[tilespmem:s13+$0xFFFFFF80] =	vst v0;
	v0 =	vld [tilespmem:s13+$0xFFFFFF90]  }
0x107: {  	v1 =	vld [tilespmem:s1+$0xFFFFFF90];
	_ =	sdelay $0x1  }
0x108: {  	v2 =	vld [tilespmem:s21+$0xFFFFFF90];
	_ =	sdelay $0x2  }
0x109: {  	v0 =	vadd.f32 v1, v0;
	_ =	sdelay $0x1  }
0x10a: {  	v0 =	vadd.f32 v2, v0;
	_ =	sdelay $0x1  }
0x10b: {  	[tilespmem:s13+$0xFFFFFF90] =	vst v0;
	v0 =	vld [tilespmem:s13+$0xFFFFFFA0]  }
0x10c: {  	v1 =	vld [tilespmem:s1+$0xFFFFFFA0];
	_ =	sdelay $0x1  }
0x10d: {  	v2 =	vld [tilespmem:s21+$0xFFFFFFA0];
	_ =	sdelay $0x2  }
0x10e: {  	v0 =	vadd.f32 v1, v0;
	_ =	sdelay $0x1  }
0x10f: {  	v0 =	vadd.f32 v2, v0;
	_ =	sdelay $0x1  }
0x110: {  	[tilespmem:s13+$0xFFFFFFA0] =	vst v0;
	v0 =	vld [tilespmem:s13+$0xFFFFFFB0]  }
0x111: {  	v1 =	vld [tilespmem:s1+$0xFFFFFFB0];
	_ =	sdelay $0x1  }
0x112: {  	v2 =	vld [tilespmem:s21+$0xFFFFFFB0];
	_ =	sdelay $0x2  }
0x113: {  	v0 =	vadd.f32 v1, v0;
	_ =	sdelay $0x1  }
0x114: {  	v0 =	vadd.f32 v2, v0;
	_ =	sdelay $0x1  }
0x115: {  	[tilespmem:s13+$0xFFFFFFB0] =	vst v0;
	v0 =	vld [tilespmem:s13+$0xFFFFFFC0]  }
0x116: {  	v1 =	vld [tilespmem:s1+$0xFFFFFFC0];
	_ =	sdelay $0x1  }
0x117: {  	v2 =	vld [tilespmem:s21+$0xFFFFFFC0];
	_ =	sdelay $0x2  }
0x118: {  	v0 =	vadd.f32 v1, v0;
	_ =	sdelay $0x1  }
0x119: {  	v0 =	vadd.f32 v2, v0;
	_ =	sdelay $0x1  }
0x11a: {  	[tilespmem:s13+$0xFFFFFFC0] =	vst v0;
	v0 =	vld [tilespmem:s13+$0xFFFFFFD0]  }
0x11b: {  	v1 =	vld [tilespmem:s1+$0xFFFFFFD0];
	_ =	sdelay $0x1  }
0x11c: {  	v2 =	vld [tilespmem:s21+$0xFFFFFFD0];
	_ =	sdelay $0x2  }
0x11d: {  	v0 =	vadd.f32 v1, v0;
	_ =	sdelay $0x1  }
0x11e: {  	v0 =	vadd.f32 v2, v0;
	_ =	sdelay $0x1  }
0x11f: {  	[tilespmem:s13+$0xFFFFFFD0] =	vst v0;
	v0 =	vld [tilespmem:s13+$0xFFFFFFE0]  }
0x120: {  	v1 =	vld [tilespmem:s1+$0xFFFFFFE0];
	_ =	sdelay $0x1  }
0x121: {  	v2 =	vld [tilespmem:s21+$0xFFFFFFE0];
	_ =	sdelay $0x2  }
0x122: {  	v0 =	vadd.f32 v1, v0;
	_ =	sdelay $0x1  }
0x123: {  	v0 =	vadd.f32 v2, v0;
	_ =	sdelay $0x1  }
0x124: {  	[tilespmem:s13+$0xFFFFFFE0] =	vst v0;
	v0 =	vld [tilespmem:s13+$0xFFFFFFF0]  }
0x125: {  	v1 =	vld [tilespmem:s1+$0xFFFFFFF0];
	_ =	sdelay $0x1  }
0x126: {  	v2 =	vld [tilespmem:s21+$0xFFFFFFF0];
	_ =	sdelay $0x2  }
0x127: {  	v0 =	vadd.f32 v1, v0;
	_ =	sdelay $0x1  }
0x128: {  	v0 =	vadd.f32 v2, v0;
	_ =	sdelay $0x1  }
0x129: {  	[tilespmem:s13+$0xFFFFFFF0] =	vst v0;
	v0 =	vld [tilespmem:s13+$0x0]  }
0x12a: {  	v1 =	vld [tilespmem:s1+$0x0];
	_ =	sdelay $0x1  }
0x12b: {  	v2 =	vld [tilespmem:s21+$0x0];
	_ =	sdelay $0x2  }
0x12c: {  	v0 =	vadd.f32 v1, v0;
	_ =	sdelay $0x1  }
0x12d: {  	v0 =	vadd.f32 v2, v0;
	_ =	sdelay $0x1  }
0x12e: {  	[tilespmem:s13+$0x0] =	vst v0;
	v0 =	vld [tilespmem:s13+$0x10]  }
0x12f: {  	v1 =	vld [tilespmem:s1+$0x10]  }
0x130: {  	v2 =	vld [tilespmem:s21+$0x10];
	_ =	sdelay $0x3  }
0x131: {  	v0 =	vadd.f32 v1, v0;
	_ =	sdelay $0x1  }
0x132: {  	v0 =	vadd.f32 v2, v0;
	_ =	sdelay $0x1  }
0x133: {  	[tilespmem:s13+$0x10] =	vst v0;
	v0 =	vld [tilespmem:s13+$0x20]  }
0x134: {  	v1 =	vld [tilespmem:s1+$0x20]  }
0x135: {  	v2 =	vld [tilespmem:s21+$0x20];
	_ =	sdelay $0x3  }
0x136: {  	v0 =	vadd.f32 v1, v0;
	_ =	sdelay $0x1  }
0x137: {  	v0 =	vadd.f32 v2, v0;
	_ =	sdelay $0x1  }
0x138: {  	[tilespmem:s13+$0x20] =	vst v0;
	v0 =	vld [tilespmem:s13+$0x30]  }
0x139: {  	v1 =	vld [tilespmem:s1+$0x30]  }
0x13a: {  	v2 =	vld [tilespmem:s21+$0x30];
	_ =	sdelay $0x3  }
0x13b: {  	v0 =	vadd.f32 v1, v0;
	_ =	sdelay $0x1  }
0x13c: {  	v0 =	vadd.f32 v2, v0;
	_ =	sdelay $0x1  }
0x13d: {  	[tilespmem:s13+$0x30] =	vst v0;
	v0 =	vld [tilespmem:s13+$0x40]  }
0x13e: {  	v1 =	vld [tilespmem:s1+$0x40]  }
0x13f: {  	v2 =	vld [tilespmem:s21+$0x40];
	_ =	sdelay $0x3  }
0x140: {  	v0 =	vadd.f32 v1, v0;
	_ =	sdelay $0x1  }
0x141: {  	v0 =	vadd.f32 v2, v0;
	_ =	sdelay $0x1  }
0x142: {  	[tilespmem:s13+$0x40] =	vst v0;
	v0 =	vld [tilespmem:s13+$0x50]  }
0x143: {  	v1 =	vld [tilespmem:s1+$0x50]  }
0x144: {  	v2 =	vld [tilespmem:s21+$0x50];
	_ =	sdelay $0x3  }
0x145: {  	v0 =	vadd.f32 v1, v0;
	_ =	sdelay $0x1  }
0x146: {  	v0 =	vadd.f32 v2, v0;
	_ =	sdelay $0x1  }
0x147: {  	[tilespmem:s13+$0x50] =	vst v0;
	v0 =	vld [tilespmem:s13+$0x60]  }
0x148: {  	v1 =	vld [tilespmem:s1+$0x60]  }
0x149: {  	v2 =	vld [tilespmem:s21+$0x60];
	_ =	sdelay $0x3  }
0x14a: {  	v0 =	vadd.f32 v1, v0;
	_ =	sdelay $0x1  }
0x14b: {  	v0 =	vadd.f32 v2, v0;
	_ =	sdelay $0x1  }
0x14c: {  	[tilespmem:s13+$0x60] =	vst v0;
	v0 =	vld [tilespmem:s13+$0x70]  }
0x14d: {  	v1 =	vld [tilespmem:s1+$0x70]  }
0x14e: {  	v2 =	vld [tilespmem:s21+$0x70];
	_ =	sdelay $0x3  }
0x14f: {  	v0 =	vadd.f32 v1, v0;
	_ =	sdelay $0x1  }
0x150: {  	v0 =	vadd.f32 v2, v0;
	_ =	sdelay $0x1  }
0x151: {  	[tilespmem:s13+$0x70] =	vst v0;
	v0 =	vld [tilespmem:s13+$0x80]  }
0x152: {  	v1 =	vld [tilespmem:s1+$0x80]  }
0x153: {  	v2 =	vld [tilespmem:s21+$0x80];
	_ =	sdelay $0x3  }
0x154: {  	v0 =	vadd.f32 v1, v0;
	_ =	sdelay $0x1  }
0x155: {  	v0 =	vadd.f32 v2, v0;
	_ =	sdelay $0x1  }
0x156: {  	[tilespmem:s13+$0x80] =	vst v0;
	v0 =	vld [tilespmem:s13+$0x90]  }
0x157: {  	v1 =	vld [tilespmem:s1+$0x90]  }
0x158: {  	v2 =	vld [tilespmem:s21+$0x90];
	_ =	sdelay $0x3  }
0x159: {  	v0 =	vadd.f32 v1, v0;
	_ =	sdelay $0x1  }
0x15a: {  	v0 =	vadd.f32 v2, v0;
	_ =	sdelay $0x1  }
0x15b: {  	[tilespmem:s13+$0x90] =	vst v0;
	v0 =	vld [tilespmem:s13+$0xA0]  }
0x15c: {  	v1 =	vld [tilespmem:s1+$0xA0]  }
0x15d: {  	v2 =	vld [tilespmem:s21+$0xA0];
	_ =	sdelay $0x3  }
0x15e: {  	v0 =	vadd.f32 v1, v0;
	_ =	sdelay $0x1  }
0x15f: {  	v0 =	vadd.f32 v2, v0;
	_ =	sdelay $0x1  }
0x160: {  	[tilespmem:s13+$0xA0] =	vst v0;
	v0 =	vld [tilespmem:s13+$0xB0]  }
0x161: {  	v1 =	vld [tilespmem:s1+$0xB0]  }
0x162: {  	v2 =	vld [tilespmem:s21+$0xB0];
	_ =	sdelay $0x3  }
0x163: {  	v0 =	vadd.f32 v1, v0;
	_ =	sdelay $0x1  }
0x164: {  	v0 =	vadd.f32 v2, v0;
	_ =	sdelay $0x1  }
0x165: {  	[tilespmem:s13+$0xB0] =	vst v0;
	v0 =	vld [tilespmem:s13+$0xC0]  }
0x166: {  	v1 =	vld [tilespmem:s1+$0xC0]  }
0x167: {  	v2 =	vld [tilespmem:s21+$0xC0];
	_ =	sdelay $0x3  }
0x168: {  	v0 =	vadd.f32 v1, v0;
	_ =	sdelay $0x1  }
0x169: {  	v0 =	vadd.f32 v2, v0;
	_ =	sdelay $0x1  }
0x16a: {  	[tilespmem:s13+$0xC0] =	vst v0;
	v0 =	vld [tilespmem:s13+$0xD0]  }
0x16b: {  	v1 =	vld [tilespmem:s1+$0xD0]  }
0x16c: {  	v2 =	vld [tilespmem:s21+$0xD0];
	_ =	sdelay $0x3  }
0x16d: {  	v0 =	vadd.f32 v1, v0;
	_ =	sdelay $0x1  }
0x16e: {  	v0 =	vadd.f32 v2, v0;
	_ =	sdelay $0x1  }
0x16f: {  	[tilespmem:s13+$0xD0] =	vst v0;
	v0 =	vld [tilespmem:s13+$0xE0]  }
0x170: {  	v1 =	vld [tilespmem:s1+$0xE0]  }
0x171: {  	v2 =	vld [tilespmem:s21+$0xE0];
	_ =	sdelay $0x3  }
0x172: {  	v0 =	vadd.f32 v1, v0;
	_ =	sdelay $0x1  }
0x173: {  	v0 =	vadd.f32 v2, v0;
	_ =	sdelay $0x1  }
0x174: {  	[tilespmem:s13+$0xE0] =	vst v0;
	v0 =	vld [tilespmem:s13+$0xF0]  }
0x175: {  	v1 =	vld [tilespmem:s1+$0xF0]  }
0x176: {  	v2 =	vld [tilespmem:s21+$0xF0];
	_ =	sdelay $0x2  }
.Ltmp4:
0x177: {  	(pc) =	sbr.rel @p0 .LBB2_3-.Ltmp4, $3  }
0x178: {  	v0 =	vadd.f32 v1, v0;
	_ =	sdelay $0x1  }
0x179: {  	v0 =	vadd.f32 v2, v0  }
0x17a: {  	s13 =	sadd.s32 $0x200, s13  }
0x17b: {  	s13 =	sshll.u32 s0, $0x1  }
0x17c: {  	s1 =	sadd.s32 s7, s13  }
0x17d: {  	p0 =	seq.s32 s0, $0x27;
	s1 =	sshll.u32 s1, $0xB  }
.Ltmp5:
0x17e: {  	[tilespmem:s20+$0xF0] =	vst v0;
	s1 =	sadd.s32 s6, s1;
	(pc) =	sbr.rel @p0 .LBB2_10-.Ltmp5, $4  }
0x17f: {  	[hbm4b:s1+s2] =	stream.linear.scatter [tilespmem:s16], [sflag:$0x7], $0x4000, $0x38;
	[tilespmem:$0x1F680] =	vst v63  }
0x180: {  	_ =	swait.ge [sflag:s12], $0x4000  }
0x181: {  	[sflag:s12] =	ssyncset.done $0x0  }
0x182: {  	[sflag:s12] =	ssyncadd.s32 $0xFFFFC000  }
0x183: {  	s1 =	sshll.u32 s0, $0x8;
	s20 =	sor.u32 $0x1, s13  }
0x184: {  	s14 =	sadd.s32 $0x100, s1;
	p0 =	sgt.u32 s20, $0x4E  }
0x185: {  	[tilespmem:s16], [sflag:$0x1] =	stream.indirect.gather [hbm4b:s3+s15], $0x80, s14, s15, $0xb8;
	[tilespmem:$0x1F680] =	vst v63  }
.Ltmp6:
0x186: {  	_ = 	snop;
	(pc) =	sbr.rel @p0 .LBB2_9-.Ltmp6, $4  }
0x187: {  	s22 =	sadd.s32 $0x2880, s1  }
0x188: {  	[tilespmem:s17], [sflag:$0x2] =	stream.indirect.gather [hbm4b:s4+s15], $0x80, s22, s15, $0xb8;
	[tilespmem:$0x1F680] =	vst v63  }
0x189: {  	s23 =	sadd.s32 $0x5000, s1  }
0x18a: {  	[tilespmem:s18], [sflag:$0x3] =	stream.indirect.gather [hbm4b:s5+s15], $0x80, s23, s15, $0xb8;
	[tilespmem:$0x1F680] =	vst v63  }
0x18b: {  	_ =	swait.ge [sflag:s28], $0x4000  }
0x18c: {  	[sflag:s28] =	ssyncset.done $0x0  }
0x18d: {  	[sflag:s28] =	ssyncadd.s32 $0xFFFFC000  }
0x18e: {  	_ =	swait.ge [sflag:s29], $0x4000  }
0x18f: {  	[sflag:s29] =	ssyncset.done $0x0  }
0x190: {  	[sflag:s29] =	ssyncadd.s32 $0xFFFFC000  }
0x191: {  	_ =	swait.ge [sflag:s30], $0x4000  }
0x192: {  	[sflag:s30] =	ssyncset.done $0x0  }
0x193: {  	s22 =	simm.s32 $0x13780;
	[sflag:s30] =	ssyncadd.s32 $0xFFFFC000  }
0x194: {  	s21 =	simm.s32 $0x17780;
	v0 =	vld [tilespmem:s22+$0xFFFFFF00]  }
0x195: {  	v1 =	vld [tilespmem:s21+$0xFFFFFF00]  }
0x196: {  	s23 =	simm.s32 $0x1B780  }
0x197: {  	v2 =	vld [tilespmem:s23+$0xFFFFFF00];
	_ =	sdelay $0x2  }
0x198: {  	v0 =	vadd.f32 v1, v0;
	_ =	sdelay $0x1  }
0x199: {  	v0 =	vadd.f32 v2, v0;
	_ =	sdelay $0x1  }
0x19a: {  	[tilespmem:s22+$0xFFFFFF00] =	vst v0;
	v0 =	vld [tilespmem:s22+$0xFFFFFF10]  }
0x19b: {  	v1 =	vld [tilespmem:s21+$0xFFFFFF10];
	_ =	sdelay $0x1  }
0x19c: {  	v2 =	vld [tilespmem:s23+$0xFFFFFF10];
	_ =	sdelay $0x2  }
0x19d: {  	v0 =	vadd.f32 v1, v0;
	_ =	sdelay $0x1  }
0x19e: {  	v0 =	vadd.f32 v2, v0;
	_ =	sdelay $0x1  }
0x19f: {  	[tilespmem:s22+$0xFFFFFF10] =	vst v0;
	v0 =	vld [tilespmem:s22+$0xFFFFFF20]  }
0x1a0: {  	v1 =	vld [tilespmem:s21+$0xFFFFFF20];
	_ =	sdelay $0x1  }
0x1a1: {  	v2 =	vld [tilespmem:s23+$0xFFFFFF20];
	_ =	sdelay $0x2  }
0x1a2: {  	v0 =	vadd.f32 v1, v0;
	_ =	sdelay $0x1  }
0x1a3: {  	v0 =	vadd.f32 v2, v0;
	_ =	sdelay $0x1  }
0x1a4: {  	[tilespmem:s22+$0xFFFFFF20] =	vst v0;
	v0 =	vld [tilespmem:s22+$0xFFFFFF30]  }
0x1a5: {  	v1 =	vld [tilespmem:s21+$0xFFFFFF30];
	_ =	sdelay $0x1  }
0x1a6: {  	v2 =	vld [tilespmem:s23+$0xFFFFFF30];
	_ =	sdelay $0x2  }
0x1a7: {  	v0 =	vadd.f32 v1, v0;
	_ =	sdelay $0x1  }
0x1a8: {  	v0 =	vadd.f32 v2, v0;
	_ =	sdelay $0x1  }
0x1a9: {  	[tilespmem:s22+$0xFFFFFF30] =	vst v0;
	v0 =	vld [tilespmem:s22+$0xFFFFFF40]  }
0x1aa: {  	v1 =	vld [tilespmem:s21+$0xFFFFFF40];
	_ =	sdelay $0x1  }
0x1ab: {  	v2 =	vld [tilespmem:s23+$0xFFFFFF40];
	_ =	sdelay $0x2  }
0x1ac: {  	v0 =	vadd.f32 v1, v0;
	_ =	sdelay $0x1  }
0x1ad: {  	v0 =	vadd.f32 v2, v0;
	_ =	sdelay $0x1  }
0x1ae: {  	[tilespmem:s22+$0xFFFFFF40] =	vst v0;
	v0 =	vld [tilespmem:s22+$0xFFFFFF50]  }
0x1af: {  	v1 =	vld [tilespmem:s21+$0xFFFFFF50];
	_ =	sdelay $0x1  }
0x1b0: {  	v2 =	vld [tilespmem:s23+$0xFFFFFF50];
	_ =	sdelay $0x2  }
0x1b1: {  	v0 =	vadd.f32 v1, v0;
	_ =	sdelay $0x1  }
0x1b2: {  	v0 =	vadd.f32 v2, v0;
	_ =	sdelay $0x1  }
0x1b3: {  	[tilespmem:s22+$0xFFFFFF50] =	vst v0;
	v0 =	vld [tilespmem:s22+$0xFFFFFF60]  }
0x1b4: {  	v1 =	vld [tilespmem:s21+$0xFFFFFF60];
	_ =	sdelay $0x1  }
0x1b5: {  	v2 =	vld [tilespmem:s23+$0xFFFFFF60];
	_ =	sdelay $0x2  }
0x1b6: {  	v0 =	vadd.f32 v1, v0;
	_ =	sdelay $0x1  }
0x1b7: {  	v0 =	vadd.f32 v2, v0;
	_ =	sdelay $0x1  }
0x1b8: {  	[tilespmem:s22+$0xFFFFFF60] =	vst v0;
	v0 =	vld [tilespmem:s22+$0xFFFFFF70]  }
0x1b9: {  	v1 =	vld [tilespmem:s21+$0xFFFFFF70];
	_ =	sdelay $0x1  }
0x1ba: {  	v2 =	vld [tilespmem:s23+$0xFFFFFF70];
	_ =	sdelay $0x2  }
0x1bb: {  	v0 =	vadd.f32 v1, v0;
	_ =	sdelay $0x1  }
0x1bc: {  	v0 =	vadd.f32 v2, v0;
	_ =	sdelay $0x1  }
0x1bd: {  	[tilespmem:s22+$0xFFFFFF70] =	vst v0;
	v0 =	vld [tilespmem:s22+$0xFFFFFF80]  }
0x1be: {  	v1 =	vld [tilespmem:s21+$0xFFFFFF80];
	_ =	sdelay $0x1  }
0x1bf: {  	v2 =	vld [tilespmem:s23+$0xFFFFFF80];
	_ =	sdelay $0x2  }
0x1c0: {  	v0 =	vadd.f32 v1, v0;
	_ =	sdelay $0x1  }
0x1c1: {  	v0 =	vadd.f32 v2, v0;
	_ =	sdelay $0x1  }
0x1c2: {  	[tilespmem:s22+$0xFFFFFF80] =	vst v0;
	v0 =	vld [tilespmem:s22+$0xFFFFFF90]  }
0x1c3: {  	v1 =	vld [tilespmem:s21+$0xFFFFFF90];
	_ =	sdelay $0x1  }
0x1c4: {  	v2 =	vld [tilespmem:s23+$0xFFFFFF90];
	_ =	sdelay $0x2  }
0x1c5: {  	v0 =	vadd.f32 v1, v0;
	_ =	sdelay $0x1  }
0x1c6: {  	v0 =	vadd.f32 v2, v0;
	_ =	sdelay $0x1  }
0x1c7: {  	[tilespmem:s22+$0xFFFFFF90] =	vst v0;
	v0 =	vld [tilespmem:s22+$0xFFFFFFA0]  }
0x1c8: {  	v1 =	vld [tilespmem:s21+$0xFFFFFFA0];
	_ =	sdelay $0x1  }
0x1c9: {  	v2 =	vld [tilespmem:s23+$0xFFFFFFA0];
	_ =	sdelay $0x2  }
0x1ca: {  	v0 =	vadd.f32 v1, v0;
	_ =	sdelay $0x1  }
0x1cb: {  	v0 =	vadd.f32 v2, v0;
	_ =	sdelay $0x1  }
0x1cc: {  	[tilespmem:s22+$0xFFFFFFA0] =	vst v0;
	v0 =	vld [tilespmem:s22+$0xFFFFFFB0]  }
0x1cd: {  	v1 =	vld [tilespmem:s21+$0xFFFFFFB0];
	_ =	sdelay $0x1  }
0x1ce: {  	v2 =	vld [tilespmem:s23+$0xFFFFFFB0];
	_ =	sdelay $0x2  }
0x1cf: {  	v0 =	vadd.f32 v1, v0;
	_ =	sdelay $0x1  }
0x1d0: {  	v0 =	vadd.f32 v2, v0;
	_ =	sdelay $0x1  }
0x1d1: {  	[tilespmem:s22+$0xFFFFFFB0] =	vst v0;
	v0 =	vld [tilespmem:s22+$0xFFFFFFC0]  }
0x1d2: {  	v1 =	vld [tilespmem:s21+$0xFFFFFFC0];
	_ =	sdelay $0x1  }
0x1d3: {  	v2 =	vld [tilespmem:s23+$0xFFFFFFC0];
	_ =	sdelay $0x2  }
0x1d4: {  	v0 =	vadd.f32 v1, v0;
	_ =	sdelay $0x1  }
0x1d5: {  	v0 =	vadd.f32 v2, v0;
	_ =	sdelay $0x1  }
0x1d6: {  	[tilespmem:s22+$0xFFFFFFC0] =	vst v0;
	v0 =	vld [tilespmem:s22+$0xFFFFFFD0]  }
0x1d7: {  	v1 =	vld [tilespmem:s21+$0xFFFFFFD0];
	_ =	sdelay $0x1  }
0x1d8: {  	v2 =	vld [tilespmem:s23+$0xFFFFFFD0];
	_ =	sdelay $0x2  }
0x1d9: {  	v0 =	vadd.f32 v1, v0;
	_ =	sdelay $0x1  }
0x1da: {  	v0 =	vadd.f32 v2, v0;
	_ =	sdelay $0x1  }
0x1db: {  	[tilespmem:s22+$0xFFFFFFD0] =	vst v0;
	v0 =	vld [tilespmem:s22+$0xFFFFFFE0]  }
0x1dc: {  	v1 =	vld [tilespmem:s21+$0xFFFFFFE0];
	_ =	sdelay $0x1  }
0x1dd: {  	v2 =	vld [tilespmem:s23+$0xFFFFFFE0];
	_ =	sdelay $0x2  }
0x1de: {  	v0 =	vadd.f32 v1, v0;
	_ =	sdelay $0x1  }
0x1df: {  	v0 =	vadd.f32 v2, v0;
	_ =	sdelay $0x1  }
0x1e0: {  	[tilespmem:s22+$0xFFFFFFE0] =	vst v0;
	v0 =	vld [tilespmem:s22+$0xFFFFFFF0]  }
0x1e1: {  	v1 =	vld [tilespmem:s21+$0xFFFFFFF0];
	_ =	sdelay $0x1  }
0x1e2: {  	v2 =	vld [tilespmem:s23+$0xFFFFFFF0];
	_ =	sdelay $0x2  }
0x1e3: {  	v0 =	vadd.f32 v1, v0;
	_ =	sdelay $0x1  }
0x1e4: {  	v0 =	vadd.f32 v2, v0;
	_ =	sdelay $0x1  }
0x1e5: {  	[tilespmem:s22+$0xFFFFFFF0] =	vst v0;
	v0 =	vld [tilespmem:s22+$0x0]  }
0x1e6: {  	v1 =	vld [tilespmem:s21+$0x0];
	_ =	sdelay $0x1  }
0x1e7: {  	v2 =	vld [tilespmem:s23+$0x0];
	_ =	sdelay $0x2  }
0x1e8: {  	v0 =	vadd.f32 v1, v0;
	_ =	sdelay $0x1  }
0x1e9: {  	v0 =	vadd.f32 v2, v0;
	_ =	sdelay $0x1  }
0x1ea: {  	[tilespmem:s22+$0x0] =	vst v0;
	v0 =	vld [tilespmem:s22+$0x10]  }
0x1eb: {  	v1 =	vld [tilespmem:s21+$0x10];
	_ =	sdelay $0x1  }
0x1ec: {  	v2 =	vld [tilespmem:s23+$0x10];
	_ =	sdelay $0x2  }
0x1ed: {  	v0 =	vadd.f32 v1, v0;
	_ =	sdelay $0x1  }
0x1ee: {  	v0 =	vadd.f32 v2, v0;
	_ =	sdelay $0x1  }
0x1ef: {  	[tilespmem:s22+$0x10] =	vst v0;
	v0 =	vld [tilespmem:s22+$0x20]  }
0x1f0: {  	v1 =	vld [tilespmem:s21+$0x20];
	_ =	sdelay $0x1  }
0x1f1: {  	v2 =	vld [tilespmem:s23+$0x20];
	_ =	sdelay $0x2  }
0x1f2: {  	v0 =	vadd.f32 v1, v0;
	_ =	sdelay $0x1  }
0x1f3: {  	v0 =	vadd.f32 v2, v0;
	_ =	sdelay $0x1  }
0x1f4: {  	[tilespmem:s22+$0x20] =	vst v0;
	v0 =	vld [tilespmem:s22+$0x30]  }
0x1f5: {  	v1 =	vld [tilespmem:s21+$0x30];
	_ =	sdelay $0x1  }
0x1f6: {  	v2 =	vld [tilespmem:s23+$0x30];
	_ =	sdelay $0x2  }
0x1f7: {  	v0 =	vadd.f32 v1, v0;
	_ =	sdelay $0x1  }
0x1f8: {  	v0 =	vadd.f32 v2, v0;
	_ =	sdelay $0x1  }
0x1f9: {  	[tilespmem:s22+$0x30] =	vst v0;
	v0 =	vld [tilespmem:s22+$0x40]  }
0x1fa: {  	v1 =	vld [tilespmem:s21+$0x40];
	_ =	sdelay $0x1  }
0x1fb: {  	v2 =	vld [tilespmem:s23+$0x40];
	_ =	sdelay $0x2  }
0x1fc: {  	v0 =	vadd.f32 v1, v0;
	_ =	sdelay $0x1  }
0x1fd: {  	v0 =	vadd.f32 v2, v0;
	_ =	sdelay $0x1  }
0x1fe: {  	[tilespmem:s22+$0x40] =	vst v0;
	v0 =	vld [tilespmem:s22+$0x50]  }
0x1ff: {  	v1 =	vld [tilespmem:s21+$0x50];
	_ =	sdelay $0x1  }
0x200: {  	v2 =	vld [tilespmem:s23+$0x50];
	_ =	sdelay $0x2  }
0x201: {  	v0 =	vadd.f32 v1, v0;
	_ =	sdelay $0x1  }
0x202: {  	v0 =	vadd.f32 v2, v0;
	_ =	sdelay $0x1  }
0x203: {  	[tilespmem:s22+$0x50] =	vst v0;
	v0 =	vld [tilespmem:s22+$0x60]  }
0x204: {  	v1 =	vld [tilespmem:s21+$0x60];
	_ =	sdelay $0x1  }
0x205: {  	v2 =	vld [tilespmem:s23+$0x60];
	_ =	sdelay $0x2  }
0x206: {  	v0 =	vadd.f32 v1, v0;
	_ =	sdelay $0x1  }
0x207: {  	v0 =	vadd.f32 v2, v0;
	_ =	sdelay $0x1  }
0x208: {  	[tilespmem:s22+$0x60] =	vst v0;
	v0 =	vld [tilespmem:s22+$0x70]  }
0x209: {  	v1 =	vld [tilespmem:s21+$0x70];
	_ =	sdelay $0x1  }
0x20a: {  	v2 =	vld [tilespmem:s23+$0x70];
	_ =	sdelay $0x2  }
0x20b: {  	v0 =	vadd.f32 v1, v0;
	_ =	sdelay $0x1  }
0x20c: {  	v0 =	vadd.f32 v2, v0;
	_ =	sdelay $0x1  }
0x20d: {  	[tilespmem:s22+$0x70] =	vst v0;
	v0 =	vld [tilespmem:s22+$0x80]  }
0x20e: {  	v1 =	vld [tilespmem:s21+$0x80];
	_ =	sdelay $0x1  }
0x20f: {  	v2 =	vld [tilespmem:s23+$0x80];
	_ =	sdelay $0x2  }
0x210: {  	v0 =	vadd.f32 v1, v0;
	_ =	sdelay $0x1  }
0x211: {  	v0 =	vadd.f32 v2, v0;
	_ =	sdelay $0x1  }
0x212: {  	[tilespmem:s22+$0x80] =	vst v0;
	v0 =	vld [tilespmem:s22+$0x90]  }
0x213: {  	v1 =	vld [tilespmem:s21+$0x90];
	_ =	sdelay $0x1  }
0x214: {  	v2 =	vld [tilespmem:s23+$0x90];
	_ =	sdelay $0x2  }
0x215: {  	v0 =	vadd.f32 v1, v0;
	_ =	sdelay $0x1  }
0x216: {  	v0 =	vadd.f32 v2, v0;
	_ =	sdelay $0x1  }
0x217: {  	[tilespmem:s22+$0x90] =	vst v0;
	v0 =	vld [tilespmem:s22+$0xA0]  }
0x218: {  	v1 =	vld [tilespmem:s21+$0xA0];
	_ =	sdelay $0x1  }
0x219: {  	v2 =	vld [tilespmem:s23+$0xA0];
	_ =	sdelay $0x2  }
0x21a: {  	v0 =	vadd.f32 v1, v0;
	_ =	sdelay $0x1  }
0x21b: {  	v0 =	vadd.f32 v2, v0;
	_ =	sdelay $0x1  }
0x21c: {  	[tilespmem:s22+$0xA0] =	vst v0;
	v0 =	vld [tilespmem:s22+$0xB0]  }
0x21d: {  	v1 =	vld [tilespmem:s21+$0xB0];
	_ =	sdelay $0x1  }
0x21e: {  	v2 =	vld [tilespmem:s23+$0xB0];
	_ =	sdelay $0x2  }
0x21f: {  	v0 =	vadd.f32 v1, v0;
	_ =	sdelay $0x1  }
0x220: {  	v0 =	vadd.f32 v2, v0;
	_ =	sdelay $0x1  }
0x221: {  	[tilespmem:s22+$0xB0] =	vst v0;
	v0 =	vld [tilespmem:s22+$0xC0]  }
0x222: {  	v1 =	vld [tilespmem:s21+$0xC0];
	_ =	sdelay $0x1  }
0x223: {  	v2 =	vld [tilespmem:s23+$0xC0];
	_ =	sdelay $0x2  }
0x224: {  	v0 =	vadd.f32 v1, v0;
	_ =	sdelay $0x1  }
0x225: {  	v0 =	vadd.f32 v2, v0;
	_ =	sdelay $0x1  }
0x226: {  	[tilespmem:s22+$0xC0] =	vst v0;
	v0 =	vld [tilespmem:s22+$0xD0]  }
0x227: {  	v1 =	vld [tilespmem:s21+$0xD0];
	_ =	sdelay $0x1  }
0x228: {  	v2 =	vld [tilespmem:s23+$0xD0];
	_ =	sdelay $0x2  }
0x229: {  	v0 =	vadd.f32 v1, v0;
	_ =	sdelay $0x1  }
0x22a: {  	v0 =	vadd.f32 v2, v0;
	_ =	sdelay $0x1  }
0x22b: {  	[tilespmem:s22+$0xD0] =	vst v0;
	v0 =	vld [tilespmem:s22+$0xE0]  }
0x22c: {  	v1 =	vld [tilespmem:s21+$0xE0];
	_ =	sdelay $0x1  }
0x22d: {  	v2 =	vld [tilespmem:s23+$0xE0];
	_ =	sdelay $0x2  }
0x22e: {  	v0 =	vadd.f32 v1, v0;
	_ =	sdelay $0x1  }
0x22f: {  	v0 =	vadd.f32 v2, v0;
	_ =	sdelay $0x1  }
0x230: {  	[tilespmem:s22+$0xE0] =	vst v0;
	v0 =	vld [tilespmem:s22+$0xF0]  }
0x231: {  	v1 =	vld [tilespmem:s21+$0xF0];
	_ =	sdelay $0x1  }
0x232: {  	v2 =	vld [tilespmem:s23+$0xF0];
	_ =	sdelay $0x2  }
0x233: {  	v0 =	vadd.f32 v1, v0;
	_ =	sdelay $0x1  }
0x234: {  	v0 =	vadd.f32 v2, v0  }
0x235: {  	s13 =	simm.s32 $0x0;
	s14 =	simm.s32 $0x13980  }
.LBB2_7:
0x236: {  	v1 =	vld [tilespmem:s14+$0xFFFFFF00];
	s13 =	sadd.s32 $0x4, s13;
	[tilespmem:s22+$0xF0] =	vst v0;
	s21 =	sadd.s32 $0x200, s21;
	s23 =	sadd.s32 $0x200, s23  }
0x237: {  	s22 =	smov.u32 s14;
	v0 =	vld [tilespmem:s21+$0xFFFFFF00];
	p0 =	slt.u32 s13, $0x7C;
	_ =	sdelay $0x1  }
0x238: {  	v2 =	vld [tilespmem:s23+$0xFFFFFF00];
	_ =	sdelay $0x2  }
0x239: {  	v0 =	vadd.f32 v0, v1;
	_ =	sdelay $0x1  }
0x23a: {  	v0 =	vadd.f32 v2, v0;
	_ =	sdelay $0x1  }
0x23b: {  	[tilespmem:s14+$0xFFFFFF00] =	vst v0;
	v0 =	vld [tilespmem:s14+$0xFFFFFF10]  }
0x23c: {  	v1 =	vld [tilespmem:s21+$0xFFFFFF10];
	_ =	sdelay $0x1  }
0x23d: {  	v2 =	vld [tilespmem:s23+$0xFFFFFF10];
	_ =	sdelay $0x2  }
0x23e: {  	v0 =	vadd.f32 v1, v0;
	_ =	sdelay $0x1  }
0x23f: {  	v0 =	vadd.f32 v2, v0;
	_ =	sdelay $0x1  }
0x240: {  	[tilespmem:s14+$0xFFFFFF10] =	vst v0;
	v0 =	vld [tilespmem:s14+$0xFFFFFF20]  }
0x241: {  	v1 =	vld [tilespmem:s21+$0xFFFFFF20];
	_ =	sdelay $0x1  }
0x242: {  	v2 =	vld [tilespmem:s23+$0xFFFFFF20];
	_ =	sdelay $0x2  }
0x243: {  	v0 =	vadd.f32 v1, v0;
	_ =	sdelay $0x1  }
0x244: {  	v0 =	vadd.f32 v2, v0;
	_ =	sdelay $0x1  }
0x245: {  	[tilespmem:s14+$0xFFFFFF20] =	vst v0;
	v0 =	vld [tilespmem:s14+$0xFFFFFF30]  }
0x246: {  	v1 =	vld [tilespmem:s21+$0xFFFFFF30];
	_ =	sdelay $0x1  }
0x247: {  	v2 =	vld [tilespmem:s23+$0xFFFFFF30];
	_ =	sdelay $0x2  }
0x248: {  	v0 =	vadd.f32 v1, v0;
	_ =	sdelay $0x1  }
0x249: {  	v0 =	vadd.f32 v2, v0;
	_ =	sdelay $0x1  }
0x24a: {  	[tilespmem:s14+$0xFFFFFF30] =	vst v0;
	v0 =	vld [tilespmem:s14+$0xFFFFFF40]  }
0x24b: {  	v1 =	vld [tilespmem:s21+$0xFFFFFF40];
	_ =	sdelay $0x1  }
0x24c: {  	v2 =	vld [tilespmem:s23+$0xFFFFFF40];
	_ =	sdelay $0x2  }
0x24d: {  	v0 =	vadd.f32 v1, v0;
	_ =	sdelay $0x1  }
0x24e: {  	v0 =	vadd.f32 v2, v0;
	_ =	sdelay $0x1  }
0x24f: {  	[tilespmem:s14+$0xFFFFFF40] =	vst v0;
	v0 =	vld [tilespmem:s14+$0xFFFFFF50]  }
0x250: {  	v1 =	vld [tilespmem:s21+$0xFFFFFF50];
	_ =	sdelay $0x1  }
0x251: {  	v2 =	vld [tilespmem:s23+$0xFFFFFF50];
	_ =	sdelay $0x2  }
0x252: {  	v0 =	vadd.f32 v1, v0;
	_ =	sdelay $0x1  }
0x253: {  	v0 =	vadd.f32 v2, v0;
	_ =	sdelay $0x1  }
0x254: {  	[tilespmem:s14+$0xFFFFFF50] =	vst v0;
	v0 =	vld [tilespmem:s14+$0xFFFFFF60]  }
0x255: {  	v1 =	vld [tilespmem:s21+$0xFFFFFF60];
	_ =	sdelay $0x1  }
0x256: {  	v2 =	vld [tilespmem:s23+$0xFFFFFF60];
	_ =	sdelay $0x2  }
0x257: {  	v0 =	vadd.f32 v1, v0;
	_ =	sdelay $0x1  }
0x258: {  	v0 =	vadd.f32 v2, v0;
	_ =	sdelay $0x1  }
0x259: {  	[tilespmem:s14+$0xFFFFFF60] =	vst v0;
	v0 =	vld [tilespmem:s14+$0xFFFFFF70]  }
0x25a: {  	v1 =	vld [tilespmem:s21+$0xFFFFFF70];
	_ =	sdelay $0x1  }
0x25b: {  	v2 =	vld [tilespmem:s23+$0xFFFFFF70];
	_ =	sdelay $0x2  }
0x25c: {  	v0 =	vadd.f32 v1, v0;
	_ =	sdelay $0x1  }
0x25d: {  	v0 =	vadd.f32 v2, v0;
	_ =	sdelay $0x1  }
0x25e: {  	[tilespmem:s14+$0xFFFFFF70] =	vst v0;
	v0 =	vld [tilespmem:s14+$0xFFFFFF80]  }
0x25f: {  	v1 =	vld [tilespmem:s21+$0xFFFFFF80];
	_ =	sdelay $0x1  }
0x260: {  	v2 =	vld [tilespmem:s23+$0xFFFFFF80];
	_ =	sdelay $0x2  }
0x261: {  	v0 =	vadd.f32 v1, v0;
	_ =	sdelay $0x1  }
0x262: {  	v0 =	vadd.f32 v2, v0;
	_ =	sdelay $0x1  }
0x263: {  	[tilespmem:s14+$0xFFFFFF80] =	vst v0;
	v0 =	vld [tilespmem:s14+$0xFFFFFF90]  }
0x264: {  	v1 =	vld [tilespmem:s21+$0xFFFFFF90];
	_ =	sdelay $0x1  }
0x265: {  	v2 =	vld [tilespmem:s23+$0xFFFFFF90];
	_ =	sdelay $0x2  }
0x266: {  	v0 =	vadd.f32 v1, v0;
	_ =	sdelay $0x1  }
0x267: {  	v0 =	vadd.f32 v2, v0;
	_ =	sdelay $0x1  }
0x268: {  	[tilespmem:s14+$0xFFFFFF90] =	vst v0;
	v0 =	vld [tilespmem:s14+$0xFFFFFFA0]  }
0x269: {  	v1 =	vld [tilespmem:s21+$0xFFFFFFA0];
	_ =	sdelay $0x1  }
0x26a: {  	v2 =	vld [tilespmem:s23+$0xFFFFFFA0];
	_ =	sdelay $0x2  }
0x26b: {  	v0 =	vadd.f32 v1, v0;
	_ =	sdelay $0x1  }
0x26c: {  	v0 =	vadd.f32 v2, v0;
	_ =	sdelay $0x1  }
0x26d: {  	[tilespmem:s14+$0xFFFFFFA0] =	vst v0;
	v0 =	vld [tilespmem:s14+$0xFFFFFFB0]  }
0x26e: {  	v1 =	vld [tilespmem:s21+$0xFFFFFFB0];
	_ =	sdelay $0x1  }
0x26f: {  	v2 =	vld [tilespmem:s23+$0xFFFFFFB0];
	_ =	sdelay $0x2  }
0x270: {  	v0 =	vadd.f32 v1, v0;
	_ =	sdelay $0x1  }
0x271: {  	v0 =	vadd.f32 v2, v0;
	_ =	sdelay $0x1  }
0x272: {  	[tilespmem:s14+$0xFFFFFFB0] =	vst v0;
	v0 =	vld [tilespmem:s14+$0xFFFFFFC0]  }
0x273: {  	v1 =	vld [tilespmem:s21+$0xFFFFFFC0];
	_ =	sdelay $0x1  }
0x274: {  	v2 =	vld [tilespmem:s23+$0xFFFFFFC0];
	_ =	sdelay $0x2  }
0x275: {  	v0 =	vadd.f32 v1, v0;
	_ =	sdelay $0x1  }
0x276: {  	v0 =	vadd.f32 v2, v0;
	_ =	sdelay $0x1  }
0x277: {  	[tilespmem:s14+$0xFFFFFFC0] =	vst v0;
	v0 =	vld [tilespmem:s14+$0xFFFFFFD0]  }
0x278: {  	v1 =	vld [tilespmem:s21+$0xFFFFFFD0];
	_ =	sdelay $0x1  }
0x279: {  	v2 =	vld [tilespmem:s23+$0xFFFFFFD0];
	_ =	sdelay $0x2  }
0x27a: {  	v0 =	vadd.f32 v1, v0;
	_ =	sdelay $0x1  }
0x27b: {  	v0 =	vadd.f32 v2, v0;
	_ =	sdelay $0x1  }
0x27c: {  	[tilespmem:s14+$0xFFFFFFD0] =	vst v0;
	v0 =	vld [tilespmem:s14+$0xFFFFFFE0]  }
0x27d: {  	v1 =	vld [tilespmem:s21+$0xFFFFFFE0];
	_ =	sdelay $0x1  }
0x27e: {  	v2 =	vld [tilespmem:s23+$0xFFFFFFE0];
	_ =	sdelay $0x2  }
0x27f: {  	v0 =	vadd.f32 v1, v0;
	_ =	sdelay $0x1  }
0x280: {  	v0 =	vadd.f32 v2, v0;
	_ =	sdelay $0x1  }
0x281: {  	[tilespmem:s14+$0xFFFFFFE0] =	vst v0;
	v0 =	vld [tilespmem:s14+$0xFFFFFFF0]  }
0x282: {  	v1 =	vld [tilespmem:s21+$0xFFFFFFF0];
	_ =	sdelay $0x1  }
0x283: {  	v2 =	vld [tilespmem:s23+$0xFFFFFFF0];
	_ =	sdelay $0x2  }
0x284: {  	v0 =	vadd.f32 v1, v0;
	_ =	sdelay $0x1  }
0x285: {  	v0 =	vadd.f32 v2, v0;
	_ =	sdelay $0x1  }
0x286: {  	[tilespmem:s14+$0xFFFFFFF0] =	vst v0;
	v0 =	vld [tilespmem:s14+$0x0]  }
0x287: {  	v1 =	vld [tilespmem:s21+$0x0];
	_ =	sdelay $0x1  }
0x288: {  	v2 =	vld [tilespmem:s23+$0x0];
	_ =	sdelay $0x2  }
0x289: {  	v0 =	vadd.f32 v1, v0;
	_ =	sdelay $0x1  }
0x28a: {  	v0 =	vadd.f32 v2, v0;
	_ =	sdelay $0x1  }
0x28b: {  	[tilespmem:s14+$0x0] =	vst v0;
	v0 =	vld [tilespmem:s14+$0x10]  }
0x28c: {  	v1 =	vld [tilespmem:s21+$0x10]  }
0x28d: {  	v2 =	vld [tilespmem:s23+$0x10];
	_ =	sdelay $0x3  }
0x28e: {  	v0 =	vadd.f32 v1, v0;
	_ =	sdelay $0x1  }
0x28f: {  	v0 =	vadd.f32 v2, v0;
	_ =	sdelay $0x1  }
0x290: {  	[tilespmem:s14+$0x10] =	vst v0;
	v0 =	vld [tilespmem:s14+$0x20]  }
0x291: {  	v1 =	vld [tilespmem:s21+$0x20]  }
0x292: {  	v2 =	vld [tilespmem:s23+$0x20];
	_ =	sdelay $0x3  }
0x293: {  	v0 =	vadd.f32 v1, v0;
	_ =	sdelay $0x1  }
0x294: {  	v0 =	vadd.f32 v2, v0;
	_ =	sdelay $0x1  }
0x295: {  	[tilespmem:s14+$0x20] =	vst v0;
	v0 =	vld [tilespmem:s14+$0x30]  }
0x296: {  	v1 =	vld [tilespmem:s21+$0x30]  }
0x297: {  	v2 =	vld [tilespmem:s23+$0x30];
	_ =	sdelay $0x3  }
0x298: {  	v0 =	vadd.f32 v1, v0;
	_ =	sdelay $0x1  }
0x299: {  	v0 =	vadd.f32 v2, v0;
	_ =	sdelay $0x1  }
0x29a: {  	[tilespmem:s14+$0x30] =	vst v0;
	v0 =	vld [tilespmem:s14+$0x40]  }
0x29b: {  	v1 =	vld [tilespmem:s21+$0x40]  }
0x29c: {  	v2 =	vld [tilespmem:s23+$0x40];
	_ =	sdelay $0x3  }
0x29d: {  	v0 =	vadd.f32 v1, v0;
	_ =	sdelay $0x1  }
0x29e: {  	v0 =	vadd.f32 v2, v0;
	_ =	sdelay $0x1  }
0x29f: {  	[tilespmem:s14+$0x40] =	vst v0;
	v0 =	vld [tilespmem:s14+$0x50]  }
0x2a0: {  	v1 =	vld [tilespmem:s21+$0x50]  }
0x2a1: {  	v2 =	vld [tilespmem:s23+$0x50];
	_ =	sdelay $0x3  }
0x2a2: {  	v0 =	vadd.f32 v1, v0;
	_ =	sdelay $0x1  }
0x2a3: {  	v0 =	vadd.f32 v2, v0;
	_ =	sdelay $0x1  }
0x2a4: {  	[tilespmem:s14+$0x50] =	vst v0;
	v0 =	vld [tilespmem:s14+$0x60]  }
0x2a5: {  	v1 =	vld [tilespmem:s21+$0x60]  }
0x2a6: {  	v2 =	vld [tilespmem:s23+$0x60];
	_ =	sdelay $0x3  }
0x2a7: {  	v0 =	vadd.f32 v1, v0;
	_ =	sdelay $0x1  }
0x2a8: {  	v0 =	vadd.f32 v2, v0;
	_ =	sdelay $0x1  }
0x2a9: {  	[tilespmem:s14+$0x60] =	vst v0;
	v0 =	vld [tilespmem:s14+$0x70]  }
0x2aa: {  	v1 =	vld [tilespmem:s21+$0x70]  }
0x2ab: {  	v2 =	vld [tilespmem:s23+$0x70];
	_ =	sdelay $0x3  }
0x2ac: {  	v0 =	vadd.f32 v1, v0;
	_ =	sdelay $0x1  }
0x2ad: {  	v0 =	vadd.f32 v2, v0;
	_ =	sdelay $0x1  }
0x2ae: {  	[tilespmem:s14+$0x70] =	vst v0;
	v0 =	vld [tilespmem:s14+$0x80]  }
0x2af: {  	v1 =	vld [tilespmem:s21+$0x80]  }
0x2b0: {  	v2 =	vld [tilespmem:s23+$0x80];
	_ =	sdelay $0x3  }
0x2b1: {  	v0 =	vadd.f32 v1, v0;
	_ =	sdelay $0x1  }
0x2b2: {  	v0 =	vadd.f32 v2, v0;
	_ =	sdelay $0x1  }
0x2b3: {  	[tilespmem:s14+$0x80] =	vst v0;
	v0 =	vld [tilespmem:s14+$0x90]  }
0x2b4: {  	v1 =	vld [tilespmem:s21+$0x90]  }
0x2b5: {  	v2 =	vld [tilespmem:s23+$0x90];
	_ =	sdelay $0x3  }
0x2b6: {  	v0 =	vadd.f32 v1, v0;
	_ =	sdelay $0x1  }
0x2b7: {  	v0 =	vadd.f32 v2, v0;
	_ =	sdelay $0x1  }
0x2b8: {  	[tilespmem:s14+$0x90] =	vst v0;
	v0 =	vld [tilespmem:s14+$0xA0]  }
0x2b9: {  	v1 =	vld [tilespmem:s21+$0xA0]  }
0x2ba: {  	v2 =	vld [tilespmem:s23+$0xA0];
	_ =	sdelay $0x3  }
0x2bb: {  	v0 =	vadd.f32 v1, v0;
	_ =	sdelay $0x1  }
0x2bc: {  	v0 =	vadd.f32 v2, v0;
	_ =	sdelay $0x1  }
0x2bd: {  	[tilespmem:s14+$0xA0] =	vst v0;
	v0 =	vld [tilespmem:s14+$0xB0]  }
0x2be: {  	v1 =	vld [tilespmem:s21+$0xB0]  }
0x2bf: {  	v2 =	vld [tilespmem:s23+$0xB0];
	_ =	sdelay $0x3  }
0x2c0: {  	v0 =	vadd.f32 v1, v0;
	_ =	sdelay $0x1  }
0x2c1: {  	v0 =	vadd.f32 v2, v0;
	_ =	sdelay $0x1  }
0x2c2: {  	[tilespmem:s14+$0xB0] =	vst v0;
	v0 =	vld [tilespmem:s14+$0xC0]  }
0x2c3: {  	v1 =	vld [tilespmem:s21+$0xC0]  }
0x2c4: {  	v2 =	vld [tilespmem:s23+$0xC0];
	_ =	sdelay $0x3  }
0x2c5: {  	v0 =	vadd.f32 v1, v0;
	_ =	sdelay $0x1  }
0x2c6: {  	v0 =	vadd.f32 v2, v0;
	_ =	sdelay $0x1  }
0x2c7: {  	[tilespmem:s14+$0xC0] =	vst v0;
	v0 =	vld [tilespmem:s14+$0xD0]  }
0x2c8: {  	v1 =	vld [tilespmem:s21+$0xD0]  }
0x2c9: {  	v2 =	vld [tilespmem:s23+$0xD0];
	_ =	sdelay $0x3  }
0x2ca: {  	v0 =	vadd.f32 v1, v0;
	_ =	sdelay $0x1  }
0x2cb: {  	v0 =	vadd.f32 v2, v0;
	_ =	sdelay $0x1  }
0x2cc: {  	[tilespmem:s14+$0xD0] =	vst v0;
	v0 =	vld [tilespmem:s14+$0xE0]  }
0x2cd: {  	v1 =	vld [tilespmem:s21+$0xE0]  }
0x2ce: {  	v2 =	vld [tilespmem:s23+$0xE0];
	_ =	sdelay $0x3  }
0x2cf: {  	v0 =	vadd.f32 v1, v0;
	_ =	sdelay $0x1  }
0x2d0: {  	v0 =	vadd.f32 v2, v0;
	_ =	sdelay $0x1  }
0x2d1: {  	[tilespmem:s14+$0xE0] =	vst v0;
	v0 =	vld [tilespmem:s14+$0xF0]  }
0x2d2: {  	v1 =	vld [tilespmem:s21+$0xF0]  }
0x2d3: {  	v2 =	vld [tilespmem:s23+$0xF0];
	_ =	sdelay $0x2  }
.Ltmp7:
0x2d4: {  	(pc) =	sbr.rel @p0 .LBB2_7-.Ltmp7, $3  }
0x2d5: {  	v0 =	vadd.f32 v1, v0;
	_ =	sdelay $0x1  }
0x2d6: {  	v0 =	vadd.f32 v2, v0  }
0x2d7: {  	s14 =	sadd.s32 $0x200, s14  }
0x2d8: {  	s13 =	sadd.s32 s7, s20  }
0x2d9: {  	s13 =	sshll.u32 s13, $0xB  }
0x2da: {  	s13 =	sand.u32 $0x1FFFF800, s13  }
0x2db: {  	[tilespmem:s22+$0xF0] =	vst v0;
	s13 =	sadd.s32 s6, s13  }
0x2dc: {  	[hbm4b:s13+s2] =	stream.linear.scatter [tilespmem:s19], [sflag:$0x7], $0x4000, $0x38;
	[tilespmem:$0x1F680] =	vst v63  }
0x2dd: {  	p0 =	sgt.u32 s0, $0x25;
	_ =	swait.ge [sflag:s12], $0x4000  }
0x2de: {  	s14 =	simm.s32 @!p0 $0x80;
	[sflag:s12] =	ssyncset.done $0x0  }
0x2df: {  	s20 =	simm.s32 @!p0 $0x13680;
	s13 =	sadd.s32 @!p0 $0x180, s1;
	[sflag:s12] =	ssyncadd.s32 $0xFFFFC000  }
0x2e0: {  	[tilespmem:s20], [sflag:$0x4] =	stream.indirect.gather @!p0 [hbm4b:s3+s14], $0x80, s13, s14, $0xb8;
	[tilespmem:$0x1F680] =	vst v63  }
.Ltmp8:
0x2e1: {  	_ = 	snop;
	(pc) =	sbr.rel .LBB2_9-.Ltmp8, $4  }
0x2e2: {  	s13 =	sadd.s32 @!p0 $0x2900, s1;
	s20 =	simm.s32 @!p0 $0x17680  }
0x2e3: {  	[tilespmem:s20], [sflag:$0x5] =	stream.indirect.gather @!p0 [hbm4b:s4+s14], $0x80, s13, s14, $0xb8;
	[tilespmem:$0x1F680] =	vst v63  }
0x2e4: {  	s1 =	sadd.s32 @!p0 $0x5080, s1;
	s13 =	simm.s32 @!p0 $0x1B680  }
0x2e5: {  	[tilespmem:s13], [sflag:$0x6] =	stream.indirect.gather @!p0 [hbm4b:s5+s14], $0x80, s1, s14, $0xb8;
	[tilespmem:$0x1F680] =	vst v63  }
.LBB2_11:
0x2e6: {  	_ =	sfence.sel $0x180000  }
0x2e7: {  	[bflag:$0x0] =	sbarrier.arrive $0xFFFF  }
0x2e8: {  	_ =	strace $0x90000047  }
0x2e9: {  	s0 =	stileid.u32;
	[bflag:$0x2] =	sbarrier.arrive $0xFFFF  }
0x2ea: {  	p0 =	sne.s32 s0, $0x0;
	s0 =	rddreg [dreg:$0x1]  }
0x2eb: {  	s0 =	sadd.s32 @!p0 $0x100000, s0  }
0x2ec: {  	[sflag:s0] =	ssyncadd.tile.s32 @!p0 $0x1;
	_ =	shalt  }
.Lfunc_end2:
_tile_overlayer_lowered:
.L_overlay_start_2:
0x2ed: {  	(tag) =	ssettag $0x2  }
0x2ee: {  	s0 =	rddreg [dreg:$0x0];
	s2 =	stileid.u32  }
0x2ef: {  	s1 =	rddreg [dreg:$0x1];
	p0 =	sne.s32 s2, $0x0  }
0x2f0: {  	s3 =	rddreg [dreg:$0x2];
	[bflag:$0x3] =	sbarrier.arrive $0xFFFF;
	s2 =	simm.s32 @!p0 $0x1C07  }
0x2f1: {  	[timem:s3], [sflag:s2] =	dma.local @!p0 [hbm:s0], s1  }
0x2f2: {  	s0 =	simm.s32 @!p0 $0x7  }
0x2f3: {  	_ =	swait.ge @!p0 [sflag:s0], s1  }
0x2f4: {  	s1 =	ssub.s32 @!p0 $0x0, s1;
	[sflag:s0] =	ssyncset.done @!p0 $0x0  }
0x2f5: {  	[sflag:s0] =	ssyncadd.s32 @!p0 s1  }
0x2f6: {  	[bflag:$0x3] =	sbarrier.arrive $0xFFFF  }
0x2f7: {  	_ =	shalt  }

</sc_bundles>
